<compile_context>
chip_gen: v7x
topology: tpu7x:2x2x1
jax: 0.10.2.dev20260603
libtpu: 0.0.44.dev20260713+nightly
codegen_flags: <defaults>
</compile_context>

<pallas_src>
import functools

import jax
import jax.numpy as jnp
from jax import lax
from jax.experimental import pallas as pl
from jax.experimental.pallas import tpu as pltpu
from jax.experimental.pallas import tpu_sc as plsc

N = 10000
NPAD = 10240
E = 320000
D = 128
NC = 2
NS = 16
NW = NC * NS
EDGES_PER_W = E // NW
CHUNK = 80
NCHUNK = EDGES_PER_W // CHUNK
ROWS_PER_TILE = NPAD // NS

_MESH = plsc.VectorSubcoreMesh(core_axis_name="c", subcore_axis_name="s")


def _sc_agg_body(h_hbm, idx_hbm, zeros_hbm, part_hbm,
                 acc, ib0, ib1, ib2, ib3, rows0, rows1,
                 semi0, semi1, semi2, semi3, semg0, semg1, sems0, sems1, semz):
    c = lax.axis_index("c")
    s = lax.axis_index("s")
    wid = s * NC + c
    r0 = s * ROWS_PER_TILE

    zero_cp = pltpu.async_copy(zeros_hbm.at[pl.ds(r0, ROWS_PER_TILE)],
                               acc.at[pl.ds(r0, ROWS_PER_TILE)], semz)

    ibs = (ib0, ib1, ib2, ib3)
    rows = (rows0, rows1)
    semi = (semi0, semi1, semi2, semi3)
    semg = (semg0, semg1)
    sems = (sems0, sems1)

    def idx_load(j, jb):
        pltpu.async_copy(idx_hbm.at[wid, j], ibs[jb], semi[jb])

    def idx_wait(jb):
        pltpu.make_async_copy(idx_hbm.at[wid, 0], ibs[jb], semi[jb]).wait()

    def gather(j_ib, p):
        pltpu.async_copy(h_hbm.at[ibs[j_ib].at[0]], rows[p], semg[p])

    def gather_wait(p):
        pltpu.make_async_copy(h_hbm.at[ib0.at[0]], rows[p], semg[p]).wait()

    def scatter(jb, p):
        pltpu.async_copy(rows[p], acc.at[ibs[jb].at[1]], sems[p], add=True)

    def scatter_wait(p):
        pltpu.make_async_copy(h_hbm.at[ib0.at[0]], rows[p], sems[p]).wait()

    def chunk_body(j, p, jb, first, do_next_gather, do_idx_load):
        gather_wait(p)
        scatter(jb, p)
        if not first:
            scatter_wait(1 - p)
        if do_next_gather:
            idx_wait((jb + 1) % 4)
            gather((jb + 1) % 4, 1 - p)
        if do_idx_load:
            idx_load(j + 3, (jb + 3) % 4)

    idx_load(0, 0)
    idx_load(1, 1)
    idx_load(2, 2)
    idx_wait(0)
    gather(0, 0)
    zero_cp.wait()
    plsc.subcore_barrier()
    chunk_body(0, 0, 0, True, True, True)

    def body(g, carry):
        j = 4 * g + 1
        chunk_body(j, 1, 1, False, True, True)
        chunk_body(j + 1, 0, 2, False, True, True)
        chunk_body(j + 2, 1, 3, False, True, True)
        chunk_body(j + 3, 0, 0, False, True, True)
        return carry

    lax.fori_loop(0, (NCHUNK - 5) // 4, body, 0)
    chunk_body(121, 1, 1, False, True, True)
    chunk_body(122, 0, 2, False, True, False)
    chunk_body(123, 1, 3, False, True, False)
    chunk_body(124, 0, 0, False, False, False)
    scatter_wait(0)

    plsc.subcore_barrier()
    pltpu.sync_copy(acc.at[pl.ds(r0, ROWS_PER_TILE)],
                    part_hbm.at[c, pl.ds(r0, ROWS_PER_TILE)])


_sc_agg = pl.kernel(
    _sc_agg_body,
    out_type=jax.ShapeDtypeStruct((NC, NPAD, D), jnp.float32),
    mesh=_MESH,
    scratch_types=[
        pltpu.VMEM_SHARED((NPAD, D), jnp.float32),
        pltpu.VMEM((2, CHUNK), jnp.int32),
        pltpu.VMEM((2, CHUNK), jnp.int32),
        pltpu.VMEM((2, CHUNK), jnp.int32),
        pltpu.VMEM((2, CHUNK), jnp.int32),
        pltpu.VMEM((CHUNK, D), jnp.float32),
        pltpu.VMEM((CHUNK, D), jnp.float32),
        pltpu.SemaphoreType.DMA,
        pltpu.SemaphoreType.DMA,
        pltpu.SemaphoreType.DMA,
        pltpu.SemaphoreType.DMA,
        pltpu.SemaphoreType.DMA,
        pltpu.SemaphoreType.DMA,
        pltpu.SemaphoreType.DMA,
        pltpu.SemaphoreType.DMA,
        pltpu.SemaphoreType.DMA,
    ],
)


EDGES_PER_TILE = E // NS
NVREG = EDGES_PER_TILE // 16
STRIPE = NPAD // NS
HALF_STRIPE = STRIPE // NC


def _sc_inv_body(dst_hbm, zeros1_hbm, inv_hbm, shared, hist, dbuf, mbuf, bbuf, sem):
    c = lax.axis_index("c")
    s = lax.axis_index("s")
    pltpu.sync_copy(dst_hbm.at[pl.ds(s * EDGES_PER_TILE, EDGES_PER_TILE)], dbuf)
    pltpu.sync_copy(zeros1_hbm, hist)
    ones16 = jnp.ones((16,), jnp.float32)

    def hbody(v, carry):
        iv = dbuf[pl.ds(v * 16, 16)]
        plsc.addupdate_scatter(hist, [iv], ones16)
        return carry

    lax.fori_loop(0, NVREG, hbody, 0)
    pltpu.sync_copy(hist, shared.at[s])
    plsc.subcore_barrier()

    pltpu.sync_copy(shared.at[:, pl.ds(s * STRIPE, STRIPE)], mbuf)

    def mbody(kk, carry):
        base = c * HALF_STRIPE + kk * 16
        acc16 = mbuf[0, pl.ds(base, 16)]
        for r in range(1, NS):
            acc16 = acc16 + mbuf[r, pl.ds(base, 16)]
        inv16 = 1.0 / jnp.maximum(acc16, 1.0)
        for l in range(16):
            row = jnp.full((16,), inv16[l], jnp.float32)
            for cb in range(D // 16):
                bbuf[kk * 16 + l, pl.ds(cb * 16, 16)] = row
        return carry

    lax.fori_loop(0, HALF_STRIPE // 16, mbody, 0)
    pltpu.sync_copy(bbuf, inv_hbm.at[pl.ds(s * STRIPE + c * HALF_STRIPE,
                                           HALF_STRIPE)])


_sc_inv = pl.kernel(
    _sc_inv_body,
    out_type=jax.ShapeDtypeStruct((NPAD, D), jnp.float32),
    mesh=_MESH,
    compiler_params=pltpu.CompilerParams(needs_layout_passes=False),
    scratch_types=[
        pltpu.VMEM_SHARED((NS, NPAD), jnp.float32),
        pltpu.VMEM((NPAD,), jnp.float32),
        pltpu.VMEM((EDGES_PER_TILE,), jnp.int32),
        pltpu.VMEM((NS, STRIPE), jnp.float32),
        pltpu.VMEM((HALF_STRIPE, D), jnp.float32),
        pltpu.SemaphoreType.DMA,
    ],
)


ROW_BLK = 1000
NBLK = N // ROW_BLK


def _xr_body(h_ref, wr_ref, bl_ref, o_ref):
    o_ref[...] = lax.dot_general(h_ref[...], wr_ref[...], (((1,), (1,)), ((), ())),
                                 preferred_element_type=jnp.float32) + bl_ref[...]


def _xr(h, wr, bl):
    return pl.pallas_call(
        _xr_body,
        grid=(NBLK,),
        in_specs=[
            pl.BlockSpec((ROW_BLK, D), lambda i: (i, 0)),
            pl.BlockSpec((D, D), lambda i: (0, 0)),
            pl.BlockSpec((1, D), lambda i: (0, 0)),
        ],
        out_specs=pl.BlockSpec((ROW_BLK, D), lambda i: (i, 0)),
        out_shape=jax.ShapeDtypeStruct((N, D), jnp.float32),
    )(h, wr, bl.reshape(1, D))


def _dense_layer_body(inv_ref, p_ref, xr_ref, wl_ref, o_ref):
    agg = (p_ref[0] + p_ref[1]) * inv_ref[...]
    out = lax.dot_general(agg, wl_ref[...], (((1,), (1,)), ((), ())),
                          preferred_element_type=jnp.float32)
    o_ref[...] = jnp.maximum(out + xr_ref[...], 0.0)


def _dense_layer(inv, p, xr, wl):
    return pl.pallas_call(
        _dense_layer_body,
        grid=(NBLK,),
        in_specs=[
            pl.BlockSpec((ROW_BLK, D), lambda i: (i, 0)),
            pl.BlockSpec((NC, ROW_BLK, D), lambda i: (0, i, 0)),
            pl.BlockSpec((ROW_BLK, D), lambda i: (i, 0)),
            pl.BlockSpec((D, D), lambda i: (0, 0)),
        ],
        out_specs=pl.BlockSpec((ROW_BLK, D), lambda i: (i, 0)),
        out_shape=jax.ShapeDtypeStruct((N, D), jnp.float32),
    )(inv, p, xr, wl)


def _dense3_head_body(G, A, inv_ref, p_ref, xr_ref, wl_ref,
                      b_ref, wlin_ref, blin_ref, o_ref, sum_ref, cnt_ref):
    i = pl.program_id(0)
    agg = (p_ref[0] + p_ref[1]) * inv_ref[...]
    h3 = lax.dot_general(agg, wl_ref[...], (((1,), (1,)), ((), ())),
                         preferred_element_type=jnp.float32)
    h3 = jnp.maximum(h3 + xr_ref[...], 0.0)
    t = lax.dot_general(h3, wlin_ref[...], (((1,), (1,)), ((), ())),
                        preferred_element_type=jnp.float32)
    t = jnp.tanh(t + blin_ref[...])
    ids = b_ref[0]
    onehot = (lax.broadcasted_iota(jnp.int32, (G, ROW_BLK), 0) == ids
              ).astype(jnp.float32)
    part = lax.dot_general(onehot, t, (((1,), (0,)), ((), ())),
                           preferred_element_type=jnp.float32)
    cpart = jnp.sum(onehot, axis=1, keepdims=True)

    @pl.when(i == 0)
    def _():
        sum_ref[...] = part
        cnt_ref[...] = cpart

    @pl.when(i > 0)
    def _():
        sum_ref[...] = sum_ref[...] + part
        cnt_ref[...] = cnt_ref[...] + cpart

    @pl.when(i == NBLK - 1)
    def _():
        o_ref[...] = sum_ref[...] / jnp.maximum(cnt_ref[...], 1.0)


def _dense3_head(inv, p, xr, wl, batch3, wlin, blin):
    G = 64
    A = wlin.shape[0]
    return pl.pallas_call(
        functools.partial(_dense3_head_body, G, A),
        grid=(NBLK,),
        in_specs=[
            pl.BlockSpec((ROW_BLK, D), lambda i: (i, 0)),
            pl.BlockSpec((NC, ROW_BLK, D), lambda i: (0, i, 0)),
            pl.BlockSpec((ROW_BLK, D), lambda i: (i, 0)),
            pl.BlockSpec((D, D), lambda i: (0, 0)),
            pl.BlockSpec((1, 1, ROW_BLK), lambda i: (i, 0, 0)),
            pl.BlockSpec((A, D), lambda i: (0, 0)),
            pl.BlockSpec((1, A), lambda i: (0, 0)),
        ],
        out_specs=pl.BlockSpec((G, A), lambda i: (0, 0)),
        out_shape=jax.ShapeDtypeStruct((G, A), jnp.float32),
        scratch_shapes=[
            pltpu.VMEM((G, A), jnp.float32),
            pltpu.VMEM((G, 1), jnp.float32),
        ],
    )(inv, p, xr, wl, batch3, wlin, blin.reshape(1, A))


def kernel(x, edge_index, batch, W1l, b1l, W1r, W2l, b2l, W2r,
           W3l, b3l, W3r, Wlin, blin):
    idx = jnp.transpose(edge_index.reshape(2, NW, NCHUNK, CHUNK), (1, 2, 0, 3))
    zeros = jnp.zeros((NPAD, D), jnp.float32)
    zeros1 = jnp.zeros((NPAD,), jnp.float32)
    batch3 = batch.reshape(NBLK, 1, ROW_BLK)

    inv = _sc_inv(edge_index[1], zeros1)
    xr1 = _xr(x, W1r, b1l)
    p1 = _sc_agg(x, idx, zeros)
    h1 = _dense_layer(inv, p1, xr1, W1l)
    xr2 = _xr(h1, W2r, b2l)
    p2 = _sc_agg(h1, idx, zeros)
    h2 = _dense_layer(inv, p2, xr2, W2l)
    xr3 = _xr(h2, W3r, b3l)
    p3 = _sc_agg(h2, idx, zeros)
    return _dense3_head(inv, p3, xr3, W3l, batch3, Wlin, blin)

# --- scband reference (transcript-rebuilt; emitter-appended) ---
"""Pipeline reference for scband-graph-sagepolicy-18081812316678 (READ-ONLY COPY).

The authoritative reference and input builder live on the scoring server;
editing this copy changes nothing except your own understanding.
"""

import jax, jax.numpy as jnp
import numpy as np

N = 10000
E = 320000
D = 128
A = 8
G = 64


def setup_inputs(seed: int = 0) -> dict:
    key = jax.random.key(seed)
    ks = jax.random.split(key, 16)
    x = jax.random.normal(ks[0], (N, D), dtype=jnp.float32)
    edge_index = jax.random.randint(ks[1], (2, E), 0, N, dtype=jnp.int32)
    batch = jnp.sort(jax.random.randint(ks[2], (N,), 0, G, dtype=jnp.int32))
    s = 0.05
    W1l = jax.random.normal(ks[3], (128, D), dtype=jnp.float32) * s
    b1l = jnp.zeros((128,), dtype=jnp.float32)
    W1r = jax.random.normal(ks[4], (128, D), dtype=jnp.float32) * s
    W2l = jax.random.normal(ks[5], (128, 128), dtype=jnp.float32) * s
    b2l = jnp.zeros((128,), dtype=jnp.float32)
    W2r = jax.random.normal(ks[6], (128, 128), dtype=jnp.float32) * s
    W3l = jax.random.normal(ks[7], (128, 128), dtype=jnp.float32) * s
    b3l = jnp.zeros((128,), dtype=jnp.float32)
    W3r = jax.random.normal(ks[8], (128, 128), dtype=jnp.float32) * s
    Wlin = jax.random.normal(ks[9], (A, 128), dtype=jnp.float32) * s
    blin = jnp.zeros((A,), dtype=jnp.float32)
    return {"x": x, "edge_index": edge_index, "batch": batch,
            "W1l": W1l, "b1l": b1l, "W1r": W1r,
            "W2l": W2l, "b2l": b2l, "W2r": W2r,
            "W3l": W3l, "b3l": b3l, "W3r": W3r,
            "Wlin": Wlin, "blin": blin}


def _sage_conv(x, edge_index, Wl, bl, Wr):
    # PyG SAGEConv: out = lin_l(mean_{j in N(i)} x_j) + lin_r(x_i)
    src = edge_index[0]
    dst = edge_index[1]
    msg = jnp.take(x, src, axis=0)
    agg_sum = jax.ops.segment_sum(msg, dst, num_segments=N)
    cnt = jax.ops.segment_sum(jnp.ones((msg.shape[0], 1), dtype=x.dtype), dst, num_segments=N)
    agg_mean = agg_sum / jnp.maximum(cnt, 1.0)
    return agg_mean @ Wl.T + bl + x @ Wr.T


def reference(x, edge_index, batch, W1l, b1l, W1r, W2l, b2l, W2r, W3l, b3l, W3r, Wlin, blin):
    h = jax.nn.relu(_sage_conv(x, edge_index, W1l, b1l, W1r))
    h = jax.nn.relu(_sage_conv(h, edge_index, W2l, b2l, W2r))
    h = jax.nn.relu(_sage_conv(h, edge_index, W3l, b3l, W3r))
    h = h @ Wlin.T + blin
    h = jnp.tanh(h)
    # global_mean_pool over batch ids
    pooled_sum = jax.ops.segment_sum(h, batch, num_segments=G)
    pooled_cnt = jax.ops.segment_sum(jnp.ones((N, 1), dtype=h.dtype), batch, num_segments=G)
    return pooled_sum / jnp.maximum(pooled_cnt, 1.0)

if __name__ == "__main__":
    import jax
    _d = setup_inputs()
    print(jax.jit(kernel)(*tuple(_d.values())))

</pallas_src>

<mosaic_0001>
#map = affine_map<(d0, d1) -> (0)>
#map1 = affine_map<(d0, d1) -> (0, 0)>
module attributes {stable_mosaic.version = 14 : i64} {
  func.func @_sc_inv_body(%arg0: i32, %arg1: i32, %arg2: memref<320000xi32, #tpu.memory_space<hbm>>, %arg3: memref<10240xf32, #tpu.memory_space<hbm>>, %arg4: memref<10240x128xf32, #tpu.memory_space<hbm>>, %arg5: memref<16x10240xf32, #tpu.memory_space<vmem_shared>>, %arg6: memref<10240xf32, #tpu.memory_space<vmem>>, %arg7: memref<20000xi32, #tpu.memory_space<vmem>>, %arg8: memref<16x640xf32, #tpu.memory_space<vmem>>, %arg9: memref<320x128xf32, #tpu.memory_space<vmem>>, %arg10: memref<!tpu.dma_semaphore, #tpu.memory_space<semaphore_mem>>) attributes {dimension_semantics = [#tpu.dimension_semantics<core_parallel>, #tpu.dimension_semantics<subcore_parallel>], iteration_bounds = array<i64: 2, 16>, scalar_prefetch = 0 : i64, scratch_operands = 6 : i64, tpu.core_type = #tpu.core_type<sc_vector_subcore>, window_params = [{transform_indices = #map}, {transform_indices = #map}, {transform_indices = #map1}]} {
    %mul3A = arith.constant 20000 : i32
    %mul3A_0 = arith.muli %arg1, %mul3A : i32
    "tpu.region"() ({
      %run_scoped3A = tpu.sem_alloc : memref<!tpu.dma_semaphore, #tpu.memory_space<semaphore_mem>>
      %dma_start3A = tpu.memref_slice %arg2[%mul3A_0] : memref<320000xi32, #tpu.memory_space<hbm>> -> memref<20000xi32, #tpu.memory_space<hbm>>
      %dma_start3A_19 = tpu.memref_slice %arg2[%mul3A_0] : memref<320000xi32, #tpu.memory_space<hbm>> -> memref<20000xi32, #tpu.memory_space<hbm>>
      tpu.enqueue_dma source(%dma_start3A_19 : memref<20000xi32, #tpu.memory_space<hbm>>) target(%arg7 : memref<20000xi32, #tpu.memory_space<vmem>>) target_semaphore(%run_scoped3A : memref<!tpu.dma_semaphore, #tpu.memory_space<semaphore_mem>>)
      %dma_wait3A = tpu.memref_slice %arg2[%mul3A_0] : memref<320000xi32, #tpu.memory_space<hbm>> -> memref<20000xi32, #tpu.memory_space<hbm>>
      %dma_wait3A_20 = tpu.memref_slice %arg2[%mul3A_0] : memref<320000xi32, #tpu.memory_space<hbm>> -> memref<20000xi32, #tpu.memory_space<hbm>>
      tpu.wait_dma2 semaphore(%run_scoped3A : memref<!tpu.dma_semaphore, #tpu.memory_space<semaphore_mem>>) src(%dma_wait3A_20 : memref<20000xi32, #tpu.memory_space<hbm>>) dst(%arg7 : memref<20000xi32, #tpu.memory_space<vmem>>)
      tpu.yield
    }) : () -> ()
    "tpu.region"() ({
      %run_scoped3A = tpu.sem_alloc : memref<!tpu.dma_semaphore, #tpu.memory_space<semaphore_mem>>
      tpu.enqueue_dma source(%arg3 : memref<10240xf32, #tpu.memory_space<hbm>>) target(%arg6 : memref<10240xf32, #tpu.memory_space<vmem>>) target_semaphore(%run_scoped3A : memref<!tpu.dma_semaphore, #tpu.memory_space<semaphore_mem>>)
      tpu.wait_dma2 semaphore(%run_scoped3A : memref<!tpu.dma_semaphore, #tpu.memory_space<semaphore_mem>>) src(%arg3 : memref<10240xf32, #tpu.memory_space<hbm>>) dst(%arg6 : memref<10240xf32, #tpu.memory_space<vmem>>)
      tpu.yield
    }) : () -> ()
    %broadcast_in_dim3A = arith.constant 1.000000e+00 : f32
    %broadcast_in_dim3A_1 = vector.broadcast %broadcast_in_dim3A : f32 to vector<16xf32>
    %scan3A = arith.constant 0 : i32
    %scan3A_2 = arith.constant 0 : i32
    %scan3A_3 = arith.constant 1250 : i32
    %scan3A_4 = arith.addi %scan3A_2, %scan3A_3 : i32
    %scan3A_5 = arith.constant 1 : i32
    scf.for %scan3A_19 = %scan3A_2 to %scan3A_4 step %scan3A_5  : i32 {
      %mul3A_20 = arith.constant 16 : i32
      %mul3A_21 = arith.muli %scan3A_19, %mul3A_20 : i32
      %get3A = arith.index_cast %mul3A_21 : i32 to index
      %get3A_22 = tpu.vector_load %arg7[%get3A] {strides = array<i32>} : memref<20000xi32, #tpu.memory_space<vmem>>, vector<16xi32>,
      tpu.vector_store_idx %arg6[%get3A_22], %broadcast_in_dim3A_1 {add = true} : memref<10240xf32, #tpu.memory_space<vmem>>[vector<16xi32>], vector<16xf32>,
    }
    %scan3A_6 = arith.constant 1250 : i32
    "tpu.region"() ({
      %run_scoped3A = tpu.sem_alloc : memref<!tpu.dma_semaphore, #tpu.memory_space<semaphore_mem>>
      %dma_start3A = arith.constant 0 : i32
      %dma_start3A_19 = tpu.memref_slice %arg5[%arg1, %dma_start3A] : memref<16x10240xf32, #tpu.memory_space<vmem_shared>> -> memref<1x10240xf32, #tpu.memory_space<vmem_shared>>
      %dma_start3A_20 = tpu.memref_squeeze %dma_start3A_19 : memref<1x10240xf32, #tpu.memory_space<vmem_shared>> -> memref<10240xf32, #tpu.memory_space<vmem_shared>>
      %dma_start3A_21 = arith.constant 0 : i32
      %dma_start3A_22 = tpu.memref_slice %arg5[%arg1, %dma_start3A_21] : memref<16x10240xf32, #tpu.memory_space<vmem_shared>> -> memref<1x10240xf32, #tpu.memory_space<vmem_shared>>
      %dma_start3A_23 = tpu.memref_squeeze %dma_start3A_22 : memref<1x10240xf32, #tpu.memory_space<vmem_shared>> -> memref<10240xf32, #tpu.memory_space<vmem_shared>>
      tpu.enqueue_dma source(%arg6 : memref<10240xf32, #tpu.memory_space<vmem>>) target(%dma_start3A_23 : memref<10240xf32, #tpu.memory_space<vmem_shared>>) target_semaphore(%run_scoped3A : memref<!tpu.dma_semaphore, #tpu.memory_space<semaphore_mem>>)
      %dma_wait3A = arith.constant 0 : i32
      %dma_wait3A_24 = tpu.memref_slice %arg5[%arg1, %dma_wait3A] : memref<16x10240xf32, #tpu.memory_space<vmem_shared>> -> memref<1x10240xf32, #tpu.memory_space<vmem_shared>>
      %dma_wait3A_25 = tpu.memref_squeeze %dma_wait3A_24 : memref<1x10240xf32, #tpu.memory_space<vmem_shared>> -> memref<10240xf32, #tpu.memory_space<vmem_shared>>
      %dma_wait3A_26 = arith.constant 0 : i32
      %dma_wait3A_27 = tpu.memref_slice %arg5[%arg1, %dma_wait3A_26] : memref<16x10240xf32, #tpu.memory_space<vmem_shared>> -> memref<1x10240xf32, #tpu.memory_space<vmem_shared>>
      %dma_wait3A_28 = tpu.memref_squeeze %dma_wait3A_27 : memref<1x10240xf32, #tpu.memory_space<vmem_shared>> -> memref<10240xf32, #tpu.memory_space<vmem_shared>>
      tpu.wait_dma2 semaphore(%run_scoped3A : memref<!tpu.dma_semaphore, #tpu.memory_space<semaphore_mem>>) src(%arg6 : memref<10240xf32, #tpu.memory_space<vmem>>) dst(%dma_wait3A_28 : memref<10240xf32, #tpu.memory_space<vmem_shared>>)
      tpu.yield
    }) : () -> ()
    %barrier3A = arith.constant 0 : index
    tpu.barrier barrier_id(%barrier3A)
    %mul3A_7 = arith.constant 640 : i32
    %mul3A_8 = arith.muli %arg1, %mul3A_7 : i32
    "tpu.region"() ({
      %run_scoped3A = tpu.sem_alloc : memref<!tpu.dma_semaphore, #tpu.memory_space<semaphore_mem>>
      %dma_start3A = arith.constant 0 : i32
      %dma_start3A_19 = tpu.memref_slice %arg5[%dma_start3A, %mul3A_8] : memref<16x10240xf32, #tpu.memory_space<vmem_shared>> -> memref<16x640xf32, #tpu.memory_space<vmem_shared>>
      %dma_start3A_20 = arith.constant 0 : i32
      %dma_start3A_21 = tpu.memref_slice %arg5[%dma_start3A_20, %mul3A_8] : memref<16x10240xf32, #tpu.memory_space<vmem_shared>> -> memref<16x640xf32, #tpu.memory_space<vmem_shared>>
      tpu.enqueue_dma source(%dma_start3A_21 : memref<16x640xf32, #tpu.memory_space<vmem_shared>>) target(%arg8 : memref<16x640xf32, #tpu.memory_space<vmem>>) target_semaphore(%run_scoped3A : memref<!tpu.dma_semaphore, #tpu.memory_space<semaphore_mem>>)
      %dma_wait3A = arith.constant 0 : i32
      %dma_wait3A_22 = tpu.memref_slice %arg5[%dma_wait3A, %mul3A_8] : memref<16x10240xf32, #tpu.memory_space<vmem_shared>> -> memref<16x640xf32, #tpu.memory_space<vmem_shared>>
      %dma_wait3A_23 = arith.constant 0 : i32
      %dma_wait3A_24 = tpu.memref_slice %arg5[%dma_wait3A_23, %mul3A_8] : memref<16x10240xf32, #tpu.memory_space<vmem_shared>> -> memref<16x640xf32, #tpu.memory_space<vmem_shared>>
      tpu.wait_dma2 semaphore(%run_scoped3A : memref<!tpu.dma_semaphore, #tpu.memory_space<semaphore_mem>>) src(%dma_wait3A_24 : memref<16x640xf32, #tpu.memory_space<vmem_shared>>) dst(%arg8 : memref<16x640xf32, #tpu.memory_space<vmem>>)
      tpu.yield
    }) : () -> ()
    %scan3A_9 = arith.constant 0 : i32
    %scan3A_10 = arith.constant 0 : i32
    %scan3A_11 = arith.constant 20 : i32
    %scan3A_12 = arith.addi %scan3A_10, %scan3A_11 : i32
    %scan3A_13 = arith.constant 1 : i32
    scf.for %scan3A_19 = %scan3A_10 to %scan3A_12 step %scan3A_13  : i32 {
      %mul3A_20 = arith.constant 320 : i32
      %mul3A_21 = arith.muli %arg0, %mul3A_20 : i32
      %mul3A_22 = arith.constant 16 : i32
      %mul3A_23 = arith.muli %scan3A_19, %mul3A_22 : i32
      %add3A_24 = arith.addi %mul3A_21, %mul3A_23 : i32
      %get3A = arith.constant 0 : i32
      %get3A_25 = arith.index_cast %get3A : i32 to index
      %get3A_26 = arith.index_cast %add3A_24 : i32 to index
      %get3A_27 = tpu.vector_load %arg8[%get3A_25, %get3A_26] {strides = array<i32>} : memref<16x640xf32, #tpu.memory_space<vmem>>, vector<16xf32>,
      %get3A_28 = arith.constant 1 : i32
      %get3A_29 = arith.index_cast %get3A_28 : i32 to index
      %get3A_30 = arith.index_cast %add3A_24 : i32 to index
      %get3A_31 = tpu.vector_load %arg8[%get3A_29, %get3A_30] {strides = array<i32>} : memref<16x640xf32, #tpu.memory_space<vmem>>, vector<16xf32>,
      %add3A_32 = arith.addf %get3A_27, %get3A_31 : vector<16xf32>
      %get3A_33 = arith.constant 2 : i32
      %get3A_34 = arith.index_cast %get3A_33 : i32 to index
      %get3A_35 = arith.index_cast %add3A_24 : i32 to index
      %get3A_36 = tpu.vector_load %arg8[%get3A_34, %get3A_35] {strides = array<i32>} : memref<16x640xf32, #tpu.memory_space<vmem>>, vector<16xf32>,
      %add3A_37 = arith.addf %add3A_32, %get3A_36 : vector<16xf32>
      %get3A_38 = arith.constant 3 : i32
      %get3A_39 = arith.index_cast %get3A_38 : i32 to index
      %get3A_40 = arith.index_cast %add3A_24 : i32 to index
      %get3A_41 = tpu.vector_load %arg8[%get3A_39, %get3A_40] {strides = array<i32>} : memref<16x640xf32, #tpu.memory_space<vmem>>, vector<16xf32>,
      %add3A_42 = arith.addf %add3A_37, %get3A_41 : vector<16xf32>
      %get3A_43 = arith.constant 4 : i32
      %get3A_44 = arith.index_cast %get3A_43 : i32 to index
      %get3A_45 = arith.index_cast %add3A_24 : i32 to index
      %get3A_46 = tpu.vector_load %arg8[%get3A_44, %get3A_45] {strides = array<i32>} : memref<16x640xf32, #tpu.memory_space<vmem>>, vector<16xf32>,
      %add3A_47 = arith.addf %add3A_42, %get3A_46 : vector<16xf32>
      %get3A_48 = arith.constant 5 : i32
      %get3A_49 = arith.index_cast %get3A_48 : i32 to index
      %get3A_50 = arith.index_cast %add3A_24 : i32 to index
      %get3A_51 = tpu.vector_load %arg8[%get3A_49, %get3A_50] {strides = array<i32>} : memref<16x640xf32, #tpu.memory_space<vmem>>, vector<16xf32>,
      %add3A_52 = arith.addf %add3A_47, %get3A_51 : vector<16xf32>
      %get3A_53 = arith.constant 6 : i32
      %get3A_54 = arith.index_cast %get3A_53 : i32 to index
      %get3A_55 = arith.index_cast %add3A_24 : i32 to index
      %get3A_56 = tpu.vector_load %arg8[%get3A_54, %get3A_55] {strides = array<i32>} : memref<16x640xf32, #tpu.memory_space<vmem>>, vector<16xf32>,
      %add3A_57 = arith.addf %add3A_52, %get3A_56 : vector<16xf32>
      %get3A_58 = arith.constant 7 : i32
      %get3A_59 = arith.index_cast %get3A_58 : i32 to index
      %get3A_60 = arith.index_cast %add3A_24 : i32 to index
      %get3A_61 = tpu.vector_load %arg8[%get3A_59, %get3A_60] {strides = array<i32>} : memref<16x640xf32, #tpu.memory_space<vmem>>, vector<16xf32>,
      %add3A_62 = arith.addf %add3A_57, %get3A_61 : vector<16xf32>
      %get3A_63 = arith.constant 8 : i32
      %get3A_64 = arith.index_cast %get3A_63 : i32 to index
      %get3A_65 = arith.index_cast %add3A_24 : i32 to index
      %get3A_66 = tpu.vector_load %arg8[%get3A_64, %get3A_65] {strides = array<i32>} : memref<16x640xf32, #tpu.memory_space<vmem>>, vector<16xf32>,
      %add3A_67 = arith.addf %add3A_62, %get3A_66 : vector<16xf32>
      %get3A_68 = arith.constant 9 : i32
      %get3A_69 = arith.index_cast %get3A_68 : i32 to index
      %get3A_70 = arith.index_cast %add3A_24 : i32 to index
      %get3A_71 = tpu.vector_load %arg8[%get3A_69, %get3A_70] {strides = array<i32>} : memref<16x640xf32, #tpu.memory_space<vmem>>, vector<16xf32>,
      %add3A_72 = arith.addf %add3A_67, %get3A_71 : vector<16xf32>
      %get3A_73 = arith.constant 10 : i32
      %get3A_74 = arith.index_cast %get3A_73 : i32 to index
      %get3A_75 = arith.index_cast %add3A_24 : i32 to index
      %get3A_76 = tpu.vector_load %arg8[%get3A_74, %get3A_75] {strides = array<i32>} : memref<16x640xf32, #tpu.memory_space<vmem>>, vector<16xf32>,
      %add3A_77 = arith.addf %add3A_72, %get3A_76 : vector<16xf32>
      %get3A_78 = arith.constant 11 : i32
      %get3A_79 = arith.index_cast %get3A_78 : i32 to index
      %get3A_80 = arith.index_cast %add3A_24 : i32 to index
      %get3A_81 = tpu.vector_load %arg8[%get3A_79, %get3A_80] {strides = array<i32>} : memref<16x640xf32, #tpu.memory_space<vmem>>, vector<16xf32>,
      %add3A_82 = arith.addf %add3A_77, %get3A_81 : vector<16xf32>
      %get3A_83 = arith.constant 12 : i32
      %get3A_84 = arith.index_cast %get3A_83 : i32 to index
      %get3A_85 = arith.index_cast %add3A_24 : i32 to index
      %get3A_86 = tpu.vector_load %arg8[%get3A_84, %get3A_85] {strides = array<i32>} : memref<16x640xf32, #tpu.memory_space<vmem>>, vector<16xf32>,
      %add3A_87 = arith.addf %add3A_82, %get3A_86 : vector<16xf32>
      %get3A_88 = arith.constant 13 : i32
      %get3A_89 = arith.index_cast %get3A_88 : i32 to index
      %get3A_90 = arith.index_cast %add3A_24 : i32 to index
      %get3A_91 = tpu.vector_load %arg8[%get3A_89, %get3A_90] {strides = array<i32>} : memref<16x640xf32, #tpu.memory_space<vmem>>, vector<16xf32>,
      %add3A_92 = arith.addf %add3A_87, %get3A_91 : vector<16xf32>
      %get3A_93 = arith.constant 14 : i32
      %get3A_94 = arith.index_cast %get3A_93 : i32 to index
      %get3A_95 = arith.index_cast %add3A_24 : i32 to index
      %get3A_96 = tpu.vector_load %arg8[%get3A_94, %get3A_95] {strides = array<i32>} : memref<16x640xf32, #tpu.memory_space<vmem>>, vector<16xf32>,
      %add3A_97 = arith.addf %add3A_92, %get3A_96 : vector<16xf32>
      %get3A_98 = arith.constant 15 : i32
      %get3A_99 = arith.index_cast %get3A_98 : i32 to index
      %get3A_100 = arith.index_cast %add3A_24 : i32 to index
      %get3A_101 = tpu.vector_load %arg8[%get3A_99, %get3A_100] {strides = array<i32>} : memref<16x640xf32, #tpu.memory_space<vmem>>, vector<16xf32>,
      %add3A_102 = arith.addf %add3A_97, %get3A_101 : vector<16xf32>
      %max3A = arith.constant 1.000000e+00 : f32
      %max3A_103 = vector.broadcast %max3A : f32 to vector<16xf32>
      %max3A_104 = arith.maximumf %add3A_102, %max3A_103 : vector<16xf32>
      %div3A = arith.constant 1.000000e+00 : f32
      %div3A_105 = vector.broadcast %div3A : f32 to vector<16xf32>
      %div3A_106 = arith.divf %div3A_105, %max3A_104 : vector<16xf32>
      %slice3A = vector.extract_strided_slice %div3A_106 {offsets = [0], sizes = [1], strides = [1]} : vector<16xf32> to vector<1xf32>
      %squeeze3A = vector.extract %slice3A[0] : f32 from vector<1xf32>
      %broadcast_in_dim3A_107 = vector.broadcast %squeeze3A : f32 to vector<16xf32>
      %mul3A_108 = arith.constant 16 : i32
      %mul3A_109 = arith.muli %scan3A_19, %mul3A_108 : i32
      %add3A_110 = arith.constant 0 : i32
      %add3A_111 = arith.addi %mul3A_109, %add3A_110 : i32
      %swap3A = arith.index_cast %add3A_111 : i32 to index
      %swap3A_112 = arith.constant 0 : index
      %swap3A_113 = tpu.vector_load %arg9[%swap3A, %swap3A_112] {strides = array<i32>} : memref<320x128xf32, #tpu.memory_space<vmem>>, vector<16xf32>,
      tpu.vector_store %arg9[%swap3A, %swap3A_112], %broadcast_in_dim3A_107 {strides = array<i32>} : memref<320x128xf32, #tpu.memory_space<vmem>>, vector<16xf32>,
      %mul3A_114 = arith.constant 16 : i32
      %mul3A_115 = arith.muli %scan3A_19, %mul3A_114 : i32
      %add3A_116 = arith.constant 0 : i32
      %add3A_117 = arith.addi %mul3A_115, %add3A_116 : i32
      %swap3A_118 = arith.index_cast %add3A_117 : i32 to index
      %swap3A_119 = arith.constant 16 : index
      %swap3A_120 = tpu.vector_load %arg9[%swap3A_118, %swap3A_119] {strides = array<i32>} : memref<320x128xf32, #tpu.memory_space<vmem>>, vector<16xf32>,
      tpu.vector_store %arg9[%swap3A_118, %swap3A_119], %broadcast_in_dim3A_107 {strides = array<i32>} : memref<320x128xf32, #tpu.memory_space<vmem>>, vector<16xf32>,
      %mul3A_121 = arith.constant 16 : i32
      %mul3A_122 = arith.muli %scan3A_19, %mul3A_121 : i32
      %add3A_123 = arith.constant 0 : i32
      %add3A_124 = arith.addi %mul3A_122, %add3A_123 : i32
      %swap3A_125 = arith.index_cast %add3A_124 : i32 to index
      %swap3A_126 = arith.constant 32 : index
      %swap3A_127 = tpu.vector_load %arg9[%swap3A_125, %swap3A_126] {strides = array<i32>} : memref<320x128xf32, #tpu.memory_space<vmem>>, vector<16xf32>,
      tpu.vector_store %arg9[%swap3A_125, %swap3A_126], %broadcast_in_dim3A_107 {strides = array<i32>} : memref<320x128xf32, #tpu.memory_space<vmem>>, vector<16xf32>,
      %mul3A_128 = arith.constant 16 : i32
      %mul3A_129 = arith.muli %scan3A_19, %mul3A_128 : i32
      %add3A_130 = arith.constant 0 : i32
      %add3A_131 = arith.addi %mul3A_129, %add3A_130 : i32
      %swap3A_132 = arith.index_cast %add3A_131 : i32 to index
      %swap3A_133 = arith.constant 48 : index
      %swap3A_134 = tpu.vector_load %arg9[%swap3A_132, %swap3A_133] {strides = array<i32>} : memref<320x128xf32, #tpu.memory_space<vmem>>, vector<16xf32>,
      tpu.vector_store %arg9[%swap3A_132, %swap3A_133], %broadcast_in_dim3A_107 {strides = array<i32>} : memref<320x128xf32, #tpu.memory_space<vmem>>, vector<16xf32>,
      %mul3A_135 = arith.constant 16 : i32
      %mul3A_136 = arith.muli %scan3A_19, %mul3A_135 : i32
      %add3A_137 = arith.constant 0 : i32
      %add3A_138 = arith.addi %mul3A_136, %add3A_137 : i32
      %swap3A_139 = arith.index_cast %add3A_138 : i32 to index
      %swap3A_140 = arith.constant 64 : index
      %swap3A_141 = tpu.vector_load %arg9[%swap3A_139, %swap3A_140] {strides = array<i32>} : memref<320x128xf32, #tpu.memory_space<vmem>>, vector<16xf32>,
      tpu.vector_store %arg9[%swap3A_139, %swap3A_140], %broadcast_in_dim3A_107 {strides = array<i32>} : memref<320x128xf32, #tpu.memory_space<vmem>>, vector<16xf32>,
      %mul3A_142 = arith.constant 16 : i32
      %mul3A_143 = arith.muli %scan3A_19, %mul3A_142 : i32
      %add3A_144 = arith.constant 0 : i32
      %add3A_145 = arith.addi %mul3A_143, %add3A_144 : i32
      %swap3A_146 = arith.index_cast %add3A_145 : i32 to index
      %swap3A_147 = arith.constant 80 : index
      %swap3A_148 = tpu.vector_load %arg9[%swap3A_146, %swap3A_147] {strides = array<i32>} : memref<320x128xf32, #tpu.memory_space<vmem>>, vector<16xf32>,
      tpu.vector_store %arg9[%swap3A_146, %swap3A_147], %broadcast_in_dim3A_107 {strides = array<i32>} : memref<320x128xf32, #tpu.memory_space<vmem>>, vector<16xf32>,
      %mul3A_149 = arith.constant 16 : i32
      %mul3A_150 = arith.muli %scan3A_19, %mul3A_149 : i32
      %add3A_151 = arith.constant 0 : i32
      %add3A_152 = arith.addi %mul3A_150, %add3A_151 : i32
      %swap3A_153 = arith.index_cast %add3A_152 : i32 to index
      %swap3A_154 = arith.constant 96 : index
      %swap3A_155 = tpu.vector_load %arg9[%swap3A_153, %swap3A_154] {strides = array<i32>} : memref<320x128xf32, #tpu.memory_space<vmem>>, vector<16xf32>,
      tpu.vector_store %arg9[%swap3A_153, %swap3A_154], %broadcast_in_dim3A_107 {strides = array<i32>} : memref<320x128xf32, #tpu.memory_space<vmem>>, vector<16xf32>,
      %mul3A_156 = arith.constant 16 : i32
      %mul3A_157 = arith.muli %scan3A_19, %mul3A_156 : i32
      %add3A_158 = arith.constant 0 : i32
      %add3A_159 = arith.addi %mul3A_157, %add3A_158 : i32
      %swap3A_160 = arith.index_cast %add3A_159 : i32 to index
      %swap3A_161 = arith.constant 112 : index
      %swap3A_162 = tpu.vector_load %arg9[%swap3A_160, %swap3A_161] {strides = array<i32>} : memref<320x128xf32, #tpu.memory_space<vmem>>, vector<16xf32>,
      tpu.vector_store %arg9[%swap3A_160, %swap3A_161], %broadcast_in_dim3A_107 {strides = array<i32>} : memref<320x128xf32, #tpu.memory_space<vmem>>, vector<16xf32>,
      %slice3A_163 = vector.extract_strided_slice %div3A_106 {offsets = [1], sizes = [1], strides = [1]} : vector<16xf32> to vector<1xf32>
      %squeeze3A_164 = vector.extract %slice3A_163[0] : f32 from vector<1xf32>
      %broadcast_in_dim3A_165 = vector.broadcast %squeeze3A_164 : f32 to vector<16xf32>
      %mul3A_166 = arith.constant 16 : i32
      %mul3A_167 = arith.muli %scan3A_19, %mul3A_166 : i32
      %add3A_168 = arith.constant 1 : i32
      %add3A_169 = arith.addi %mul3A_167, %add3A_168 : i32
      %swap3A_170 = arith.index_cast %add3A_169 : i32 to index
      %swap3A_171 = arith.constant 0 : index
      %swap3A_172 = tpu.vector_load %arg9[%swap3A_170, %swap3A_171] {strides = array<i32>} : memref<320x128xf32, #tpu.memory_space<vmem>>, vector<16xf32>,
      tpu.vector_store %arg9[%swap3A_170, %swap3A_171], %broadcast_in_dim3A_165 {strides = array<i32>} : memref<320x128xf32, #tpu.memory_space<vmem>>, vector<16xf32>,
      %mul3A_173 = arith.constant 16 : i32
      %mul3A_174 = arith.muli %scan3A_19, %mul3A_173 : i32
      %add3A_175 = arith.constant 1 : i32
      %add3A_176 = arith.addi %mul3A_174, %add3A_175 : i32
      %swap3A_177 = arith.index_cast %add3A_176 : i32 to index
      %swap3A_178 = arith.constant 16 : index
      %swap3A_179 = tpu.vector_load %arg9[%swap3A_177, %swap3A_178] {strides = array<i32>} : memref<320x128xf32, #tpu.memory_space<vmem>>, vector<16xf32>,
      tpu.vector_store %arg9[%swap3A_177, %swap3A_178], %broadcast_in_dim3A_165 {strides = array<i32>} : memref<320x128xf32, #tpu.memory_space<vmem>>, vector<16xf32>,
      %mul3A_180 = arith.constant 16 : i32
      %mul3A_181 = arith.muli %scan3A_19, %mul3A_180 : i32
      %add3A_182 = arith.constant 1 : i32
      %add3A_183 = arith.addi %mul3A_181, %add3A_182 : i32
      %swap3A_184 = arith.index_cast %add3A_183 : i32 to index
      %swap3A_185 = arith.constant 32 : index
      %swap3A_186 = tpu.vector_load %arg9[%swap3A_184, %swap3A_185] {strides = array<i32>} : memref<320x128xf32, #tpu.memory_space<vmem>>, vector<16xf32>,
      tpu.vector_store %arg9[%swap3A_184, %swap3A_185], %broadcast_in_dim3A_165 {strides = array<i32>} : memref<320x128xf32, #tpu.memory_space<vmem>>, vector<16xf32>,
      %mul3A_187 = arith.constant 16 : i32
      %mul3A_188 = arith.muli %scan3A_19, %mul3A_187 : i32
      %add3A_189 = arith.constant 1 : i32
      %add3A_190 = arith.addi %mul3A_188, %add3A_189 : i32
      %swap3A_191 = arith.index_cast %add3A_190 : i32 to index
      %swap3A_192 = arith.constant 48 : index
      %swap3A_193 = tpu.vector_load %arg9[%swap3A_191, %swap3A_192] {strides = array<i32>} : memref<320x128xf32, #tpu.memory_space<vmem>>, vector<16xf32>,
      tpu.vector_store %arg9[%swap3A_191, %swap3A_192], %broadcast_in_dim3A_165 {strides = array<i32>} : memref<320x128xf32, #tpu.memory_space<vmem>>, vector<16xf32>,
      %mul3A_194 = arith.constant 16 : i32
      %mul3A_195 = arith.muli %scan3A_19, %mul3A_194 : i32
      %add3A_196 = arith.constant 1 : i32
      %add3A_197 = arith.addi %mul3A_195, %add3A_196 : i32
      %swap3A_198 = arith.index_cast %add3A_197 : i32 to index
      %swap3A_199 = arith.constant 64 : index
      %swap3A_200 = tpu.vector_load %arg9[%swap3A_198, %swap3A_199] {strides = array<i32>} : memref<320x128xf32, #tpu.memory_space<vmem>>, vector<16xf32>,
      tpu.vector_store %arg9[%swap3A_198, %swap3A_199], %broadcast_in_dim3A_165 {strides = array<i32>} : memref<320x128xf32, #tpu.memory_space<vmem>>, vector<16xf32>,
      %mul3A_201 = arith.constant 16 : i32
      %mul3A_202 = arith.muli %scan3A_19, %mul3A_201 : i32
      %add3A_203 = arith.constant 1 : i32
      %add3A_204 = arith.addi %mul3A_202, %add3A_203 : i32
      %swap3A_205 = arith.index_cast %add3A_204 : i32 to index
      %swap3A_206 = arith.constant 80 : index
      %swap3A_207 = tpu.vector_load %arg9[%swap3A_205, %swap3A_206] {strides = array<i32>} : memref<320x128xf32, #tpu.memory_space<vmem>>, vector<16xf32>,
      tpu.vector_store %arg9[%swap3A_205, %swap3A_206], %broadcast_in_dim3A_165 {strides = array<i32>} : memref<320x128xf32, #tpu.memory_space<vmem>>, vector<16xf32>,
      %mul3A_208 = arith.constant 16 : i32
      %mul3A_209 = arith.muli %scan3A_19, %mul3A_208 : i32
      %add3A_210 = arith.constant 1 : i32
      %add3A_211 = arith.addi %mul3A_209, %add3A_210 : i32
      %swap3A_212 = arith.index_cast %add3A_211 : i32 to index
      %swap3A_213 = arith.constant 96 : index
      %swap3A_214 = tpu.vector_load %arg9[%swap3A_212, %swap3A_213] {strides = array<i32>} : memref<320x128xf32, #tpu.memory_space<vmem>>, vector<16xf32>,
      tpu.vector_store %arg9[%swap3A_212, %swap3A_213], %broadcast_in_dim3A_165 {strides = array<i32>} : memref<320x128xf32, #tpu.memory_space<vmem>>, vector<16xf32>,
      %mul3A_215 = arith.constant 16 : i32
      %mul3A_216 = arith.muli %scan3A_19, %mul3A_215 : i32
      %add3A_217 = arith.constant 1 : i32
      %add3A_218 = arith.addi %mul3A_216, %add3A_217 : i32
      %swap3A_219 = arith.index_cast %add3A_218 : i32 to index
      %swap3A_220 = arith.constant 112 : index
      %swap3A_221 = tpu.vector_load %arg9[%swap3A_219, %swap3A_220] {strides = array<i32>} : memref<320x128xf32, #tpu.memory_space<vmem>>, vector<16xf32>,
      tpu.vector_store %arg9[%swap3A_219, %swap3A_220], %broadcast_in_dim3A_165 {strides = array<i32>} : memref<320x128xf32, #tpu.memory_space<vmem>>, vector<16xf32>,
      %slice3A_222 = vector.extract_strided_slice %div3A_106 {offsets = [2], sizes = [1], strides = [1]} : vector<16xf32> to vector<1xf32>
      %squeeze3A_223 = vector.extract %slice3A_222[0] : f32 from vector<1xf32>
      %broadcast_in_dim3A_224 = vector.broadcast %squeeze3A_223 : f32 to vector<16xf32>
      %mul3A_225 = arith.constant 16 : i32
      %mul3A_226 = arith.muli %scan3A_19, %mul3A_225 : i32
      %add3A_227 = arith.constant 2 : i32
      %add3A_228 = arith.addi %mul3A_226, %add3A_227 : i32
      %swap3A_229 = arith.index_cast %add3A_228 : i32 to index
      %swap3A_230 = arith.constant 0 : index
      %swap3A_231 = tpu.vector_load %arg9[%swap3A_229, %swap3A_230] {strides = array<i32>} : memref<320x128xf32, #tpu.memory_space<vmem>>, vector<16xf32>,
      tpu.vector_store %arg9[%swap3A_229, %swap3A_230], %broadcast_in_dim3A_224 {strides = array<i32>} : memref<320x128xf32, #tpu.memory_space<vmem>>, vector<16xf32>,
      %mul3A_232 = arith.constant 16 : i32
      %mul3A_233 = arith.muli %scan3A_19, %mul3A_232 : i32
      %add3A_234 = arith.constant 2 : i32
      %add3A_235 = arith.addi %mul3A_233, %add3A_234 : i32
      %swap3A_236 = arith.index_cast %add3A_235 : i32 to index
      %swap3A_237 = arith.constant 16 : index
      %swap3A_238 = tpu.vector_load %arg9[%swap3A_236, %swap3A_237] {strides = array<i32>} : memref<320x128xf32, #tpu.memory_space<vmem>>, vector<16xf32>,
      tpu.vector_store %arg9[%swap3A_236, %swap3A_237], %broadcast_in_dim3A_224 {strides = array<i32>} : memref<320x128xf32, #tpu.memory_space<vmem>>, vector<16xf32>,
      %mul3A_239 = arith.constant 16 : i32
      %mul3A_240 = arith.muli %scan3A_19, %mul3A_239 : i32
      %add3A_241 = arith.constant 2 : i32
      %add3A_242 = arith.addi %mul3A_240, %add3A_241 : i32
      %swap3A_243 = arith.index_cast %add3A_242 : i32 to index
      %swap3A_244 = arith.constant 32 : index
      %swap3A_245 = tpu.vector_load %arg9[%swap3A_243, %swap3A_244] {strides = array<i32>} : memref<320x128xf32, #tpu.memory_space<vmem>>, vector<16xf32>,
      tpu.vector_store %arg9[%swap3A_243, %swap3A_244], %broadcast_in_dim3A_224 {strides = array<i32>} : memref<320x128xf32, #tpu.memory_space<vmem>>, vector<16xf32>,
      %mul3A_246 = arith.constant 16 : i32
      %mul3A_247 = arith.muli %scan3A_19, %mul3A_246 : i32
      %add3A_248 = arith.constant 2 : i32
      %add3A_249 = arith.addi %mul3A_247, %add3A_248 : i32
      %swap3A_250 = arith.index_cast %add3A_249 : i32 to index
      %swap3A_251 = arith.constant 48 : index
      %swap3A_252 = tpu.vector_load %arg9[%swap3A_250, %swap3A_251] {strides = array<i32>} : memref<320x128xf32, #tpu.memory_space<vmem>>, vector<16xf32>,
      tpu.vector_store %arg9[%swap3A_250, %swap3A_251], %broadcast_in_dim3A_224 {strides = array<i32>} : memref<320x128xf32, #tpu.memory_space<vmem>>, vector<16xf32>,
      %mul3A_253 = arith.constant 16 : i32
      %mul3A_254 = arith.muli %scan3A_19, %mul3A_253 : i32
      %add3A_255 = arith.constant 2 : i32
      %add3A_256 = arith.addi %mul3A_254, %add3A_255 : i32
      %swap3A_257 = arith.index_cast %add3A_256 : i32 to index
      %swap3A_258 = arith.constant 64 : index
      %swap3A_259 = tpu.vector_load %arg9[%swap3A_257, %swap3A_258] {strides = array<i32>} : memref<320x128xf32, #tpu.memory_space<vmem>>, vector<16xf32>,
      tpu.vector_store %arg9[%swap3A_257, %swap3A_258], %broadcast_in_dim3A_224 {strides = array<i32>} : memref<320x128xf32, #tpu.memory_space<vmem>>, vector<16xf32>,
      %mul3A_260 = arith.constant 16 : i32
      %mul3A_261 = arith.muli %scan3A_19, %mul3A_260 : i32
      %add3A_262 = arith.constant 2 : i32
      %add3A_263 = arith.addi %mul3A_261, %add3A_262 : i32
      %swap3A_264 = arith.index_cast %add3A_263 : i32 to index
      %swap3A_265 = arith.constant 80 : index
      %swap3A_266 = tpu.vector_load %arg9[%swap3A_264, %swap3A_265] {strides = array<i32>} : memref<320x128xf32, #tpu.memory_space<vmem>>, vector<16xf32>,
      tpu.vector_store %arg9[%swap3A_264, %swap3A_265], %broadcast_in_dim3A_224 {strides = array<i32>} : memref<320x128xf32, #tpu.memory_space<vmem>>, vector<16xf32>,
      %mul3A_267 = arith.constant 16 : i32
      %mul3A_268 = arith.muli %scan3A_19, %mul3A_267 : i32
      %add3A_269 = arith.constant 2 : i32
      %add3A_270 = arith.addi %mul3A_268, %add3A_269 : i32
      %swap3A_271 = arith.index_cast %add3A_270 : i32 to index
      %swap3A_272 = arith.constant 96 : index
      %swap3A_273 = tpu.vector_load %arg9[%swap3A_271, %swap3A_272] {strides = array<i32>} : memref<320x128xf32, #tpu.memory_space<vmem>>, vector<16xf32>,
      tpu.vector_store %arg9[%swap3A_271, %swap3A_272], %broadcast_in_dim3A_224 {strides = array<i32>} : memref<320x128xf32, #tpu.memory_space<vmem>>, vector<16xf32>,
      %mul3A_274 = arith.constant 16 : i32
      %mul3A_275 = arith.muli %scan3A_19, %mul3A_274 : i32
      %add3A_276 = arith.constant 2 : i32
      %add3A_277 = arith.addi %mul3A_275, %add3A_276 : i32
      %swap3A_278 = arith.index_cast %add3A_277 : i32 to index
      %swap3A_279 = arith.constant 112 : index
      %swap3A_280 = tpu.vector_load %arg9[%swap3A_278, %swap3A_279] {strides = array<i32>} : memref<320x128xf32, #tpu.memory_space<vmem>>, vector<16xf32>,
      tpu.vector_store %arg9[%swap3A_278, %swap3A_279], %broadcast_in_dim3A_224 {strides = array<i32>} : memref<320x128xf32, #tpu.memory_space<vmem>>, vector<16xf32>,
      %slice3A_281 = vector.extract_strided_slice %div3A_106 {offsets = [3], sizes = [1], strides = [1]} : vector<16xf32> to vector<1xf32>
      %squeeze3A_282 = vector.extract %slice3A_281[0] : f32 from vector<1xf32>
      %broadcast_in_dim3A_283 = vector.broadcast %squeeze3A_282 : f32 to vector<16xf32>
      %mul3A_284 = arith.constant 16 : i32
      %mul3A_285 = arith.muli %scan3A_19, %mul3A_284 : i32
      %add3A_286 = arith.constant 3 : i32
      %add3A_287 = arith.addi %mul3A_285, %add3A_286 : i32
      %swap3A_288 = arith.index_cast %add3A_287 : i32 to index
      %swap3A_289 = arith.constant 0 : index
      %swap3A_290 = tpu.vector_load %arg9[%swap3A_288, %swap3A_289] {strides = array<i32>} : memref<320x128xf32, #tpu.memory_space<vmem>>, vector<16xf32>,
      tpu.vector_store %arg9[%swap3A_288, %swap3A_289], %broadcast_in_dim3A_283 {strides = array<i32>} : memref<320x128xf32, #tpu.memory_space<vmem>>, vector<16xf32>,
      %mul3A_291 = arith.constant 16 : i32
      %mul3A_292 = arith.muli %scan3A_19, %mul3A_291 : i32
      %add3A_293 = arith.constant 3 : i32
      %add3A_294 = arith.addi %mul3A_292, %add3A_293 : i32
      %swap3A_295 = arith.index_cast %add3A_294 : i32 to index
      %swap3A_296 = arith.constant 16 : index
      %swap3A_297 = tpu.vector_load %arg9[%swap3A_295, %swap3A_296] {strides = array<i32>} : memref<320x128xf32, #tpu.memory_space<vmem>>, vector<16xf32>,
      tpu.vector_store %arg9[%swap3A_295, %swap3A_296], %broadcast_in_dim3A_283 {strides = array<i32>} : memref<320x128xf32, #tpu.memory_space<vmem>>, vector<16xf32>,
      %mul3A_298 = arith.constant 16 : i32
      %mul3A_299 = arith.muli %scan3A_19, %mul3A_298 : i32
      %add3A_300 = arith.constant 3 : i32
      %add3A_301 = arith.addi %mul3A_299, %add3A_300 : i32
      %swap3A_302 = arith.index_cast %add3A_301 : i32 to index
      %swap3A_303 = arith.constant 32 : index
      %swap3A_304 = tpu.vector_load %arg9[%swap3A_302, %swap3A_303] {strides = array<i32>} : memref<320x128xf32, #tpu.memory_space<vmem>>, vector<16xf32>,
      tpu.vector_store %arg9[%swap3A_302, %swap3A_303], %broadcast_in_dim3A_283 {strides = array<i32>} : memref<320x128xf32, #tpu.memory_space<vmem>>, vector<16xf32>,
      %mul3A_305 = arith.constant 16 : i32
      %mul3A_306 = arith.muli %scan3A_19, %mul3A_305 : i32
      %add3A_307 = arith.constant 3 : i32
      %add3A_308 = arith.addi %mul3A_306, %add3A_307 : i32
      %swap3A_309 = arith.index_cast %add3A_308 : i32 to index
      %swap3A_310 = arith.constant 48 : index
      %swap3A_311 = tpu.vector_load %arg9[%swap3A_309, %swap3A_310] {strides = array<i32>} : memref<320x128xf32, #tpu.memory_space<vmem>>, vector<16xf32>,
      tpu.vector_store %arg9[%swap3A_309, %swap3A_310], %broadcast_in_dim3A_283 {strides = array<i32>} : memref<320x128xf32, #tpu.memory_space<vmem>>, vector<16xf32>,
      %mul3A_312 = arith.constant 16 : i32
      %mul3A_313 = arith.muli %scan3A_19, %mul3A_312 : i32
      %add3A_314 = arith.constant 3 : i32
      %add3A_315 = arith.addi %mul3A_313, %add3A_314 : i32
      %swap3A_316 = arith.index_cast %add3A_315 : i32 to index
      %swap3A_317 = arith.constant 64 : index
      %swap3A_318 = tpu.vector_load %arg9[%swap3A_316, %swap3A_317] {strides = array<i32>} : memref<320x128xf32, #tpu.memory_space<vmem>>, vector<16xf32>,
      tpu.vector_store %arg9[%swap3A_316, %swap3A_317], %broadcast_in_dim3A_283 {strides = array<i32>} : memref<320x128xf32, #tpu.memory_space<vmem>>, vector<16xf32>,
      %mul3A_319 = arith.constant 16 : i32
      %mul3A_320 = arith.muli %scan3A_19, %mul3A_319 : i32
      %add3A_321 = arith.constant 3 : i32
      %add3A_322 = arith.addi %mul3A_320, %add3A_321 : i32
      %swap3A_323 = arith.index_cast %add3A_322 : i32 to index
      %swap3A_324 = arith.constant 80 : index
      %swap3A_325 = tpu.vector_load %arg9[%swap3A_323, %swap3A_324] {strides = array<i32>} : memref<320x128xf32, #tpu.memory_space<vmem>>, vector<16xf32>,
      tpu.vector_store %arg9[%swap3A_323, %swap3A_324], %broadcast_in_dim3A_283 {strides = array<i32>} : memref<320x128xf32, #tpu.memory_space<vmem>>, vector<16xf32>,
      %mul3A_326 = arith.constant 16 : i32
      %mul3A_327 = arith.muli %scan3A_19, %mul3A_326 : i32
      %add3A_328 = arith.constant 3 : i32
      %add3A_329 = arith.addi %mul3A_327, %add3A_328 : i32
      %swap3A_330 = arith.index_cast %add3A_329 : i32 to index
      %swap3A_331 = arith.constant 96 : index
      %swap3A_332 = tpu.vector_load %arg9[%swap3A_330, %swap3A_331] {strides = array<i32>} : memref<320x128xf32, #tpu.memory_space<vmem>>, vector<16xf32>,
      tpu.vector_store %arg9[%swap3A_330, %swap3A_331], %broadcast_in_dim3A_283 {strides = array<i32>} : memref<320x128xf32, #tpu.memory_space<vmem>>, vector<16xf32>,
      %mul3A_333 = arith.constant 16 : i32
      %mul3A_334 = arith.muli %scan3A_19, %mul3A_333 : i32
      %add3A_335 = arith.constant 3 : i32
      %add3A_336 = arith.addi %mul3A_334, %add3A_335 : i32
      %swap3A_337 = arith.index_cast %add3A_336 : i32 to index
      %swap3A_338 = arith.constant 112 : index
      %swap3A_339 = tpu.vector_load %arg9[%swap3A_337, %swap3A_338] {strides = array<i32>} : memref<320x128xf32, #tpu.memory_space<vmem>>, vector<16xf32>,
      tpu.vector_store %arg9[%swap3A_337, %swap3A_338], %broadcast_in_dim3A_283 {strides = array<i32>} : memref<320x128xf32, #tpu.memory_space<vmem>>, vector<16xf32>,
      %slice3A_340 = vector.extract_strided_slice %div3A_106 {offsets = [4], sizes = [1], strides = [1]} : vector<16xf32> to vector<1xf32>
      %squeeze3A_341 = vector.extract %slice3A_340[0] : f32 from vector<1xf32>
      %broadcast_in_dim3A_342 = vector.broadcast %squeeze3A_341 : f32 to vector<16xf32>
      %mul3A_343 = arith.constant 16 : i32
      %mul3A_344 = arith.muli %scan3A_19, %mul3A_343 : i32
      %add3A_345 = arith.constant 4 : i32
      %add3A_346 = arith.addi %mul3A_344, %add3A_345 : i32
      %swap3A_347 = arith.index_cast %add3A_346 : i32 to index
      %swap3A_348 = arith.constant 0 : index
      %swap3A_349 = tpu.vector_load %arg9[%swap3A_347, %swap3A_348] {strides = array<i32>} : memref<320x128xf32, #tpu.memory_space<vmem>>, vector<16xf32>,
      tpu.vector_store %arg9[%swap3A_347, %swap3A_348], %broadcast_in_dim3A_342 {strides = array<i32>} : memref<320x128xf32, #tpu.memory_space<vmem>>, vector<16xf32>,
      %mul3A_350 = arith.constant 16 : i32
      %mul3A_351 = arith.muli %scan3A_19, %mul3A_350 : i32
      %add3A_352 = arith.constant 4 : i32
      %add3A_353 = arith.addi %mul3A_351, %add3A_352 : i32
      %swap3A_354 = arith.index_cast %add3A_353 : i32 to index
      %swap3A_355 = arith.constant 16 : index
      %swap3A_356 = tpu.vector_load %arg9[%swap3A_354, %swap3A_355] {strides = array<i32>} : memref<320x128xf32, #tpu.memory_space<vmem>>, vector<16xf32>,
      tpu.vector_store %arg9[%swap3A_354, %swap3A_355], %broadcast_in_dim3A_342 {strides = array<i32>} : memref<320x128xf32, #tpu.memory_space<vmem>>, vector<16xf32>,
      %mul3A_357 = arith.constant 16 : i32
      %mul3A_358 = arith.muli %scan3A_19, %mul3A_357 : i32
      %add3A_359 = arith.constant 4 : i32
      %add3A_360 = arith.addi %mul3A_358, %add3A_359 : i32
      %swap3A_361 = arith.index_cast %add3A_360 : i32 to index
      %swap3A_362 = arith.constant 32 : index
      %swap3A_363 = tpu.vector_load %arg9[%swap3A_361, %swap3A_362] {strides = array<i32>} : memref<320x128xf32, #tpu.memory_space<vmem>>, vector<16xf32>,
      tpu.vector_store %arg9[%swap3A_361, %swap3A_362], %broadcast_in_dim3A_342 {strides = array<i32>} : memref<320x128xf32, #tpu.memory_space<vmem>>, vector<16xf32>,
      %mul3A_364 = arith.constant 16 : i32
      %mul3A_365 = arith.muli %scan3A_19, %mul3A_364 : i32
      %add3A_366 = arith.constant 4 : i32
      %add3A_367 = arith.addi %mul3A_365, %add3A_366 : i32
      %swap3A_368 = arith.index_cast %add3A_367 : i32 to index
      %swap3A_369 = arith.constant 48 : index
      %swap3A_370 = tpu.vector_load %arg9[%swap3A_368, %swap3A_369] {strides = array<i32>} : memref<320x128xf32, #tpu.memory_space<vmem>>, vector<16xf32>,
      tpu.vector_store %arg9[%swap3A_368, %swap3A_369], %broadcast_in_dim3A_342 {strides = array<i32>} : memref<320x128xf32, #tpu.memory_space<vmem>>, vector<16xf32>,
      %mul3A_371 = arith.constant 16 : i32
      %mul3A_372 = arith.muli %scan3A_19, %mul3A_371 : i32
      %add3A_373 = arith.constant 4 : i32
      %add3A_374 = arith.addi %mul3A_372, %add3A_373 : i32
      %swap3A_375 = arith.index_cast %add3A_374 : i32 to index
      %swap3A_376 = arith.constant 64 : index
      %swap3A_377 = tpu.vector_load %arg9[%swap3A_375, %swap3A_376] {strides = array<i32>} : memref<320x128xf32, #tpu.memory_space<vmem>>, vector<16xf32>,
      tpu.vector_store %arg9[%swap3A_375, %swap3A_376], %broadcast_in_dim3A_342 {strides = array<i32>} : memref<320x128xf32, #tpu.memory_space<vmem>>, vector<16xf32>,
      %mul3A_378 = arith.constant 16 : i32
      %mul3A_379 = arith.muli %scan3A_19, %mul3A_378 : i32
      %add3A_380 = arith.constant 4 : i32
      %add3A_381 = arith.addi %mul3A_379, %add3A_380 : i32
      %swap3A_382 = arith.index_cast %add3A_381 : i32 to index
      %swap3A_383 = arith.constant 80 : index
      %swap3A_384 = tpu.vector_load %arg9[%swap3A_382, %swap3A_383] {strides = array<i32>} : memref<320x128xf32, #tpu.memory_space<vmem>>, vector<16xf32>,
      tpu.vector_store %arg9[%swap3A_382, %swap3A_383], %broadcast_in_dim3A_342 {strides = array<i32>} : memref<320x128xf32, #tpu.memory_space<vmem>>, vector<16xf32>,
      %mul3A_385 = arith.constant 16 : i32
      %mul3A_386 = arith.muli %scan3A_19, %mul3A_385 : i32
      %add3A_387 = arith.constant 4 : i32
      %add3A_388 = arith.addi %mul3A_386, %add3A_387 : i32
      %swap3A_389 = arith.index_cast %add3A_388 : i32 to index
      %swap3A_390 = arith.constant 96 : index
      %swap3A_391 = tpu.vector_load %arg9[%swap3A_389, %swap3A_390] {strides = array<i32>} : memref<320x128xf32, #tpu.memory_space<vmem>>, vector<16xf32>,
      tpu.vector_store %arg9[%swap3A_389, %swap3A_390], %broadcast_in_dim3A_342 {strides = array<i32>} : memref<320x128xf32, #tpu.memory_space<vmem>>, vector<16xf32>,
      %mul3A_392 = arith.constant 16 : i32
      %mul3A_393 = arith.muli %scan3A_19, %mul3A_392 : i32
      %add3A_394 = arith.constant 4 : i32
      %add3A_395 = arith.addi %mul3A_393, %add3A_394 : i32
      %swap3A_396 = arith.index_cast %add3A_395 : i32 to index
      %swap3A_397 = arith.constant 112 : index
      %swap3A_398 = tpu.vector_load %arg9[%swap3A_396, %swap3A_397] {strides = array<i32>} : memref<320x128xf32, #tpu.memory_space<vmem>>, vector<16xf32>,
      tpu.vector_store %arg9[%swap3A_396, %swap3A_397], %broadcast_in_dim3A_342 {strides = array<i32>} : memref<320x128xf32, #tpu.memory_space<vmem>>, vector<16xf32>,
      %slice3A_399 = vector.extract_strided_slice %div3A_106 {offsets = [5], sizes = [1], strides = [1]} : vector<16xf32> to vector<1xf32>
      %squeeze3A_400 = vector.extract %slice3A_399[0] : f32 from vector<1xf32>
      %broadcast_in_dim3A_401 = vector.broadcast %squeeze3A_400 : f32 to vector<16xf32>
      %mul3A_402 = arith.constant 16 : i32
      %mul3A_403 = arith.muli %scan3A_19, %mul3A_402 : i32
      %add3A_404 = arith.constant 5 : i32
      %add3A_405 = arith.addi %mul3A_403, %add3A_404 : i32
      %swap3A_406 = arith.index_cast %add3A_405 : i32 to index
      %swap3A_407 = arith.constant 0 : index
      %swap3A_408 = tpu.vector_load %arg9[%swap3A_406, %swap3A_407] {strides = array<i32>} : memref<320x128xf32, #tpu.memory_space<vmem>>, vector<16xf32>,
      tpu.vector_store %arg9[%swap3A_406, %swap3A_407], %broadcast_in_dim3A_401 {strides = array<i32>} : memref<320x128xf32, #tpu.memory_space<vmem>>, vector<16xf32>,
      %mul3A_409 = arith.constant 16 : i32
      %mul3A_410 = arith.muli %scan3A_19, %mul3A_409 : i32
      %add3A_411 = arith.constant 5 : i32
      %add3A_412 = arith.addi %mul3A_410, %add3A_411 : i32
      %swap3A_413 = arith.index_cast %add3A_412 : i32 to index
      %swap3A_414 = arith.constant 16 : index
      %swap3A_415 = tpu.vector_load %arg9[%swap3A_413, %swap3A_414] {strides = array<i32>} : memref<320x128xf32, #tpu.memory_space<vmem>>, vector<16xf32>,
      tpu.vector_store %arg9[%swap3A_413, %swap3A_414], %broadcast_in_dim3A_401 {strides = array<i32>} : memref<320x128xf32, #tpu.memory_space<vmem>>, vector<16xf32>,
      %mul3A_416 = arith.constant 16 : i32
      %mul3A_417 = arith.muli %scan3A_19, %mul3A_416 : i32
      %add3A_418 = arith.constant 5 : i32
      %add3A_419 = arith.addi %mul3A_417, %add3A_418 : i32
      %swap3A_420 = arith.index_cast %add3A_419 : i32 to index
      %swap3A_421 = arith.constant 32 : index
      %swap3A_422 = tpu.vector_load %arg9[%swap3A_420, %swap3A_421] {strides = array<i32>} : memref<320x128xf32, #tpu.memory_space<vmem>>, vector<16xf32>,
      tpu.vector_store %arg9[%swap3A_420, %swap3A_421], %broadcast_in_dim3A_401 {strides = array<i32>} : memref<320x128xf32, #tpu.memory_space<vmem>>, vector<16xf32>,
      %mul3A_423 = arith.constant 16 : i32
      %mul3A_424 = arith.muli %scan3A_19, %mul3A_423 : i32
      %add3A_425 = arith.constant 5 : i32
      %add3A_426 = arith.addi %mul3A_424, %add3A_425 : i32
      %swap3A_427 = arith.index_cast %add3A_426 : i32 to index
      %swap3A_428 = arith.constant 48 : index
      %swap3A_429 = tpu.vector_load %arg9[%swap3A_427, %swap3A_428] {strides = array<i32>} : memref<320x128xf32, #tpu.memory_space<vmem>>, vector<16xf32>,
      tpu.vector_store %arg9[%swap3A_427, %swap3A_428], %broadcast_in_dim3A_401 {strides = array<i32>} : memref<320x128xf32, #tpu.memory_space<vmem>>, vector<16xf32>,
      %mul3A_430 = arith.constant 16 : i32
      %mul3A_431 = arith.muli %scan3A_19, %mul3A_430 : i32
      %add3A_432 = arith.constant 5 : i32
      %add3A_433 = arith.addi %mul3A_431, %add3A_432 : i32
      %swap3A_434 = arith.index_cast %add3A_433 : i32 to index
      %swap3A_435 = arith.constant 64 : index
      %swap3A_436 = tpu.vector_load %arg9[%swap3A_434, %swap3A_435] {strides = array<i32>} : memref<320x128xf32, #tpu.memory_space<vmem>>, vector<16xf32>,
      tpu.vector_store %arg9[%swap3A_434, %swap3A_435], %broadcast_in_dim3A_401 {strides = array<i32>} : memref<320x128xf32, #tpu.memory_space<vmem>>, vector<16xf32>,
      %mul3A_437 = arith.constant 16 : i32
      %mul3A_438 = arith.muli %scan3A_19, %mul3A_437 : i32
      %add3A_439 = arith.constant 5 : i32
      %add3A_440 = arith.addi %mul3A_438, %add3A_439 : i32
      %swap3A_441 = arith.index_cast %add3A_440 : i32 to index
      %swap3A_442 = arith.constant 80 : index
      %swap3A_443 = tpu.vector_load %arg9[%swap3A_441, %swap3A_442] {strides = array<i32>} : memref<320x128xf32, #tpu.memory_space<vmem>>, vector<16xf32>,
      tpu.vector_store %arg9[%swap3A_441, %swap3A_442], %broadcast_in_dim3A_401 {strides = array<i32>} : memref<320x128xf32, #tpu.memory_space<vmem>>, vector<16xf32>,
      %mul3A_444 = arith.constant 16 : i32
      %mul3A_445 = arith.muli %scan3A_19, %mul3A_444 : i32
      %add3A_446 = arith.constant 5 : i32
      %add3A_447 = arith.addi %mul3A_445, %add3A_446 : i32
      %swap3A_448 = arith.index_cast %add3A_447 : i32 to index
      %swap3A_449 = arith.constant 96 : index
      %swap3A_450 = tpu.vector_load %arg9[%swap3A_448, %swap3A_449] {strides = array<i32>} : memref<320x128xf32, #tpu.memory_space<vmem>>, vector<16xf32>,
      tpu.vector_store %arg9[%swap3A_448, %swap3A_449], %broadcast_in_dim3A_401 {strides = array<i32>} : memref<320x128xf32, #tpu.memory_space<vmem>>, vector<16xf32>,
      %mul3A_451 = arith.constant 16 : i32
      %mul3A_452 = arith.muli %scan3A_19, %mul3A_451 : i32
      %add3A_453 = arith.constant 5 : i32
      %add3A_454 = arith.addi %mul3A_452, %add3A_453 : i32
      %swap3A_455 = arith.index_cast %add3A_454 : i32 to index
      %swap3A_456 = arith.constant 112 : index
      %swap3A_457 = tpu.vector_load %arg9[%swap3A_455, %swap3A_456] {strides = array<i32>} : memref<320x128xf32, #tpu.memory_space<vmem>>, vector<16xf32>,
      tpu.vector_store %arg9[%swap3A_455, %swap3A_456], %broadcast_in_dim3A_401 {strides = array<i32>} : memref<320x128xf32, #tpu.memory_space<vmem>>, vector<16xf32>,
      %slice3A_458 = vector.extract_strided_slice %div3A_106 {offsets = [6], sizes = [1], strides = [1]} : vector<16xf32> to vector<1xf32>
      %squeeze3A_459 = vector.extract %slice3A_458[0] : f32 from vector<1xf32>
      %broadcast_in_dim3A_460 = vector.broadcast %squeeze3A_459 : f32 to vector<16xf32>
      %mul3A_461 = arith.constant 16 : i32
      %mul3A_462 = arith.muli %scan3A_19, %mul3A_461 : i32
      %add3A_463 = arith.constant 6 : i32
      %add3A_464 = arith.addi %mul3A_462, %add3A_463 : i32
      %swap3A_465 = arith.index_cast %add3A_464 : i32 to index
      %swap3A_466 = arith.constant 0 : index
      %swap3A_467 = tpu.vector_load %arg9[%swap3A_465, %swap3A_466] {strides = array<i32>} : memref<320x128xf32, #tpu.memory_space<vmem>>, vector<16xf32>,
      tpu.vector_store %arg9[%swap3A_465, %swap3A_466], %broadcast_in_dim3A_460 {strides = array<i32>} : memref<320x128xf32, #tpu.memory_space<vmem>>, vector<16xf32>,
      %mul3A_468 = arith.constant 16 : i32
      %mul3A_469 = arith.muli %scan3A_19, %mul3A_468 : i32
      %add3A_470 = arith.constant 6 : i32
      %add3A_471 = arith.addi %mul3A_469, %add3A_470 : i32
      %swap3A_472 = arith.index_cast %add3A_471 : i32 to index
      %swap3A_473 = arith.constant 16 : index
      %swap3A_474 = tpu.vector_load %arg9[%swap3A_472, %swap3A_473] {strides = array<i32>} : memref<320x128xf32, #tpu.memory_space<vmem>>, vector<16xf32>,
      tpu.vector_store %arg9[%swap3A_472, %swap3A_473], %broadcast_in_dim3A_460 {strides = array<i32>} : memref<320x128xf32, #tpu.memory_space<vmem>>, vector<16xf32>,
      %mul3A_475 = arith.constant 16 : i32
      %mul3A_476 = arith.muli %scan3A_19, %mul3A_475 : i32
      %add3A_477 = arith.constant 6 : i32
      %add3A_478 = arith.addi %mul3A_476, %add3A_477 : i32
      %swap3A_479 = arith.index_cast %add3A_478 : i32 to index
      %swap3A_480 = arith.constant 32 : index
      %swap3A_481 = tpu.vector_load %arg9[%swap3A_479, %swap3A_480] {strides = array<i32>} : memref<320x128xf32, #tpu.memory_space<vmem>>, vector<16xf32>,
      tpu.vector_store %arg9[%swap3A_479, %swap3A_480], %broadcast_in_dim3A_460 {strides = array<i32>} : memref<320x128xf32, #tpu.memory_space<vmem>>, vector<16xf32>,
      %mul3A_482 = arith.constant 16 : i32
      %mul3A_483 = arith.muli %scan3A_19, %mul3A_482 : i32
      %add3A_484 = arith.constant 6 : i32
      %add3A_485 = arith.addi %mul3A_483, %add3A_484 : i32
      %swap3A_486 = arith.index_cast %add3A_485 : i32 to index
      %swap3A_487 = arith.constant 48 : index
      %swap3A_488 = tpu.vector_load %arg9[%swap3A_486, %swap3A_487] {strides = array<i32>} : memref<320x128xf32, #tpu.memory_space<vmem>>, vector<16xf32>,
      tpu.vector_store %arg9[%swap3A_486, %swap3A_487], %broadcast_in_dim3A_460 {strides = array<i32>} : memref<320x128xf32, #tpu.memory_space<vmem>>, vector<16xf32>,
      %mul3A_489 = arith.constant 16 : i32
      %mul3A_490 = arith.muli %scan3A_19, %mul3A_489 : i32
      %add3A_491 = arith.constant 6 : i32
      %add3A_492 = arith.addi %mul3A_490, %add3A_491 : i32
      %swap3A_493 = arith.index_cast %add3A_492 : i32 to index
      %swap3A_494 = arith.constant 64 : index
      %swap3A_495 = tpu.vector_load %arg9[%swap3A_493, %swap3A_494] {strides = array<i32>} : memref<320x128xf32, #tpu.memory_space<vmem>>, vector<16xf32>,
      tpu.vector_store %arg9[%swap3A_493, %swap3A_494], %broadcast_in_dim3A_460 {strides = array<i32>} : memref<320x128xf32, #tpu.memory_space<vmem>>, vector<16xf32>,
      %mul3A_496 = arith.constant 16 : i32
      %mul3A_497 = arith.muli %scan3A_19, %mul3A_496 : i32
      %add3A_498 = arith.constant 6 : i32
      %add3A_499 = arith.addi %mul3A_497, %add3A_498 : i32
      %swap3A_500 = arith.index_cast %add3A_499 : i32 to index
      %swap3A_501 = arith.constant 80 : index
      %swap3A_502 = tpu.vector_load %arg9[%swap3A_500, %swap3A_501] {strides = array<i32>} : memref<320x128xf32, #tpu.memory_space<vmem>>, vector<16xf32>,
      tpu.vector_store %arg9[%swap3A_500, %swap3A_501], %broadcast_in_dim3A_460 {strides = array<i32>} : memref<320x128xf32, #tpu.memory_space<vmem>>, vector<16xf32>,
      %mul3A_503 = arith.constant 16 : i32
      %mul3A_504 = arith.muli %scan3A_19, %mul3A_503 : i32
      %add3A_505 = arith.constant 6 : i32
      %add3A_506 = arith.addi %mul3A_504, %add3A_505 : i32
      %swap3A_507 = arith.index_cast %add3A_506 : i32 to index
      %swap3A_508 = arith.constant 96 : index
      %swap3A_509 = tpu.vector_load %arg9[%swap3A_507, %swap3A_508] {strides = array<i32>} : memref<320x128xf32, #tpu.memory_space<vmem>>, vector<16xf32>,
      tpu.vector_store %arg9[%swap3A_507, %swap3A_508], %broadcast_in_dim3A_460 {strides = array<i32>} : memref<320x128xf32, #tpu.memory_space<vmem>>, vector<16xf32>,
      %mul3A_510 = arith.constant 16 : i32
      %mul3A_511 = arith.muli %scan3A_19, %mul3A_510 : i32
      %add3A_512 = arith.constant 6 : i32
      %add3A_513 = arith.addi %mul3A_511, %add3A_512 : i32
      %swap3A_514 = arith.index_cast %add3A_513 : i32 to index
      %swap3A_515 = arith.constant 112 : index
      %swap3A_516 = tpu.vector_load %arg9[%swap3A_514, %swap3A_515] {strides = array<i32>} : memref<320x128xf32, #tpu.memory_space<vmem>>, vector<16xf32>,
      tpu.vector_store %arg9[%swap3A_514, %swap3A_515], %broadcast_in_dim3A_460 {strides = array<i32>} : memref<320x128xf32, #tpu.memory_space<vmem>>, vector<16xf32>,
      %slice3A_517 = vector.extract_strided_slice %div3A_106 {offsets = [7], sizes = [1], strides = [1]} : vector<16xf32> to vector<1xf32>
      %squeeze3A_518 = vector.extract %slice3A_517[0] : f32 from vector<1xf32>
      %broadcast_in_dim3A_519 = vector.broadcast %squeeze3A_518 : f32 to vector<16xf32>
      %mul3A_520 = arith.constant 16 : i32
      %mul3A_521 = arith.muli %scan3A_19, %mul3A_520 : i32
      %add3A_522 = arith.constant 7 : i32
      %add3A_523 = arith.addi %mul3A_521, %add3A_522 : i32
      %swap3A_524 = arith.index_cast %add3A_523 : i32 to index
      %swap3A_525 = arith.constant 0 : index
      %swap3A_526 = tpu.vector_load %arg9[%swap3A_524, %swap3A_525] {strides = array<i32>} : memref<320x128xf32, #tpu.memory_space<vmem>>, vector<16xf32>,
      tpu.vector_store %arg9[%swap3A_524, %swap3A_525], %broadcast_in_dim3A_519 {strides = array<i32>} : memref<320x128xf32, #tpu.memory_space<vmem>>, vector<16xf32>,
      %mul3A_527 = arith.constant 16 : i32
      %mul3A_528 = arith.muli %scan3A_19, %mul3A_527 : i32
      %add3A_529 = arith.constant 7 : i32
      %add3A_530 = arith.addi %mul3A_528, %add3A_529 : i32
      %swap3A_531 = arith.index_cast %add3A_530 : i32 to index
      %swap3A_532 = arith.constant 16 : index
      %swap3A_533 = tpu.vector_load %arg9[%swap3A_531, %swap3A_532] {strides = array<i32>} : memref<320x128xf32, #tpu.memory_space<vmem>>, vector<16xf32>,
      tpu.vector_store %arg9[%swap3A_531, %swap3A_532], %broadcast_in_dim3A_519 {strides = array<i32>} : memref<320x128xf32, #tpu.memory_space<vmem>>, vector<16xf32>,
      %mul3A_534 = arith.constant 16 : i32
      %mul3A_535 = arith.muli %scan3A_19, %mul3A_534 : i32
      %add3A_536 = arith.constant 7 : i32
      %add3A_537 = arith.addi %mul3A_535, %add3A_536 : i32
      %swap3A_538 = arith.index_cast %add3A_537 : i32 to index
      %swap3A_539 = arith.constant 32 : index
      %swap3A_540 = tpu.vector_load %arg9[%swap3A_538, %swap3A_539] {strides = array<i32>} : memref<320x128xf32, #tpu.memory_space<vmem>>, vector<16xf32>,
      tpu.vector_store %arg9[%swap3A_538, %swap3A_539], %broadcast_in_dim3A_519 {strides = array<i32>} : memref<320x128xf32, #tpu.memory_space<vmem>>, vector<16xf32>,
      %mul3A_541 = arith.constant 16 : i32
      %mul3A_542 = arith.muli %scan3A_19, %mul3A_541 : i32
      %add3A_543 = arith.constant 7 : i32
      %add3A_544 = arith.addi %mul3A_542, %add3A_543 : i32
      %swap3A_545 = arith.index_cast %add3A_544 : i32 to index
      %swap3A_546 = arith.constant 48 : index
      %swap3A_547 = tpu.vector_load %arg9[%swap3A_545, %swap3A_546] {strides = array<i32>} : memref<320x128xf32, #tpu.memory_space<vmem>>, vector<16xf32>,
      tpu.vector_store %arg9[%swap3A_545, %swap3A_546], %broadcast_in_dim3A_519 {strides = array<i32>} : memref<320x128xf32, #tpu.memory_space<vmem>>, vector<16xf32>,
      %mul3A_548 = arith.constant 16 : i32
      %mul3A_549 = arith.muli %scan3A_19, %mul3A_548 : i32
      %add3A_550 = arith.constant 7 : i32
      %add3A_551 = arith.addi %mul3A_549, %add3A_550 : i32
      %swap3A_552 = arith.index_cast %add3A_551 : i32 to index
      %swap3A_553 = arith.constant 64 : index
      %swap3A_554 = tpu.vector_load %arg9[%swap3A_552, %swap3A_553] {strides = array<i32>} : memref<320x128xf32, #tpu.memory_space<vmem>>, vector<16xf32>,
      tpu.vector_store %arg9[%swap3A_552, %swap3A_553], %broadcast_in_dim3A_519 {strides = array<i32>} : memref<320x128xf32, #tpu.memory_space<vmem>>, vector<16xf32>,
      %mul3A_555 = arith.constant 16 : i32
      %mul3A_556 = arith.muli %scan3A_19, %mul3A_555 : i32
      %add3A_557 = arith.constant 7 : i32
      %add3A_558 = arith.addi %mul3A_556, %add3A_557 : i32
      %swap3A_559 = arith.index_cast %add3A_558 : i32 to index
      %swap3A_560 = arith.constant 80 : index
      %swap3A_561 = tpu.vector_load %arg9[%swap3A_559, %swap3A_560] {strides = array<i32>} : memref<320x128xf32, #tpu.memory_space<vmem>>, vector<16xf32>,
      tpu.vector_store %arg9[%swap3A_559, %swap3A_560], %broadcast_in_dim3A_519 {strides = array<i32>} : memref<320x128xf32, #tpu.memory_space<vmem>>, vector<16xf32>,
      %mul3A_562 = arith.constant 16 : i32
      %mul3A_563 = arith.muli %scan3A_19, %mul3A_562 : i32
      %add3A_564 = arith.constant 7 : i32
      %add3A_565 = arith.addi %mul3A_563, %add3A_564 : i32
      %swap3A_566 = arith.index_cast %add3A_565 : i32 to index
      %swap3A_567 = arith.constant 96 : index
      %swap3A_568 = tpu.vector_load %arg9[%swap3A_566, %swap3A_567] {strides = array<i32>} : memref<320x128xf32, #tpu.memory_space<vmem>>, vector<16xf32>,
      tpu.vector_store %arg9[%swap3A_566, %swap3A_567], %broadcast_in_dim3A_519 {strides = array<i32>} : memref<320x128xf32, #tpu.memory_space<vmem>>, vector<16xf32>,
      %mul3A_569 = arith.constant 16 : i32
      %mul3A_570 = arith.muli %scan3A_19, %mul3A_569 : i32
      %add3A_571 = arith.constant 7 : i32
      %add3A_572 = arith.addi %mul3A_570, %add3A_571 : i32
      %swap3A_573 = arith.index_cast %add3A_572 : i32 to index
      %swap3A_574 = arith.constant 112 : index
      %swap3A_575 = tpu.vector_load %arg9[%swap3A_573, %swap3A_574] {strides = array<i32>} : memref<320x128xf32, #tpu.memory_space<vmem>>, vector<16xf32>,
      tpu.vector_store %arg9[%swap3A_573, %swap3A_574], %broadcast_in_dim3A_519 {strides = array<i32>} : memref<320x128xf32, #tpu.memory_space<vmem>>, vector<16xf32>,
      %slice3A_576 = vector.extract_strided_slice %div3A_106 {offsets = [8], sizes = [1], strides = [1]} : vector<16xf32> to vector<1xf32>
      %squeeze3A_577 = vector.extract %slice3A_576[0] : f32 from vector<1xf32>
      %broadcast_in_dim3A_578 = vector.broadcast %squeeze3A_577 : f32 to vector<16xf32>
      %mul3A_579 = arith.constant 16 : i32
      %mul3A_580 = arith.muli %scan3A_19, %mul3A_579 : i32
      %add3A_581 = arith.constant 8 : i32
      %add3A_582 = arith.addi %mul3A_580, %add3A_581 : i32
      %swap3A_583 = arith.index_cast %add3A_582 : i32 to index
      %swap3A_584 = arith.constant 0 : index
      %swap3A_585 = tpu.vector_load %arg9[%swap3A_583, %swap3A_584] {strides = array<i32>} : memref<320x128xf32, #tpu.memory_space<vmem>>, vector<16xf32>,
      tpu.vector_store %arg9[%swap3A_583, %swap3A_584], %broadcast_in_dim3A_578 {strides = array<i32>} : memref<320x128xf32, #tpu.memory_space<vmem>>, vector<16xf32>,
      %mul3A_586 = arith.constant 16 : i32
      %mul3A_587 = arith.muli %scan3A_19, %mul3A_586 : i32
      %add3A_588 = arith.constant 8 : i32
      %add3A_589 = arith.addi %mul3A_587, %add3A_588 : i32
      %swap3A_590 = arith.index_cast %add3A_589 : i32 to index
      %swap3A_591 = arith.constant 16 : index
      %swap3A_592 = tpu.vector_load %arg9[%swap3A_590, %swap3A_591] {strides = array<i32>} : memref<320x128xf32, #tpu.memory_space<vmem>>, vector<16xf32>,
      tpu.vector_store %arg9[%swap3A_590, %swap3A_591], %broadcast_in_dim3A_578 {strides = array<i32>} : memref<320x128xf32, #tpu.memory_space<vmem>>, vector<16xf32>,
      %mul3A_593 = arith.constant 16 : i32
      %mul3A_594 = arith.muli %scan3A_19, %mul3A_593 : i32
      %add3A_595 = arith.constant 8 : i32
      %add3A_596 = arith.addi %mul3A_594, %add3A_595 : i32
      %swap3A_597 = arith.index_cast %add3A_596 : i32 to index
      %swap3A_598 = arith.constant 32 : index
      %swap3A_599 = tpu.vector_load %arg9[%swap3A_597, %swap3A_598] {strides = array<i32>} : memref<320x128xf32, #tpu.memory_space<vmem>>, vector<16xf32>,
      tpu.vector_store %arg9[%swap3A_597, %swap3A_598], %broadcast_in_dim3A_578 {strides = array<i32>} : memref<320x128xf32, #tpu.memory_space<vmem>>, vector<16xf32>,
      %mul3A_600 = arith.constant 16 : i32
      %mul3A_601 = arith.muli %scan3A_19, %mul3A_600 : i32
      %add3A_602 = arith.constant 8 : i32
      %add3A_603 = arith.addi %mul3A_601, %add3A_602 : i32
      %swap3A_604 = arith.index_cast %add3A_603 : i32 to index
      %swap3A_605 = arith.constant 48 : index
      %swap3A_606 = tpu.vector_load %arg9[%swap3A_604, %swap3A_605] {strides = array<i32>} : memref<320x128xf32, #tpu.memory_space<vmem>>, vector<16xf32>,
      tpu.vector_store %arg9[%swap3A_604, %swap3A_605], %broadcast_in_dim3A_578 {strides = array<i32>} : memref<320x128xf32, #tpu.memory_space<vmem>>, vector<16xf32>,
      %mul3A_607 = arith.constant 16 : i32
      %mul3A_608 = arith.muli %scan3A_19, %mul3A_607 : i32
      %add3A_609 = arith.constant 8 : i32
      %add3A_610 = arith.addi %mul3A_608, %add3A_609 : i32
      %swap3A_611 = arith.index_cast %add3A_610 : i32 to index
      %swap3A_612 = arith.constant 64 : index
      %swap3A_613 = tpu.vector_load %arg9[%swap3A_611, %swap3A_612] {strides = array<i32>} : memref<320x128xf32, #tpu.memory_space<vmem>>, vector<16xf32>,
      tpu.vector_store %arg9[%swap3A_611, %swap3A_612], %broadcast_in_dim3A_578 {strides = array<i32>} : memref<320x128xf32, #tpu.memory_space<vmem>>, vector<16xf32>,
      %mul3A_614 = arith.constant 16 : i32
      %mul3A_615 = arith.muli %scan3A_19, %mul3A_614 : i32
      %add3A_616 = arith.constant 8 : i32
      %add3A_617 = arith.addi %mul3A_615, %add3A_616 : i32
      %swap3A_618 = arith.index_cast %add3A_617 : i32 to index
      %swap3A_619 = arith.constant 80 : index
      %swap3A_620 = tpu.vector_load %arg9[%swap3A_618, %swap3A_619] {strides = array<i32>} : memref<320x128xf32, #tpu.memory_space<vmem>>, vector<16xf32>,
      tpu.vector_store %arg9[%swap3A_618, %swap3A_619], %broadcast_in_dim3A_578 {strides = array<i32>} : memref<320x128xf32, #tpu.memory_space<vmem>>, vector<16xf32>,
      %mul3A_621 = arith.constant 16 : i32
      %mul3A_622 = arith.muli %scan3A_19, %mul3A_621 : i32
      %add3A_623 = arith.constant 8 : i32
      %add3A_624 = arith.addi %mul3A_622, %add3A_623 : i32
      %swap3A_625 = arith.index_cast %add3A_624 : i32 to index
      %swap3A_626 = arith.constant 96 : index
      %swap3A_627 = tpu.vector_load %arg9[%swap3A_625, %swap3A_626] {strides = array<i32>} : memref<320x128xf32, #tpu.memory_space<vmem>>, vector<16xf32>,
      tpu.vector_store %arg9[%swap3A_625, %swap3A_626], %broadcast_in_dim3A_578 {strides = array<i32>} : memref<320x128xf32, #tpu.memory_space<vmem>>, vector<16xf32>,
      %mul3A_628 = arith.constant 16 : i32
      %mul3A_629 = arith.muli %scan3A_19, %mul3A_628 : i32
      %add3A_630 = arith.constant 8 : i32
      %add3A_631 = arith.addi %mul3A_629, %add3A_630 : i32
      %swap3A_632 = arith.index_cast %add3A_631 : i32 to index
      %swap3A_633 = arith.constant 112 : index
      %swap3A_634 = tpu.vector_load %arg9[%swap3A_632, %swap3A_633] {strides = array<i32>} : memref<320x128xf32, #tpu.memory_space<vmem>>, vector<16xf32>,
      tpu.vector_store %arg9[%swap3A_632, %swap3A_633], %broadcast_in_dim3A_578 {strides = array<i32>} : memref<320x128xf32, #tpu.memory_space<vmem>>, vector<16xf32>,
      %slice3A_635 = vector.extract_strided_slice %div3A_106 {offsets = [9], sizes = [1], strides = [1]} : vector<16xf32> to vector<1xf32>
      %squeeze3A_636 = vector.extract %slice3A_635[0] : f32 from vector<1xf32>
      %broadcast_in_dim3A_637 = vector.broadcast %squeeze3A_636 : f32 to vector<16xf32>
      %mul3A_638 = arith.constant 16 : i32
      %mul3A_639 = arith.muli %scan3A_19, %mul3A_638 : i32
      %add3A_640 = arith.constant 9 : i32
      %add3A_641 = arith.addi %mul3A_639, %add3A_640 : i32
      %swap3A_642 = arith.index_cast %add3A_641 : i32 to index
      %swap3A_643 = arith.constant 0 : index
      %swap3A_644 = tpu.vector_load %arg9[%swap3A_642, %swap3A_643] {strides = array<i32>} : memref<320x128xf32, #tpu.memory_space<vmem>>, vector<16xf32>,
      tpu.vector_store %arg9[%swap3A_642, %swap3A_643], %broadcast_in_dim3A_637 {strides = array<i32>} : memref<320x128xf32, #tpu.memory_space<vmem>>, vector<16xf32>,
      %mul3A_645 = arith.constant 16 : i32
      %mul3A_646 = arith.muli %scan3A_19, %mul3A_645 : i32
      %add3A_647 = arith.constant 9 : i32
      %add3A_648 = arith.addi %mul3A_646, %add3A_647 : i32
      %swap3A_649 = arith.index_cast %add3A_648 : i32 to index
      %swap3A_650 = arith.constant 16 : index
      %swap3A_651 = tpu.vector_load %arg9[%swap3A_649, %swap3A_650] {strides = array<i32>} : memref<320x128xf32, #tpu.memory_space<vmem>>, vector<16xf32>,
      tpu.vector_store %arg9[%swap3A_649, %swap3A_650], %broadcast_in_dim3A_637 {strides = array<i32>} : memref<320x128xf32, #tpu.memory_space<vmem>>, vector<16xf32>,
      %mul3A_652 = arith.constant 16 : i32
      %mul3A_653 = arith.muli %scan3A_19, %mul3A_652 : i32
      %add3A_654 = arith.constant 9 : i32
      %add3A_655 = arith.addi %mul3A_653, %add3A_654 : i32
      %swap3A_656 = arith.index_cast %add3A_655 : i32 to index
      %swap3A_657 = arith.constant 32 : index
      %swap3A_658 = tpu.vector_load %arg9[%swap3A_656, %swap3A_657] {strides = array<i32>} : memref<320x128xf32, #tpu.memory_space<vmem>>, vector<16xf32>,
      tpu.vector_store %arg9[%swap3A_656, %swap3A_657], %broadcast_in_dim3A_637 {strides = array<i32>} : memref<320x128xf32, #tpu.memory_space<vmem>>, vector<16xf32>,
      %mul3A_659 = arith.constant 16 : i32
      %mul3A_660 = arith.muli %scan3A_19, %mul3A_659 : i32
      %add3A_661 = arith.constant 9 : i32
      %add3A_662 = arith.addi %mul3A_660, %add3A_661 : i32
      %swap3A_663 = arith.index_cast %add3A_662 : i32 to index
      %swap3A_664 = arith.constant 48 : index
      %swap3A_665 = tpu.vector_load %arg9[%swap3A_663, %swap3A_664] {strides = array<i32>} : memref<320x128xf32, #tpu.memory_space<vmem>>, vector<16xf32>,
      tpu.vector_store %arg9[%swap3A_663, %swap3A_664], %broadcast_in_dim3A_637 {strides = array<i32>} : memref<320x128xf32, #tpu.memory_space<vmem>>, vector<16xf32>,
      %mul3A_666 = arith.constant 16 : i32
      %mul3A_667 = arith.muli %scan3A_19, %mul3A_666 : i32
      %add3A_668 = arith.constant 9 : i32
      %add3A_669 = arith.addi %mul3A_667, %add3A_668 : i32
      %swap3A_670 = arith.index_cast %add3A_669 : i32 to index
      %swap3A_671 = arith.constant 64 : index
      %swap3A_672 = tpu.vector_load %arg9[%swap3A_670, %swap3A_671] {strides = array<i32>} : memref<320x128xf32, #tpu.memory_space<vmem>>, vector<16xf32>,
      tpu.vector_store %arg9[%swap3A_670, %swap3A_671], %broadcast_in_dim3A_637 {strides = array<i32>} : memref<320x128xf32, #tpu.memory_space<vmem>>, vector<16xf32>,
      %mul3A_673 = arith.constant 16 : i32
      %mul3A_674 = arith.muli %scan3A_19, %mul3A_673 : i32
      %add3A_675 = arith.constant 9 : i32
      %add3A_676 = arith.addi %mul3A_674, %add3A_675 : i32
      %swap3A_677 = arith.index_cast %add3A_676 : i32 to index
      %swap3A_678 = arith.constant 80 : index
      %swap3A_679 = tpu.vector_load %arg9[%swap3A_677, %swap3A_678] {strides = array<i32>} : memref<320x128xf32, #tpu.memory_space<vmem>>, vector<16xf32>,
      tpu.vector_store %arg9[%swap3A_677, %swap3A_678], %broadcast_in_dim3A_637 {strides = array<i32>} : memref<320x128xf32, #tpu.memory_space<vmem>>, vector<16xf32>,
      %mul3A_680 = arith.constant 16 : i32
      %mul3A_681 = arith.muli %scan3A_19, %mul3A_680 : i32
      %add3A_682 = arith.constant 9 : i32
      %add3A_683 = arith.addi %mul3A_681, %add3A_682 : i32
      %swap3A_684 = arith.index_cast %add3A_683 : i32 to index
      %swap3A_685 = arith.constant 96 : index
      %swap3A_686 = tpu.vector_load %arg9[%swap3A_684, %swap3A_685] {strides = array<i32>} : memref<320x128xf32, #tpu.memory_space<vmem>>, vector<16xf32>,
      tpu.vector_store %arg9[%swap3A_684, %swap3A_685], %broadcast_in_dim3A_637 {strides = array<i32>} : memref<320x128xf32, #tpu.memory_space<vmem>>, vector<16xf32>,
      %mul3A_687 = arith.constant 16 : i32
      %mul3A_688 = arith.muli %scan3A_19, %mul3A_687 : i32
      %add3A_689 = arith.constant 9 : i32
      %add3A_690 = arith.addi %mul3A_688, %add3A_689 : i32
      %swap3A_691 = arith.index_cast %add3A_690 : i32 to index
      %swap3A_692 = arith.constant 112 : index
      %swap3A_693 = tpu.vector_load %arg9[%swap3A_691, %swap3A_692] {strides = array<i32>} : memref<320x128xf32, #tpu.memory_space<vmem>>, vector<16xf32>,
      tpu.vector_store %arg9[%swap3A_691, %swap3A_692], %broadcast_in_dim3A_637 {strides = array<i32>} : memref<320x128xf32, #tpu.memory_space<vmem>>, vector<16xf32>,
      %slice3A_694 = vector.extract_strided_slice %div3A_106 {offsets = [10], sizes = [1], strides = [1]} : vector<16xf32> to vector<1xf32>
      %squeeze3A_695 = vector.extract %slice3A_694[0] : f32 from vector<1xf32>
      %broadcast_in_dim3A_696 = vector.broadcast %squeeze3A_695 : f32 to vector<16xf32>
      %mul3A_697 = arith.constant 16 : i32
      %mul3A_698 = arith.muli %scan3A_19, %mul3A_697 : i32
      %add3A_699 = arith.constant 10 : i32
      %add3A_700 = arith.addi %mul3A_698, %add3A_699 : i32
      %swap3A_701 = arith.index_cast %add3A_700 : i32 to index
      %swap3A_702 = arith.constant 0 : index
      %swap3A_703 = tpu.vector_load %arg9[%swap3A_701, %swap3A_702] {strides = array<i32>} : memref<320x128xf32, #tpu.memory_space<vmem>>, vector<16xf32>,
      tpu.vector_store %arg9[%swap3A_701, %swap3A_702], %broadcast_in_dim3A_696 {strides = array<i32>} : memref<320x128xf32, #tpu.memory_space<vmem>>, vector<16xf32>,
      %mul3A_704 = arith.constant 16 : i32
      %mul3A_705 = arith.muli %scan3A_19, %mul3A_704 : i32
      %add3A_706 = arith.constant 10 : i32
      %add3A_707 = arith.addi %mul3A_705, %add3A_706 : i32
      %swap3A_708 = arith.index_cast %add3A_707 : i32 to index
      %swap3A_709 = arith.constant 16 : index
      %swap3A_710 = tpu.vector_load %arg9[%swap3A_708, %swap3A_709] {strides = array<i32>} : memref<320x128xf32, #tpu.memory_space<vmem>>, vector<16xf32>,
      tpu.vector_store %arg9[%swap3A_708, %swap3A_709], %broadcast_in_dim3A_696 {strides = array<i32>} : memref<320x128xf32, #tpu.memory_space<vmem>>, vector<16xf32>,
      %mul3A_711 = arith.constant 16 : i32
      %mul3A_712 = arith.muli %scan3A_19, %mul3A_711 : i32
      %add3A_713 = arith.constant 10 : i32
      %add3A_714 = arith.addi %mul3A_712, %add3A_713 : i32
      %swap3A_715 = arith.index_cast %add3A_714 : i32 to index
      %swap3A_716 = arith.constant 32 : index
      %swap3A_717 = tpu.vector_load %arg9[%swap3A_715, %swap3A_716] {strides = array<i32>} : memref<320x128xf32, #tpu.memory_space<vmem>>, vector<16xf32>,
      tpu.vector_store %arg9[%swap3A_715, %swap3A_716], %broadcast_in_dim3A_696 {strides = array<i32>} : memref<320x128xf32, #tpu.memory_space<vmem>>, vector<16xf32>,
      %mul3A_718 = arith.constant 16 : i32
      %mul3A_719 = arith.muli %scan3A_19, %mul3A_718 : i32
      %add3A_720 = arith.constant 10 : i32
      %add3A_721 = arith.addi %mul3A_719, %add3A_720 : i32
      %swap3A_722 = arith.index_cast %add3A_721 : i32 to index
      %swap3A_723 = arith.constant 48 : index
      %swap3A_724 = tpu.vector_load %arg9[%swap3A_722, %swap3A_723] {strides = array<i32>} : memref<320x128xf32, #tpu.memory_space<vmem>>, vector<16xf32>,
      tpu.vector_store %arg9[%swap3A_722, %swap3A_723], %broadcast_in_dim3A_696 {strides = array<i32>} : memref<320x128xf32, #tpu.memory_space<vmem>>, vector<16xf32>,
      %mul3A_725 = arith.constant 16 : i32
      %mul3A_726 = arith.muli %scan3A_19, %mul3A_725 : i32
      %add3A_727 = arith.constant 10 : i32
      %add3A_728 = arith.addi %mul3A_726, %add3A_727 : i32
      %swap3A_729 = arith.index_cast %add3A_728 : i32 to index
      %swap3A_730 = arith.constant 64 : index
      %swap3A_731 = tpu.vector_load %arg9[%swap3A_729, %swap3A_730] {strides = array<i32>} : memref<320x128xf32, #tpu.memory_space<vmem>>, vector<16xf32>,
      tpu.vector_store %arg9[%swap3A_729, %swap3A_730], %broadcast_in_dim3A_696 {strides = array<i32>} : memref<320x128xf32, #tpu.memory_space<vmem>>, vector<16xf32>,
      %mul3A_732 = arith.constant 16 : i32
      %mul3A_733 = arith.muli %scan3A_19, %mul3A_732 : i32
      %add3A_734 = arith.constant 10 : i32
      %add3A_735 = arith.addi %mul3A_733, %add3A_734 : i32
      %swap3A_736 = arith.index_cast %add3A_735 : i32 to index
      %swap3A_737 = arith.constant 80 : index
      %swap3A_738 = tpu.vector_load %arg9[%swap3A_736, %swap3A_737] {strides = array<i32>} : memref<320x128xf32, #tpu.memory_space<vmem>>, vector<16xf32>,
      tpu.vector_store %arg9[%swap3A_736, %swap3A_737], %broadcast_in_dim3A_696 {strides = array<i32>} : memref<320x128xf32, #tpu.memory_space<vmem>>, vector<16xf32>,
      %mul3A_739 = arith.constant 16 : i32
      %mul3A_740 = arith.muli %scan3A_19, %mul3A_739 : i32
      %add3A_741 = arith.constant 10 : i32
      %add3A_742 = arith.addi %mul3A_740, %add3A_741 : i32
      %swap3A_743 = arith.index_cast %add3A_742 : i32 to index
      %swap3A_744 = arith.constant 96 : index
      %swap3A_745 = tpu.vector_load %arg9[%swap3A_743, %swap3A_744] {strides = array<i32>} : memref<320x128xf32, #tpu.memory_space<vmem>>, vector<16xf32>,
      tpu.vector_store %arg9[%swap3A_743, %swap3A_744], %broadcast_in_dim3A_696 {strides = array<i32>} : memref<320x128xf32, #tpu.memory_space<vmem>>, vector<16xf32>,
      %mul3A_746 = arith.constant 16 : i32
      %mul3A_747 = arith.muli %scan3A_19, %mul3A_746 : i32
      %add3A_748 = arith.constant 10 : i32
      %add3A_749 = arith.addi %mul3A_747, %add3A_748 : i32
      %swap3A_750 = arith.index_cast %add3A_749 : i32 to index
      %swap3A_751 = arith.constant 112 : index
      %swap3A_752 = tpu.vector_load %arg9[%swap3A_750, %swap3A_751] {strides = array<i32>} : memref<320x128xf32, #tpu.memory_space<vmem>>, vector<16xf32>,
      tpu.vector_store %arg9[%swap3A_750, %swap3A_751], %broadcast_in_dim3A_696 {strides = array<i32>} : memref<320x128xf32, #tpu.memory_space<vmem>>, vector<16xf32>,
      %slice3A_753 = vector.extract_strided_slice %div3A_106 {offsets = [11], sizes = [1], strides = [1]} : vector<16xf32> to vector<1xf32>
      %squeeze3A_754 = vector.extract %slice3A_753[0] : f32 from vector<1xf32>
      %broadcast_in_dim3A_755 = vector.broadcast %squeeze3A_754 : f32 to vector<16xf32>
      %mul3A_756 = arith.constant 16 : i32
      %mul3A_757 = arith.muli %scan3A_19, %mul3A_756 : i32
      %add3A_758 = arith.constant 11 : i32
      %add3A_759 = arith.addi %mul3A_757, %add3A_758 : i32
      %swap3A_760 = arith.index_cast %add3A_759 : i32 to index
      %swap3A_761 = arith.constant 0 : index
      %swap3A_762 = tpu.vector_load %arg9[%swap3A_760, %swap3A_761] {strides = array<i32>} : memref<320x128xf32, #tpu.memory_space<vmem>>, vector<16xf32>,
      tpu.vector_store %arg9[%swap3A_760, %swap3A_761], %broadcast_in_dim3A_755 {strides = array<i32>} : memref<320x128xf32, #tpu.memory_space<vmem>>, vector<16xf32>,
      %mul3A_763 = arith.constant 16 : i32
      %mul3A_764 = arith.muli %scan3A_19, %mul3A_763 : i32
      %add3A_765 = arith.constant 11 : i32
      %add3A_766 = arith.addi %mul3A_764, %add3A_765 : i32
      %swap3A_767 = arith.index_cast %add3A_766 : i32 to index
      %swap3A_768 = arith.constant 16 : index
      %swap3A_769 = tpu.vector_load %arg9[%swap3A_767, %swap3A_768] {strides = array<i32>} : memref<320x128xf32, #tpu.memory_space<vmem>>, vector<16xf32>,
      tpu.vector_store %arg9[%swap3A_767, %swap3A_768], %broadcast_in_dim3A_755 {strides = array<i32>} : memref<320x128xf32, #tpu.memory_space<vmem>>, vector<16xf32>,
      %mul3A_770 = arith.constant 16 : i32
      %mul3A_771 = arith.muli %scan3A_19, %mul3A_770 : i32
      %add3A_772 = arith.constant 11 : i32
      %add3A_773 = arith.addi %mul3A_771, %add3A_772 : i32
      %swap3A_774 = arith.index_cast %add3A_773 : i32 to index
      %swap3A_775 = arith.constant 32 : index
      %swap3A_776 = tpu.vector_load %arg9[%swap3A_774, %swap3A_775] {strides = array<i32>} : memref<320x128xf32, #tpu.memory_space<vmem>>, vector<16xf32>,
      tpu.vector_store %arg9[%swap3A_774, %swap3A_775], %broadcast_in_dim3A_755 {strides = array<i32>} : memref<320x128xf32, #tpu.memory_space<vmem>>, vector<16xf32>,
      %mul3A_777 = arith.constant 16 : i32
      %mul3A_778 = arith.muli %scan3A_19, %mul3A_777 : i32
      %add3A_779 = arith.constant 11 : i32
      %add3A_780 = arith.addi %mul3A_778, %add3A_779 : i32
      %swap3A_781 = arith.index_cast %add3A_780 : i32 to index
      %swap3A_782 = arith.constant 48 : index
      %swap3A_783 = tpu.vector_load %arg9[%swap3A_781, %swap3A_782] {strides = array<i32>} : memref<320x128xf32, #tpu.memory_space<vmem>>, vector<16xf32>,
      tpu.vector_store %arg9[%swap3A_781, %swap3A_782], %broadcast_in_dim3A_755 {strides = array<i32>} : memref<320x128xf32, #tpu.memory_space<vmem>>, vector<16xf32>,
      %mul3A_784 = arith.constant 16 : i32
      %mul3A_785 = arith.muli %scan3A_19, %mul3A_784 : i32
      %add3A_786 = arith.constant 11 : i32
      %add3A_787 = arith.addi %mul3A_785, %add3A_786 : i32
      %swap3A_788 = arith.index_cast %add3A_787 : i32 to index
      %swap3A_789 = arith.constant 64 : index
      %swap3A_790 = tpu.vector_load %arg9[%swap3A_788, %swap3A_789] {strides = array<i32>} : memref<320x128xf32, #tpu.memory_space<vmem>>, vector<16xf32>,
      tpu.vector_store %arg9[%swap3A_788, %swap3A_789], %broadcast_in_dim3A_755 {strides = array<i32>} : memref<320x128xf32, #tpu.memory_space<vmem>>, vector<16xf32>,
      %mul3A_791 = arith.constant 16 : i32
      %mul3A_792 = arith.muli %scan3A_19, %mul3A_791 : i32
      %add3A_793 = arith.constant 11 : i32
      %add3A_794 = arith.addi %mul3A_792, %add3A_793 : i32
      %swap3A_795 = arith.index_cast %add3A_794 : i32 to index
      %swap3A_796 = arith.constant 80 : index
      %swap3A_797 = tpu.vector_load %arg9[%swap3A_795, %swap3A_796] {strides = array<i32>} : memref<320x128xf32, #tpu.memory_space<vmem>>, vector<16xf32>,
      tpu.vector_store %arg9[%swap3A_795, %swap3A_796], %broadcast_in_dim3A_755 {strides = array<i32>} : memref<320x128xf32, #tpu.memory_space<vmem>>, vector<16xf32>,
      %mul3A_798 = arith.constant 16 : i32
      %mul3A_799 = arith.muli %scan3A_19, %mul3A_798 : i32
      %add3A_800 = arith.constant 11 : i32
      %add3A_801 = arith.addi %mul3A_799, %add3A_800 : i32
      %swap3A_802 = arith.index_cast %add3A_801 : i32 to index
      %swap3A_803 = arith.constant 96 : index
      %swap3A_804 = tpu.vector_load %arg9[%swap3A_802, %swap3A_803] {strides = array<i32>} : memref<320x128xf32, #tpu.memory_space<vmem>>, vector<16xf32>,
      tpu.vector_store %arg9[%swap3A_802, %swap3A_803], %broadcast_in_dim3A_755 {strides = array<i32>} : memref<320x128xf32, #tpu.memory_space<vmem>>, vector<16xf32>,
      %mul3A_805 = arith.constant 16 : i32
      %mul3A_806 = arith.muli %scan3A_19, %mul3A_805 : i32
      %add3A_807 = arith.constant 11 : i32
      %add3A_808 = arith.addi %mul3A_806, %add3A_807 : i32
      %swap3A_809 = arith.index_cast %add3A_808 : i32 to index
      %swap3A_810 = arith.constant 112 : index
      %swap3A_811 = tpu.vector_load %arg9[%swap3A_809, %swap3A_810] {strides = array<i32>} : memref<320x128xf32, #tpu.memory_space<vmem>>, vector<16xf32>,
      tpu.vector_store %arg9[%swap3A_809, %swap3A_810], %broadcast_in_dim3A_755 {strides = array<i32>} : memref<320x128xf32, #tpu.memory_space<vmem>>, vector<16xf32>,
      %slice3A_812 = vector.extract_strided_slice %div3A_106 {offsets = [12], sizes = [1], strides = [1]} : vector<16xf32> to vector<1xf32>
      %squeeze3A_813 = vector.extract %slice3A_812[0] : f32 from vector<1xf32>
      %broadcast_in_dim3A_814 = vector.broadcast %squeeze3A_813 : f32 to vector<16xf32>
      %mul3A_815 = arith.constant 16 : i32
      %mul3A_816 = arith.muli %scan3A_19, %mul3A_815 : i32
      %add3A_817 = arith.constant 12 : i32
      %add3A_818 = arith.addi %mul3A_816, %add3A_817 : i32
      %swap3A_819 = arith.index_cast %add3A_818 : i32 to index
      %swap3A_820 = arith.constant 0 : index
      %swap3A_821 = tpu.vector_load %arg9[%swap3A_819, %swap3A_820] {strides = array<i32>} : memref<320x128xf32, #tpu.memory_space<vmem>>, vector<16xf32>,
      tpu.vector_store %arg9[%swap3A_819, %swap3A_820], %broadcast_in_dim3A_814 {strides = array<i32>} : memref<320x128xf32, #tpu.memory_space<vmem>>, vector<16xf32>,
      %mul3A_822 = arith.constant 16 : i32
      %mul3A_823 = arith.muli %scan3A_19, %mul3A_822 : i32
      %add3A_824 = arith.constant 12 : i32
      %add3A_825 = arith.addi %mul3A_823, %add3A_824 : i32
      %swap3A_826 = arith.index_cast %add3A_825 : i32 to index
      %swap3A_827 = arith.constant 16 : index
      %swap3A_828 = tpu.vector_load %arg9[%swap3A_826, %swap3A_827] {strides = array<i32>} : memref<320x128xf32, #tpu.memory_space<vmem>>, vector<16xf32>,
      tpu.vector_store %arg9[%swap3A_826, %swap3A_827], %broadcast_in_dim3A_814 {strides = array<i32>} : memref<320x128xf32, #tpu.memory_space<vmem>>, vector<16xf32>,
      %mul3A_829 = arith.constant 16 : i32
      %mul3A_830 = arith.muli %scan3A_19, %mul3A_829 : i32
      %add3A_831 = arith.constant 12 : i32
      %add3A_832 = arith.addi %mul3A_830, %add3A_831 : i32
      %swap3A_833 = arith.index_cast %add3A_832 : i32 to index
      %swap3A_834 = arith.constant 32 : index
      %swap3A_835 = tpu.vector_load %arg9[%swap3A_833, %swap3A_834] {strides = array<i32>} : memref<320x128xf32, #tpu.memory_space<vmem>>, vector<16xf32>,
      tpu.vector_store %arg9[%swap3A_833, %swap3A_834], %broadcast_in_dim3A_814 {strides = array<i32>} : memref<320x128xf32, #tpu.memory_space<vmem>>, vector<16xf32>,
      %mul3A_836 = arith.constant 16 : i32
      %mul3A_837 = arith.muli %scan3A_19, %mul3A_836 : i32
      %add3A_838 = arith.constant 12 : i32
      %add3A_839 = arith.addi %mul3A_837, %add3A_838 : i32
      %swap3A_840 = arith.index_cast %add3A_839 : i32 to index
      %swap3A_841 = arith.constant 48 : index
      %swap3A_842 = tpu.vector_load %arg9[%swap3A_840, %swap3A_841] {strides = array<i32>} : memref<320x128xf32, #tpu.memory_space<vmem>>, vector<16xf32>,
      tpu.vector_store %arg9[%swap3A_840, %swap3A_841], %broadcast_in_dim3A_814 {strides = array<i32>} : memref<320x128xf32, #tpu.memory_space<vmem>>, vector<16xf32>,
      %mul3A_843 = arith.constant 16 : i32
      %mul3A_844 = arith.muli %scan3A_19, %mul3A_843 : i32
      %add3A_845 = arith.constant 12 : i32
      %add3A_846 = arith.addi %mul3A_844, %add3A_845 : i32
      %swap3A_847 = arith.index_cast %add3A_846 : i32 to index
      %swap3A_848 = arith.constant 64 : index
      %swap3A_849 = tpu.vector_load %arg9[%swap3A_847, %swap3A_848] {strides = array<i32>} : memref<320x128xf32, #tpu.memory_space<vmem>>, vector<16xf32>,
      tpu.vector_store %arg9[%swap3A_847, %swap3A_848], %broadcast_in_dim3A_814 {strides = array<i32>} : memref<320x128xf32, #tpu.memory_space<vmem>>, vector<16xf32>,
      %mul3A_850 = arith.constant 16 : i32
      %mul3A_851 = arith.muli %scan3A_19, %mul3A_850 : i32
      %add3A_852 = arith.constant 12 : i32
      %add3A_853 = arith.addi %mul3A_851, %add3A_852 : i32
      %swap3A_854 = arith.index_cast %add3A_853 : i32 to index
      %swap3A_855 = arith.constant 80 : index
      %swap3A_856 = tpu.vector_load %arg9[%swap3A_854, %swap3A_855] {strides = array<i32>} : memref<320x128xf32, #tpu.memory_space<vmem>>, vector<16xf32>,
      tpu.vector_store %arg9[%swap3A_854, %swap3A_855], %broadcast_in_dim3A_814 {strides = array<i32>} : memref<320x128xf32, #tpu.memory_space<vmem>>, vector<16xf32>,
      %mul3A_857 = arith.constant 16 : i32
      %mul3A_858 = arith.muli %scan3A_19, %mul3A_857 : i32
      %add3A_859 = arith.constant 12 : i32
      %add3A_860 = arith.addi %mul3A_858, %add3A_859 : i32
      %swap3A_861 = arith.index_cast %add3A_860 : i32 to index
      %swap3A_862 = arith.constant 96 : index
      %swap3A_863 = tpu.vector_load %arg9[%swap3A_861, %swap3A_862] {strides = array<i32>} : memref<320x128xf32, #tpu.memory_space<vmem>>, vector<16xf32>,
      tpu.vector_store %arg9[%swap3A_861, %swap3A_862], %broadcast_in_dim3A_814 {strides = array<i32>} : memref<320x128xf32, #tpu.memory_space<vmem>>, vector<16xf32>,
      %mul3A_864 = arith.constant 16 : i32
      %mul3A_865 = arith.muli %scan3A_19, %mul3A_864 : i32
      %add3A_866 = arith.constant 12 : i32
      %add3A_867 = arith.addi %mul3A_865, %add3A_866 : i32
      %swap3A_868 = arith.index_cast %add3A_867 : i32 to index
      %swap3A_869 = arith.constant 112 : index
      %swap3A_870 = tpu.vector_load %arg9[%swap3A_868, %swap3A_869] {strides = array<i32>} : memref<320x128xf32, #tpu.memory_space<vmem>>, vector<16xf32>,
      tpu.vector_store %arg9[%swap3A_868, %swap3A_869], %broadcast_in_dim3A_814 {strides = array<i32>} : memref<320x128xf32, #tpu.memory_space<vmem>>, vector<16xf32>,
      %slice3A_871 = vector.extract_strided_slice %div3A_106 {offsets = [13], sizes = [1], strides = [1]} : vector<16xf32> to vector<1xf32>
      %squeeze3A_872 = vector.extract %slice3A_871[0] : f32 from vector<1xf32>
      %broadcast_in_dim3A_873 = vector.broadcast %squeeze3A_872 : f32 to vector<16xf32>
      %mul3A_874 = arith.constant 16 : i32
      %mul3A_875 = arith.muli %scan3A_19, %mul3A_874 : i32
      %add3A_876 = arith.constant 13 : i32
      %add3A_877 = arith.addi %mul3A_875, %add3A_876 : i32
      %swap3A_878 = arith.index_cast %add3A_877 : i32 to index
      %swap3A_879 = arith.constant 0 : index
      %swap3A_880 = tpu.vector_load %arg9[%swap3A_878, %swap3A_879] {strides = array<i32>} : memref<320x128xf32, #tpu.memory_space<vmem>>, vector<16xf32>,
      tpu.vector_store %arg9[%swap3A_878, %swap3A_879], %broadcast_in_dim3A_873 {strides = array<i32>} : memref<320x128xf32, #tpu.memory_space<vmem>>, vector<16xf32>,
      %mul3A_881 = arith.constant 16 : i32
      %mul3A_882 = arith.muli %scan3A_19, %mul3A_881 : i32
      %add3A_883 = arith.constant 13 : i32
      %add3A_884 = arith.addi %mul3A_882, %add3A_883 : i32
      %swap3A_885 = arith.index_cast %add3A_884 : i32 to index
      %swap3A_886 = arith.constant 16 : index
      %swap3A_887 = tpu.vector_load %arg9[%swap3A_885, %swap3A_886] {strides = array<i32>} : memref<320x128xf32, #tpu.memory_space<vmem>>, vector<16xf32>,
      tpu.vector_store %arg9[%swap3A_885, %swap3A_886], %broadcast_in_dim3A_873 {strides = array<i32>} : memref<320x128xf32, #tpu.memory_space<vmem>>, vector<16xf32>,
      %mul3A_888 = arith.constant 16 : i32
      %mul3A_889 = arith.muli %scan3A_19, %mul3A_888 : i32
      %add3A_890 = arith.constant 13 : i32
      %add3A_891 = arith.addi %mul3A_889, %add3A_890 : i32
      %swap3A_892 = arith.index_cast %add3A_891 : i32 to index
      %swap3A_893 = arith.constant 32 : index
      %swap3A_894 = tpu.vector_load %arg9[%swap3A_892, %swap3A_893] {strides = array<i32>} : memref<320x128xf32, #tpu.memory_space<vmem>>, vector<16xf32>,
      tpu.vector_store %arg9[%swap3A_892, %swap3A_893], %broadcast_in_dim3A_873 {strides = array<i32>} : memref<320x128xf32, #tpu.memory_space<vmem>>, vector<16xf32>,
      %mul3A_895 = arith.constant 16 : i32
      %mul3A_896 = arith.muli %scan3A_19, %mul3A_895 : i32
      %add3A_897 = arith.constant 13 : i32
      %add3A_898 = arith.addi %mul3A_896, %add3A_897 : i32
      %swap3A_899 = arith.index_cast %add3A_898 : i32 to index
      %swap3A_900 = arith.constant 48 : index
      %swap3A_901 = tpu.vector_load %arg9[%swap3A_899, %swap3A_900] {strides = array<i32>} : memref<320x128xf32, #tpu.memory_space<vmem>>, vector<16xf32>,
      tpu.vector_store %arg9[%swap3A_899, %swap3A_900], %broadcast_in_dim3A_873 {strides = array<i32>} : memref<320x128xf32, #tpu.memory_space<vmem>>, vector<16xf32>,
      %mul3A_902 = arith.constant 16 : i32
      %mul3A_903 = arith.muli %scan3A_19, %mul3A_902 : i32
      %add3A_904 = arith.constant 13 : i32
      %add3A_905 = arith.addi %mul3A_903, %add3A_904 : i32
      %swap3A_906 = arith.index_cast %add3A_905 : i32 to index
      %swap3A_907 = arith.constant 64 : index
      %swap3A_908 = tpu.vector_load %arg9[%swap3A_906, %swap3A_907] {strides = array<i32>} : memref<320x128xf32, #tpu.memory_space<vmem>>, vector<16xf32>,
      tpu.vector_store %arg9[%swap3A_906, %swap3A_907], %broadcast_in_dim3A_873 {strides = array<i32>} : memref<320x128xf32, #tpu.memory_space<vmem>>, vector<16xf32>,
      %mul3A_909 = arith.constant 16 : i32
      %mul3A_910 = arith.muli %scan3A_19, %mul3A_909 : i32
      %add3A_911 = arith.constant 13 : i32
      %add3A_912 = arith.addi %mul3A_910, %add3A_911 : i32
      %swap3A_913 = arith.index_cast %add3A_912 : i32 to index
      %swap3A_914 = arith.constant 80 : index
      %swap3A_915 = tpu.vector_load %arg9[%swap3A_913, %swap3A_914] {strides = array<i32>} : memref<320x128xf32, #tpu.memory_space<vmem>>, vector<16xf32>,
      tpu.vector_store %arg9[%swap3A_913, %swap3A_914], %broadcast_in_dim3A_873 {strides = array<i32>} : memref<320x128xf32, #tpu.memory_space<vmem>>, vector<16xf32>,
      %mul3A_916 = arith.constant 16 : i32
      %mul3A_917 = arith.muli %scan3A_19, %mul3A_916 : i32
      %add3A_918 = arith.constant 13 : i32
      %add3A_919 = arith.addi %mul3A_917, %add3A_918 : i32
      %swap3A_920 = arith.index_cast %add3A_919 : i32 to index
      %swap3A_921 = arith.constant 96 : index
      %swap3A_922 = tpu.vector_load %arg9[%swap3A_920, %swap3A_921] {strides = array<i32>} : memref<320x128xf32, #tpu.memory_space<vmem>>, vector<16xf32>,
      tpu.vector_store %arg9[%swap3A_920, %swap3A_921], %broadcast_in_dim3A_873 {strides = array<i32>} : memref<320x128xf32, #tpu.memory_space<vmem>>, vector<16xf32>,
      %mul3A_923 = arith.constant 16 : i32
      %mul3A_924 = arith.muli %scan3A_19, %mul3A_923 : i32
      %add3A_925 = arith.constant 13 : i32
      %add3A_926 = arith.addi %mul3A_924, %add3A_925 : i32
      %swap3A_927 = arith.index_cast %add3A_926 : i32 to index
      %swap3A_928 = arith.constant 112 : index
      %swap3A_929 = tpu.vector_load %arg9[%swap3A_927, %swap3A_928] {strides = array<i32>} : memref<320x128xf32, #tpu.memory_space<vmem>>, vector<16xf32>,
      tpu.vector_store %arg9[%swap3A_927, %swap3A_928], %broadcast_in_dim3A_873 {strides = array<i32>} : memref<320x128xf32, #tpu.memory_space<vmem>>, vector<16xf32>,
      %slice3A_930 = vector.extract_strided_slice %div3A_106 {offsets = [14], sizes = [1], strides = [1]} : vector<16xf32> to vector<1xf32>
      %squeeze3A_931 = vector.extract %slice3A_930[0] : f32 from vector<1xf32>
      %broadcast_in_dim3A_932 = vector.broadcast %squeeze3A_931 : f32 to vector<16xf32>
      %mul3A_933 = arith.constant 16 : i32
      %mul3A_934 = arith.muli %scan3A_19, %mul3A_933 : i32
      %add3A_935 = arith.constant 14 : i32
      %add3A_936 = arith.addi %mul3A_934, %add3A_935 : i32
      %swap3A_937 = arith.index_cast %add3A_936 : i32 to index
      %swap3A_938 = arith.constant 0 : index
      %swap3A_939 = tpu.vector_load %arg9[%swap3A_937, %swap3A_938] {strides = array<i32>} : memref<320x128xf32, #tpu.memory_space<vmem>>, vector<16xf32>,
      tpu.vector_store %arg9[%swap3A_937, %swap3A_938], %broadcast_in_dim3A_932 {strides = array<i32>} : memref<320x128xf32, #tpu.memory_space<vmem>>, vector<16xf32>,
      %mul3A_940 = arith.constant 16 : i32
      %mul3A_941 = arith.muli %scan3A_19, %mul3A_940 : i32
      %add3A_942 = arith.constant 14 : i32
      %add3A_943 = arith.addi %mul3A_941, %add3A_942 : i32
      %swap3A_944 = arith.index_cast %add3A_943 : i32 to index
      %swap3A_945 = arith.constant 16 : index
      %swap3A_946 = tpu.vector_load %arg9[%swap3A_944, %swap3A_945] {strides = array<i32>} : memref<320x128xf32, #tpu.memory_space<vmem>>, vector<16xf32>,
      tpu.vector_store %arg9[%swap3A_944, %swap3A_945], %broadcast_in_dim3A_932 {strides = array<i32>} : memref<320x128xf32, #tpu.memory_space<vmem>>, vector<16xf32>,
      %mul3A_947 = arith.constant 16 : i32
      %mul3A_948 = arith.muli %scan3A_19, %mul3A_947 : i32
      %add3A_949 = arith.constant 14 : i32
      %add3A_950 = arith.addi %mul3A_948, %add3A_949 : i32
      %swap3A_951 = arith.index_cast %add3A_950 : i32 to index
      %swap3A_952 = arith.constant 32 : index
      %swap3A_953 = tpu.vector_load %arg9[%swap3A_951, %swap3A_952] {strides = array<i32>} : memref<320x128xf32, #tpu.memory_space<vmem>>, vector<16xf32>,
      tpu.vector_store %arg9[%swap3A_951, %swap3A_952], %broadcast_in_dim3A_932 {strides = array<i32>} : memref<320x128xf32, #tpu.memory_space<vmem>>, vector<16xf32>,
      %mul3A_954 = arith.constant 16 : i32
      %mul3A_955 = arith.muli %scan3A_19, %mul3A_954 : i32
      %add3A_956 = arith.constant 14 : i32
      %add3A_957 = arith.addi %mul3A_955, %add3A_956 : i32
      %swap3A_958 = arith.index_cast %add3A_957 : i32 to index
      %swap3A_959 = arith.constant 48 : index
      %swap3A_960 = tpu.vector_load %arg9[%swap3A_958, %swap3A_959] {strides = array<i32>} : memref<320x128xf32, #tpu.memory_space<vmem>>, vector<16xf32>,
      tpu.vector_store %arg9[%swap3A_958, %swap3A_959], %broadcast_in_dim3A_932 {strides = array<i32>} : memref<320x128xf32, #tpu.memory_space<vmem>>, vector<16xf32>,
      %mul3A_961 = arith.constant 16 : i32
      %mul3A_962 = arith.muli %scan3A_19, %mul3A_961 : i32
      %add3A_963 = arith.constant 14 : i32
      %add3A_964 = arith.addi %mul3A_962, %add3A_963 : i32
      %swap3A_965 = arith.index_cast %add3A_964 : i32 to index
      %swap3A_966 = arith.constant 64 : index
      %swap3A_967 = tpu.vector_load %arg9[%swap3A_965, %swap3A_966] {strides = array<i32>} : memref<320x128xf32, #tpu.memory_space<vmem>>, vector<16xf32>,
      tpu.vector_store %arg9[%swap3A_965, %swap3A_966], %broadcast_in_dim3A_932 {strides = array<i32>} : memref<320x128xf32, #tpu.memory_space<vmem>>, vector<16xf32>,
      %mul3A_968 = arith.constant 16 : i32
      %mul3A_969 = arith.muli %scan3A_19, %mul3A_968 : i32
      %add3A_970 = arith.constant 14 : i32
      %add3A_971 = arith.addi %mul3A_969, %add3A_970 : i32
      %swap3A_972 = arith.index_cast %add3A_971 : i32 to index
      %swap3A_973 = arith.constant 80 : index
      %swap3A_974 = tpu.vector_load %arg9[%swap3A_972, %swap3A_973] {strides = array<i32>} : memref<320x128xf32, #tpu.memory_space<vmem>>, vector<16xf32>,
      tpu.vector_store %arg9[%swap3A_972, %swap3A_973], %broadcast_in_dim3A_932 {strides = array<i32>} : memref<320x128xf32, #tpu.memory_space<vmem>>, vector<16xf32>,
      %mul3A_975 = arith.constant 16 : i32
      %mul3A_976 = arith.muli %scan3A_19, %mul3A_975 : i32
      %add3A_977 = arith.constant 14 : i32
      %add3A_978 = arith.addi %mul3A_976, %add3A_977 : i32
      %swap3A_979 = arith.index_cast %add3A_978 : i32 to index
      %swap3A_980 = arith.constant 96 : index
      %swap3A_981 = tpu.vector_load %arg9[%swap3A_979, %swap3A_980] {strides = array<i32>} : memref<320x128xf32, #tpu.memory_space<vmem>>, vector<16xf32>,
      tpu.vector_store %arg9[%swap3A_979, %swap3A_980], %broadcast_in_dim3A_932 {strides = array<i32>} : memref<320x128xf32, #tpu.memory_space<vmem>>, vector<16xf32>,
      %mul3A_982 = arith.constant 16 : i32
      %mul3A_983 = arith.muli %scan3A_19, %mul3A_982 : i32
      %add3A_984 = arith.constant 14 : i32
      %add3A_985 = arith.addi %mul3A_983, %add3A_984 : i32
      %swap3A_986 = arith.index_cast %add3A_985 : i32 to index
      %swap3A_987 = arith.constant 112 : index
      %swap3A_988 = tpu.vector_load %arg9[%swap3A_986, %swap3A_987] {strides = array<i32>} : memref<320x128xf32, #tpu.memory_space<vmem>>, vector<16xf32>,
      tpu.vector_store %arg9[%swap3A_986, %swap3A_987], %broadcast_in_dim3A_932 {strides = array<i32>} : memref<320x128xf32, #tpu.memory_space<vmem>>, vector<16xf32>,
      %slice3A_989 = vector.extract_strided_slice %div3A_106 {offsets = [15], sizes = [1], strides = [1]} : vector<16xf32> to vector<1xf32>
      %squeeze3A_990 = vector.extract %slice3A_989[0] : f32 from vector<1xf32>
      %broadcast_in_dim3A_991 = vector.broadcast %squeeze3A_990 : f32 to vector<16xf32>
      %mul3A_992 = arith.constant 16 : i32
      %mul3A_993 = arith.muli %scan3A_19, %mul3A_992 : i32
      %add3A_994 = arith.constant 15 : i32
      %add3A_995 = arith.addi %mul3A_993, %add3A_994 : i32
      %swap3A_996 = arith.index_cast %add3A_995 : i32 to index
      %swap3A_997 = arith.constant 0 : index
      %swap3A_998 = tpu.vector_load %arg9[%swap3A_996, %swap3A_997] {strides = array<i32>} : memref<320x128xf32, #tpu.memory_space<vmem>>, vector<16xf32>,
      tpu.vector_store %arg9[%swap3A_996, %swap3A_997], %broadcast_in_dim3A_991 {strides = array<i32>} : memref<320x128xf32, #tpu.memory_space<vmem>>, vector<16xf32>,
      %mul3A_999 = arith.constant 16 : i32
      %mul3A_1000 = arith.muli %scan3A_19, %mul3A_999 : i32
      %add3A_1001 = arith.constant 15 : i32
      %add3A_1002 = arith.addi %mul3A_1000, %add3A_1001 : i32
      %swap3A_1003 = arith.index_cast %add3A_1002 : i32 to index
      %swap3A_1004 = arith.constant 16 : index
      %swap3A_1005 = tpu.vector_load %arg9[%swap3A_1003, %swap3A_1004] {strides = array<i32>} : memref<320x128xf32, #tpu.memory_space<vmem>>, vector<16xf32>,
      tpu.vector_store %arg9[%swap3A_1003, %swap3A_1004], %broadcast_in_dim3A_991 {strides = array<i32>} : memref<320x128xf32, #tpu.memory_space<vmem>>, vector<16xf32>,
      %mul3A_1006 = arith.constant 16 : i32
      %mul3A_1007 = arith.muli %scan3A_19, %mul3A_1006 : i32
      %add3A_1008 = arith.constant 15 : i32
      %add3A_1009 = arith.addi %mul3A_1007, %add3A_1008 : i32
      %swap3A_1010 = arith.index_cast %add3A_1009 : i32 to index
      %swap3A_1011 = arith.constant 32 : index
      %swap3A_1012 = tpu.vector_load %arg9[%swap3A_1010, %swap3A_1011] {strides = array<i32>} : memref<320x128xf32, #tpu.memory_space<vmem>>, vector<16xf32>,
      tpu.vector_store %arg9[%swap3A_1010, %swap3A_1011], %broadcast_in_dim3A_991 {strides = array<i32>} : memref<320x128xf32, #tpu.memory_space<vmem>>, vector<16xf32>,
      %mul3A_1013 = arith.constant 16 : i32
      %mul3A_1014 = arith.muli %scan3A_19, %mul3A_1013 : i32
      %add3A_1015 = arith.constant 15 : i32
      %add3A_1016 = arith.addi %mul3A_1014, %add3A_1015 : i32
      %swap3A_1017 = arith.index_cast %add3A_1016 : i32 to index
      %swap3A_1018 = arith.constant 48 : index
      %swap3A_1019 = tpu.vector_load %arg9[%swap3A_1017, %swap3A_1018] {strides = array<i32>} : memref<320x128xf32, #tpu.memory_space<vmem>>, vector<16xf32>,
      tpu.vector_store %arg9[%swap3A_1017, %swap3A_1018], %broadcast_in_dim3A_991 {strides = array<i32>} : memref<320x128xf32, #tpu.memory_space<vmem>>, vector<16xf32>,
      %mul3A_1020 = arith.constant 16 : i32
      %mul3A_1021 = arith.muli %scan3A_19, %mul3A_1020 : i32
      %add3A_1022 = arith.constant 15 : i32
      %add3A_1023 = arith.addi %mul3A_1021, %add3A_1022 : i32
      %swap3A_1024 = arith.index_cast %add3A_1023 : i32 to index
      %swap3A_1025 = arith.constant 64 : index
      %swap3A_1026 = tpu.vector_load %arg9[%swap3A_1024, %swap3A_1025] {strides = array<i32>} : memref<320x128xf32, #tpu.memory_space<vmem>>, vector<16xf32>,
      tpu.vector_store %arg9[%swap3A_1024, %swap3A_1025], %broadcast_in_dim3A_991 {strides = array<i32>} : memref<320x128xf32, #tpu.memory_space<vmem>>, vector<16xf32>,
      %mul3A_1027 = arith.constant 16 : i32
      %mul3A_1028 = arith.muli %scan3A_19, %mul3A_1027 : i32
      %add3A_1029 = arith.constant 15 : i32
      %add3A_1030 = arith.addi %mul3A_1028, %add3A_1029 : i32
      %swap3A_1031 = arith.index_cast %add3A_1030 : i32 to index
      %swap3A_1032 = arith.constant 80 : index
      %swap3A_1033 = tpu.vector_load %arg9[%swap3A_1031, %swap3A_1032] {strides = array<i32>} : memref<320x128xf32, #tpu.memory_space<vmem>>, vector<16xf32>,
      tpu.vector_store %arg9[%swap3A_1031, %swap3A_1032], %broadcast_in_dim3A_991 {strides = array<i32>} : memref<320x128xf32, #tpu.memory_space<vmem>>, vector<16xf32>,
      %mul3A_1034 = arith.constant 16 : i32
      %mul3A_1035 = arith.muli %scan3A_19, %mul3A_1034 : i32
      %add3A_1036 = arith.constant 15 : i32
      %add3A_1037 = arith.addi %mul3A_1035, %add3A_1036 : i32
      %swap3A_1038 = arith.index_cast %add3A_1037 : i32 to index
      %swap3A_1039 = arith.constant 96 : index
      %swap3A_1040 = tpu.vector_load %arg9[%swap3A_1038, %swap3A_1039] {strides = array<i32>} : memref<320x128xf32, #tpu.memory_space<vmem>>, vector<16xf32>,
      tpu.vector_store %arg9[%swap3A_1038, %swap3A_1039], %broadcast_in_dim3A_991 {strides = array<i32>} : memref<320x128xf32, #tpu.memory_space<vmem>>, vector<16xf32>,
      %mul3A_1041 = arith.constant 16 : i32
      %mul3A_1042 = arith.muli %scan3A_19, %mul3A_1041 : i32
      %add3A_1043 = arith.constant 15 : i32
      %add3A_1044 = arith.addi %mul3A_1042, %add3A_1043 : i32
      %swap3A_1045 = arith.index_cast %add3A_1044 : i32 to index
      %swap3A_1046 = arith.constant 112 : index
      %swap3A_1047 = tpu.vector_load %arg9[%swap3A_1045, %swap3A_1046] {strides = array<i32>} : memref<320x128xf32, #tpu.memory_space<vmem>>, vector<16xf32>,
      tpu.vector_store %arg9[%swap3A_1045, %swap3A_1046], %broadcast_in_dim3A_991 {strides = array<i32>} : memref<320x128xf32, #tpu.memory_space<vmem>>, vector<16xf32>,
    }
    %scan3A_14 = arith.constant 20 : i32
    %mul3A_15 = arith.constant 640 : i32
    %mul3A_16 = arith.muli %arg1, %mul3A_15 : i32
    %mul3A_17 = arith.constant 320 : i32
    %mul3A_18 = arith.muli %arg0, %mul3A_17 : i32
    %add3A = arith.addi %mul3A_16, %mul3A_18 : i32
    "tpu.region"() ({
      %run_scoped3A = tpu.sem_alloc : memref<!tpu.dma_semaphore, #tpu.memory_space<semaphore_mem>>
      %dma_start3A = arith.constant 0 : i32
      %dma_start3A_19 = tpu.memref_slice %arg4[%add3A, %dma_start3A] : memref<10240x128xf32, #tpu.memory_space<hbm>> -> memref<320x128xf32, #tpu.memory_space<hbm>>
      %dma_start3A_20 = arith.constant 0 : i32
      %dma_start3A_21 = tpu.memref_slice %arg4[%add3A, %dma_start3A_20] : memref<10240x128xf32, #tpu.memory_space<hbm>> -> memref<320x128xf32, #tpu.memory_space<hbm>>
      tpu.enqueue_dma source(%arg9 : memref<320x128xf32, #tpu.memory_space<vmem>>) target(%dma_start3A_21 : memref<320x128xf32, #tpu.memory_space<hbm>>) target_semaphore(%run_scoped3A : memref<!tpu.dma_semaphore, #tpu.memory_space<semaphore_mem>>)
      %dma_wait3A = arith.constant 0 : i32
      %dma_wait3A_22 = tpu.memref_slice %arg4[%add3A, %dma_wait3A] : memref<10240x128xf32, #tpu.memory_space<hbm>> -> memref<320x128xf32, #tpu.memory_space<hbm>>
      %dma_wait3A_23 = arith.constant 0 : i32
      %dma_wait3A_24 = tpu.memref_slice %arg4[%add3A, %dma_wait3A_23] : memref<10240x128xf32, #tpu.memory_space<hbm>> -> memref<320x128xf32, #tpu.memory_space<hbm>>
      tpu.wait_dma2 semaphore(%run_scoped3A : memref<!tpu.dma_semaphore, #tpu.memory_space<semaphore_mem>>) src(%arg9 : memref<320x128xf32, #tpu.memory_space<vmem>>) dst(%dma_wait3A_24 : memref<320x128xf32, #tpu.memory_space<hbm>>)
      tpu.yield
    }) : () -> ()
    return
  }
}

#map = affine_map<(d0, d1) -> (0, 0)>
#map1 = affine_map<(d0, d1) -> (0, 0, 0, 0)>
#map2 = affine_map<(d0, d1) -> (0, 0, 0)>
module attributes {stable_mosaic.version = 14 : i64} {
  func.func @_sc_agg_body(%arg0: i32, %arg1: i32, %arg2: memref<10000x128xf32, #tpu.memory_space<hbm>>, %arg3: memref<32x125x2x80xi32, #tpu.memory_space<hbm>>, %arg4: memref<10240x128xf32, #tpu.memory_space<hbm>>, %arg5: memref<2x10240x128xf32, #tpu.memory_space<hbm>>, %arg6: memref<10240x128xf32, #tpu.memory_space<vmem_shared>>, %arg7: memref<2x80xi32, #tpu.memory_space<vmem>>, %arg8: memref<2x80xi32, #tpu.memory_space<vmem>>, %arg9: memref<2x80xi32, #tpu.memory_space<vmem>>, %arg10: memref<2x80xi32, #tpu.memory_space<vmem>>, %arg11: memref<80x128xf32, #tpu.memory_space<vmem>>, %arg12: memref<80x128xf32, #tpu.memory_space<vmem>>, %arg13: memref<!tpu.dma_semaphore, #tpu.memory_space<semaphore_mem>>, %arg14: memref<!tpu.dma_semaphore, #tpu.memory_space<semaphore_mem>>, %arg15: memref<!tpu.dma_semaphore, #tpu.memory_space<semaphore_mem>>, %arg16: memref<!tpu.dma_semaphore, #tpu.memory_space<semaphore_mem>>, %arg17: memref<!tpu.dma_semaphore, #tpu.memory_space<semaphore_mem>>, %arg18: memref<!tpu.dma_semaphore, #tpu.memory_space<semaphore_mem>>, %arg19: memref<!tpu.dma_semaphore, #tpu.memory_space<semaphore_mem>>, %arg20: memref<!tpu.dma_semaphore, #tpu.memory_space<semaphore_mem>>, %arg21: memref<!tpu.dma_semaphore, #tpu.memory_space<semaphore_mem>>) attributes {dimension_semantics = [#tpu.dimension_semantics<core_parallel>, #tpu.dimension_semantics<subcore_parallel>], iteration_bounds = array<i64: 2, 16>, scalar_prefetch = 0 : i64, scratch_operands = 16 : i64, tpu.core_type = #tpu.core_type<sc_vector_subcore>, window_params = [{transform_indices = #map}, {transform_indices = #map1}, {transform_indices = #map}, {transform_indices = #map2}]} {
    %mul3A = arith.constant 2 : i32
    %mul3A_0 = arith.muli %arg1, %mul3A : i32
    %add3A = arith.addi %mul3A_0, %arg0 : i32
    %mul3A_1 = arith.constant 640 : i32
    %mul3A_2 = arith.muli %arg1, %mul3A_1 : i32
    %dma_start3A = arith.constant 0 : i32
    %dma_start3A_3 = tpu.memref_slice %arg6[%mul3A_2, %dma_start3A] : memref<10240x128xf32, #tpu.memory_space<vmem_shared>> -> memref<640x128xf32, #tpu.memory_space<vmem_shared>>
    %dma_start3A_4 = arith.constant 0 : i32
    %dma_start3A_5 = tpu.memref_slice %arg4[%mul3A_2, %dma_start3A_4] : memref<10240x128xf32, #tpu.memory_space<hbm>> -> memref<640x128xf32, #tpu.memory_space<hbm>>
    tpu.enqueue_dma source(%dma_start3A_5 : memref<640x128xf32, #tpu.memory_space<hbm>>) target(%dma_start3A_3 : memref<640x128xf32, #tpu.memory_space<vmem_shared>>) target_semaphore(%arg21 : memref<!tpu.dma_semaphore, #tpu.memory_space<semaphore_mem>>)
    %dma_start3A_6 = arith.constant 0 : i32
    %dma_start3A_7 = arith.constant 0 : i32
    %dma_start3A_8 = arith.constant 0 : i32
    %dma_start3A_9 = tpu.memref_slice %arg3[%add3A, %dma_start3A_6, %dma_start3A_7, %dma_start3A_8] : memref<32x125x2x80xi32, #tpu.memory_space<hbm>> -> memref<1x1x2x80xi32, #tpu.memory_space<hbm>>
    %dma_start3A_10 = tpu.memref_squeeze %dma_start3A_9 : memref<1x1x2x80xi32, #tpu.memory_space<hbm>> -> memref<2x80xi32, #tpu.memory_space<hbm>>
    %dma_start3A_11 = arith.constant 0 : i32
    %dma_start3A_12 = arith.constant 0 : i32
    %dma_start3A_13 = tpu.memref_slice %arg3[%add3A, %dma_start3A_6, %dma_start3A_11, %dma_start3A_12] : memref<32x125x2x80xi32, #tpu.memory_space<hbm>> -> memref<1x1x2x80xi32, #tpu.memory_space<hbm>>
    %dma_start3A_14 = tpu.memref_squeeze %dma_start3A_13 : memref<1x1x2x80xi32, #tpu.memory_space<hbm>> -> memref<2x80xi32, #tpu.memory_space<hbm>>
    tpu.enqueue_dma source(%dma_start3A_14 : memref<2x80xi32, #tpu.memory_space<hbm>>) target(%arg7 : memref<2x80xi32, #tpu.memory_space<vmem>>) target_semaphore(%arg13 : memref<!tpu.dma_semaphore, #tpu.memory_space<semaphore_mem>>)
    %dma_start3A_15 = arith.constant 1 : i32
    %dma_start3A_16 = arith.constant 0 : i32
    %dma_start3A_17 = arith.constant 0 : i32
    %dma_start3A_18 = tpu.memref_slice %arg3[%add3A, %dma_start3A_15, %dma_start3A_16, %dma_start3A_17] : memref<32x125x2x80xi32, #tpu.memory_space<hbm>> -> memref<1x1x2x80xi32, #tpu.memory_space<hbm>>
    %dma_start3A_19 = tpu.memref_squeeze %dma_start3A_18 : memref<1x1x2x80xi32, #tpu.memory_space<hbm>> -> memref<2x80xi32, #tpu.memory_space<hbm>>
    %dma_start3A_20 = arith.constant 0 : i32
    %dma_start3A_21 = arith.constant 0 : i32
    %dma_start3A_22 = tpu.memref_slice %arg3[%add3A, %dma_start3A_15, %dma_start3A_20, %dma_start3A_21] : memref<32x125x2x80xi32, #tpu.memory_space<hbm>> -> memref<1x1x2x80xi32, #tpu.memory_space<hbm>>
    %dma_start3A_23 = tpu.memref_squeeze %dma_start3A_22 : memref<1x1x2x80xi32, #tpu.memory_space<hbm>> -> memref<2x80xi32, #tpu.memory_space<hbm>>
    tpu.enqueue_dma source(%dma_start3A_23 : memref<2x80xi32, #tpu.memory_space<hbm>>) target(%arg8 : memref<2x80xi32, #tpu.memory_space<vmem>>) target_semaphore(%arg14 : memref<!tpu.dma_semaphore, #tpu.memory_space<semaphore_mem>>)
    %dma_start3A_24 = arith.constant 2 : i32
    %dma_start3A_25 = arith.constant 0 : i32
    %dma_start3A_26 = arith.constant 0 : i32
    %dma_start3A_27 = tpu.memref_slice %arg3[%add3A, %dma_start3A_24, %dma_start3A_25, %dma_start3A_26] : memref<32x125x2x80xi32, #tpu.memory_space<hbm>> -> memref<1x1x2x80xi32, #tpu.memory_space<hbm>>
    %dma_start3A_28 = tpu.memref_squeeze %dma_start3A_27 : memref<1x1x2x80xi32, #tpu.memory_space<hbm>> -> memref<2x80xi32, #tpu.memory_space<hbm>>
    %dma_start3A_29 = arith.constant 0 : i32
    %dma_start3A_30 = arith.constant 0 : i32
    %dma_start3A_31 = tpu.memref_slice %arg3[%add3A, %dma_start3A_24, %dma_start3A_29, %dma_start3A_30] : memref<32x125x2x80xi32, #tpu.memory_space<hbm>> -> memref<1x1x2x80xi32, #tpu.memory_space<hbm>>
    %dma_start3A_32 = tpu.memref_squeeze %dma_start3A_31 : memref<1x1x2x80xi32, #tpu.memory_space<hbm>> -> memref<2x80xi32, #tpu.memory_space<hbm>>
    tpu.enqueue_dma source(%dma_start3A_32 : memref<2x80xi32, #tpu.memory_space<hbm>>) target(%arg9 : memref<2x80xi32, #tpu.memory_space<vmem>>) target_semaphore(%arg15 : memref<!tpu.dma_semaphore, #tpu.memory_space<semaphore_mem>>)
    %dma_wait3A = arith.constant 0 : i32
    %dma_wait3A_33 = arith.constant 0 : i32
    %dma_wait3A_34 = arith.constant 0 : i32
    %dma_wait3A_35 = tpu.memref_slice %arg3[%add3A, %dma_wait3A, %dma_wait3A_33, %dma_wait3A_34] : memref<32x125x2x80xi32, #tpu.memory_space<hbm>> -> memref<1x1x2x80xi32, #tpu.memory_space<hbm>>
    %dma_wait3A_36 = tpu.memref_squeeze %dma_wait3A_35 : memref<1x1x2x80xi32, #tpu.memory_space<hbm>> -> memref<2x80xi32, #tpu.memory_space<hbm>>
    %dma_wait3A_37 = arith.constant 0 : i32
    %dma_wait3A_38 = arith.constant 0 : i32
    %dma_wait3A_39 = tpu.memref_slice %arg3[%add3A, %dma_wait3A, %dma_wait3A_37, %dma_wait3A_38] : memref<32x125x2x80xi32, #tpu.memory_space<hbm>> -> memref<1x1x2x80xi32, #tpu.memory_space<hbm>>
    %dma_wait3A_40 = tpu.memref_squeeze %dma_wait3A_39 : memref<1x1x2x80xi32, #tpu.memory_space<hbm>> -> memref<2x80xi32, #tpu.memory_space<hbm>>
    tpu.wait_dma2 semaphore(%arg13 : memref<!tpu.dma_semaphore, #tpu.memory_space<semaphore_mem>>) src(%dma_wait3A_40 : memref<2x80xi32, #tpu.memory_space<hbm>>) dst(%arg7 : memref<2x80xi32, #tpu.memory_space<vmem>>)
    %dma_start3A_41 = arith.constant 0 : i32
    %dma_start3A_42 = arith.constant 0 : i32
    %dma_start3A_43 = tpu.memref_slice %arg7[%dma_start3A_41, %dma_start3A_42] : memref<2x80xi32, #tpu.memory_space<vmem>> -> memref<1x80xi32, #tpu.memory_space<vmem>>
    %dma_start3A_44 = tpu.memref_squeeze %dma_start3A_43 : memref<1x80xi32, #tpu.memory_space<vmem>> -> memref<80xi32, #tpu.memory_space<vmem>>
    %dma_start3A_45 = arith.constant 0 : i32
    %dma_start3A_46 = arith.constant 0 : i32
    %dma_start3A_47 = tpu.memref_slice %arg2[%dma_start3A_45, %dma_start3A_46] : memref<10000x128xf32, #tpu.memory_space<hbm>> -> memref<10000x128xf32, #tpu.memory_space<hbm>>
    tpu.enqueue_indirect_dma source(%dma_start3A_47 : memref<10000x128xf32, #tpu.memory_space<hbm>>) target(%arg11 : memref<80x128xf32, #tpu.memory_space<vmem>>) offsets(%dma_start3A_44 : memref<80xi32, #tpu.memory_space<vmem>>) semaphore(%arg17 : memref<!tpu.dma_semaphore, #tpu.memory_space<semaphore_mem>>)
    %dma_wait3A_48 = arith.constant 0 : i32
    %dma_wait3A_49 = tpu.memref_slice %arg6[%mul3A_2, %dma_wait3A_48] : memref<10240x128xf32, #tpu.memory_space<vmem_shared>> -> memref<640x128xf32, #tpu.memory_space<vmem_shared>>
    %dma_wait3A_50 = arith.constant 0 : i32
    %dma_wait3A_51 = tpu.memref_slice %arg4[%mul3A_2, %dma_wait3A_50] : memref<10240x128xf32, #tpu.memory_space<hbm>> -> memref<640x128xf32, #tpu.memory_space<hbm>>
    tpu.wait_dma2 semaphore(%arg21 : memref<!tpu.dma_semaphore, #tpu.memory_space<semaphore_mem>>) src(%dma_wait3A_51 : memref<640x128xf32, #tpu.memory_space<hbm>>) dst(%dma_wait3A_49 : memref<640x128xf32, #tpu.memory_space<vmem_shared>>)
    %barrier3A = arith.constant 0 : index
    tpu.barrier barrier_id(%barrier3A)
    %dma_wait3A_52 = arith.constant 0 : i32
    %dma_wait3A_53 = arith.constant 0 : i32
    %dma_wait3A_54 = tpu.memref_slice %arg7[%dma_wait3A_52, %dma_wait3A_53] : memref<2x80xi32, #tpu.memory_space<vmem>> -> memref<1x80xi32, #tpu.memory_space<vmem>>
    %dma_wait3A_55 = tpu.memref_squeeze %dma_wait3A_54 : memref<1x80xi32, #tpu.memory_space<vmem>> -> memref<80xi32, #tpu.memory_space<vmem>>
    %dma_wait3A_56 = arith.constant 0 : i32
    %dma_wait3A_57 = arith.constant 0 : i32
    %dma_wait3A_58 = tpu.memref_slice %arg2[%dma_wait3A_56, %dma_wait3A_57] : memref<10000x128xf32, #tpu.memory_space<hbm>> -> memref<10000x128xf32, #tpu.memory_space<hbm>>
    tpu.wait_indirect_dma semaphore(%arg17 : memref<!tpu.dma_semaphore, #tpu.memory_space<semaphore_mem>>) src(%dma_wait3A_58 : memref<10000x128xf32, #tpu.memory_space<hbm>>) dst(%arg11 : memref<80x128xf32, #tpu.memory_space<vmem>>)
    %dma_start3A_59 = arith.constant 1 : i32
    %dma_start3A_60 = arith.constant 0 : i32
    %dma_start3A_61 = tpu.memref_slice %arg7[%dma_start3A_59, %dma_start3A_60] : memref<2x80xi32, #tpu.memory_space<vmem>> -> memref<1x80xi32, #tpu.memory_space<vmem>>
    %dma_start3A_62 = tpu.memref_squeeze %dma_start3A_61 : memref<1x80xi32, #tpu.memory_space<vmem>> -> memref<80xi32, #tpu.memory_space<vmem>>
    %dma_start3A_63 = arith.constant 0 : i32
    %dma_start3A_64 = arith.constant 0 : i32
    %dma_start3A_65 = tpu.memref_slice %arg6[%dma_start3A_63, %dma_start3A_64] : memref<10240x128xf32, #tpu.memory_space<vmem_shared>> -> memref<10240x128xf32, #tpu.memory_space<vmem_shared>>
    tpu.enqueue_indirect_dma source(%arg11 : memref<80x128xf32, #tpu.memory_space<vmem>>) target(%dma_start3A_65 : memref<10240x128xf32, #tpu.memory_space<vmem_shared>>) offsets(%dma_start3A_62 : memref<80xi32, #tpu.memory_space<vmem>>) semaphore(%arg19 : memref<!tpu.dma_semaphore, #tpu.memory_space<semaphore_mem>>) {add = true}
    %dma_wait3A_66 = arith.constant 0 : i32
    %dma_wait3A_67 = arith.constant 0 : i32
    %dma_wait3A_68 = arith.constant 0 : i32
    %dma_wait3A_69 = tpu.memref_slice %arg3[%add3A, %dma_wait3A_66, %dma_wait3A_67, %dma_wait3A_68] : memref<32x125x2x80xi32, #tpu.memory_space<hbm>> -> memref<1x1x2x80xi32, #tpu.memory_space<hbm>>
    %dma_wait3A_70 = tpu.memref_squeeze %dma_wait3A_69 : memref<1x1x2x80xi32, #tpu.memory_space<hbm>> -> memref<2x80xi32, #tpu.memory_space<hbm>>
    %dma_wait3A_71 = arith.constant 0 : i32
    %dma_wait3A_72 = arith.constant 0 : i32
    %dma_wait3A_73 = tpu.memref_slice %arg3[%add3A, %dma_wait3A_66, %dma_wait3A_71, %dma_wait3A_72] : memref<32x125x2x80xi32, #tpu.memory_space<hbm>> -> memref<1x1x2x80xi32, #tpu.memory_space<hbm>>
    %dma_wait3A_74 = tpu.memref_squeeze %dma_wait3A_73 : memref<1x1x2x80xi32, #tpu.memory_space<hbm>> -> memref<2x80xi32, #tpu.memory_space<hbm>>
    tpu.wait_dma2 semaphore(%arg14 : memref<!tpu.dma_semaphore, #tpu.memory_space<semaphore_mem>>) src(%dma_wait3A_74 : memref<2x80xi32, #tpu.memory_space<hbm>>) dst(%arg8 : memref<2x80xi32, #tpu.memory_space<vmem>>)
    %dma_start3A_75 = arith.constant 0 : i32
    %dma_start3A_76 = arith.constant 0 : i32
    %dma_start3A_77 = tpu.memref_slice %arg8[%dma_start3A_75, %dma_start3A_76] : memref<2x80xi32, #tpu.memory_space<vmem>> -> memref<1x80xi32, #tpu.memory_space<vmem>>
    %dma_start3A_78 = tpu.memref_squeeze %dma_start3A_77 : memref<1x80xi32, #tpu.memory_space<vmem>> -> memref<80xi32, #tpu.memory_space<vmem>>
    %dma_start3A_79 = arith.constant 0 : i32
    %dma_start3A_80 = arith.constant 0 : i32
    %dma_start3A_81 = tpu.memref_slice %arg2[%dma_start3A_79, %dma_start3A_80] : memref<10000x128xf32, #tpu.memory_space<hbm>> -> memref<10000x128xf32, #tpu.memory_space<hbm>>
    tpu.enqueue_indirect_dma source(%dma_start3A_81 : memref<10000x128xf32, #tpu.memory_space<hbm>>) target(%arg12 : memref<80x128xf32, #tpu.memory_space<vmem>>) offsets(%dma_start3A_78 : memref<80xi32, #tpu.memory_space<vmem>>) semaphore(%arg18 : memref<!tpu.dma_semaphore, #tpu.memory_space<semaphore_mem>>)
    %dma_start3A_82 = arith.constant 3 : i32
    %dma_start3A_83 = arith.constant 0 : i32
    %dma_start3A_84 = arith.constant 0 : i32
    %dma_start3A_85 = tpu.memref_slice %arg3[%add3A, %dma_start3A_82, %dma_start3A_83, %dma_start3A_84] : memref<32x125x2x80xi32, #tpu.memory_space<hbm>> -> memref<1x1x2x80xi32, #tpu.memory_space<hbm>>
    %dma_start3A_86 = tpu.memref_squeeze %dma_start3A_85 : memref<1x1x2x80xi32, #tpu.memory_space<hbm>> -> memref<2x80xi32, #tpu.memory_space<hbm>>
    %dma_start3A_87 = arith.constant 0 : i32
    %dma_start3A_88 = arith.constant 0 : i32
    %dma_start3A_89 = tpu.memref_slice %arg3[%add3A, %dma_start3A_82, %dma_start3A_87, %dma_start3A_88] : memref<32x125x2x80xi32, #tpu.memory_space<hbm>> -> memref<1x1x2x80xi32, #tpu.memory_space<hbm>>
    %dma_start3A_90 = tpu.memref_squeeze %dma_start3A_89 : memref<1x1x2x80xi32, #tpu.memory_space<hbm>> -> memref<2x80xi32, #tpu.memory_space<hbm>>
    tpu.enqueue_dma source(%dma_start3A_90 : memref<2x80xi32, #tpu.memory_space<hbm>>) target(%arg10 : memref<2x80xi32, #tpu.memory_space<vmem>>) target_semaphore(%arg16 : memref<!tpu.dma_semaphore, #tpu.memory_space<semaphore_mem>>)
    %scan3A = arith.constant 0 : i32
    %scan3A_91 = arith.constant 0 : i32
    %scan3A_92 = arith.constant 30 : i32
    %scan3A_93 = arith.addi %scan3A_91, %scan3A_92 : i32
    %scan3A_94 = arith.constant 1 : i32
    scf.for %scan3A_245 = %scan3A_91 to %scan3A_93 step %scan3A_94  : i32 {
      %mul3A_246 = arith.constant 4 : i32
      %mul3A_247 = arith.muli %mul3A_246, %scan3A_245 : i32
      %add3A_248 = arith.constant 1 : i32
      %add3A_249 = arith.addi %mul3A_247, %add3A_248 : i32
      %dma_wait3A_250 = arith.constant 0 : i32
      %dma_wait3A_251 = arith.constant 0 : i32
      %dma_wait3A_252 = tpu.memref_slice %arg7[%dma_wait3A_250, %dma_wait3A_251] : memref<2x80xi32, #tpu.memory_space<vmem>> -> memref<1x80xi32, #tpu.memory_space<vmem>>
      %dma_wait3A_253 = tpu.memref_squeeze %dma_wait3A_252 : memref<1x80xi32, #tpu.memory_space<vmem>> -> memref<80xi32, #tpu.memory_space<vmem>>
      %dma_wait3A_254 = arith.constant 0 : i32
      %dma_wait3A_255 = arith.constant 0 : i32
      %dma_wait3A_256 = tpu.memref_slice %arg2[%dma_wait3A_254, %dma_wait3A_255] : memref<10000x128xf32, #tpu.memory_space<hbm>> -> memref<10000x128xf32, #tpu.memory_space<hbm>>
      tpu.wait_indirect_dma semaphore(%arg18 : memref<!tpu.dma_semaphore, #tpu.memory_space<semaphore_mem>>) src(%dma_wait3A_256 : memref<10000x128xf32, #tpu.memory_space<hbm>>) dst(%arg12 : memref<80x128xf32, #tpu.memory_space<vmem>>)
      %dma_start3A_257 = arith.constant 1 : i32
      %dma_start3A_258 = arith.constant 0 : i32
      %dma_start3A_259 = tpu.memref_slice %arg8[%dma_start3A_257, %dma_start3A_258] : memref<2x80xi32, #tpu.memory_space<vmem>> -> memref<1x80xi32, #tpu.memory_space<vmem>>
      %dma_start3A_260 = tpu.memref_squeeze %dma_start3A_259 : memref<1x80xi32, #tpu.memory_space<vmem>> -> memref<80xi32, #tpu.memory_space<vmem>>
      %dma_start3A_261 = arith.constant 0 : i32
      %dma_start3A_262 = arith.constant 0 : i32
      %dma_start3A_263 = tpu.memref_slice %arg6[%dma_start3A_261, %dma_start3A_262] : memref<10240x128xf32, #tpu.memory_space<vmem_shared>> -> memref<10240x128xf32, #tpu.memory_space<vmem_shared>>
      tpu.enqueue_indirect_dma source(%arg12 : memref<80x128xf32, #tpu.memory_space<vmem>>) target(%dma_start3A_263 : memref<10240x128xf32, #tpu.memory_space<vmem_shared>>) offsets(%dma_start3A_260 : memref<80xi32, #tpu.memory_space<vmem>>) semaphore(%arg20 : memref<!tpu.dma_semaphore, #tpu.memory_space<semaphore_mem>>) {add = true}
      %dma_wait3A_264 = arith.constant 0 : i32
      %dma_wait3A_265 = arith.constant 0 : i32
      %dma_wait3A_266 = tpu.memref_slice %arg7[%dma_wait3A_264, %dma_wait3A_265] : memref<2x80xi32, #tpu.memory_space<vmem>> -> memref<1x80xi32, #tpu.memory_space<vmem>>
      %dma_wait3A_267 = tpu.memref_squeeze %dma_wait3A_266 : memref<1x80xi32, #tpu.memory_space<vmem>> -> memref<80xi32, #tpu.memory_space<vmem>>
      %dma_wait3A_268 = arith.constant 0 : i32
      %dma_wait3A_269 = arith.constant 0 : i32
      %dma_wait3A_270 = tpu.memref_slice %arg2[%dma_wait3A_268, %dma_wait3A_269] : memref<10000x128xf32, #tpu.memory_space<hbm>> -> memref<10000x128xf32, #tpu.memory_space<hbm>>
      tpu.wait_indirect_dma semaphore(%arg19 : memref<!tpu.dma_semaphore, #tpu.memory_space<semaphore_mem>>) src(%dma_wait3A_270 : memref<10000x128xf32, #tpu.memory_space<hbm>>) dst(%arg11 : memref<80x128xf32, #tpu.memory_space<vmem>>)
      %dma_wait3A_271 = arith.constant 0 : i32
      %dma_wait3A_272 = arith.constant 0 : i32
      %dma_wait3A_273 = arith.constant 0 : i32
      %dma_wait3A_274 = tpu.memref_slice %arg3[%add3A, %dma_wait3A_271, %dma_wait3A_272, %dma_wait3A_273] : memref<32x125x2x80xi32, #tpu.memory_space<hbm>> -> memref<1x1x2x80xi32, #tpu.memory_space<hbm>>
      %dma_wait3A_275 = tpu.memref_squeeze %dma_wait3A_274 : memref<1x1x2x80xi32, #tpu.memory_space<hbm>> -> memref<2x80xi32, #tpu.memory_space<hbm>>
      %dma_wait3A_276 = arith.constant 0 : i32
      %dma_wait3A_277 = arith.constant 0 : i32
      %dma_wait3A_278 = tpu.memref_slice %arg3[%add3A, %dma_wait3A_271, %dma_wait3A_276, %dma_wait3A_277] : memref<32x125x2x80xi32, #tpu.memory_space<hbm>> -> memref<1x1x2x80xi32, #tpu.memory_space<hbm>>
      %dma_wait3A_279 = tpu.memref_squeeze %dma_wait3A_278 : memref<1x1x2x80xi32, #tpu.memory_space<hbm>> -> memref<2x80xi32, #tpu.memory_space<hbm>>
      tpu.wait_dma2 semaphore(%arg15 : memref<!tpu.dma_semaphore, #tpu.memory_space<semaphore_mem>>) src(%dma_wait3A_279 : memref<2x80xi32, #tpu.memory_space<hbm>>) dst(%arg9 : memref<2x80xi32, #tpu.memory_space<vmem>>)
      %dma_start3A_280 = arith.constant 0 : i32
      %dma_start3A_281 = arith.constant 0 : i32
      %dma_start3A_282 = tpu.memref_slice %arg9[%dma_start3A_280, %dma_start3A_281] : memref<2x80xi32, #tpu.memory_space<vmem>> -> memref<1x80xi32, #tpu.memory_space<vmem>>
      %dma_start3A_283 = tpu.memref_squeeze %dma_start3A_282 : memref<1x80xi32, #tpu.memory_space<vmem>> -> memref<80xi32, #tpu.memory_space<vmem>>
      %dma_start3A_284 = arith.constant 0 : i32
      %dma_start3A_285 = arith.constant 0 : i32
      %dma_start3A_286 = tpu.memref_slice %arg2[%dma_start3A_284, %dma_start3A_285] : memref<10000x128xf32, #tpu.memory_space<hbm>> -> memref<10000x128xf32, #tpu.memory_space<hbm>>
      tpu.enqueue_indirect_dma source(%dma_start3A_286 : memref<10000x128xf32, #tpu.memory_space<hbm>>) target(%arg11 : memref<80x128xf32, #tpu.memory_space<vmem>>) offsets(%dma_start3A_283 : memref<80xi32, #tpu.memory_space<vmem>>) semaphore(%arg17 : memref<!tpu.dma_semaphore, #tpu.memory_space<semaphore_mem>>)
      %add3A_287 = arith.constant 3 : i32
      %add3A_288 = arith.addi %add3A_249, %add3A_287 : i32
      %dma_start3A_289 = arith.constant 0 : i32
      %dma_start3A_290 = arith.constant 0 : i32
      %dma_start3A_291 = tpu.memref_slice %arg3[%add3A, %add3A_288, %dma_start3A_289, %dma_start3A_290] : memref<32x125x2x80xi32, #tpu.memory_space<hbm>> -> memref<1x1x2x80xi32, #tpu.memory_space<hbm>>
      %dma_start3A_292 = tpu.memref_squeeze %dma_start3A_291 : memref<1x1x2x80xi32, #tpu.memory_space<hbm>> -> memref<2x80xi32, #tpu.memory_space<hbm>>
      %dma_start3A_293 = arith.constant 0 : i32
      %dma_start3A_294 = arith.constant 0 : i32
      %dma_start3A_295 = tpu.memref_slice %arg3[%add3A, %add3A_288, %dma_start3A_293, %dma_start3A_294] : memref<32x125x2x80xi32, #tpu.memory_space<hbm>> -> memref<1x1x2x80xi32, #tpu.memory_space<hbm>>
      %dma_start3A_296 = tpu.memref_squeeze %dma_start3A_295 : memref<1x1x2x80xi32, #tpu.memory_space<hbm>> -> memref<2x80xi32, #tpu.memory_space<hbm>>
      tpu.enqueue_dma source(%dma_start3A_296 : memref<2x80xi32, #tpu.memory_space<hbm>>) target(%arg7 : memref<2x80xi32, #tpu.memory_space<vmem>>) target_semaphore(%arg13 : memref<!tpu.dma_semaphore, #tpu.memory_space<semaphore_mem>>)
      %add3A_297 = arith.constant 1 : i32
      %add3A_298 = arith.addi %add3A_249, %add3A_297 : i32
      %dma_wait3A_299 = arith.constant 0 : i32
      %dma_wait3A_300 = arith.constant 0 : i32
      %dma_wait3A_301 = tpu.memref_slice %arg7[%dma_wait3A_299, %dma_wait3A_300] : memref<2x80xi32, #tpu.memory_space<vmem>> -> memref<1x80xi32, #tpu.memory_space<vmem>>
      %dma_wait3A_302 = tpu.memref_squeeze %dma_wait3A_301 : memref<1x80xi32, #tpu.memory_space<vmem>> -> memref<80xi32, #tpu.memory_space<vmem>>
      %dma_wait3A_303 = arith.constant 0 : i32
      %dma_wait3A_304 = arith.constant 0 : i32
      %dma_wait3A_305 = tpu.memref_slice %arg2[%dma_wait3A_303, %dma_wait3A_304] : memref<10000x128xf32, #tpu.memory_space<hbm>> -> memref<10000x128xf32, #tpu.memory_space<hbm>>
      tpu.wait_indirect_dma semaphore(%arg17 : memref<!tpu.dma_semaphore, #tpu.memory_space<semaphore_mem>>) src(%dma_wait3A_305 : memref<10000x128xf32, #tpu.memory_space<hbm>>) dst(%arg11 : memref<80x128xf32, #tpu.memory_space<vmem>>)
      %dma_start3A_306 = arith.constant 1 : i32
      %dma_start3A_307 = arith.constant 0 : i32
      %dma_start3A_308 = tpu.memref_slice %arg9[%dma_start3A_306, %dma_start3A_307] : memref<2x80xi32, #tpu.memory_space<vmem>> -> memref<1x80xi32, #tpu.memory_space<vmem>>
      %dma_start3A_309 = tpu.memref_squeeze %dma_start3A_308 : memref<1x80xi32, #tpu.memory_space<vmem>> -> memref<80xi32, #tpu.memory_space<vmem>>
      %dma_start3A_310 = arith.constant 0 : i32
      %dma_start3A_311 = arith.constant 0 : i32
      %dma_start3A_312 = tpu.memref_slice %arg6[%dma_start3A_310, %dma_start3A_311] : memref<10240x128xf32, #tpu.memory_space<vmem_shared>> -> memref<10240x128xf32, #tpu.memory_space<vmem_shared>>
      tpu.enqueue_indirect_dma source(%arg11 : memref<80x128xf32, #tpu.memory_space<vmem>>) target(%dma_start3A_312 : memref<10240x128xf32, #tpu.memory_space<vmem_shared>>) offsets(%dma_start3A_309 : memref<80xi32, #tpu.memory_space<vmem>>) semaphore(%arg19 : memref<!tpu.dma_semaphore, #tpu.memory_space<semaphore_mem>>) {add = true}
      %dma_wait3A_313 = arith.constant 0 : i32
      %dma_wait3A_314 = arith.constant 0 : i32
      %dma_wait3A_315 = tpu.memref_slice %arg7[%dma_wait3A_313, %dma_wait3A_314] : memref<2x80xi32, #tpu.memory_space<vmem>> -> memref<1x80xi32, #tpu.memory_space<vmem>>
      %dma_wait3A_316 = tpu.memref_squeeze %dma_wait3A_315 : memref<1x80xi32, #tpu.memory_space<vmem>> -> memref<80xi32, #tpu.memory_space<vmem>>
      %dma_wait3A_317 = arith.constant 0 : i32
      %dma_wait3A_318 = arith.constant 0 : i32
      %dma_wait3A_319 = tpu.memref_slice %arg2[%dma_wait3A_317, %dma_wait3A_318] : memref<10000x128xf32, #tpu.memory_space<hbm>> -> memref<10000x128xf32, #tpu.memory_space<hbm>>
      tpu.wait_indirect_dma semaphore(%arg20 : memref<!tpu.dma_semaphore, #tpu.memory_space<semaphore_mem>>) src(%dma_wait3A_319 : memref<10000x128xf32, #tpu.memory_space<hbm>>) dst(%arg12 : memref<80x128xf32, #tpu.memory_space<vmem>>)
      %dma_wait3A_320 = arith.constant 0 : i32
      %dma_wait3A_321 = arith.constant 0 : i32
      %dma_wait3A_322 = arith.constant 0 : i32
      %dma_wait3A_323 = tpu.memref_slice %arg3[%add3A, %dma_wait3A_320, %dma_wait3A_321, %dma_wait3A_322] : memref<32x125x2x80xi32, #tpu.memory_space<hbm>> -> memref<1x1x2x80xi32, #tpu.memory_space<hbm>>
      %dma_wait3A_324 = tpu.memref_squeeze %dma_wait3A_323 : memref<1x1x2x80xi32, #tpu.memory_space<hbm>> -> memref<2x80xi32, #tpu.memory_space<hbm>>
      %dma_wait3A_325 = arith.constant 0 : i32
      %dma_wait3A_326 = arith.constant 0 : i32
      %dma_wait3A_327 = tpu.memref_slice %arg3[%add3A, %dma_wait3A_320, %dma_wait3A_325, %dma_wait3A_326] : memref<32x125x2x80xi32, #tpu.memory_space<hbm>> -> memref<1x1x2x80xi32, #tpu.memory_space<hbm>>
      %dma_wait3A_328 = tpu.memref_squeeze %dma_wait3A_327 : memref<1x1x2x80xi32, #tpu.memory_space<hbm>> -> memref<2x80xi32, #tpu.memory_space<hbm>>
      tpu.wait_dma2 semaphore(%arg16 : memref<!tpu.dma_semaphore, #tpu.memory_space<semaphore_mem>>) src(%dma_wait3A_328 : memref<2x80xi32, #tpu.memory_space<hbm>>) dst(%arg10 : memref<2x80xi32, #tpu.memory_space<vmem>>)
      %dma_start3A_329 = arith.constant 0 : i32
      %dma_start3A_330 = arith.constant 0 : i32
      %dma_start3A_331 = tpu.memref_slice %arg10[%dma_start3A_329, %dma_start3A_330] : memref<2x80xi32, #tpu.memory_space<vmem>> -> memref<1x80xi32, #tpu.memory_space<vmem>>
      %dma_start3A_332 = tpu.memref_squeeze %dma_start3A_331 : memref<1x80xi32, #tpu.memory_space<vmem>> -> memref<80xi32, #tpu.memory_space<vmem>>
      %dma_start3A_333 = arith.constant 0 : i32
      %dma_start3A_334 = arith.constant 0 : i32
      %dma_start3A_335 = tpu.memref_slice %arg2[%dma_start3A_333, %dma_start3A_334] : memref<10000x128xf32, #tpu.memory_space<hbm>> -> memref<10000x128xf32, #tpu.memory_space<hbm>>
      tpu.enqueue_indirect_dma source(%dma_start3A_335 : memref<10000x128xf32, #tpu.memory_space<hbm>>) target(%arg12 : memref<80x128xf32, #tpu.memory_space<vmem>>) offsets(%dma_start3A_332 : memref<80xi32, #tpu.memory_space<vmem>>) semaphore(%arg18 : memref<!tpu.dma_semaphore, #tpu.memory_space<semaphore_mem>>)
      %add3A_336 = arith.constant 3 : i32
      %add3A_337 = arith.addi %add3A_298, %add3A_336 : i32
      %dma_start3A_338 = arith.constant 0 : i32
      %dma_start3A_339 = arith.constant 0 : i32
      %dma_start3A_340 = tpu.memref_slice %arg3[%add3A, %add3A_337, %dma_start3A_338, %dma_start3A_339] : memref<32x125x2x80xi32, #tpu.memory_space<hbm>> -> memref<1x1x2x80xi32, #tpu.memory_space<hbm>>
      %dma_start3A_341 = tpu.memref_squeeze %dma_start3A_340 : memref<1x1x2x80xi32, #tpu.memory_space<hbm>> -> memref<2x80xi32, #tpu.memory_space<hbm>>
      %dma_start3A_342 = arith.constant 0 : i32
      %dma_start3A_343 = arith.constant 0 : i32
      %dma_start3A_344 = tpu.memref_slice %arg3[%add3A, %add3A_337, %dma_start3A_342, %dma_start3A_343] : memref<32x125x2x80xi32, #tpu.memory_space<hbm>> -> memref<1x1x2x80xi32, #tpu.memory_space<hbm>>
      %dma_start3A_345 = tpu.memref_squeeze %dma_start3A_344 : memref<1x1x2x80xi32, #tpu.memory_space<hbm>> -> memref<2x80xi32, #tpu.memory_space<hbm>>
      tpu.enqueue_dma source(%dma_start3A_345 : memref<2x80xi32, #tpu.memory_space<hbm>>) target(%arg8 : memref<2x80xi32, #tpu.memory_space<vmem>>) target_semaphore(%arg14 : memref<!tpu.dma_semaphore, #tpu.memory_space<semaphore_mem>>)
      %add3A_346 = arith.constant 2 : i32
      %add3A_347 = arith.addi %add3A_249, %add3A_346 : i32
      %dma_wait3A_348 = arith.constant 0 : i32
      %dma_wait3A_349 = arith.constant 0 : i32
      %dma_wait3A_350 = tpu.memref_slice %arg7[%dma_wait3A_348, %dma_wait3A_349] : memref<2x80xi32, #tpu.memory_space<vmem>> -> memref<1x80xi32, #tpu.memory_space<vmem>>
      %dma_wait3A_351 = tpu.memref_squeeze %dma_wait3A_350 : memref<1x80xi32, #tpu.memory_space<vmem>> -> memref<80xi32, #tpu.memory_space<vmem>>
      %dma_wait3A_352 = arith.constant 0 : i32
      %dma_wait3A_353 = arith.constant 0 : i32
      %dma_wait3A_354 = tpu.memref_slice %arg2[%dma_wait3A_352, %dma_wait3A_353] : memref<10000x128xf32, #tpu.memory_space<hbm>> -> memref<10000x128xf32, #tpu.memory_space<hbm>>
      tpu.wait_indirect_dma semaphore(%arg18 : memref<!tpu.dma_semaphore, #tpu.memory_space<semaphore_mem>>) src(%dma_wait3A_354 : memref<10000x128xf32, #tpu.memory_space<hbm>>) dst(%arg12 : memref<80x128xf32, #tpu.memory_space<vmem>>)
      %dma_start3A_355 = arith.constant 1 : i32
      %dma_start3A_356 = arith.constant 0 : i32
      %dma_start3A_357 = tpu.memref_slice %arg10[%dma_start3A_355, %dma_start3A_356] : memref<2x80xi32, #tpu.memory_space<vmem>> -> memref<1x80xi32, #tpu.memory_space<vmem>>
      %dma_start3A_358 = tpu.memref_squeeze %dma_start3A_357 : memref<1x80xi32, #tpu.memory_space<vmem>> -> memref<80xi32, #tpu.memory_space<vmem>>
      %dma_start3A_359 = arith.constant 0 : i32
      %dma_start3A_360 = arith.constant 0 : i32
      %dma_start3A_361 = tpu.memref_slice %arg6[%dma_start3A_359, %dma_start3A_360] : memref<10240x128xf32, #tpu.memory_space<vmem_shared>> -> memref<10240x128xf32, #tpu.memory_space<vmem_shared>>
      tpu.enqueue_indirect_dma source(%arg12 : memref<80x128xf32, #tpu.memory_space<vmem>>) target(%dma_start3A_361 : memref<10240x128xf32, #tpu.memory_space<vmem_shared>>) offsets(%dma_start3A_358 : memref<80xi32, #tpu.memory_space<vmem>>) semaphore(%arg20 : memref<!tpu.dma_semaphore, #tpu.memory_space<semaphore_mem>>) {add = true}
      %dma_wait3A_362 = arith.constant 0 : i32
      %dma_wait3A_363 = arith.constant 0 : i32
      %dma_wait3A_364 = tpu.memref_slice %arg7[%dma_wait3A_362, %dma_wait3A_363] : memref<2x80xi32, #tpu.memory_space<vmem>> -> memref<1x80xi32, #tpu.memory_space<vmem>>
      %dma_wait3A_365 = tpu.memref_squeeze %dma_wait3A_364 : memref<1x80xi32, #tpu.memory_space<vmem>> -> memref<80xi32, #tpu.memory_space<vmem>>
      %dma_wait3A_366 = arith.constant 0 : i32
      %dma_wait3A_367 = arith.constant 0 : i32
      %dma_wait3A_368 = tpu.memref_slice %arg2[%dma_wait3A_366, %dma_wait3A_367] : memref<10000x128xf32, #tpu.memory_space<hbm>> -> memref<10000x128xf32, #tpu.memory_space<hbm>>
      tpu.wait_indirect_dma semaphore(%arg19 : memref<!tpu.dma_semaphore, #tpu.memory_space<semaphore_mem>>) src(%dma_wait3A_368 : memref<10000x128xf32, #tpu.memory_space<hbm>>) dst(%arg11 : memref<80x128xf32, #tpu.memory_space<vmem>>)
      %dma_wait3A_369 = arith.constant 0 : i32
      %dma_wait3A_370 = arith.constant 0 : i32
      %dma_wait3A_371 = arith.constant 0 : i32
      %dma_wait3A_372 = tpu.memref_slice %arg3[%add3A, %dma_wait3A_369, %dma_wait3A_370, %dma_wait3A_371] : memref<32x125x2x80xi32, #tpu.memory_space<hbm>> -> memref<1x1x2x80xi32, #tpu.memory_space<hbm>>
      %dma_wait3A_373 = tpu.memref_squeeze %dma_wait3A_372 : memref<1x1x2x80xi32, #tpu.memory_space<hbm>> -> memref<2x80xi32, #tpu.memory_space<hbm>>
      %dma_wait3A_374 = arith.constant 0 : i32
      %dma_wait3A_375 = arith.constant 0 : i32
      %dma_wait3A_376 = tpu.memref_slice %arg3[%add3A, %dma_wait3A_369, %dma_wait3A_374, %dma_wait3A_375] : memref<32x125x2x80xi32, #tpu.memory_space<hbm>> -> memref<1x1x2x80xi32, #tpu.memory_space<hbm>>
      %dma_wait3A_377 = tpu.memref_squeeze %dma_wait3A_376 : memref<1x1x2x80xi32, #tpu.memory_space<hbm>> -> memref<2x80xi32, #tpu.memory_space<hbm>>
      tpu.wait_dma2 semaphore(%arg13 : memref<!tpu.dma_semaphore, #tpu.memory_space<semaphore_mem>>) src(%dma_wait3A_377 : memref<2x80xi32, #tpu.memory_space<hbm>>) dst(%arg7 : memref<2x80xi32, #tpu.memory_space<vmem>>)
      %dma_start3A_378 = arith.constant 0 : i32
      %dma_start3A_379 = arith.constant 0 : i32
      %dma_start3A_380 = tpu.memref_slice %arg7[%dma_start3A_378, %dma_start3A_379] : memref<2x80xi32, #tpu.memory_space<vmem>> -> memref<1x80xi32, #tpu.memory_space<vmem>>
      %dma_start3A_381 = tpu.memref_squeeze %dma_start3A_380 : memref<1x80xi32, #tpu.memory_space<vmem>> -> memref<80xi32, #tpu.memory_space<vmem>>
      %dma_start3A_382 = arith.constant 0 : i32
      %dma_start3A_383 = arith.constant 0 : i32
      %dma_start3A_384 = tpu.memref_slice %arg2[%dma_start3A_382, %dma_start3A_383] : memref<10000x128xf32, #tpu.memory_space<hbm>> -> memref<10000x128xf32, #tpu.memory_space<hbm>>
      tpu.enqueue_indirect_dma source(%dma_start3A_384 : memref<10000x128xf32, #tpu.memory_space<hbm>>) target(%arg11 : memref<80x128xf32, #tpu.memory_space<vmem>>) offsets(%dma_start3A_381 : memref<80xi32, #tpu.memory_space<vmem>>) semaphore(%arg17 : memref<!tpu.dma_semaphore, #tpu.memory_space<semaphore_mem>>)
      %add3A_385 = arith.constant 3 : i32
      %add3A_386 = arith.addi %add3A_347, %add3A_385 : i32
      %dma_start3A_387 = arith.constant 0 : i32
      %dma_start3A_388 = arith.constant 0 : i32
      %dma_start3A_389 = tpu.memref_slice %arg3[%add3A, %add3A_386, %dma_start3A_387, %dma_start3A_388] : memref<32x125x2x80xi32, #tpu.memory_space<hbm>> -> memref<1x1x2x80xi32, #tpu.memory_space<hbm>>
      %dma_start3A_390 = tpu.memref_squeeze %dma_start3A_389 : memref<1x1x2x80xi32, #tpu.memory_space<hbm>> -> memref<2x80xi32, #tpu.memory_space<hbm>>
      %dma_start3A_391 = arith.constant 0 : i32
      %dma_start3A_392 = arith.constant 0 : i32
      %dma_start3A_393 = tpu.memref_slice %arg3[%add3A, %add3A_386, %dma_start3A_391, %dma_start3A_392] : memref<32x125x2x80xi32, #tpu.memory_space<hbm>> -> memref<1x1x2x80xi32, #tpu.memory_space<hbm>>
      %dma_start3A_394 = tpu.memref_squeeze %dma_start3A_393 : memref<1x1x2x80xi32, #tpu.memory_space<hbm>> -> memref<2x80xi32, #tpu.memory_space<hbm>>
      tpu.enqueue_dma source(%dma_start3A_394 : memref<2x80xi32, #tpu.memory_space<hbm>>) target(%arg9 : memref<2x80xi32, #tpu.memory_space<vmem>>) target_semaphore(%arg15 : memref<!tpu.dma_semaphore, #tpu.memory_space<semaphore_mem>>)
      %add3A_395 = arith.constant 3 : i32
      %add3A_396 = arith.addi %add3A_249, %add3A_395 : i32
      %dma_wait3A_397 = arith.constant 0 : i32
      %dma_wait3A_398 = arith.constant 0 : i32
      %dma_wait3A_399 = tpu.memref_slice %arg7[%dma_wait3A_397, %dma_wait3A_398] : memref<2x80xi32, #tpu.memory_space<vmem>> -> memref<1x80xi32, #tpu.memory_space<vmem>>
      %dma_wait3A_400 = tpu.memref_squeeze %dma_wait3A_399 : memref<1x80xi32, #tpu.memory_space<vmem>> -> memref<80xi32, #tpu.memory_space<vmem>>
      %dma_wait3A_401 = arith.constant 0 : i32
      %dma_wait3A_402 = arith.constant 0 : i32
      %dma_wait3A_403 = tpu.memref_slice %arg2[%dma_wait3A_401, %dma_wait3A_402] : memref<10000x128xf32, #tpu.memory_space<hbm>> -> memref<10000x128xf32, #tpu.memory_space<hbm>>
      tpu.wait_indirect_dma semaphore(%arg17 : memref<!tpu.dma_semaphore, #tpu.memory_space<semaphore_mem>>) src(%dma_wait3A_403 : memref<10000x128xf32, #tpu.memory_space<hbm>>) dst(%arg11 : memref<80x128xf32, #tpu.memory_space<vmem>>)
      %dma_start3A_404 = arith.constant 1 : i32
      %dma_start3A_405 = arith.constant 0 : i32
      %dma_start3A_406 = tpu.memref_slice %arg7[%dma_start3A_404, %dma_start3A_405] : memref<2x80xi32, #tpu.memory_space<vmem>> -> memref<1x80xi32, #tpu.memory_space<vmem>>
      %dma_start3A_407 = tpu.memref_squeeze %dma_start3A_406 : memref<1x80xi32, #tpu.memory_space<vmem>> -> memref<80xi32, #tpu.memory_space<vmem>>
      %dma_start3A_408 = arith.constant 0 : i32
      %dma_start3A_409 = arith.constant 0 : i32
      %dma_start3A_410 = tpu.memref_slice %arg6[%dma_start3A_408, %dma_start3A_409] : memref<10240x128xf32, #tpu.memory_space<vmem_shared>> -> memref<10240x128xf32, #tpu.memory_space<vmem_shared>>
      tpu.enqueue_indirect_dma source(%arg11 : memref<80x128xf32, #tpu.memory_space<vmem>>) target(%dma_start3A_410 : memref<10240x128xf32, #tpu.memory_space<vmem_shared>>) offsets(%dma_start3A_407 : memref<80xi32, #tpu.memory_space<vmem>>) semaphore(%arg19 : memref<!tpu.dma_semaphore, #tpu.memory_space<semaphore_mem>>) {add = true}
      %dma_wait3A_411 = arith.constant 0 : i32
      %dma_wait3A_412 = arith.constant 0 : i32
      %dma_wait3A_413 = tpu.memref_slice %arg7[%dma_wait3A_411, %dma_wait3A_412] : memref<2x80xi32, #tpu.memory_space<vmem>> -> memref<1x80xi32, #tpu.memory_space<vmem>>
      %dma_wait3A_414 = tpu.memref_squeeze %dma_wait3A_413 : memref<1x80xi32, #tpu.memory_space<vmem>> -> memref<80xi32, #tpu.memory_space<vmem>>
      %dma_wait3A_415 = arith.constant 0 : i32
      %dma_wait3A_416 = arith.constant 0 : i32
      %dma_wait3A_417 = tpu.memref_slice %arg2[%dma_wait3A_415, %dma_wait3A_416] : memref<10000x128xf32, #tpu.memory_space<hbm>> -> memref<10000x128xf32, #tpu.memory_space<hbm>>
      tpu.wait_indirect_dma semaphore(%arg20 : memref<!tpu.dma_semaphore, #tpu.memory_space<semaphore_mem>>) src(%dma_wait3A_417 : memref<10000x128xf32, #tpu.memory_space<hbm>>) dst(%arg12 : memref<80x128xf32, #tpu.memory_space<vmem>>)
      %dma_wait3A_418 = arith.constant 0 : i32
      %dma_wait3A_419 = arith.constant 0 : i32
      %dma_wait3A_420 = arith.constant 0 : i32
      %dma_wait3A_421 = tpu.memref_slice %arg3[%add3A, %dma_wait3A_418, %dma_wait3A_419, %dma_wait3A_420] : memref<32x125x2x80xi32, #tpu.memory_space<hbm>> -> memref<1x1x2x80xi32, #tpu.memory_space<hbm>>
      %dma_wait3A_422 = tpu.memref_squeeze %dma_wait3A_421 : memref<1x1x2x80xi32, #tpu.memory_space<hbm>> -> memref<2x80xi32, #tpu.memory_space<hbm>>
      %dma_wait3A_423 = arith.constant 0 : i32
      %dma_wait3A_424 = arith.constant 0 : i32
      %dma_wait3A_425 = tpu.memref_slice %arg3[%add3A, %dma_wait3A_418, %dma_wait3A_423, %dma_wait3A_424] : memref<32x125x2x80xi32, #tpu.memory_space<hbm>> -> memref<1x1x2x80xi32, #tpu.memory_space<hbm>>
      %dma_wait3A_426 = tpu.memref_squeeze %dma_wait3A_425 : memref<1x1x2x80xi32, #tpu.memory_space<hbm>> -> memref<2x80xi32, #tpu.memory_space<hbm>>
      tpu.wait_dma2 semaphore(%arg14 : memref<!tpu.dma_semaphore, #tpu.memory_space<semaphore_mem>>) src(%dma_wait3A_426 : memref<2x80xi32, #tpu.memory_space<hbm>>) dst(%arg8 : memref<2x80xi32, #tpu.memory_space<vmem>>)
      %dma_start3A_427 = arith.constant 0 : i32
      %dma_start3A_428 = arith.constant 0 : i32
      %dma_start3A_429 = tpu.memref_slice %arg8[%dma_start3A_427, %dma_start3A_428] : memref<2x80xi32, #tpu.memory_space<vmem>> -> memref<1x80xi32, #tpu.memory_space<vmem>>
      %dma_start3A_430 = tpu.memref_squeeze %dma_start3A_429 : memref<1x80xi32, #tpu.memory_space<vmem>> -> memref<80xi32, #tpu.memory_space<vmem>>
      %dma_start3A_431 = arith.constant 0 : i32
      %dma_start3A_432 = arith.constant 0 : i32
      %dma_start3A_433 = tpu.memref_slice %arg2[%dma_start3A_431, %dma_start3A_432] : memref<10000x128xf32, #tpu.memory_space<hbm>> -> memref<10000x128xf32, #tpu.memory_space<hbm>>
      tpu.enqueue_indirect_dma source(%dma_start3A_433 : memref<10000x128xf32, #tpu.memory_space<hbm>>) target(%arg12 : memref<80x128xf32, #tpu.memory_space<vmem>>) offsets(%dma_start3A_430 : memref<80xi32, #tpu.memory_space<vmem>>) semaphore(%arg18 : memref<!tpu.dma_semaphore, #tpu.memory_space<semaphore_mem>>)
      %add3A_434 = arith.constant 3 : i32
      %add3A_435 = arith.addi %add3A_396, %add3A_434 : i32
      %dma_start3A_436 = arith.constant 0 : i32
      %dma_start3A_437 = arith.constant 0 : i32
      %dma_start3A_438 = tpu.memref_slice %arg3[%add3A, %add3A_435, %dma_start3A_436, %dma_start3A_437] : memref<32x125x2x80xi32, #tpu.memory_space<hbm>> -> memref<1x1x2x80xi32, #tpu.memory_space<hbm>>
      %dma_start3A_439 = tpu.memref_squeeze %dma_start3A_438 : memref<1x1x2x80xi32, #tpu.memory_space<hbm>> -> memref<2x80xi32, #tpu.memory_space<hbm>>
      %dma_start3A_440 = arith.constant 0 : i32
      %dma_start3A_441 = arith.constant 0 : i32
      %dma_start3A_442 = tpu.memref_slice %arg3[%add3A, %add3A_435, %dma_start3A_440, %dma_start3A_441] : memref<32x125x2x80xi32, #tpu.memory_space<hbm>> -> memref<1x1x2x80xi32, #tpu.memory_space<hbm>>
      %dma_start3A_443 = tpu.memref_squeeze %dma_start3A_442 : memref<1x1x2x80xi32, #tpu.memory_space<hbm>> -> memref<2x80xi32, #tpu.memory_space<hbm>>
      tpu.enqueue_dma source(%dma_start3A_443 : memref<2x80xi32, #tpu.memory_space<hbm>>) target(%arg10 : memref<2x80xi32, #tpu.memory_space<vmem>>) target_semaphore(%arg16 : memref<!tpu.dma_semaphore, #tpu.memory_space<semaphore_mem>>)
    }
    %scan3A_95 = arith.constant 30 : i32
    %dma_wait3A_96 = arith.constant 0 : i32
    %dma_wait3A_97 = arith.constant 0 : i32
    %dma_wait3A_98 = tpu.memref_slice %arg7[%dma_wait3A_96, %dma_wait3A_97] : memref<2x80xi32, #tpu.memory_space<vmem>> -> memref<1x80xi32, #tpu.memory_space<vmem>>
    %dma_wait3A_99 = tpu.memref_squeeze %dma_wait3A_98 : memref<1x80xi32, #tpu.memory_space<vmem>> -> memref<80xi32, #tpu.memory_space<vmem>>
    %dma_wait3A_100 = arith.constant 0 : i32
    %dma_wait3A_101 = arith.constant 0 : i32
    %dma_wait3A_102 = tpu.memref_slice %arg2[%dma_wait3A_100, %dma_wait3A_101] : memref<10000x128xf32, #tpu.memory_space<hbm>> -> memref<10000x128xf32, #tpu.memory_space<hbm>>
    tpu.wait_indirect_dma semaphore(%arg18 : memref<!tpu.dma_semaphore, #tpu.memory_space<semaphore_mem>>) src(%dma_wait3A_102 : memref<10000x128xf32, #tpu.memory_space<hbm>>) dst(%arg12 : memref<80x128xf32, #tpu.memory_space<vmem>>)
    %dma_start3A_103 = arith.constant 1 : i32
    %dma_start3A_104 = arith.constant 0 : i32
    %dma_start3A_105 = tpu.memref_slice %arg8[%dma_start3A_103, %dma_start3A_104] : memref<2x80xi32, #tpu.memory_space<vmem>> -> memref<1x80xi32, #tpu.memory_space<vmem>>
    %dma_start3A_106 = tpu.memref_squeeze %dma_start3A_105 : memref<1x80xi32, #tpu.memory_space<vmem>> -> memref<80xi32, #tpu.memory_space<vmem>>
    %dma_start3A_107 = arith.constant 0 : i32
    %dma_start3A_108 = arith.constant 0 : i32
    %dma_start3A_109 = tpu.memref_slice %arg6[%dma_start3A_107, %dma_start3A_108] : memref<10240x128xf32, #tpu.memory_space<vmem_shared>> -> memref<10240x128xf32, #tpu.memory_space<vmem_shared>>
    tpu.enqueue_indirect_dma source(%arg12 : memref<80x128xf32, #tpu.memory_space<vmem>>) target(%dma_start3A_109 : memref<10240x128xf32, #tpu.memory_space<vmem_shared>>) offsets(%dma_start3A_106 : memref<80xi32, #tpu.memory_space<vmem>>) semaphore(%arg20 : memref<!tpu.dma_semaphore, #tpu.memory_space<semaphore_mem>>) {add = true}
    %dma_wait3A_110 = arith.constant 0 : i32
    %dma_wait3A_111 = arith.constant 0 : i32
    %dma_wait3A_112 = tpu.memref_slice %arg7[%dma_wait3A_110, %dma_wait3A_111] : memref<2x80xi32, #tpu.memory_space<vmem>> -> memref<1x80xi32, #tpu.memory_space<vmem>>
    %dma_wait3A_113 = tpu.memref_squeeze %dma_wait3A_112 : memref<1x80xi32, #tpu.memory_space<vmem>> -> memref<80xi32, #tpu.memory_space<vmem>>
    %dma_wait3A_114 = arith.constant 0 : i32
    %dma_wait3A_115 = arith.constant 0 : i32
    %dma_wait3A_116 = tpu.memref_slice %arg2[%dma_wait3A_114, %dma_wait3A_115] : memref<10000x128xf32, #tpu.memory_space<hbm>> -> memref<10000x128xf32, #tpu.memory_space<hbm>>
    tpu.wait_indirect_dma semaphore(%arg19 : memref<!tpu.dma_semaphore, #tpu.memory_space<semaphore_mem>>) src(%dma_wait3A_116 : memref<10000x128xf32, #tpu.memory_space<hbm>>) dst(%arg11 : memref<80x128xf32, #tpu.memory_space<vmem>>)
    %dma_wait3A_117 = arith.constant 0 : i32
    %dma_wait3A_118 = arith.constant 0 : i32
    %dma_wait3A_119 = arith.constant 0 : i32
    %dma_wait3A_120 = tpu.memref_slice %arg3[%add3A, %dma_wait3A_117, %dma_wait3A_118, %dma_wait3A_119] : memref<32x125x2x80xi32, #tpu.memory_space<hbm>> -> memref<1x1x2x80xi32, #tpu.memory_space<hbm>>
    %dma_wait3A_121 = tpu.memref_squeeze %dma_wait3A_120 : memref<1x1x2x80xi32, #tpu.memory_space<hbm>> -> memref<2x80xi32, #tpu.memory_space<hbm>>
    %dma_wait3A_122 = arith.constant 0 : i32
    %dma_wait3A_123 = arith.constant 0 : i32
    %dma_wait3A_124 = tpu.memref_slice %arg3[%add3A, %dma_wait3A_117, %dma_wait3A_122, %dma_wait3A_123] : memref<32x125x2x80xi32, #tpu.memory_space<hbm>> -> memref<1x1x2x80xi32, #tpu.memory_space<hbm>>
    %dma_wait3A_125 = tpu.memref_squeeze %dma_wait3A_124 : memref<1x1x2x80xi32, #tpu.memory_space<hbm>> -> memref<2x80xi32, #tpu.memory_space<hbm>>
    tpu.wait_dma2 semaphore(%arg15 : memref<!tpu.dma_semaphore, #tpu.memory_space<semaphore_mem>>) src(%dma_wait3A_125 : memref<2x80xi32, #tpu.memory_space<hbm>>) dst(%arg9 : memref<2x80xi32, #tpu.memory_space<vmem>>)
    %dma_start3A_126 = arith.constant 0 : i32
    %dma_start3A_127 = arith.constant 0 : i32
    %dma_start3A_128 = tpu.memref_slice %arg9[%dma_start3A_126, %dma_start3A_127] : memref<2x80xi32, #tpu.memory_space<vmem>> -> memref<1x80xi32, #tpu.memory_space<vmem>>
    %dma_start3A_129 = tpu.memref_squeeze %dma_start3A_128 : memref<1x80xi32, #tpu.memory_space<vmem>> -> memref<80xi32, #tpu.memory_space<vmem>>
    %dma_start3A_130 = arith.constant 0 : i32
    %dma_start3A_131 = arith.constant 0 : i32
    %dma_start3A_132 = tpu.memref_slice %arg2[%dma_start3A_130, %dma_start3A_131] : memref<10000x128xf32, #tpu.memory_space<hbm>> -> memref<10000x128xf32, #tpu.memory_space<hbm>>
    tpu.enqueue_indirect_dma source(%dma_start3A_132 : memref<10000x128xf32, #tpu.memory_space<hbm>>) target(%arg11 : memref<80x128xf32, #tpu.memory_space<vmem>>) offsets(%dma_start3A_129 : memref<80xi32, #tpu.memory_space<vmem>>) semaphore(%arg17 : memref<!tpu.dma_semaphore, #tpu.memory_space<semaphore_mem>>)
    %dma_start3A_133 = arith.constant 124 : i32
    %dma_start3A_134 = arith.constant 0 : i32
    %dma_start3A_135 = arith.constant 0 : i32
    %dma_start3A_136 = tpu.memref_slice %arg3[%add3A, %dma_start3A_133, %dma_start3A_134, %dma_start3A_135] : memref<32x125x2x80xi32, #tpu.memory_space<hbm>> -> memref<1x1x2x80xi32, #tpu.memory_space<hbm>>
    %dma_start3A_137 = tpu.memref_squeeze %dma_start3A_136 : memref<1x1x2x80xi32, #tpu.memory_space<hbm>> -> memref<2x80xi32, #tpu.memory_space<hbm>>
    %dma_start3A_138 = arith.constant 0 : i32
    %dma_start3A_139 = arith.constant 0 : i32
    %dma_start3A_140 = tpu.memref_slice %arg3[%add3A, %dma_start3A_133, %dma_start3A_138, %dma_start3A_139] : memref<32x125x2x80xi32, #tpu.memory_space<hbm>> -> memref<1x1x2x80xi32, #tpu.memory_space<hbm>>
    %dma_start3A_141 = tpu.memref_squeeze %dma_start3A_140 : memref<1x1x2x80xi32, #tpu.memory_space<hbm>> -> memref<2x80xi32, #tpu.memory_space<hbm>>
    tpu.enqueue_dma source(%dma_start3A_141 : memref<2x80xi32, #tpu.memory_space<hbm>>) target(%arg7 : memref<2x80xi32, #tpu.memory_space<vmem>>) target_semaphore(%arg13 : memref<!tpu.dma_semaphore, #tpu.memory_space<semaphore_mem>>)
    %dma_wait3A_142 = arith.constant 0 : i32
    %dma_wait3A_143 = arith.constant 0 : i32
    %dma_wait3A_144 = tpu.memref_slice %arg7[%dma_wait3A_142, %dma_wait3A_143] : memref<2x80xi32, #tpu.memory_space<vmem>> -> memref<1x80xi32, #tpu.memory_space<vmem>>
    %dma_wait3A_145 = tpu.memref_squeeze %dma_wait3A_144 : memref<1x80xi32, #tpu.memory_space<vmem>> -> memref<80xi32, #tpu.memory_space<vmem>>
    %dma_wait3A_146 = arith.constant 0 : i32
    %dma_wait3A_147 = arith.constant 0 : i32
    %dma_wait3A_148 = tpu.memref_slice %arg2[%dma_wait3A_146, %dma_wait3A_147] : memref<10000x128xf32, #tpu.memory_space<hbm>> -> memref<10000x128xf32, #tpu.memory_space<hbm>>
    tpu.wait_indirect_dma semaphore(%arg17 : memref<!tpu.dma_semaphore, #tpu.memory_space<semaphore_mem>>) src(%dma_wait3A_148 : memref<10000x128xf32, #tpu.memory_space<hbm>>) dst(%arg11 : memref<80x128xf32, #tpu.memory_space<vmem>>)
    %dma_start3A_149 = arith.constant 1 : i32
    %dma_start3A_150 = arith.constant 0 : i32
    %dma_start3A_151 = tpu.memref_slice %arg9[%dma_start3A_149, %dma_start3A_150] : memref<2x80xi32, #tpu.memory_space<vmem>> -> memref<1x80xi32, #tpu.memory_space<vmem>>
    %dma_start3A_152 = tpu.memref_squeeze %dma_start3A_151 : memref<1x80xi32, #tpu.memory_space<vmem>> -> memref<80xi32, #tpu.memory_space<vmem>>
    %dma_start3A_153 = arith.constant 0 : i32
    %dma_start3A_154 = arith.constant 0 : i32
    %dma_start3A_155 = tpu.memref_slice %arg6[%dma_start3A_153, %dma_start3A_154] : memref<10240x128xf32, #tpu.memory_space<vmem_shared>> -> memref<10240x128xf32, #tpu.memory_space<vmem_shared>>
    tpu.enqueue_indirect_dma source(%arg11 : memref<80x128xf32, #tpu.memory_space<vmem>>) target(%dma_start3A_155 : memref<10240x128xf32, #tpu.memory_space<vmem_shared>>) offsets(%dma_start3A_152 : memref<80xi32, #tpu.memory_space<vmem>>) semaphore(%arg19 : memref<!tpu.dma_semaphore, #tpu.memory_space<semaphore_mem>>) {add = true}
    %dma_wait3A_156 = arith.constant 0 : i32
    %dma_wait3A_157 = arith.constant 0 : i32
    %dma_wait3A_158 = tpu.memref_slice %arg7[%dma_wait3A_156, %dma_wait3A_157] : memref<2x80xi32, #tpu.memory_space<vmem>> -> memref<1x80xi32, #tpu.memory_space<vmem>>
    %dma_wait3A_159 = tpu.memref_squeeze %dma_wait3A_158 : memref<1x80xi32, #tpu.memory_space<vmem>> -> memref<80xi32, #tpu.memory_space<vmem>>
    %dma_wait3A_160 = arith.constant 0 : i32
    %dma_wait3A_161 = arith.constant 0 : i32
    %dma_wait3A_162 = tpu.memref_slice %arg2[%dma_wait3A_160, %dma_wait3A_161] : memref<10000x128xf32, #tpu.memory_space<hbm>> -> memref<10000x128xf32, #tpu.memory_space<hbm>>
    tpu.wait_indirect_dma semaphore(%arg20 : memref<!tpu.dma_semaphore, #tpu.memory_space<semaphore_mem>>) src(%dma_wait3A_162 : memref<10000x128xf32, #tpu.memory_space<hbm>>) dst(%arg12 : memref<80x128xf32, #tpu.memory_space<vmem>>)
    %dma_wait3A_163 = arith.constant 0 : i32
    %dma_wait3A_164 = arith.constant 0 : i32
    %dma_wait3A_165 = arith.constant 0 : i32
    %dma_wait3A_166 = tpu.memref_slice %arg3[%add3A, %dma_wait3A_163, %dma_wait3A_164, %dma_wait3A_165] : memref<32x125x2x80xi32, #tpu.memory_space<hbm>> -> memref<1x1x2x80xi32, #tpu.memory_space<hbm>>
    %dma_wait3A_167 = tpu.memref_squeeze %dma_wait3A_166 : memref<1x1x2x80xi32, #tpu.memory_space<hbm>> -> memref<2x80xi32, #tpu.memory_space<hbm>>
    %dma_wait3A_168 = arith.constant 0 : i32
    %dma_wait3A_169 = arith.constant 0 : i32
    %dma_wait3A_170 = tpu.memref_slice %arg3[%add3A, %dma_wait3A_163, %dma_wait3A_168, %dma_wait3A_169] : memref<32x125x2x80xi32, #tpu.memory_space<hbm>> -> memref<1x1x2x80xi32, #tpu.memory_space<hbm>>
    %dma_wait3A_171 = tpu.memref_squeeze %dma_wait3A_170 : memref<1x1x2x80xi32, #tpu.memory_space<hbm>> -> memref<2x80xi32, #tpu.memory_space<hbm>>
    tpu.wait_dma2 semaphore(%arg16 : memref<!tpu.dma_semaphore, #tpu.memory_space<semaphore_mem>>) src(%dma_wait3A_171 : memref<2x80xi32, #tpu.memory_space<hbm>>) dst(%arg10 : memref<2x80xi32, #tpu.memory_space<vmem>>)
    %dma_start3A_172 = arith.constant 0 : i32
    %dma_start3A_173 = arith.constant 0 : i32
    %dma_start3A_174 = tpu.memref_slice %arg10[%dma_start3A_172, %dma_start3A_173] : memref<2x80xi32, #tpu.memory_space<vmem>> -> memref<1x80xi32, #tpu.memory_space<vmem>>
    %dma_start3A_175 = tpu.memref_squeeze %dma_start3A_174 : memref<1x80xi32, #tpu.memory_space<vmem>> -> memref<80xi32, #tpu.memory_space<vmem>>
    %dma_start3A_176 = arith.constant 0 : i32
    %dma_start3A_177 = arith.constant 0 : i32
    %dma_start3A_178 = tpu.memref_slice %arg2[%dma_start3A_176, %dma_start3A_177] : memref<10000x128xf32, #tpu.memory_space<hbm>> -> memref<10000x128xf32, #tpu.memory_space<hbm>>
    tpu.enqueue_indirect_dma source(%dma_start3A_178 : memref<10000x128xf32, #tpu.memory_space<hbm>>) target(%arg12 : memref<80x128xf32, #tpu.memory_space<vmem>>) offsets(%dma_start3A_175 : memref<80xi32, #tpu.memory_space<vmem>>) semaphore(%arg18 : memref<!tpu.dma_semaphore, #tpu.memory_space<semaphore_mem>>)
    %dma_wait3A_179 = arith.constant 0 : i32
    %dma_wait3A_180 = arith.constant 0 : i32
    %dma_wait3A_181 = tpu.memref_slice %arg7[%dma_wait3A_179, %dma_wait3A_180] : memref<2x80xi32, #tpu.memory_space<vmem>> -> memref<1x80xi32, #tpu.memory_space<vmem>>
    %dma_wait3A_182 = tpu.memref_squeeze %dma_wait3A_181 : memref<1x80xi32, #tpu.memory_space<vmem>> -> memref<80xi32, #tpu.memory_space<vmem>>
    %dma_wait3A_183 = arith.constant 0 : i32
    %dma_wait3A_184 = arith.constant 0 : i32
    %dma_wait3A_185 = tpu.memref_slice %arg2[%dma_wait3A_183, %dma_wait3A_184] : memref<10000x128xf32, #tpu.memory_space<hbm>> -> memref<10000x128xf32, #tpu.memory_space<hbm>>
    tpu.wait_indirect_dma semaphore(%arg18 : memref<!tpu.dma_semaphore, #tpu.memory_space<semaphore_mem>>) src(%dma_wait3A_185 : memref<10000x128xf32, #tpu.memory_space<hbm>>) dst(%arg12 : memref<80x128xf32, #tpu.memory_space<vmem>>)
    %dma_start3A_186 = arith.constant 1 : i32
    %dma_start3A_187 = arith.constant 0 : i32
    %dma_start3A_188 = tpu.memref_slice %arg10[%dma_start3A_186, %dma_start3A_187] : memref<2x80xi32, #tpu.memory_space<vmem>> -> memref<1x80xi32, #tpu.memory_space<vmem>>
    %dma_start3A_189 = tpu.memref_squeeze %dma_start3A_188 : memref<1x80xi32, #tpu.memory_space<vmem>> -> memref<80xi32, #tpu.memory_space<vmem>>
    %dma_start3A_190 = arith.constant 0 : i32
    %dma_start3A_191 = arith.constant 0 : i32
    %dma_start3A_192 = tpu.memref_slice %arg6[%dma_start3A_190, %dma_start3A_191] : memref<10240x128xf32, #tpu.memory_space<vmem_shared>> -> memref<10240x128xf32, #tpu.memory_space<vmem_shared>>
    tpu.enqueue_indirect_dma source(%arg12 : memref<80x128xf32, #tpu.memory_space<vmem>>) target(%dma_start3A_192 : memref<10240x128xf32, #tpu.memory_space<vmem_shared>>) offsets(%dma_start3A_189 : memref<80xi32, #tpu.memory_space<vmem>>) semaphore(%arg20 : memref<!tpu.dma_semaphore, #tpu.memory_space<semaphore_mem>>) {add = true}
    %dma_wait3A_193 = arith.constant 0 : i32
    %dma_wait3A_194 = arith.constant 0 : i32
    %dma_wait3A_195 = tpu.memref_slice %arg7[%dma_wait3A_193, %dma_wait3A_194] : memref<2x80xi32, #tpu.memory_space<vmem>> -> memref<1x80xi32, #tpu.memory_space<vmem>>
    %dma_wait3A_196 = tpu.memref_squeeze %dma_wait3A_195 : memref<1x80xi32, #tpu.memory_space<vmem>> -> memref<80xi32, #tpu.memory_space<vmem>>
    %dma_wait3A_197 = arith.constant 0 : i32
    %dma_wait3A_198 = arith.constant 0 : i32
    %dma_wait3A_199 = tpu.memref_slice %arg2[%dma_wait3A_197, %dma_wait3A_198] : memref<10000x128xf32, #tpu.memory_space<hbm>> -> memref<10000x128xf32, #tpu.memory_space<hbm>>
    tpu.wait_indirect_dma semaphore(%arg19 : memref<!tpu.dma_semaphore, #tpu.memory_space<semaphore_mem>>) src(%dma_wait3A_199 : memref<10000x128xf32, #tpu.memory_space<hbm>>) dst(%arg11 : memref<80x128xf32, #tpu.memory_space<vmem>>)
    %dma_wait3A_200 = arith.constant 0 : i32
    %dma_wait3A_201 = arith.constant 0 : i32
    %dma_wait3A_202 = arith.constant 0 : i32
    %dma_wait3A_203 = tpu.memref_slice %arg3[%add3A, %dma_wait3A_200, %dma_wait3A_201, %dma_wait3A_202] : memref<32x125x2x80xi32, #tpu.memory_space<hbm>> -> memref<1x1x2x80xi32, #tpu.memory_space<hbm>>
    %dma_wait3A_204 = tpu.memref_squeeze %dma_wait3A_203 : memref<1x1x2x80xi32, #tpu.memory_space<hbm>> -> memref<2x80xi32, #tpu.memory_space<hbm>>
    %dma_wait3A_205 = arith.constant 0 : i32
    %dma_wait3A_206 = arith.constant 0 : i32
    %dma_wait3A_207 = tpu.memref_slice %arg3[%add3A, %dma_wait3A_200, %dma_wait3A_205, %dma_wait3A_206] : memref<32x125x2x80xi32, #tpu.memory_space<hbm>> -> memref<1x1x2x80xi32, #tpu.memory_space<hbm>>
    %dma_wait3A_208 = tpu.memref_squeeze %dma_wait3A_207 : memref<1x1x2x80xi32, #tpu.memory_space<hbm>> -> memref<2x80xi32, #tpu.memory_space<hbm>>
    tpu.wait_dma2 semaphore(%arg13 : memref<!tpu.dma_semaphore, #tpu.memory_space<semaphore_mem>>) src(%dma_wait3A_208 : memref<2x80xi32, #tpu.memory_space<hbm>>) dst(%arg7 : memref<2x80xi32, #tpu.memory_space<vmem>>)
    %dma_start3A_209 = arith.constant 0 : i32
    %dma_start3A_210 = arith.constant 0 : i32
    %dma_start3A_211 = tpu.memref_slice %arg7[%dma_start3A_209, %dma_start3A_210] : memref<2x80xi32, #tpu.memory_space<vmem>> -> memref<1x80xi32, #tpu.memory_space<vmem>>
    %dma_start3A_212 = tpu.memref_squeeze %dma_start3A_211 : memref<1x80xi32, #tpu.memory_space<vmem>> -> memref<80xi32, #tpu.memory_space<vmem>>
    %dma_start3A_213 = arith.constant 0 : i32
    %dma_start3A_214 = arith.constant 0 : i32
    %dma_start3A_215 = tpu.memref_slice %arg2[%dma_start3A_213, %dma_start3A_214] : memref<10000x128xf32, #tpu.memory_space<hbm>> -> memref<10000x128xf32, #tpu.memory_space<hbm>>
    tpu.enqueue_indirect_dma source(%dma_start3A_215 : memref<10000x128xf32, #tpu.memory_space<hbm>>) target(%arg11 : memref<80x128xf32, #tpu.memory_space<vmem>>) offsets(%dma_start3A_212 : memref<80xi32, #tpu.memory_space<vmem>>) semaphore(%arg17 : memref<!tpu.dma_semaphore, #tpu.memory_space<semaphore_mem>>)
    %dma_wait3A_216 = arith.constant 0 : i32
    %dma_wait3A_217 = arith.constant 0 : i32
    %dma_wait3A_218 = tpu.memref_slice %arg7[%dma_wait3A_216, %dma_wait3A_217] : memref<2x80xi32, #tpu.memory_space<vmem>> -> memref<1x80xi32, #tpu.memory_space<vmem>>
    %dma_wait3A_219 = tpu.memref_squeeze %dma_wait3A_218 : memref<1x80xi32, #tpu.memory_space<vmem>> -> memref<80xi32, #tpu.memory_space<vmem>>
    %dma_wait3A_220 = arith.constant 0 : i32
    %dma_wait3A_221 = arith.constant 0 : i32
    %dma_wait3A_222 = tpu.memref_slice %arg2[%dma_wait3A_220, %dma_wait3A_221] : memref<10000x128xf32, #tpu.memory_space<hbm>> -> memref<10000x128xf32, #tpu.memory_space<hbm>>
    tpu.wait_indirect_dma semaphore(%arg17 : memref<!tpu.dma_semaphore, #tpu.memory_space<semaphore_mem>>) src(%dma_wait3A_222 : memref<10000x128xf32, #tpu.memory_space<hbm>>) dst(%arg11 : memref<80x128xf32, #tpu.memory_space<vmem>>)
    %dma_start3A_223 = arith.constant 1 : i32
    %dma_start3A_224 = arith.constant 0 : i32
    %dma_start3A_225 = tpu.memref_slice %arg7[%dma_start3A_223, %dma_start3A_224] : memref<2x80xi32, #tpu.memory_space<vmem>> -> memref<1x80xi32, #tpu.memory_space<vmem>>
    %dma_start3A_226 = tpu.memref_squeeze %dma_start3A_225 : memref<1x80xi32, #tpu.memory_space<vmem>> -> memref<80xi32, #tpu.memory_space<vmem>>
    %dma_start3A_227 = arith.constant 0 : i32
    %dma_start3A_228 = arith.constant 0 : i32
    %dma_start3A_229 = tpu.memref_slice %arg6[%dma_start3A_227, %dma_start3A_228] : memref<10240x128xf32, #tpu.memory_space<vmem_shared>> -> memref<10240x128xf32, #tpu.memory_space<vmem_shared>>
    tpu.enqueue_indirect_dma source(%arg11 : memref<80x128xf32, #tpu.memory_space<vmem>>) target(%dma_start3A_229 : memref<10240x128xf32, #tpu.memory_space<vmem_shared>>) offsets(%dma_start3A_226 : memref<80xi32, #tpu.memory_space<vmem>>) semaphore(%arg19 : memref<!tpu.dma_semaphore, #tpu.memory_space<semaphore_mem>>) {add = true}
    %dma_wait3A_230 = arith.constant 0 : i32
    %dma_wait3A_231 = arith.constant 0 : i32
    %dma_wait3A_232 = tpu.memref_slice %arg7[%dma_wait3A_230, %dma_wait3A_231] : memref<2x80xi32, #tpu.memory_space<vmem>> -> memref<1x80xi32, #tpu.memory_space<vmem>>
    %dma_wait3A_233 = tpu.memref_squeeze %dma_wait3A_232 : memref<1x80xi32, #tpu.memory_space<vmem>> -> memref<80xi32, #tpu.memory_space<vmem>>
    %dma_wait3A_234 = arith.constant 0 : i32
    %dma_wait3A_235 = arith.constant 0 : i32
    %dma_wait3A_236 = tpu.memref_slice %arg2[%dma_wait3A_234, %dma_wait3A_235] : memref<10000x128xf32, #tpu.memory_space<hbm>> -> memref<10000x128xf32, #tpu.memory_space<hbm>>
    tpu.wait_indirect_dma semaphore(%arg20 : memref<!tpu.dma_semaphore, #tpu.memory_space<semaphore_mem>>) src(%dma_wait3A_236 : memref<10000x128xf32, #tpu.memory_space<hbm>>) dst(%arg12 : memref<80x128xf32, #tpu.memory_space<vmem>>)
    %dma_wait3A_237 = arith.constant 0 : i32
    %dma_wait3A_238 = arith.constant 0 : i32
    %dma_wait3A_239 = tpu.memref_slice %arg7[%dma_wait3A_237, %dma_wait3A_238] : memref<2x80xi32, #tpu.memory_space<vmem>> -> memref<1x80xi32, #tpu.memory_space<vmem>>
    %dma_wait3A_240 = tpu.memref_squeeze %dma_wait3A_239 : memref<1x80xi32, #tpu.memory_space<vmem>> -> memref<80xi32, #tpu.memory_space<vmem>>
    %dma_wait3A_241 = arith.constant 0 : i32
    %dma_wait3A_242 = arith.constant 0 : i32
    %dma_wait3A_243 = tpu.memref_slice %arg2[%dma_wait3A_241, %dma_wait3A_242] : memref<10000x128xf32, #tpu.memory_space<hbm>> -> memref<10000x128xf32, #tpu.memory_space<hbm>>
    tpu.wait_indirect_dma semaphore(%arg19 : memref<!tpu.dma_semaphore, #tpu.memory_space<semaphore_mem>>) src(%dma_wait3A_243 : memref<10000x128xf32, #tpu.memory_space<hbm>>) dst(%arg11 : memref<80x128xf32, #tpu.memory_space<vmem>>)
    %barrier3A_244 = arith.constant 0 : index
    tpu.barrier barrier_id(%barrier3A_244)
    "tpu.region"() ({
      %run_scoped3A = tpu.sem_alloc : memref<!tpu.dma_semaphore, #tpu.memory_space<semaphore_mem>>
      %dma_start3A_245 = arith.constant 0 : i32
      %dma_start3A_246 = tpu.memref_slice %arg5[%arg0, %mul3A_2, %dma_start3A_245] : memref<2x10240x128xf32, #tpu.memory_space<hbm>> -> memref<1x640x128xf32, #tpu.memory_space<hbm>>
      %dma_start3A_247 = tpu.memref_squeeze %dma_start3A_246 : memref<1x640x128xf32, #tpu.memory_space<hbm>> -> memref<640x128xf32, #tpu.memory_space<hbm>>
      %dma_start3A_248 = arith.constant 0 : i32
      %dma_start3A_249 = tpu.memref_slice %arg6[%mul3A_2, %dma_start3A_248] : memref<10240x128xf32, #tpu.memory_space<vmem_shared>> -> memref<640x128xf32, #tpu.memory_space<vmem_shared>>
      tpu.enqueue_dma source(%dma_start3A_249 : memref<640x128xf32, #tpu.memory_space<vmem_shared>>) target(%dma_start3A_247 : memref<640x128xf32, #tpu.memory_space<hbm>>) target_semaphore(%run_scoped3A : memref<!tpu.dma_semaphore, #tpu.memory_space<semaphore_mem>>)
      %dma_wait3A_250 = arith.constant 0 : i32
      %dma_wait3A_251 = tpu.memref_slice %arg5[%arg0, %mul3A_2, %dma_wait3A_250] : memref<2x10240x128xf32, #tpu.memory_space<hbm>> -> memref<1x640x128xf32, #tpu.memory_space<hbm>>
      %dma_wait3A_252 = tpu.memref_squeeze %dma_wait3A_251 : memref<1x640x128xf32, #tpu.memory_space<hbm>> -> memref<640x128xf32, #tpu.memory_space<hbm>>
      %dma_wait3A_253 = arith.constant 0 : i32
      %dma_wait3A_254 = tpu.memref_slice %arg6[%mul3A_2, %dma_wait3A_253] : memref<10240x128xf32, #tpu.memory_space<vmem_shared>> -> memref<640x128xf32, #tpu.memory_space<vmem_shared>>
      tpu.wait_dma2 semaphore(%run_scoped3A : memref<!tpu.dma_semaphore, #tpu.memory_space<semaphore_mem>>) src(%dma_wait3A_254 : memref<640x128xf32, #tpu.memory_space<vmem_shared>>) dst(%dma_wait3A_252 : memref<640x128xf32, #tpu.memory_space<hbm>>)
      tpu.yield
    }) : () -> ()
    return
  }
}

#map = affine_map<(d0, d1) -> (0, 0)>
#map1 = affine_map<(d0, d1) -> (0, 0, 0, 0)>
#map2 = affine_map<(d0, d1) -> (0, 0, 0)>
module attributes {stable_mosaic.version = 14 : i64} {
  func.func @_sc_agg_body(%arg0: i32, %arg1: i32, %arg2: memref<10000x128xf32, #tpu.memory_space<hbm>>, %arg3: memref<32x125x2x80xi32, #tpu.memory_space<hbm>>, %arg4: memref<10240x128xf32, #tpu.memory_space<hbm>>, %arg5: memref<2x10240x128xf32, #tpu.memory_space<hbm>>, %arg6: memref<10240x128xf32, #tpu.memory_space<vmem_shared>>, %arg7: memref<2x80xi32, #tpu.memory_space<vmem>>, %arg8: memref<2x80xi32, #tpu.memory_space<vmem>>, %arg9: memref<2x80xi32, #tpu.memory_space<vmem>>, %arg10: memref<2x80xi32, #tpu.memory_space<vmem>>, %arg11: memref<80x128xf32, #tpu.memory_space<vmem>>, %arg12: memref<80x128xf32, #tpu.memory_space<vmem>>, %arg13: memref<!tpu.dma_semaphore, #tpu.memory_space<semaphore_mem>>, %arg14: memref<!tpu.dma_semaphore, #tpu.memory_space<semaphore_mem>>, %arg15: memref<!tpu.dma_semaphore, #tpu.memory_space<semaphore_mem>>, %arg16: memref<!tpu.dma_semaphore, #tpu.memory_space<semaphore_mem>>, %arg17: memref<!tpu.dma_semaphore, #tpu.memory_space<semaphore_mem>>, %arg18: memref<!tpu.dma_semaphore, #tpu.memory_space<semaphore_mem>>, %arg19: memref<!tpu.dma_semaphore, #tpu.memory_space<semaphore_mem>>, %arg20: memref<!tpu.dma_semaphore, #tpu.memory_space<semaphore_mem>>, %arg21: memref<!tpu.dma_semaphore, #tpu.memory_space<semaphore_mem>>) attributes {dimension_semantics = [#tpu.dimension_semantics<core_parallel>, #tpu.dimension_semantics<subcore_parallel>], iteration_bounds = array<i64: 2, 16>, scalar_prefetch = 0 : i64, scratch_operands = 16 : i64, tpu.core_type = #tpu.core_type<sc_vector_subcore>, window_params = [{transform_indices = #map}, {transform_indices = #map1}, {transform_indices = #map}, {transform_indices = #map2}]} {
    %mul3A = arith.constant 2 : i32
    %mul3A_0 = arith.muli %arg1, %mul3A : i32
    %add3A = arith.addi %mul3A_0, %arg0 : i32
    %mul3A_1 = arith.constant 640 : i32
    %mul3A_2 = arith.muli %arg1, %mul3A_1 : i32
    %dma_start3A = arith.constant 0 : i32
    %dma_start3A_3 = tpu.memref_slice %arg6[%mul3A_2, %dma_start3A] : memref<10240x128xf32, #tpu.memory_space<vmem_shared>> -> memref<640x128xf32, #tpu.memory_space<vmem_shared>>
    %dma_start3A_4 = arith.constant 0 : i32
    %dma_start3A_5 = tpu.memref_slice %arg4[%mul3A_2, %dma_start3A_4] : memref<10240x128xf32, #tpu.memory_space<hbm>> -> memref<640x128xf32, #tpu.memory_space<hbm>>
    tpu.enqueue_dma source(%dma_start3A_5 : memref<640x128xf32, #tpu.memory_space<hbm>>) target(%dma_start3A_3 : memref<640x128xf32, #tpu.memory_space<vmem_shared>>) target_semaphore(%arg21 : memref<!tpu.dma_semaphore, #tpu.memory_space<semaphore_mem>>)
    %dma_start3A_6 = arith.constant 0 : i32
    %dma_start3A_7 = arith.constant 0 : i32
    %dma_start3A_8 = arith.constant 0 : i32
    %dma_start3A_9 = tpu.memref_slice %arg3[%add3A, %dma_start3A_6, %dma_start3A_7, %dma_start3A_8] : memref<32x125x2x80xi32, #tpu.memory_space<hbm>> -> memref<1x1x2x80xi32, #tpu.memory_space<hbm>>
    %dma_start3A_10 = tpu.memref_squeeze %dma_start3A_9 : memref<1x1x2x80xi32, #tpu.memory_space<hbm>> -> memref<2x80xi32, #tpu.memory_space<hbm>>
    %dma_start3A_11 = arith.constant 0 : i32
    %dma_start3A_12 = arith.constant 0 : i32
    %dma_start3A_13 = tpu.memref_slice %arg3[%add3A, %dma_start3A_6, %dma_start3A_11, %dma_start3A_12] : memref<32x125x2x80xi32, #tpu.memory_space<hbm>> -> memref<1x1x2x80xi32, #tpu.memory_space<hbm>>
    %dma_start3A_14 = tpu.memref_squeeze %dma_start3A_13 : memref<1x1x2x80xi32, #tpu.memory_space<hbm>> -> memref<2x80xi32, #tpu.memory_space<hbm>>
    tpu.enqueue_dma source(%dma_start3A_14 : memref<2x80xi32, #tpu.memory_space<hbm>>) target(%arg7 : memref<2x80xi32, #tpu.memory_space<vmem>>) target_semaphore(%arg13 : memref<!tpu.dma_semaphore, #tpu.memory_space<semaphore_mem>>)
    %dma_start3A_15 = arith.constant 1 : i32
    %dma_start3A_16 = arith.constant 0 : i32
    %dma_start3A_17 = arith.constant 0 : i32
    %dma_start3A_18 = tpu.memref_slice %arg3[%add3A, %dma_start3A_15, %dma_start3A_16, %dma_start3A_17] : memref<32x125x2x80xi32, #tpu.memory_space<hbm>> -> memref<1x1x2x80xi32, #tpu.memory_space<hbm>>
    %dma_start3A_19 = tpu.memref_squeeze %dma_start3A_18 : memref<1x1x2x80xi32, #tpu.memory_space<hbm>> -> memref<2x80xi32, #tpu.memory_space<hbm>>
    %dma_start3A_20 = arith.constant 0 : i32
    %dma_start3A_21 = arith.constant 0 : i32
    %dma_start3A_22 = tpu.memref_slice %arg3[%add3A, %dma_start3A_15, %dma_start3A_20, %dma_start3A_21] : memref<32x125x2x80xi32, #tpu.memory_space<hbm>> -> memref<1x1x2x80xi32, #tpu.memory_space<hbm>>
    %dma_start3A_23 = tpu.memref_squeeze %dma_start3A_22 : memref<1x1x2x80xi32, #tpu.memory_space<hbm>> -> memref<2x80xi32, #tpu.memory_space<hbm>>
    tpu.enqueue_dma source(%dma_start3A_23 : memref<2x80xi32, #tpu.memory_space<hbm>>) target(%arg8 : memref<2x80xi32, #tpu.memory_space<vmem>>) target_semaphore(%arg14 : memref<!tpu.dma_semaphore, #tpu.memory_space<semaphore_mem>>)
    %dma_start3A_24 = arith.constant 2 : i32
    %dma_start3A_25 = arith.constant 0 : i32
    %dma_start3A_26 = arith.constant 0 : i32
    %dma_start3A_27 = tpu.memref_slice %arg3[%add3A, %dma_start3A_24, %dma_start3A_25, %dma_start3A_26] : memref<32x125x2x80xi32, #tpu.memory_space<hbm>> -> memref<1x1x2x80xi32, #tpu.memory_space<hbm>>
    %dma_start3A_28 = tpu.memref_squeeze %dma_start3A_27 : memref<1x1x2x80xi32, #tpu.memory_space<hbm>> -> memref<2x80xi32, #tpu.memory_space<hbm>>
    %dma_start3A_29 = arith.constant 0 : i32
    %dma_start3A_30 = arith.constant 0 : i32
    %dma_start3A_31 = tpu.memref_slice %arg3[%add3A, %dma_start3A_24, %dma_start3A_29, %dma_start3A_30] : memref<32x125x2x80xi32, #tpu.memory_space<hbm>> -> memref<1x1x2x80xi32, #tpu.memory_space<hbm>>
    %dma_start3A_32 = tpu.memref_squeeze %dma_start3A_31 : memref<1x1x2x80xi32, #tpu.memory_space<hbm>> -> memref<2x80xi32, #tpu.memory_space<hbm>>
    tpu.enqueue_dma source(%dma_start3A_32 : memref<2x80xi32, #tpu.memory_space<hbm>>) target(%arg9 : memref<2x80xi32, #tpu.memory_space<vmem>>) target_semaphore(%arg15 : memref<!tpu.dma_semaphore, #tpu.memory_space<semaphore_mem>>)
    %dma_wait3A = arith.constant 0 : i32
    %dma_wait3A_33 = arith.constant 0 : i32
    %dma_wait3A_34 = arith.constant 0 : i32
    %dma_wait3A_35 = tpu.memref_slice %arg3[%add3A, %dma_wait3A, %dma_wait3A_33, %dma_wait3A_34] : memref<32x125x2x80xi32, #tpu.memory_space<hbm>> -> memref<1x1x2x80xi32, #tpu.memory_space<hbm>>
    %dma_wait3A_36 = tpu.memref_squeeze %dma_wait3A_35 : memref<1x1x2x80xi32, #tpu.memory_space<hbm>> -> memref<2x80xi32, #tpu.memory_space<hbm>>
    %dma_wait3A_37 = arith.constant 0 : i32
    %dma_wait3A_38 = arith.constant 0 : i32
    %dma_wait3A_39 = tpu.memref_slice %arg3[%add3A, %dma_wait3A, %dma_wait3A_37, %dma_wait3A_38] : memref<32x125x2x80xi32, #tpu.memory_space<hbm>> -> memref<1x1x2x80xi32, #tpu.memory_space<hbm>>
    %dma_wait3A_40 = tpu.memref_squeeze %dma_wait3A_39 : memref<1x1x2x80xi32, #tpu.memory_space<hbm>> -> memref<2x80xi32, #tpu.memory_space<hbm>>
    tpu.wait_dma2 semaphore(%arg13 : memref<!tpu.dma_semaphore, #tpu.memory_space<semaphore_mem>>) src(%dma_wait3A_40 : memref<2x80xi32, #tpu.memory_space<hbm>>) dst(%arg7 : memref<2x80xi32, #tpu.memory_space<vmem>>)
    %dma_start3A_41 = arith.constant 0 : i32
    %dma_start3A_42 = arith.constant 0 : i32
    %dma_start3A_43 = tpu.memref_slice %arg7[%dma_start3A_41, %dma_start3A_42] : memref<2x80xi32, #tpu.memory_space<vmem>> -> memref<1x80xi32, #tpu.memory_space<vmem>>
    %dma_start3A_44 = tpu.memref_squeeze %dma_start3A_43 : memref<1x80xi32, #tpu.memory_space<vmem>> -> memref<80xi32, #tpu.memory_space<vmem>>
    %dma_start3A_45 = arith.constant 0 : i32
    %dma_start3A_46 = arith.constant 0 : i32
    %dma_start3A_47 = tpu.memref_slice %arg2[%dma_start3A_45, %dma_start3A_46] : memref<10000x128xf32, #tpu.memory_space<hbm>> -> memref<10000x128xf32, #tpu.memory_space<hbm>>
    tpu.enqueue_indirect_dma source(%dma_start3A_47 : memref<10000x128xf32, #tpu.memory_space<hbm>>) target(%arg11 : memref<80x128xf32, #tpu.memory_space<vmem>>) offsets(%dma_start3A_44 : memref<80xi32, #tpu.memory_space<vmem>>) semaphore(%arg17 : memref<!tpu.dma_semaphore, #tpu.memory_space<semaphore_mem>>)
    %dma_wait3A_48 = arith.constant 0 : i32
    %dma_wait3A_49 = tpu.memref_slice %arg6[%mul3A_2, %dma_wait3A_48] : memref<10240x128xf32, #tpu.memory_space<vmem_shared>> -> memref<640x128xf32, #tpu.memory_space<vmem_shared>>
    %dma_wait3A_50 = arith.constant 0 : i32
    %dma_wait3A_51 = tpu.memref_slice %arg4[%mul3A_2, %dma_wait3A_50] : memref<10240x128xf32, #tpu.memory_space<hbm>> -> memref<640x128xf32, #tpu.memory_space<hbm>>
    tpu.wait_dma2 semaphore(%arg21 : memref<!tpu.dma_semaphore, #tpu.memory_space<semaphore_mem>>) src(%dma_wait3A_51 : memref<640x128xf32, #tpu.memory_space<hbm>>) dst(%dma_wait3A_49 : memref<640x128xf32, #tpu.memory_space<vmem_shared>>)
    %barrier3A = arith.constant 0 : index
    tpu.barrier barrier_id(%barrier3A)
    %dma_wait3A_52 = arith.constant 0 : i32
    %dma_wait3A_53 = arith.constant 0 : i32
    %dma_wait3A_54 = tpu.memref_slice %arg7[%dma_wait3A_52, %dma_wait3A_53] : memref<2x80xi32, #tpu.memory_space<vmem>> -> memref<1x80xi32, #tpu.memory_space<vmem>>
    %dma_wait3A_55 = tpu.memref_squeeze %dma_wait3A_54 : memref<1x80xi32, #tpu.memory_space<vmem>> -> memref<80xi32, #tpu.memory_space<vmem>>
    %dma_wait3A_56 = arith.constant 0 : i32
    %dma_wait3A_57 = arith.constant 0 : i32
    %dma_wait3A_58 = tpu.memref_slice %arg2[%dma_wait3A_56, %dma_wait3A_57] : memref<10000x128xf32, #tpu.memory_space<hbm>> -> memref<10000x128xf32, #tpu.memory_space<hbm>>
    tpu.wait_indirect_dma semaphore(%arg17 : memref<!tpu.dma_semaphore, #tpu.memory_space<semaphore_mem>>) src(%dma_wait3A_58 : memref<10000x128xf32, #tpu.memory_space<hbm>>) dst(%arg11 : memref<80x128xf32, #tpu.memory_space<vmem>>)
    %dma_start3A_59 = arith.constant 1 : i32
    %dma_start3A_60 = arith.constant 0 : i32
    %dma_start3A_61 = tpu.memref_slice %arg7[%dma_start3A_59, %dma_start3A_60] : memref<2x80xi32, #tpu.memory_space<vmem>> -> memref<1x80xi32, #tpu.memory_space<vmem>>
    %dma_start3A_62 = tpu.memref_squeeze %dma_start3A_61 : memref<1x80xi32, #tpu.memory_space<vmem>> -> memref<80xi32, #tpu.memory_space<vmem>>
    %dma_start3A_63 = arith.constant 0 : i32
    %dma_start3A_64 = arith.constant 0 : i32
    %dma_start3A_65 = tpu.memref_slice %arg6[%dma_start3A_63, %dma_start3A_64] : memref<10240x128xf32, #tpu.memory_space<vmem_shared>> -> memref<10240x128xf32, #tpu.memory_space<vmem_shared>>
    tpu.enqueue_indirect_dma source(%arg11 : memref<80x128xf32, #tpu.memory_space<vmem>>) target(%dma_start3A_65 : memref<10240x128xf32, #tpu.memory_space<vmem_shared>>) offsets(%dma_start3A_62 : memref<80xi32, #tpu.memory_space<vmem>>) semaphore(%arg19 : memref<!tpu.dma_semaphore, #tpu.memory_space<semaphore_mem>>) {add = true}
    %dma_wait3A_66 = arith.constant 0 : i32
    %dma_wait3A_67 = arith.constant 0 : i32
    %dma_wait3A_68 = arith.constant 0 : i32
    %dma_wait3A_69 = tpu.memref_slice %arg3[%add3A, %dma_wait3A_66, %dma_wait3A_67, %dma_wait3A_68] : memref<32x125x2x80xi32, #tpu.memory_space<hbm>> -> memref<1x1x2x80xi32, #tpu.memory_space<hbm>>
    %dma_wait3A_70 = tpu.memref_squeeze %dma_wait3A_69 : memref<1x1x2x80xi32, #tpu.memory_space<hbm>> -> memref<2x80xi32, #tpu.memory_space<hbm>>
    %dma_wait3A_71 = arith.constant 0 : i32
    %dma_wait3A_72 = arith.constant 0 : i32
    %dma_wait3A_73 = tpu.memref_slice %arg3[%add3A, %dma_wait3A_66, %dma_wait3A_71, %dma_wait3A_72] : memref<32x125x2x80xi32, #tpu.memory_space<hbm>> -> memref<1x1x2x80xi32, #tpu.memory_space<hbm>>
    %dma_wait3A_74 = tpu.memref_squeeze %dma_wait3A_73 : memref<1x1x2x80xi32, #tpu.memory_space<hbm>> -> memref<2x80xi32, #tpu.memory_space<hbm>>
    tpu.wait_dma2 semaphore(%arg14 : memref<!tpu.dma_semaphore, #tpu.memory_space<semaphore_mem>>) src(%dma_wait3A_74 : memref<2x80xi32, #tpu.memory_space<hbm>>) dst(%arg8 : memref<2x80xi32, #tpu.memory_space<vmem>>)
    %dma_start3A_75 = arith.constant 0 : i32
    %dma_start3A_76 = arith.constant 0 : i32
    %dma_start3A_77 = tpu.memref_slice %arg8[%dma_start3A_75, %dma_start3A_76] : memref<2x80xi32, #tpu.memory_space<vmem>> -> memref<1x80xi32, #tpu.memory_space<vmem>>
    %dma_start3A_78 = tpu.memref_squeeze %dma_start3A_77 : memref<1x80xi32, #tpu.memory_space<vmem>> -> memref<80xi32, #tpu.memory_space<vmem>>
    %dma_start3A_79 = arith.constant 0 : i32
    %dma_start3A_80 = arith.constant 0 : i32
    %dma_start3A_81 = tpu.memref_slice %arg2[%dma_start3A_79, %dma_start3A_80] : memref<10000x128xf32, #tpu.memory_space<hbm>> -> memref<10000x128xf32, #tpu.memory_space<hbm>>
    tpu.enqueue_indirect_dma source(%dma_start3A_81 : memref<10000x128xf32, #tpu.memory_space<hbm>>) target(%arg12 : memref<80x128xf32, #tpu.memory_space<vmem>>) offsets(%dma_start3A_78 : memref<80xi32, #tpu.memory_space<vmem>>) semaphore(%arg18 : memref<!tpu.dma_semaphore, #tpu.memory_space<semaphore_mem>>)
    %dma_start3A_82 = arith.constant 3 : i32
    %dma_start3A_83 = arith.constant 0 : i32
    %dma_start3A_84 = arith.constant 0 : i32
    %dma_start3A_85 = tpu.memref_slice %arg3[%add3A, %dma_start3A_82, %dma_start3A_83, %dma_start3A_84] : memref<32x125x2x80xi32, #tpu.memory_space<hbm>> -> memref<1x1x2x80xi32, #tpu.memory_space<hbm>>
    %dma_start3A_86 = tpu.memref_squeeze %dma_start3A_85 : memref<1x1x2x80xi32, #tpu.memory_space<hbm>> -> memref<2x80xi32, #tpu.memory_space<hbm>>
    %dma_start3A_87 = arith.constant 0 : i32
    %dma_start3A_88 = arith.constant 0 : i32
    %dma_start3A_89 = tpu.memref_slice %arg3[%add3A, %dma_start3A_82, %dma_start3A_87, %dma_start3A_88] : memref<32x125x2x80xi32, #tpu.memory_space<hbm>> -> memref<1x1x2x80xi32, #tpu.memory_space<hbm>>
    %dma_start3A_90 = tpu.memref_squeeze %dma_start3A_89 : memref<1x1x2x80xi32, #tpu.memory_space<hbm>> -> memref<2x80xi32, #tpu.memory_space<hbm>>
    tpu.enqueue_dma source(%dma_start3A_90 : memref<2x80xi32, #tpu.memory_space<hbm>>) target(%arg10 : memref<2x80xi32, #tpu.memory_space<vmem>>) target_semaphore(%arg16 : memref<!tpu.dma_semaphore, #tpu.memory_space<semaphore_mem>>)
    %scan3A = arith.constant 0 : i32
    %scan3A_91 = arith.constant 0 : i32
    %scan3A_92 = arith.constant 30 : i32
    %scan3A_93 = arith.addi %scan3A_91, %scan3A_92 : i32
    %scan3A_94 = arith.constant 1 : i32
    scf.for %scan3A_245 = %scan3A_91 to %scan3A_93 step %scan3A_94  : i32 {
      %mul3A_246 = arith.constant 4 : i32
      %mul3A_247 = arith.muli %mul3A_246, %scan3A_245 : i32
      %add3A_248 = arith.constant 1 : i32
      %add3A_249 = arith.addi %mul3A_247, %add3A_248 : i32
      %dma_wait3A_250 = arith.constant 0 : i32
      %dma_wait3A_251 = arith.constant 0 : i32
      %dma_wait3A_252 = tpu.memref_slice %arg7[%dma_wait3A_250, %dma_wait3A_251] : memref<2x80xi32, #tpu.memory_space<vmem>> -> memref<1x80xi32, #tpu.memory_space<vmem>>
      %dma_wait3A_253 = tpu.memref_squeeze %dma_wait3A_252 : memref<1x80xi32, #tpu.memory_space<vmem>> -> memref<80xi32, #tpu.memory_space<vmem>>
      %dma_wait3A_254 = arith.constant 0 : i32
      %dma_wait3A_255 = arith.constant 0 : i32
      %dma_wait3A_256 = tpu.memref_slice %arg2[%dma_wait3A_254, %dma_wait3A_255] : memref<10000x128xf32, #tpu.memory_space<hbm>> -> memref<10000x128xf32, #tpu.memory_space<hbm>>
      tpu.wait_indirect_dma semaphore(%arg18 : memref<!tpu.dma_semaphore, #tpu.memory_space<semaphore_mem>>) src(%dma_wait3A_256 : memref<10000x128xf32, #tpu.memory_space<hbm>>) dst(%arg12 : memref<80x128xf32, #tpu.memory_space<vmem>>)
      %dma_start3A_257 = arith.constant 1 : i32
      %dma_start3A_258 = arith.constant 0 : i32
      %dma_start3A_259 = tpu.memref_slice %arg8[%dma_start3A_257, %dma_start3A_258] : memref<2x80xi32, #tpu.memory_space<vmem>> -> memref<1x80xi32, #tpu.memory_space<vmem>>
      %dma_start3A_260 = tpu.memref_squeeze %dma_start3A_259 : memref<1x80xi32, #tpu.memory_space<vmem>> -> memref<80xi32, #tpu.memory_space<vmem>>
      %dma_start3A_261 = arith.constant 0 : i32
      %dma_start3A_262 = arith.constant 0 : i32
      %dma_start3A_263 = tpu.memref_slice %arg6[%dma_start3A_261, %dma_start3A_262] : memref<10240x128xf32, #tpu.memory_space<vmem_shared>> -> memref<10240x128xf32, #tpu.memory_space<vmem_shared>>
      tpu.enqueue_indirect_dma source(%arg12 : memref<80x128xf32, #tpu.memory_space<vmem>>) target(%dma_start3A_263 : memref<10240x128xf32, #tpu.memory_space<vmem_shared>>) offsets(%dma_start3A_260 : memref<80xi32, #tpu.memory_space<vmem>>) semaphore(%arg20 : memref<!tpu.dma_semaphore, #tpu.memory_space<semaphore_mem>>) {add = true}
      %dma_wait3A_264 = arith.constant 0 : i32
      %dma_wait3A_265 = arith.constant 0 : i32
      %dma_wait3A_266 = tpu.memref_slice %arg7[%dma_wait3A_264, %dma_wait3A_265] : memref<2x80xi32, #tpu.memory_space<vmem>> -> memref<1x80xi32, #tpu.memory_space<vmem>>
      %dma_wait3A_267 = tpu.memref_squeeze %dma_wait3A_266 : memref<1x80xi32, #tpu.memory_space<vmem>> -> memref<80xi32, #tpu.memory_space<vmem>>
      %dma_wait3A_268 = arith.constant 0 : i32
      %dma_wait3A_269 = arith.constant 0 : i32
      %dma_wait3A_270 = tpu.memref_slice %arg2[%dma_wait3A_268, %dma_wait3A_269] : memref<10000x128xf32, #tpu.memory_space<hbm>> -> memref<10000x128xf32, #tpu.memory_space<hbm>>
      tpu.wait_indirect_dma semaphore(%arg19 : memref<!tpu.dma_semaphore, #tpu.memory_space<semaphore_mem>>) src(%dma_wait3A_270 : memref<10000x128xf32, #tpu.memory_space<hbm>>) dst(%arg11 : memref<80x128xf32, #tpu.memory_space<vmem>>)
      %dma_wait3A_271 = arith.constant 0 : i32
      %dma_wait3A_272 = arith.constant 0 : i32
      %dma_wait3A_273 = arith.constant 0 : i32
      %dma_wait3A_274 = tpu.memref_slice %arg3[%add3A, %dma_wait3A_271, %dma_wait3A_272, %dma_wait3A_273] : memref<32x125x2x80xi32, #tpu.memory_space<hbm>> -> memref<1x1x2x80xi32, #tpu.memory_space<hbm>>
      %dma_wait3A_275 = tpu.memref_squeeze %dma_wait3A_274 : memref<1x1x2x80xi32, #tpu.memory_space<hbm>> -> memref<2x80xi32, #tpu.memory_space<hbm>>
      %dma_wait3A_276 = arith.constant 0 : i32
      %dma_wait3A_277 = arith.constant 0 : i32
      %dma_wait3A_278 = tpu.memref_slice %arg3[%add3A, %dma_wait3A_271, %dma_wait3A_276, %dma_wait3A_277] : memref<32x125x2x80xi32, #tpu.memory_space<hbm>> -> memref<1x1x2x80xi32, #tpu.memory_space<hbm>>
      %dma_wait3A_279 = tpu.memref_squeeze %dma_wait3A_278 : memref<1x1x2x80xi32, #tpu.memory_space<hbm>> -> memref<2x80xi32, #tpu.memory_space<hbm>>
      tpu.wait_dma2 semaphore(%arg15 : memref<!tpu.dma_semaphore, #tpu.memory_space<semaphore_mem>>) src(%dma_wait3A_279 : memref<2x80xi32, #tpu.memory_space<hbm>>) dst(%arg9 : memref<2x80xi32, #tpu.memory_space<vmem>>)
      %dma_start3A_280 = arith.constant 0 : i32
      %dma_start3A_281 = arith.constant 0 : i32
      %dma_start3A_282 = tpu.memref_slice %arg9[%dma_start3A_280, %dma_start3A_281] : memref<2x80xi32, #tpu.memory_space<vmem>> -> memref<1x80xi32, #tpu.memory_space<vmem>>
      %dma_start3A_283 = tpu.memref_squeeze %dma_start3A_282 : memref<1x80xi32, #tpu.memory_space<vmem>> -> memref<80xi32, #tpu.memory_space<vmem>>
      %dma_start3A_284 = arith.constant 0 : i32
      %dma_start3A_285 = arith.constant 0 : i32
      %dma_start3A_286 = tpu.memref_slice %arg2[%dma_start3A_284, %dma_start3A_285] : memref<10000x128xf32, #tpu.memory_space<hbm>> -> memref<10000x128xf32, #tpu.memory_space<hbm>>
      tpu.enqueue_indirect_dma source(%dma_start3A_286 : memref<10000x128xf32, #tpu.memory_space<hbm>>) target(%arg11 : memref<80x128xf32, #tpu.memory_space<vmem>>) offsets(%dma_start3A_283 : memref<80xi32, #tpu.memory_space<vmem>>) semaphore(%arg17 : memref<!tpu.dma_semaphore, #tpu.memory_space<semaphore_mem>>)
      %add3A_287 = arith.constant 3 : i32
      %add3A_288 = arith.addi %add3A_249, %add3A_287 : i32
      %dma_start3A_289 = arith.constant 0 : i32
      %dma_start3A_290 = arith.constant 0 : i32
      %dma_start3A_291 = tpu.memref_slice %arg3[%add3A, %add3A_288, %dma_start3A_289, %dma_start3A_290] : memref<32x125x2x80xi32, #tpu.memory_space<hbm>> -> memref<1x1x2x80xi32, #tpu.memory_space<hbm>>
      %dma_start3A_292 = tpu.memref_squeeze %dma_start3A_291 : memref<1x1x2x80xi32, #tpu.memory_space<hbm>> -> memref<2x80xi32, #tpu.memory_space<hbm>>
      %dma_start3A_293 = arith.constant 0 : i32
      %dma_start3A_294 = arith.constant 0 : i32
      %dma_start3A_295 = tpu.memref_slice %arg3[%add3A, %add3A_288, %dma_start3A_293, %dma_start3A_294] : memref<32x125x2x80xi32, #tpu.memory_space<hbm>> -> memref<1x1x2x80xi32, #tpu.memory_space<hbm>>
      %dma_start3A_296 = tpu.memref_squeeze %dma_start3A_295 : memref<1x1x2x80xi32, #tpu.memory_space<hbm>> -> memref<2x80xi32, #tpu.memory_space<hbm>>
      tpu.enqueue_dma source(%dma_start3A_296 : memref<2x80xi32, #tpu.memory_space<hbm>>) target(%arg7 : memref<2x80xi32, #tpu.memory_space<vmem>>) target_semaphore(%arg13 : memref<!tpu.dma_semaphore, #tpu.memory_space<semaphore_mem>>)
      %add3A_297 = arith.constant 1 : i32
      %add3A_298 = arith.addi %add3A_249, %add3A_297 : i32
      %dma_wait3A_299 = arith.constant 0 : i32
      %dma_wait3A_300 = arith.constant 0 : i32
      %dma_wait3A_301 = tpu.memref_slice %arg7[%dma_wait3A_299, %dma_wait3A_300] : memref<2x80xi32, #tpu.memory_space<vmem>> -> memref<1x80xi32, #tpu.memory_space<vmem>>
      %dma_wait3A_302 = tpu.memref_squeeze %dma_wait3A_301 : memref<1x80xi32, #tpu.memory_space<vmem>> -> memref<80xi32, #tpu.memory_space<vmem>>
      %dma_wait3A_303 = arith.constant 0 : i32
      %dma_wait3A_304 = arith.constant 0 : i32
      %dma_wait3A_305 = tpu.memref_slice %arg2[%dma_wait3A_303, %dma_wait3A_304] : memref<10000x128xf32, #tpu.memory_space<hbm>> -> memref<10000x128xf32, #tpu.memory_space<hbm>>
      tpu.wait_indirect_dma semaphore(%arg17 : memref<!tpu.dma_semaphore, #tpu.memory_space<semaphore_mem>>) src(%dma_wait3A_305 : memref<10000x128xf32, #tpu.memory_space<hbm>>) dst(%arg11 : memref<80x128xf32, #tpu.memory_space<vmem>>)
      %dma_start3A_306 = arith.constant 1 : i32
      %dma_start3A_307 = arith.constant 0 : i32
      %dma_start3A_308 = tpu.memref_slice %arg9[%dma_start3A_306, %dma_start3A_307] : memref<2x80xi32, #tpu.memory_space<vmem>> -> memref<1x80xi32, #tpu.memory_space<vmem>>
      %dma_start3A_309 = tpu.memref_squeeze %dma_start3A_308 : memref<1x80xi32, #tpu.memory_space<vmem>> -> memref<80xi32, #tpu.memory_space<vmem>>
      %dma_start3A_310 = arith.constant 0 : i32
      %dma_start3A_311 = arith.constant 0 : i32
      %dma_start3A_312 = tpu.memref_slice %arg6[%dma_start3A_310, %dma_start3A_311] : memref<10240x128xf32, #tpu.memory_space<vmem_shared>> -> memref<10240x128xf32, #tpu.memory_space<vmem_shared>>
      tpu.enqueue_indirect_dma source(%arg11 : memref<80x128xf32, #tpu.memory_space<vmem>>) target(%dma_start3A_312 : memref<10240x128xf32, #tpu.memory_space<vmem_shared>>) offsets(%dma_start3A_309 : memref<80xi32, #tpu.memory_space<vmem>>) semaphore(%arg19 : memref<!tpu.dma_semaphore, #tpu.memory_space<semaphore_mem>>) {add = true}
      %dma_wait3A_313 = arith.constant 0 : i32
      %dma_wait3A_314 = arith.constant 0 : i32
      %dma_wait3A_315 = tpu.memref_slice %arg7[%dma_wait3A_313, %dma_wait3A_314] : memref<2x80xi32, #tpu.memory_space<vmem>> -> memref<1x80xi32, #tpu.memory_space<vmem>>
      %dma_wait3A_316 = tpu.memref_squeeze %dma_wait3A_315 : memref<1x80xi32, #tpu.memory_space<vmem>> -> memref<80xi32, #tpu.memory_space<vmem>>
      %dma_wait3A_317 = arith.constant 0 : i32
      %dma_wait3A_318 = arith.constant 0 : i32
      %dma_wait3A_319 = tpu.memref_slice %arg2[%dma_wait3A_317, %dma_wait3A_318] : memref<10000x128xf32, #tpu.memory_space<hbm>> -> memref<10000x128xf32, #tpu.memory_space<hbm>>
      tpu.wait_indirect_dma semaphore(%arg20 : memref<!tpu.dma_semaphore, #tpu.memory_space<semaphore_mem>>) src(%dma_wait3A_319 : memref<10000x128xf32, #tpu.memory_space<hbm>>) dst(%arg12 : memref<80x128xf32, #tpu.memory_space<vmem>>)
      %dma_wait3A_320 = arith.constant 0 : i32
      %dma_wait3A_321 = arith.constant 0 : i32
      %dma_wait3A_322 = arith.constant 0 : i32
      %dma_wait3A_323 = tpu.memref_slice %arg3[%add3A, %dma_wait3A_320, %dma_wait3A_321, %dma_wait3A_322] : memref<32x125x2x80xi32, #tpu.memory_space<hbm>> -> memref<1x1x2x80xi32, #tpu.memory_space<hbm>>
      %dma_wait3A_324 = tpu.memref_squeeze %dma_wait3A_323 : memref<1x1x2x80xi32, #tpu.memory_space<hbm>> -> memref<2x80xi32, #tpu.memory_space<hbm>>
      %dma_wait3A_325 = arith.constant 0 : i32
      %dma_wait3A_326 = arith.constant 0 : i32
      %dma_wait3A_327 = tpu.memref_slice %arg3[%add3A, %dma_wait3A_320, %dma_wait3A_325, %dma_wait3A_326] : memref<32x125x2x80xi32, #tpu.memory_space<hbm>> -> memref<1x1x2x80xi32, #tpu.memory_space<hbm>>
      %dma_wait3A_328 = tpu.memref_squeeze %dma_wait3A_327 : memref<1x1x2x80xi32, #tpu.memory_space<hbm>> -> memref<2x80xi32, #tpu.memory_space<hbm>>
      tpu.wait_dma2 semaphore(%arg16 : memref<!tpu.dma_semaphore, #tpu.memory_space<semaphore_mem>>) src(%dma_wait3A_328 : memref<2x80xi32, #tpu.memory_space<hbm>>) dst(%arg10 : memref<2x80xi32, #tpu.memory_space<vmem>>)
      %dma_start3A_329 = arith.constant 0 : i32
      %dma_start3A_330 = arith.constant 0 : i32
      %dma_start3A_331 = tpu.memref_slice %arg10[%dma_start3A_329, %dma_start3A_330] : memref<2x80xi32, #tpu.memory_space<vmem>> -> memref<1x80xi32, #tpu.memory_space<vmem>>
      %dma_start3A_332 = tpu.memref_squeeze %dma_start3A_331 : memref<1x80xi32, #tpu.memory_space<vmem>> -> memref<80xi32, #tpu.memory_space<vmem>>
      %dma_start3A_333 = arith.constant 0 : i32
      %dma_start3A_334 = arith.constant 0 : i32
      %dma_start3A_335 = tpu.memref_slice %arg2[%dma_start3A_333, %dma_start3A_334] : memref<10000x128xf32, #tpu.memory_space<hbm>> -> memref<10000x128xf32, #tpu.memory_space<hbm>>
      tpu.enqueue_indirect_dma source(%dma_start3A_335 : memref<10000x128xf32, #tpu.memory_space<hbm>>) target(%arg12 : memref<80x128xf32, #tpu.memory_space<vmem>>) offsets(%dma_start3A_332 : memref<80xi32, #tpu.memory_space<vmem>>) semaphore(%arg18 : memref<!tpu.dma_semaphore, #tpu.memory_space<semaphore_mem>>)
      %add3A_336 = arith.constant 3 : i32
      %add3A_337 = arith.addi %add3A_298, %add3A_336 : i32
      %dma_start3A_338 = arith.constant 0 : i32
      %dma_start3A_339 = arith.constant 0 : i32
      %dma_start3A_340 = tpu.memref_slice %arg3[%add3A, %add3A_337, %dma_start3A_338, %dma_start3A_339] : memref<32x125x2x80xi32, #tpu.memory_space<hbm>> -> memref<1x1x2x80xi32, #tpu.memory_space<hbm>>
      %dma_start3A_341 = tpu.memref_squeeze %dma_start3A_340 : memref<1x1x2x80xi32, #tpu.memory_space<hbm>> -> memref<2x80xi32, #tpu.memory_space<hbm>>
      %dma_start3A_342 = arith.constant 0 : i32
      %dma_start3A_343 = arith.constant 0 : i32
      %dma_start3A_344 = tpu.memref_slice %arg3[%add3A, %add3A_337, %dma_start3A_342, %dma_start3A_343] : memref<32x125x2x80xi32, #tpu.memory_space<hbm>> -> memref<1x1x2x80xi32, #tpu.memory_space<hbm>>
      %dma_start3A_345 = tpu.memref_squeeze %dma_start3A_344 : memref<1x1x2x80xi32, #tpu.memory_space<hbm>> -> memref<2x80xi32, #tpu.memory_space<hbm>>
      tpu.enqueue_dma source(%dma_start3A_345 : memref<2x80xi32, #tpu.memory_space<hbm>>) target(%arg8 : memref<2x80xi32, #tpu.memory_space<vmem>>) target_semaphore(%arg14 : memref<!tpu.dma_semaphore, #tpu.memory_space<semaphore_mem>>)
      %add3A_346 = arith.constant 2 : i32
      %add3A_347 = arith.addi %add3A_249, %add3A_346 : i32
      %dma_wait3A_348 = arith.constant 0 : i32
      %dma_wait3A_349 = arith.constant 0 : i32
      %dma_wait3A_350 = tpu.memref_slice %arg7[%dma_wait3A_348, %dma_wait3A_349] : memref<2x80xi32, #tpu.memory_space<vmem>> -> memref<1x80xi32, #tpu.memory_space<vmem>>
      %dma_wait3A_351 = tpu.memref_squeeze %dma_wait3A_350 : memref<1x80xi32, #tpu.memory_space<vmem>> -> memref<80xi32, #tpu.memory_space<vmem>>
      %dma_wait3A_352 = arith.constant 0 : i32
      %dma_wait3A_353 = arith.constant 0 : i32
      %dma_wait3A_354 = tpu.memref_slice %arg2[%dma_wait3A_352, %dma_wait3A_353] : memref<10000x128xf32, #tpu.memory_space<hbm>> -> memref<10000x128xf32, #tpu.memory_space<hbm>>
      tpu.wait_indirect_dma semaphore(%arg18 : memref<!tpu.dma_semaphore, #tpu.memory_space<semaphore_mem>>) src(%dma_wait3A_354 : memref<10000x128xf32, #tpu.memory_space<hbm>>) dst(%arg12 : memref<80x128xf32, #tpu.memory_space<vmem>>)
      %dma_start3A_355 = arith.constant 1 : i32
      %dma_start3A_356 = arith.constant 0 : i32
      %dma_start3A_357 = tpu.memref_slice %arg10[%dma_start3A_355, %dma_start3A_356] : memref<2x80xi32, #tpu.memory_space<vmem>> -> memref<1x80xi32, #tpu.memory_space<vmem>>
      %dma_start3A_358 = tpu.memref_squeeze %dma_start3A_357 : memref<1x80xi32, #tpu.memory_space<vmem>> -> memref<80xi32, #tpu.memory_space<vmem>>
      %dma_start3A_359 = arith.constant 0 : i32
      %dma_start3A_360 = arith.constant 0 : i32
      %dma_start3A_361 = tpu.memref_slice %arg6[%dma_start3A_359, %dma_start3A_360] : memref<10240x128xf32, #tpu.memory_space<vmem_shared>> -> memref<10240x128xf32, #tpu.memory_space<vmem_shared>>
      tpu.enqueue_indirect_dma source(%arg12 : memref<80x128xf32, #tpu.memory_space<vmem>>) target(%dma_start3A_361 : memref<10240x128xf32, #tpu.memory_space<vmem_shared>>) offsets(%dma_start3A_358 : memref<80xi32, #tpu.memory_space<vmem>>) semaphore(%arg20 : memref<!tpu.dma_semaphore, #tpu.memory_space<semaphore_mem>>) {add = true}
      %dma_wait3A_362 = arith.constant 0 : i32
      %dma_wait3A_363 = arith.constant 0 : i32
      %dma_wait3A_364 = tpu.memref_slice %arg7[%dma_wait3A_362, %dma_wait3A_363] : memref<2x80xi32, #tpu.memory_space<vmem>> -> memref<1x80xi32, #tpu.memory_space<vmem>>
      %dma_wait3A_365 = tpu.memref_squeeze %dma_wait3A_364 : memref<1x80xi32, #tpu.memory_space<vmem>> -> memref<80xi32, #tpu.memory_space<vmem>>
      %dma_wait3A_366 = arith.constant 0 : i32
      %dma_wait3A_367 = arith.constant 0 : i32
      %dma_wait3A_368 = tpu.memref_slice %arg2[%dma_wait3A_366, %dma_wait3A_367] : memref<10000x128xf32, #tpu.memory_space<hbm>> -> memref<10000x128xf32, #tpu.memory_space<hbm>>
      tpu.wait_indirect_dma semaphore(%arg19 : memref<!tpu.dma_semaphore, #tpu.memory_space<semaphore_mem>>) src(%dma_wait3A_368 : memref<10000x128xf32, #tpu.memory_space<hbm>>) dst(%arg11 : memref<80x128xf32, #tpu.memory_space<vmem>>)
      %dma_wait3A_369 = arith.constant 0 : i32
      %dma_wait3A_370 = arith.constant 0 : i32
      %dma_wait3A_371 = arith.constant 0 : i32
      %dma_wait3A_372 = tpu.memref_slice %arg3[%add3A, %dma_wait3A_369, %dma_wait3A_370, %dma_wait3A_371] : memref<32x125x2x80xi32, #tpu.memory_space<hbm>> -> memref<1x1x2x80xi32, #tpu.memory_space<hbm>>
      %dma_wait3A_373 = tpu.memref_squeeze %dma_wait3A_372 : memref<1x1x2x80xi32, #tpu.memory_space<hbm>> -> memref<2x80xi32, #tpu.memory_space<hbm>>
      %dma_wait3A_374 = arith.constant 0 : i32
      %dma_wait3A_375 = arith.constant 0 : i32
      %dma_wait3A_376 = tpu.memref_slice %arg3[%add3A, %dma_wait3A_369, %dma_wait3A_374, %dma_wait3A_375] : memref<32x125x2x80xi32, #tpu.memory_space<hbm>> -> memref<1x1x2x80xi32, #tpu.memory_space<hbm>>
      %dma_wait3A_377 = tpu.memref_squeeze %dma_wait3A_376 : memref<1x1x2x80xi32, #tpu.memory_space<hbm>> -> memref<2x80xi32, #tpu.memory_space<hbm>>
      tpu.wait_dma2 semaphore(%arg13 : memref<!tpu.dma_semaphore, #tpu.memory_space<semaphore_mem>>) src(%dma_wait3A_377 : memref<2x80xi32, #tpu.memory_space<hbm>>) dst(%arg7 : memref<2x80xi32, #tpu.memory_space<vmem>>)
      %dma_start3A_378 = arith.constant 0 : i32
      %dma_start3A_379 = arith.constant 0 : i32
      %dma_start3A_380 = tpu.memref_slice %arg7[%dma_start3A_378, %dma_start3A_379] : memref<2x80xi32, #tpu.memory_space<vmem>> -> memref<1x80xi32, #tpu.memory_space<vmem>>
      %dma_start3A_381 = tpu.memref_squeeze %dma_start3A_380 : memref<1x80xi32, #tpu.memory_space<vmem>> -> memref<80xi32, #tpu.memory_space<vmem>>
      %dma_start3A_382 = arith.constant 0 : i32
      %dma_start3A_383 = arith.constant 0 : i32
      %dma_start3A_384 = tpu.memref_slice %arg2[%dma_start3A_382, %dma_start3A_383] : memref<10000x128xf32, #tpu.memory_space<hbm>> -> memref<10000x128xf32, #tpu.memory_space<hbm>>
      tpu.enqueue_indirect_dma source(%dma_start3A_384 : memref<10000x128xf32, #tpu.memory_space<hbm>>) target(%arg11 : memref<80x128xf32, #tpu.memory_space<vmem>>) offsets(%dma_start3A_381 : memref<80xi32, #tpu.memory_space<vmem>>) semaphore(%arg17 : memref<!tpu.dma_semaphore, #tpu.memory_space<semaphore_mem>>)
      %add3A_385 = arith.constant 3 : i32
      %add3A_386 = arith.addi %add3A_347, %add3A_385 : i32
      %dma_start3A_387 = arith.constant 0 : i32
      %dma_start3A_388 = arith.constant 0 : i32
      %dma_start3A_389 = tpu.memref_slice %arg3[%add3A, %add3A_386, %dma_start3A_387, %dma_start3A_388] : memref<32x125x2x80xi32, #tpu.memory_space<hbm>> -> memref<1x1x2x80xi32, #tpu.memory_space<hbm>>
      %dma_start3A_390 = tpu.memref_squeeze %dma_start3A_389 : memref<1x1x2x80xi32, #tpu.memory_space<hbm>> -> memref<2x80xi32, #tpu.memory_space<hbm>>
      %dma_start3A_391 = arith.constant 0 : i32
      %dma_start3A_392 = arith.constant 0 : i32
      %dma_start3A_393 = tpu.memref_slice %arg3[%add3A, %add3A_386, %dma_start3A_391, %dma_start3A_392] : memref<32x125x2x80xi32, #tpu.memory_space<hbm>> -> memref<1x1x2x80xi32, #tpu.memory_space<hbm>>
      %dma_start3A_394 = tpu.memref_squeeze %dma_start3A_393 : memref<1x1x2x80xi32, #tpu.memory_space<hbm>> -> memref<2x80xi32, #tpu.memory_space<hbm>>
      tpu.enqueue_dma source(%dma_start3A_394 : memref<2x80xi32, #tpu.memory_space<hbm>>) target(%arg9 : memref<2x80xi32, #tpu.memory_space<vmem>>) target_semaphore(%arg15 : memref<!tpu.dma_semaphore, #tpu.memory_space<semaphore_mem>>)
      %add3A_395 = arith.constant 3 : i32
      %add3A_396 = arith.addi %add3A_249, %add3A_395 : i32
      %dma_wait3A_397 = arith.constant 0 : i32
      %dma_wait3A_398 = arith.constant 0 : i32
      %dma_wait3A_399 = tpu.memref_slice %arg7[%dma_wait3A_397, %dma_wait3A_398] : memref<2x80xi32, #tpu.memory_space<vmem>> -> memref<1x80xi32, #tpu.memory_space<vmem>>
      %dma_wait3A_400 = tpu.memref_squeeze %dma_wait3A_399 : memref<1x80xi32, #tpu.memory_space<vmem>> -> memref<80xi32, #tpu.memory_space<vmem>>
      %dma_wait3A_401 = arith.constant 0 : i32
      %dma_wait3A_402 = arith.constant 0 : i32
      %dma_wait3A_403 = tpu.memref_slice %arg2[%dma_wait3A_401, %dma_wait3A_402] : memref<10000x128xf32, #tpu.memory_space<hbm>> -> memref<10000x128xf32, #tpu.memory_space<hbm>>
      tpu.wait_indirect_dma semaphore(%arg17 : memref<!tpu.dma_semaphore, #tpu.memory_space<semaphore_mem>>) src(%dma_wait3A_403 : memref<10000x128xf32, #tpu.memory_space<hbm>>) dst(%arg11 : memref<80x128xf32, #tpu.memory_space<vmem>>)
      %dma_start3A_404 = arith.constant 1 : i32
      %dma_start3A_405 = arith.constant 0 : i32
      %dma_start3A_406 = tpu.memref_slice %arg7[%dma_start3A_404, %dma_start3A_405] : memref<2x80xi32, #tpu.memory_space<vmem>> -> memref<1x80xi32, #tpu.memory_space<vmem>>
      %dma_start3A_407 = tpu.memref_squeeze %dma_start3A_406 : memref<1x80xi32, #tpu.memory_space<vmem>> -> memref<80xi32, #tpu.memory_space<vmem>>
      %dma_start3A_408 = arith.constant 0 : i32
      %dma_start3A_409 = arith.constant 0 : i32
      %dma_start3A_410 = tpu.memref_slice %arg6[%dma_start3A_408, %dma_start3A_409] : memref<10240x128xf32, #tpu.memory_space<vmem_shared>> -> memref<10240x128xf32, #tpu.memory_space<vmem_shared>>
      tpu.enqueue_indirect_dma source(%arg11 : memref<80x128xf32, #tpu.memory_space<vmem>>) target(%dma_start3A_410 : memref<10240x128xf32, #tpu.memory_space<vmem_shared>>) offsets(%dma_start3A_407 : memref<80xi32, #tpu.memory_space<vmem>>) semaphore(%arg19 : memref<!tpu.dma_semaphore, #tpu.memory_space<semaphore_mem>>) {add = true}
      %dma_wait3A_411 = arith.constant 0 : i32
      %dma_wait3A_412 = arith.constant 0 : i32
      %dma_wait3A_413 = tpu.memref_slice %arg7[%dma_wait3A_411, %dma_wait3A_412] : memref<2x80xi32, #tpu.memory_space<vmem>> -> memref<1x80xi32, #tpu.memory_space<vmem>>
      %dma_wait3A_414 = tpu.memref_squeeze %dma_wait3A_413 : memref<1x80xi32, #tpu.memory_space<vmem>> -> memref<80xi32, #tpu.memory_space<vmem>>
      %dma_wait3A_415 = arith.constant 0 : i32
      %dma_wait3A_416 = arith.constant 0 : i32
      %dma_wait3A_417 = tpu.memref_slice %arg2[%dma_wait3A_415, %dma_wait3A_416] : memref<10000x128xf32, #tpu.memory_space<hbm>> -> memref<10000x128xf32, #tpu.memory_space<hbm>>
      tpu.wait_indirect_dma semaphore(%arg20 : memref<!tpu.dma_semaphore, #tpu.memory_space<semaphore_mem>>) src(%dma_wait3A_417 : memref<10000x128xf32, #tpu.memory_space<hbm>>) dst(%arg12 : memref<80x128xf32, #tpu.memory_space<vmem>>)
      %dma_wait3A_418 = arith.constant 0 : i32
      %dma_wait3A_419 = arith.constant 0 : i32
      %dma_wait3A_420 = arith.constant 0 : i32
      %dma_wait3A_421 = tpu.memref_slice %arg3[%add3A, %dma_wait3A_418, %dma_wait3A_419, %dma_wait3A_420] : memref<32x125x2x80xi32, #tpu.memory_space<hbm>> -> memref<1x1x2x80xi32, #tpu.memory_space<hbm>>
      %dma_wait3A_422 = tpu.memref_squeeze %dma_wait3A_421 : memref<1x1x2x80xi32, #tpu.memory_space<hbm>> -> memref<2x80xi32, #tpu.memory_space<hbm>>
      %dma_wait3A_423 = arith.constant 0 : i32
      %dma_wait3A_424 = arith.constant 0 : i32
      %dma_wait3A_425 = tpu.memref_slice %arg3[%add3A, %dma_wait3A_418, %dma_wait3A_423, %dma_wait3A_424] : memref<32x125x2x80xi32, #tpu.memory_space<hbm>> -> memref<1x1x2x80xi32, #tpu.memory_space<hbm>>
      %dma_wait3A_426 = tpu.memref_squeeze %dma_wait3A_425 : memref<1x1x2x80xi32, #tpu.memory_space<hbm>> -> memref<2x80xi32, #tpu.memory_space<hbm>>
      tpu.wait_dma2 semaphore(%arg14 : memref<!tpu.dma_semaphore, #tpu.memory_space<semaphore_mem>>) src(%dma_wait3A_426 : memref<2x80xi32, #tpu.memory_space<hbm>>) dst(%arg8 : memref<2x80xi32, #tpu.memory_space<vmem>>)
      %dma_start3A_427 = arith.constant 0 : i32
      %dma_start3A_428 = arith.constant 0 : i32
      %dma_start3A_429 = tpu.memref_slice %arg8[%dma_start3A_427, %dma_start3A_428] : memref<2x80xi32, #tpu.memory_space<vmem>> -> memref<1x80xi32, #tpu.memory_space<vmem>>
      %dma_start3A_430 = tpu.memref_squeeze %dma_start3A_429 : memref<1x80xi32, #tpu.memory_space<vmem>> -> memref<80xi32, #tpu.memory_space<vmem>>
      %dma_start3A_431 = arith.constant 0 : i32
      %dma_start3A_432 = arith.constant 0 : i32
      %dma_start3A_433 = tpu.memref_slice %arg2[%dma_start3A_431, %dma_start3A_432] : memref<10000x128xf32, #tpu.memory_space<hbm>> -> memref<10000x128xf32, #tpu.memory_space<hbm>>
      tpu.enqueue_indirect_dma source(%dma_start3A_433 : memref<10000x128xf32, #tpu.memory_space<hbm>>) target(%arg12 : memref<80x128xf32, #tpu.memory_space<vmem>>) offsets(%dma_start3A_430 : memref<80xi32, #tpu.memory_space<vmem>>) semaphore(%arg18 : memref<!tpu.dma_semaphore, #tpu.memory_space<semaphore_mem>>)
      %add3A_434 = arith.constant 3 : i32
      %add3A_435 = arith.addi %add3A_396, %add3A_434 : i32
      %dma_start3A_436 = arith.constant 0 : i32
      %dma_start3A_437 = arith.constant 0 : i32
      %dma_start3A_438 = tpu.memref_slice %arg3[%add3A, %add3A_435, %dma_start3A_436, %dma_start3A_437] : memref<32x125x2x80xi32, #tpu.memory_space<hbm>> -> memref<1x1x2x80xi32, #tpu.memory_space<hbm>>
      %dma_start3A_439 = tpu.memref_squeeze %dma_start3A_438 : memref<1x1x2x80xi32, #tpu.memory_space<hbm>> -> memref<2x80xi32, #tpu.memory_space<hbm>>
      %dma_start3A_440 = arith.constant 0 : i32
      %dma_start3A_441 = arith.constant 0 : i32
      %dma_start3A_442 = tpu.memref_slice %arg3[%add3A, %add3A_435, %dma_start3A_440, %dma_start3A_441] : memref<32x125x2x80xi32, #tpu.memory_space<hbm>> -> memref<1x1x2x80xi32, #tpu.memory_space<hbm>>
      %dma_start3A_443 = tpu.memref_squeeze %dma_start3A_442 : memref<1x1x2x80xi32, #tpu.memory_space<hbm>> -> memref<2x80xi32, #tpu.memory_space<hbm>>
      tpu.enqueue_dma source(%dma_start3A_443 : memref<2x80xi32, #tpu.memory_space<hbm>>) target(%arg10 : memref<2x80xi32, #tpu.memory_space<vmem>>) target_semaphore(%arg16 : memref<!tpu.dma_semaphore, #tpu.memory_space<semaphore_mem>>)
    }
    %scan3A_95 = arith.constant 30 : i32
    %dma_wait3A_96 = arith.constant 0 : i32
    %dma_wait3A_97 = arith.constant 0 : i32
    %dma_wait3A_98 = tpu.memref_slice %arg7[%dma_wait3A_96, %dma_wait3A_97] : memref<2x80xi32, #tpu.memory_space<vmem>> -> memref<1x80xi32, #tpu.memory_space<vmem>>
    %dma_wait3A_99 = tpu.memref_squeeze %dma_wait3A_98 : memref<1x80xi32, #tpu.memory_space<vmem>> -> memref<80xi32, #tpu.memory_space<vmem>>
    %dma_wait3A_100 = arith.constant 0 : i32
    %dma_wait3A_101 = arith.constant 0 : i32
    %dma_wait3A_102 = tpu.memref_slice %arg2[%dma_wait3A_100, %dma_wait3A_101] : memref<10000x128xf32, #tpu.memory_space<hbm>> -> memref<10000x128xf32, #tpu.memory_space<hbm>>
    tpu.wait_indirect_dma semaphore(%arg18 : memref<!tpu.dma_semaphore, #tpu.memory_space<semaphore_mem>>) src(%dma_wait3A_102 : memref<10000x128xf32, #tpu.memory_space<hbm>>) dst(%arg12 : memref<80x128xf32, #tpu.memory_space<vmem>>)
    %dma_start3A_103 = arith.constant 1 : i32
    %dma_start3A_104 = arith.constant 0 : i32
    %dma_start3A_105 = tpu.memref_slice %arg8[%dma_start3A_103, %dma_start3A_104] : memref<2x80xi32, #tpu.memory_space<vmem>> -> memref<1x80xi32, #tpu.memory_space<vmem>>
    %dma_start3A_106 = tpu.memref_squeeze %dma_start3A_105 : memref<1x80xi32, #tpu.memory_space<vmem>> -> memref<80xi32, #tpu.memory_space<vmem>>
    %dma_start3A_107 = arith.constant 0 : i32
    %dma_start3A_108 = arith.constant 0 : i32
    %dma_start3A_109 = tpu.memref_slice %arg6[%dma_start3A_107, %dma_start3A_108] : memref<10240x128xf32, #tpu.memory_space<vmem_shared>> -> memref<10240x128xf32, #tpu.memory_space<vmem_shared>>
    tpu.enqueue_indirect_dma source(%arg12 : memref<80x128xf32, #tpu.memory_space<vmem>>) target(%dma_start3A_109 : memref<10240x128xf32, #tpu.memory_space<vmem_shared>>) offsets(%dma_start3A_106 : memref<80xi32, #tpu.memory_space<vmem>>) semaphore(%arg20 : memref<!tpu.dma_semaphore, #tpu.memory_space<semaphore_mem>>) {add = true}
    %dma_wait3A_110 = arith.constant 0 : i32
    %dma_wait3A_111 = arith.constant 0 : i32
    %dma_wait3A_112 = tpu.memref_slice %arg7[%dma_wait3A_110, %dma_wait3A_111] : memref<2x80xi32, #tpu.memory_space<vmem>> -> memref<1x80xi32, #tpu.memory_space<vmem>>
    %dma_wait3A_113 = tpu.memref_squeeze %dma_wait3A_112 : memref<1x80xi32, #tpu.memory_space<vmem>> -> memref<80xi32, #tpu.memory_space<vmem>>
    %dma_wait3A_114 = arith.constant 0 : i32
    %dma_wait3A_115 = arith.constant 0 : i32
    %dma_wait3A_116 = tpu.memref_slice %arg2[%dma_wait3A_114, %dma_wait3A_115] : memref<10000x128xf32, #tpu.memory_space<hbm>> -> memref<10000x128xf32, #tpu.memory_space<hbm>>
    tpu.wait_indirect_dma semaphore(%arg19 : memref<!tpu.dma_semaphore, #tpu.memory_space<semaphore_mem>>) src(%dma_wait3A_116 : memref<10000x128xf32, #tpu.memory_space<hbm>>) dst(%arg11 : memref<80x128xf32, #tpu.memory_space<vmem>>)
    %dma_wait3A_117 = arith.constant 0 : i32
    %dma_wait3A_118 = arith.constant 0 : i32
    %dma_wait3A_119 = arith.constant 0 : i32
    %dma_wait3A_120 = tpu.memref_slice %arg3[%add3A, %dma_wait3A_117, %dma_wait3A_118, %dma_wait3A_119] : memref<32x125x2x80xi32, #tpu.memory_space<hbm>> -> memref<1x1x2x80xi32, #tpu.memory_space<hbm>>
    %dma_wait3A_121 = tpu.memref_squeeze %dma_wait3A_120 : memref<1x1x2x80xi32, #tpu.memory_space<hbm>> -> memref<2x80xi32, #tpu.memory_space<hbm>>
    %dma_wait3A_122 = arith.constant 0 : i32
    %dma_wait3A_123 = arith.constant 0 : i32
    %dma_wait3A_124 = tpu.memref_slice %arg3[%add3A, %dma_wait3A_117, %dma_wait3A_122, %dma_wait3A_123] : memref<32x125x2x80xi32, #tpu.memory_space<hbm>> -> memref<1x1x2x80xi32, #tpu.memory_space<hbm>>
    %dma_wait3A_125 = tpu.memref_squeeze %dma_wait3A_124 : memref<1x1x2x80xi32, #tpu.memory_space<hbm>> -> memref<2x80xi32, #tpu.memory_space<hbm>>
    tpu.wait_dma2 semaphore(%arg15 : memref<!tpu.dma_semaphore, #tpu.memory_space<semaphore_mem>>) src(%dma_wait3A_125 : memref<2x80xi32, #tpu.memory_space<hbm>>) dst(%arg9 : memref<2x80xi32, #tpu.memory_space<vmem>>)
    %dma_start3A_126 = arith.constant 0 : i32
    %dma_start3A_127 = arith.constant 0 : i32
    %dma_start3A_128 = tpu.memref_slice %arg9[%dma_start3A_126, %dma_start3A_127] : memref<2x80xi32, #tpu.memory_space<vmem>> -> memref<1x80xi32, #tpu.memory_space<vmem>>
    %dma_start3A_129 = tpu.memref_squeeze %dma_start3A_128 : memref<1x80xi32, #tpu.memory_space<vmem>> -> memref<80xi32, #tpu.memory_space<vmem>>
    %dma_start3A_130 = arith.constant 0 : i32
    %dma_start3A_131 = arith.constant 0 : i32
    %dma_start3A_132 = tpu.memref_slice %arg2[%dma_start3A_130, %dma_start3A_131] : memref<10000x128xf32, #tpu.memory_space<hbm>> -> memref<10000x128xf32, #tpu.memory_space<hbm>>
    tpu.enqueue_indirect_dma source(%dma_start3A_132 : memref<10000x128xf32, #tpu.memory_space<hbm>>) target(%arg11 : memref<80x128xf32, #tpu.memory_space<vmem>>) offsets(%dma_start3A_129 : memref<80xi32, #tpu.memory_space<vmem>>) semaphore(%arg17 : memref<!tpu.dma_semaphore, #tpu.memory_space<semaphore_mem>>)
    %dma_start3A_133 = arith.constant 124 : i32
    %dma_start3A_134 = arith.constant 0 : i32
    %dma_start3A_135 = arith.constant 0 : i32
    %dma_start3A_136 = tpu.memref_slice %arg3[%add3A, %dma_start3A_133, %dma_start3A_134, %dma_start3A_135] : memref<32x125x2x80xi32, #tpu.memory_space<hbm>> -> memref<1x1x2x80xi32, #tpu.memory_space<hbm>>
    %dma_start3A_137 = tpu.memref_squeeze %dma_start3A_136 : memref<1x1x2x80xi32, #tpu.memory_space<hbm>> -> memref<2x80xi32, #tpu.memory_space<hbm>>
    %dma_start3A_138 = arith.constant 0 : i32
    %dma_start3A_139 = arith.constant 0 : i32
    %dma_start3A_140 = tpu.memref_slice %arg3[%add3A, %dma_start3A_133, %dma_start3A_138, %dma_start3A_139] : memref<32x125x2x80xi32, #tpu.memory_space<hbm>> -> memref<1x1x2x80xi32, #tpu.memory_space<hbm>>
    %dma_start3A_141 = tpu.memref_squeeze %dma_start3A_140 : memref<1x1x2x80xi32, #tpu.memory_space<hbm>> -> memref<2x80xi32, #tpu.memory_space<hbm>>
    tpu.enqueue_dma source(%dma_start3A_141 : memref<2x80xi32, #tpu.memory_space<hbm>>) target(%arg7 : memref<2x80xi32, #tpu.memory_space<vmem>>) target_semaphore(%arg13 : memref<!tpu.dma_semaphore, #tpu.memory_space<semaphore_mem>>)
    %dma_wait3A_142 = arith.constant 0 : i32
    %dma_wait3A_143 = arith.constant 0 : i32
    %dma_wait3A_144 = tpu.memref_slice %arg7[%dma_wait3A_142, %dma_wait3A_143] : memref<2x80xi32, #tpu.memory_space<vmem>> -> memref<1x80xi32, #tpu.memory_space<vmem>>
    %dma_wait3A_145 = tpu.memref_squeeze %dma_wait3A_144 : memref<1x80xi32, #tpu.memory_space<vmem>> -> memref<80xi32, #tpu.memory_space<vmem>>
    %dma_wait3A_146 = arith.constant 0 : i32
    %dma_wait3A_147 = arith.constant 0 : i32
    %dma_wait3A_148 = tpu.memref_slice %arg2[%dma_wait3A_146, %dma_wait3A_147] : memref<10000x128xf32, #tpu.memory_space<hbm>> -> memref<10000x128xf32, #tpu.memory_space<hbm>>
    tpu.wait_indirect_dma semaphore(%arg17 : memref<!tpu.dma_semaphore, #tpu.memory_space<semaphore_mem>>) src(%dma_wait3A_148 : memref<10000x128xf32, #tpu.memory_space<hbm>>) dst(%arg11 : memref<80x128xf32, #tpu.memory_space<vmem>>)
    %dma_start3A_149 = arith.constant 1 : i32
    %dma_start3A_150 = arith.constant 0 : i32
    %dma_start3A_151 = tpu.memref_slice %arg9[%dma_start3A_149, %dma_start3A_150] : memref<2x80xi32, #tpu.memory_space<vmem>> -> memref<1x80xi32, #tpu.memory_space<vmem>>
    %dma_start3A_152 = tpu.memref_squeeze %dma_start3A_151 : memref<1x80xi32, #tpu.memory_space<vmem>> -> memref<80xi32, #tpu.memory_space<vmem>>
    %dma_start3A_153 = arith.constant 0 : i32
    %dma_start3A_154 = arith.constant 0 : i32
    %dma_start3A_155 = tpu.memref_slice %arg6[%dma_start3A_153, %dma_start3A_154] : memref<10240x128xf32, #tpu.memory_space<vmem_shared>> -> memref<10240x128xf32, #tpu.memory_space<vmem_shared>>
    tpu.enqueue_indirect_dma source(%arg11 : memref<80x128xf32, #tpu.memory_space<vmem>>) target(%dma_start3A_155 : memref<10240x128xf32, #tpu.memory_space<vmem_shared>>) offsets(%dma_start3A_152 : memref<80xi32, #tpu.memory_space<vmem>>) semaphore(%arg19 : memref<!tpu.dma_semaphore, #tpu.memory_space<semaphore_mem>>) {add = true}
    %dma_wait3A_156 = arith.constant 0 : i32
    %dma_wait3A_157 = arith.constant 0 : i32
    %dma_wait3A_158 = tpu.memref_slice %arg7[%dma_wait3A_156, %dma_wait3A_157] : memref<2x80xi32, #tpu.memory_space<vmem>> -> memref<1x80xi32, #tpu.memory_space<vmem>>
    %dma_wait3A_159 = tpu.memref_squeeze %dma_wait3A_158 : memref<1x80xi32, #tpu.memory_space<vmem>> -> memref<80xi32, #tpu.memory_space<vmem>>
    %dma_wait3A_160 = arith.constant 0 : i32
    %dma_wait3A_161 = arith.constant 0 : i32
    %dma_wait3A_162 = tpu.memref_slice %arg2[%dma_wait3A_160, %dma_wait3A_161] : memref<10000x128xf32, #tpu.memory_space<hbm>> -> memref<10000x128xf32, #tpu.memory_space<hbm>>
    tpu.wait_indirect_dma semaphore(%arg20 : memref<!tpu.dma_semaphore, #tpu.memory_space<semaphore_mem>>) src(%dma_wait3A_162 : memref<10000x128xf32, #tpu.memory_space<hbm>>) dst(%arg12 : memref<80x128xf32, #tpu.memory_space<vmem>>)
    %dma_wait3A_163 = arith.constant 0 : i32
    %dma_wait3A_164 = arith.constant 0 : i32
    %dma_wait3A_165 = arith.constant 0 : i32
    %dma_wait3A_166 = tpu.memref_slice %arg3[%add3A, %dma_wait3A_163, %dma_wait3A_164, %dma_wait3A_165] : memref<32x125x2x80xi32, #tpu.memory_space<hbm>> -> memref<1x1x2x80xi32, #tpu.memory_space<hbm>>
    %dma_wait3A_167 = tpu.memref_squeeze %dma_wait3A_166 : memref<1x1x2x80xi32, #tpu.memory_space<hbm>> -> memref<2x80xi32, #tpu.memory_space<hbm>>
    %dma_wait3A_168 = arith.constant 0 : i32
    %dma_wait3A_169 = arith.constant 0 : i32
    %dma_wait3A_170 = tpu.memref_slice %arg3[%add3A, %dma_wait3A_163, %dma_wait3A_168, %dma_wait3A_169] : memref<32x125x2x80xi32, #tpu.memory_space<hbm>> -> memref<1x1x2x80xi32, #tpu.memory_space<hbm>>
    %dma_wait3A_171 = tpu.memref_squeeze %dma_wait3A_170 : memref<1x1x2x80xi32, #tpu.memory_space<hbm>> -> memref<2x80xi32, #tpu.memory_space<hbm>>
    tpu.wait_dma2 semaphore(%arg16 : memref<!tpu.dma_semaphore, #tpu.memory_space<semaphore_mem>>) src(%dma_wait3A_171 : memref<2x80xi32, #tpu.memory_space<hbm>>) dst(%arg10 : memref<2x80xi32, #tpu.memory_space<vmem>>)
    %dma_start3A_172 = arith.constant 0 : i32
    %dma_start3A_173 = arith.constant 0 : i32
    %dma_start3A_174 = tpu.memref_slice %arg10[%dma_start3A_172, %dma_start3A_173] : memref<2x80xi32, #tpu.memory_space<vmem>> -> memref<1x80xi32, #tpu.memory_space<vmem>>
    %dma_start3A_175 = tpu.memref_squeeze %dma_start3A_174 : memref<1x80xi32, #tpu.memory_space<vmem>> -> memref<80xi32, #tpu.memory_space<vmem>>
    %dma_start3A_176 = arith.constant 0 : i32
    %dma_start3A_177 = arith.constant 0 : i32
    %dma_start3A_178 = tpu.memref_slice %arg2[%dma_start3A_176, %dma_start3A_177] : memref<10000x128xf32, #tpu.memory_space<hbm>> -> memref<10000x128xf32, #tpu.memory_space<hbm>>
    tpu.enqueue_indirect_dma source(%dma_start3A_178 : memref<10000x128xf32, #tpu.memory_space<hbm>>) target(%arg12 : memref<80x128xf32, #tpu.memory_space<vmem>>) offsets(%dma_start3A_175 : memref<80xi32, #tpu.memory_space<vmem>>) semaphore(%arg18 : memref<!tpu.dma_semaphore, #tpu.memory_space<semaphore_mem>>)
    %dma_wait3A_179 = arith.constant 0 : i32
    %dma_wait3A_180 = arith.constant 0 : i32
    %dma_wait3A_181 = tpu.memref_slice %arg7[%dma_wait3A_179, %dma_wait3A_180] : memref<2x80xi32, #tpu.memory_space<vmem>> -> memref<1x80xi32, #tpu.memory_space<vmem>>
    %dma_wait3A_182 = tpu.memref_squeeze %dma_wait3A_181 : memref<1x80xi32, #tpu.memory_space<vmem>> -> memref<80xi32, #tpu.memory_space<vmem>>
    %dma_wait3A_183 = arith.constant 0 : i32
    %dma_wait3A_184 = arith.constant 0 : i32
    %dma_wait3A_185 = tpu.memref_slice %arg2[%dma_wait3A_183, %dma_wait3A_184] : memref<10000x128xf32, #tpu.memory_space<hbm>> -> memref<10000x128xf32, #tpu.memory_space<hbm>>
    tpu.wait_indirect_dma semaphore(%arg18 : memref<!tpu.dma_semaphore, #tpu.memory_space<semaphore_mem>>) src(%dma_wait3A_185 : memref<10000x128xf32, #tpu.memory_space<hbm>>) dst(%arg12 : memref<80x128xf32, #tpu.memory_space<vmem>>)
    %dma_start3A_186 = arith.constant 1 : i32
    %dma_start3A_187 = arith.constant 0 : i32
    %dma_start3A_188 = tpu.memref_slice %arg10[%dma_start3A_186, %dma_start3A_187] : memref<2x80xi32, #tpu.memory_space<vmem>> -> memref<1x80xi32, #tpu.memory_space<vmem>>
    %dma_start3A_189 = tpu.memref_squeeze %dma_start3A_188 : memref<1x80xi32, #tpu.memory_space<vmem>> -> memref<80xi32, #tpu.memory_space<vmem>>
    %dma_start3A_190 = arith.constant 0 : i32
    %dma_start3A_191 = arith.constant 0 : i32
    %dma_start3A_192 = tpu.memref_slice %arg6[%dma_start3A_190, %dma_start3A_191] : memref<10240x128xf32, #tpu.memory_space<vmem_shared>> -> memref<10240x128xf32, #tpu.memory_space<vmem_shared>>
    tpu.enqueue_indirect_dma source(%arg12 : memref<80x128xf32, #tpu.memory_space<vmem>>) target(%dma_start3A_192 : memref<10240x128xf32, #tpu.memory_space<vmem_shared>>) offsets(%dma_start3A_189 : memref<80xi32, #tpu.memory_space<vmem>>) semaphore(%arg20 : memref<!tpu.dma_semaphore, #tpu.memory_space<semaphore_mem>>) {add = true}
    %dma_wait3A_193 = arith.constant 0 : i32
    %dma_wait3A_194 = arith.constant 0 : i32
    %dma_wait3A_195 = tpu.memref_slice %arg7[%dma_wait3A_193, %dma_wait3A_194] : memref<2x80xi32, #tpu.memory_space<vmem>> -> memref<1x80xi32, #tpu.memory_space<vmem>>
    %dma_wait3A_196 = tpu.memref_squeeze %dma_wait3A_195 : memref<1x80xi32, #tpu.memory_space<vmem>> -> memref<80xi32, #tpu.memory_space<vmem>>
    %dma_wait3A_197 = arith.constant 0 : i32
    %dma_wait3A_198 = arith.constant 0 : i32
    %dma_wait3A_199 = tpu.memref_slice %arg2[%dma_wait3A_197, %dma_wait3A_198] : memref<10000x128xf32, #tpu.memory_space<hbm>> -> memref<10000x128xf32, #tpu.memory_space<hbm>>
    tpu.wait_indirect_dma semaphore(%arg19 : memref<!tpu.dma_semaphore, #tpu.memory_space<semaphore_mem>>) src(%dma_wait3A_199 : memref<10000x128xf32, #tpu.memory_space<hbm>>) dst(%arg11 : memref<80x128xf32, #tpu.memory_space<vmem>>)
    %dma_wait3A_200 = arith.constant 0 : i32
    %dma_wait3A_201 = arith.constant 0 : i32
    %dma_wait3A_202 = arith.constant 0 : i32
    %dma_wait3A_203 = tpu.memref_slice %arg3[%add3A, %dma_wait3A_200, %dma_wait3A_201, %dma_wait3A_202] : memref<32x125x2x80xi32, #tpu.memory_space<hbm>> -> memref<1x1x2x80xi32, #tpu.memory_space<hbm>>
    %dma_wait3A_204 = tpu.memref_squeeze %dma_wait3A_203 : memref<1x1x2x80xi32, #tpu.memory_space<hbm>> -> memref<2x80xi32, #tpu.memory_space<hbm>>
    %dma_wait3A_205 = arith.constant 0 : i32
    %dma_wait3A_206 = arith.constant 0 : i32
    %dma_wait3A_207 = tpu.memref_slice %arg3[%add3A, %dma_wait3A_200, %dma_wait3A_205, %dma_wait3A_206] : memref<32x125x2x80xi32, #tpu.memory_space<hbm>> -> memref<1x1x2x80xi32, #tpu.memory_space<hbm>>
    %dma_wait3A_208 = tpu.memref_squeeze %dma_wait3A_207 : memref<1x1x2x80xi32, #tpu.memory_space<hbm>> -> memref<2x80xi32, #tpu.memory_space<hbm>>
    tpu.wait_dma2 semaphore(%arg13 : memref<!tpu.dma_semaphore, #tpu.memory_space<semaphore_mem>>) src(%dma_wait3A_208 : memref<2x80xi32, #tpu.memory_space<hbm>>) dst(%arg7 : memref<2x80xi32, #tpu.memory_space<vmem>>)
    %dma_start3A_209 = arith.constant 0 : i32
    %dma_start3A_210 = arith.constant 0 : i32
    %dma_start3A_211 = tpu.memref_slice %arg7[%dma_start3A_209, %dma_start3A_210] : memref<2x80xi32, #tpu.memory_space<vmem>> -> memref<1x80xi32, #tpu.memory_space<vmem>>
    %dma_start3A_212 = tpu.memref_squeeze %dma_start3A_211 : memref<1x80xi32, #tpu.memory_space<vmem>> -> memref<80xi32, #tpu.memory_space<vmem>>
    %dma_start3A_213 = arith.constant 0 : i32
    %dma_start3A_214 = arith.constant 0 : i32
    %dma_start3A_215 = tpu.memref_slice %arg2[%dma_start3A_213, %dma_start3A_214] : memref<10000x128xf32, #tpu.memory_space<hbm>> -> memref<10000x128xf32, #tpu.memory_space<hbm>>
    tpu.enqueue_indirect_dma source(%dma_start3A_215 : memref<10000x128xf32, #tpu.memory_space<hbm>>) target(%arg11 : memref<80x128xf32, #tpu.memory_space<vmem>>) offsets(%dma_start3A_212 : memref<80xi32, #tpu.memory_space<vmem>>) semaphore(%arg17 : memref<!tpu.dma_semaphore, #tpu.memory_space<semaphore_mem>>)
    %dma_wait3A_216 = arith.constant 0 : i32
    %dma_wait3A_217 = arith.constant 0 : i32
    %dma_wait3A_218 = tpu.memref_slice %arg7[%dma_wait3A_216, %dma_wait3A_217] : memref<2x80xi32, #tpu.memory_space<vmem>> -> memref<1x80xi32, #tpu.memory_space<vmem>>
    %dma_wait3A_219 = tpu.memref_squeeze %dma_wait3A_218 : memref<1x80xi32, #tpu.memory_space<vmem>> -> memref<80xi32, #tpu.memory_space<vmem>>
    %dma_wait3A_220 = arith.constant 0 : i32
    %dma_wait3A_221 = arith.constant 0 : i32
    %dma_wait3A_222 = tpu.memref_slice %arg2[%dma_wait3A_220, %dma_wait3A_221] : memref<10000x128xf32, #tpu.memory_space<hbm>> -> memref<10000x128xf32, #tpu.memory_space<hbm>>
    tpu.wait_indirect_dma semaphore(%arg17 : memref<!tpu.dma_semaphore, #tpu.memory_space<semaphore_mem>>) src(%dma_wait3A_222 : memref<10000x128xf32, #tpu.memory_space<hbm>>) dst(%arg11 : memref<80x128xf32, #tpu.memory_space<vmem>>)
    %dma_start3A_223 = arith.constant 1 : i32
    %dma_start3A_224 = arith.constant 0 : i32
    %dma_start3A_225 = tpu.memref_slice %arg7[%dma_start3A_223, %dma_start3A_224] : memref<2x80xi32, #tpu.memory_space<vmem>> -> memref<1x80xi32, #tpu.memory_space<vmem>>
    %dma_start3A_226 = tpu.memref_squeeze %dma_start3A_225 : memref<1x80xi32, #tpu.memory_space<vmem>> -> memref<80xi32, #tpu.memory_space<vmem>>
    %dma_start3A_227 = arith.constant 0 : i32
    %dma_start3A_228 = arith.constant 0 : i32
    %dma_start3A_229 = tpu.memref_slice %arg6[%dma_start3A_227, %dma_start3A_228] : memref<10240x128xf32, #tpu.memory_space<vmem_shared>> -> memref<10240x128xf32, #tpu.memory_space<vmem_shared>>
    tpu.enqueue_indirect_dma source(%arg11 : memref<80x128xf32, #tpu.memory_space<vmem>>) target(%dma_start3A_229 : memref<10240x128xf32, #tpu.memory_space<vmem_shared>>) offsets(%dma_start3A_226 : memref<80xi32, #tpu.memory_space<vmem>>) semaphore(%arg19 : memref<!tpu.dma_semaphore, #tpu.memory_space<semaphore_mem>>) {add = true}
    %dma_wait3A_230 = arith.constant 0 : i32
    %dma_wait3A_231 = arith.constant 0 : i32
    %dma_wait3A_232 = tpu.memref_slice %arg7[%dma_wait3A_230, %dma_wait3A_231] : memref<2x80xi32, #tpu.memory_space<vmem>> -> memref<1x80xi32, #tpu.memory_space<vmem>>
    %dma_wait3A_233 = tpu.memref_squeeze %dma_wait3A_232 : memref<1x80xi32, #tpu.memory_space<vmem>> -> memref<80xi32, #tpu.memory_space<vmem>>
    %dma_wait3A_234 = arith.constant 0 : i32
    %dma_wait3A_235 = arith.constant 0 : i32
    %dma_wait3A_236 = tpu.memref_slice %arg2[%dma_wait3A_234, %dma_wait3A_235] : memref<10000x128xf32, #tpu.memory_space<hbm>> -> memref<10000x128xf32, #tpu.memory_space<hbm>>
    tpu.wait_indirect_dma semaphore(%arg20 : memref<!tpu.dma_semaphore, #tpu.memory_space<semaphore_mem>>) src(%dma_wait3A_236 : memref<10000x128xf32, #tpu.memory_space<hbm>>) dst(%arg12 : memref<80x128xf32, #tpu.memory_space<vmem>>)
    %dma_wait3A_237 = arith.constant 0 : i32
    %dma_wait3A_238 = arith.constant 0 : i32
    %dma_wait3A_239 = tpu.memref_slice %arg7[%dma_wait3A_237, %dma_wait3A_238] : memref<2x80xi32, #tpu.memory_space<vmem>> -> memref<1x80xi32, #tpu.memory_space<vmem>>
    %dma_wait3A_240 = tpu.memref_squeeze %dma_wait3A_239 : memref<1x80xi32, #tpu.memory_space<vmem>> -> memref<80xi32, #tpu.memory_space<vmem>>
    %dma_wait3A_241 = arith.constant 0 : i32
    %dma_wait3A_242 = arith.constant 0 : i32
    %dma_wait3A_243 = tpu.memref_slice %arg2[%dma_wait3A_241, %dma_wait3A_242] : memref<10000x128xf32, #tpu.memory_space<hbm>> -> memref<10000x128xf32, #tpu.memory_space<hbm>>
    tpu.wait_indirect_dma semaphore(%arg19 : memref<!tpu.dma_semaphore, #tpu.memory_space<semaphore_mem>>) src(%dma_wait3A_243 : memref<10000x128xf32, #tpu.memory_space<hbm>>) dst(%arg11 : memref<80x128xf32, #tpu.memory_space<vmem>>)
    %barrier3A_244 = arith.constant 0 : index
    tpu.barrier barrier_id(%barrier3A_244)
    "tpu.region"() ({
      %run_scoped3A = tpu.sem_alloc : memref<!tpu.dma_semaphore, #tpu.memory_space<semaphore_mem>>
      %dma_start3A_245 = arith.constant 0 : i32
      %dma_start3A_246 = tpu.memref_slice %arg5[%arg0, %mul3A_2, %dma_start3A_245] : memref<2x10240x128xf32, #tpu.memory_space<hbm>> -> memref<1x640x128xf32, #tpu.memory_space<hbm>>
      %dma_start3A_247 = tpu.memref_squeeze %dma_start3A_246 : memref<1x640x128xf32, #tpu.memory_space<hbm>> -> memref<640x128xf32, #tpu.memory_space<hbm>>
      %dma_start3A_248 = arith.constant 0 : i32
      %dma_start3A_249 = tpu.memref_slice %arg6[%mul3A_2, %dma_start3A_248] : memref<10240x128xf32, #tpu.memory_space<vmem_shared>> -> memref<640x128xf32, #tpu.memory_space<vmem_shared>>
      tpu.enqueue_dma source(%dma_start3A_249 : memref<640x128xf32, #tpu.memory_space<vmem_shared>>) target(%dma_start3A_247 : memref<640x128xf32, #tpu.memory_space<hbm>>) target_semaphore(%run_scoped3A : memref<!tpu.dma_semaphore, #tpu.memory_space<semaphore_mem>>)
      %dma_wait3A_250 = arith.constant 0 : i32
      %dma_wait3A_251 = tpu.memref_slice %arg5[%arg0, %mul3A_2, %dma_wait3A_250] : memref<2x10240x128xf32, #tpu.memory_space<hbm>> -> memref<1x640x128xf32, #tpu.memory_space<hbm>>
      %dma_wait3A_252 = tpu.memref_squeeze %dma_wait3A_251 : memref<1x640x128xf32, #tpu.memory_space<hbm>> -> memref<640x128xf32, #tpu.memory_space<hbm>>
      %dma_wait3A_253 = arith.constant 0 : i32
      %dma_wait3A_254 = tpu.memref_slice %arg6[%mul3A_2, %dma_wait3A_253] : memref<10240x128xf32, #tpu.memory_space<vmem_shared>> -> memref<640x128xf32, #tpu.memory_space<vmem_shared>>
      tpu.wait_dma2 semaphore(%run_scoped3A : memref<!tpu.dma_semaphore, #tpu.memory_space<semaphore_mem>>) src(%dma_wait3A_254 : memref<640x128xf32, #tpu.memory_space<vmem_shared>>) dst(%dma_wait3A_252 : memref<640x128xf32, #tpu.memory_space<hbm>>)
      tpu.yield
    }) : () -> ()
    return
  }
}

#map = affine_map<(d0, d1) -> (0, 0)>
#map1 = affine_map<(d0, d1) -> (0, 0, 0, 0)>
#map2 = affine_map<(d0, d1) -> (0, 0, 0)>
module attributes {stable_mosaic.version = 14 : i64} {
  func.func @_sc_agg_body(%arg0: i32, %arg1: i32, %arg2: memref<10000x128xf32, #tpu.memory_space<hbm>>, %arg3: memref<32x125x2x80xi32, #tpu.memory_space<hbm>>, %arg4: memref<10240x128xf32, #tpu.memory_space<hbm>>, %arg5: memref<2x10240x128xf32, #tpu.memory_space<hbm>>, %arg6: memref<10240x128xf32, #tpu.memory_space<vmem_shared>>, %arg7: memref<2x80xi32, #tpu.memory_space<vmem>>, %arg8: memref<2x80xi32, #tpu.memory_space<vmem>>, %arg9: memref<2x80xi32, #tpu.memory_space<vmem>>, %arg10: memref<2x80xi32, #tpu.memory_space<vmem>>, %arg11: memref<80x128xf32, #tpu.memory_space<vmem>>, %arg12: memref<80x128xf32, #tpu.memory_space<vmem>>, %arg13: memref<!tpu.dma_semaphore, #tpu.memory_space<semaphore_mem>>, %arg14: memref<!tpu.dma_semaphore, #tpu.memory_space<semaphore_mem>>, %arg15: memref<!tpu.dma_semaphore, #tpu.memory_space<semaphore_mem>>, %arg16: memref<!tpu.dma_semaphore, #tpu.memory_space<semaphore_mem>>, %arg17: memref<!tpu.dma_semaphore, #tpu.memory_space<semaphore_mem>>, %arg18: memref<!tpu.dma_semaphore, #tpu.memory_space<semaphore_mem>>, %arg19: memref<!tpu.dma_semaphore, #tpu.memory_space<semaphore_mem>>, %arg20: memref<!tpu.dma_semaphore, #tpu.memory_space<semaphore_mem>>, %arg21: memref<!tpu.dma_semaphore, #tpu.memory_space<semaphore_mem>>) attributes {dimension_semantics = [#tpu.dimension_semantics<core_parallel>, #tpu.dimension_semantics<subcore_parallel>], iteration_bounds = array<i64: 2, 16>, scalar_prefetch = 0 : i64, scratch_operands = 16 : i64, tpu.core_type = #tpu.core_type<sc_vector_subcore>, window_params = [{transform_indices = #map}, {transform_indices = #map1}, {transform_indices = #map}, {transform_indices = #map2}]} {
    %mul3A = arith.constant 2 : i32
    %mul3A_0 = arith.muli %arg1, %mul3A : i32
    %add3A = arith.addi %mul3A_0, %arg0 : i32
    %mul3A_1 = arith.constant 640 : i32
    %mul3A_2 = arith.muli %arg1, %mul3A_1 : i32
    %dma_start3A = arith.constant 0 : i32
    %dma_start3A_3 = tpu.memref_slice %arg6[%mul3A_2, %dma_start3A] : memref<10240x128xf32, #tpu.memory_space<vmem_shared>> -> memref<640x128xf32, #tpu.memory_space<vmem_shared>>
    %dma_start3A_4 = arith.constant 0 : i32
    %dma_start3A_5 = tpu.memref_slice %arg4[%mul3A_2, %dma_start3A_4] : memref<10240x128xf32, #tpu.memory_space<hbm>> -> memref<640x128xf32, #tpu.memory_space<hbm>>
    tpu.enqueue_dma source(%dma_start3A_5 : memref<640x128xf32, #tpu.memory_space<hbm>>) target(%dma_start3A_3 : memref<640x128xf32, #tpu.memory_space<vmem_shared>>) target_semaphore(%arg21 : memref<!tpu.dma_semaphore, #tpu.memory_space<semaphore_mem>>)
    %dma_start3A_6 = arith.constant 0 : i32
    %dma_start3A_7 = arith.constant 0 : i32
    %dma_start3A_8 = arith.constant 0 : i32
    %dma_start3A_9 = tpu.memref_slice %arg3[%add3A, %dma_start3A_6, %dma_start3A_7, %dma_start3A_8] : memref<32x125x2x80xi32, #tpu.memory_space<hbm>> -> memref<1x1x2x80xi32, #tpu.memory_space<hbm>>
    %dma_start3A_10 = tpu.memref_squeeze %dma_start3A_9 : memref<1x1x2x80xi32, #tpu.memory_space<hbm>> -> memref<2x80xi32, #tpu.memory_space<hbm>>
    %dma_start3A_11 = arith.constant 0 : i32
    %dma_start3A_12 = arith.constant 0 : i32
    %dma_start3A_13 = tpu.memref_slice %arg3[%add3A, %dma_start3A_6, %dma_start3A_11, %dma_start3A_12] : memref<32x125x2x80xi32, #tpu.memory_space<hbm>> -> memref<1x1x2x80xi32, #tpu.memory_space<hbm>>
    %dma_start3A_14 = tpu.memref_squeeze %dma_start3A_13 : memref<1x1x2x80xi32, #tpu.memory_space<hbm>> -> memref<2x80xi32, #tpu.memory_space<hbm>>
    tpu.enqueue_dma source(%dma_start3A_14 : memref<2x80xi32, #tpu.memory_space<hbm>>) target(%arg7 : memref<2x80xi32, #tpu.memory_space<vmem>>) target_semaphore(%arg13 : memref<!tpu.dma_semaphore, #tpu.memory_space<semaphore_mem>>)
    %dma_start3A_15 = arith.constant 1 : i32
    %dma_start3A_16 = arith.constant 0 : i32
    %dma_start3A_17 = arith.constant 0 : i32
    %dma_start3A_18 = tpu.memref_slice %arg3[%add3A, %dma_start3A_15, %dma_start3A_16, %dma_start3A_17] : memref<32x125x2x80xi32, #tpu.memory_space<hbm>> -> memref<1x1x2x80xi32, #tpu.memory_space<hbm>>
    %dma_start3A_19 = tpu.memref_squeeze %dma_start3A_18 : memref<1x1x2x80xi32, #tpu.memory_space<hbm>> -> memref<2x80xi32, #tpu.memory_space<hbm>>
    %dma_start3A_20 = arith.constant 0 : i32
    %dma_start3A_21 = arith.constant 0 : i32
    %dma_start3A_22 = tpu.memref_slice %arg3[%add3A, %dma_start3A_15, %dma_start3A_20, %dma_start3A_21] : memref<32x125x2x80xi32, #tpu.memory_space<hbm>> -> memref<1x1x2x80xi32, #tpu.memory_space<hbm>>
    %dma_start3A_23 = tpu.memref_squeeze %dma_start3A_22 : memref<1x1x2x80xi32, #tpu.memory_space<hbm>> -> memref<2x80xi32, #tpu.memory_space<hbm>>
    tpu.enqueue_dma source(%dma_start3A_23 : memref<2x80xi32, #tpu.memory_space<hbm>>) target(%arg8 : memref<2x80xi32, #tpu.memory_space<vmem>>) target_semaphore(%arg14 : memref<!tpu.dma_semaphore, #tpu.memory_space<semaphore_mem>>)
    %dma_start3A_24 = arith.constant 2 : i32
    %dma_start3A_25 = arith.constant 0 : i32
    %dma_start3A_26 = arith.constant 0 : i32
    %dma_start3A_27 = tpu.memref_slice %arg3[%add3A, %dma_start3A_24, %dma_start3A_25, %dma_start3A_26] : memref<32x125x2x80xi32, #tpu.memory_space<hbm>> -> memref<1x1x2x80xi32, #tpu.memory_space<hbm>>
    %dma_start3A_28 = tpu.memref_squeeze %dma_start3A_27 : memref<1x1x2x80xi32, #tpu.memory_space<hbm>> -> memref<2x80xi32, #tpu.memory_space<hbm>>
    %dma_start3A_29 = arith.constant 0 : i32
    %dma_start3A_30 = arith.constant 0 : i32
    %dma_start3A_31 = tpu.memref_slice %arg3[%add3A, %dma_start3A_24, %dma_start3A_29, %dma_start3A_30] : memref<32x125x2x80xi32, #tpu.memory_space<hbm>> -> memref<1x1x2x80xi32, #tpu.memory_space<hbm>>
    %dma_start3A_32 = tpu.memref_squeeze %dma_start3A_31 : memref<1x1x2x80xi32, #tpu.memory_space<hbm>> -> memref<2x80xi32, #tpu.memory_space<hbm>>
    tpu.enqueue_dma source(%dma_start3A_32 : memref<2x80xi32, #tpu.memory_space<hbm>>) target(%arg9 : memref<2x80xi32, #tpu.memory_space<vmem>>) target_semaphore(%arg15 : memref<!tpu.dma_semaphore, #tpu.memory_space<semaphore_mem>>)
    %dma_wait3A = arith.constant 0 : i32
    %dma_wait3A_33 = arith.constant 0 : i32
    %dma_wait3A_34 = arith.constant 0 : i32
    %dma_wait3A_35 = tpu.memref_slice %arg3[%add3A, %dma_wait3A, %dma_wait3A_33, %dma_wait3A_34] : memref<32x125x2x80xi32, #tpu.memory_space<hbm>> -> memref<1x1x2x80xi32, #tpu.memory_space<hbm>>
    %dma_wait3A_36 = tpu.memref_squeeze %dma_wait3A_35 : memref<1x1x2x80xi32, #tpu.memory_space<hbm>> -> memref<2x80xi32, #tpu.memory_space<hbm>>
    %dma_wait3A_37 = arith.constant 0 : i32
    %dma_wait3A_38 = arith.constant 0 : i32
    %dma_wait3A_39 = tpu.memref_slice %arg3[%add3A, %dma_wait3A, %dma_wait3A_37, %dma_wait3A_38] : memref<32x125x2x80xi32, #tpu.memory_space<hbm>> -> memref<1x1x2x80xi32, #tpu.memory_space<hbm>>
    %dma_wait3A_40 = tpu.memref_squeeze %dma_wait3A_39 : memref<1x1x2x80xi32, #tpu.memory_space<hbm>> -> memref<2x80xi32, #tpu.memory_space<hbm>>
    tpu.wait_dma2 semaphore(%arg13 : memref<!tpu.dma_semaphore, #tpu.memory_space<semaphore_mem>>) src(%dma_wait3A_40 : memref<2x80xi32, #tpu.memory_space<hbm>>) dst(%arg7 : memref<2x80xi32, #tpu.memory_space<vmem>>)
    %dma_start3A_41 = arith.constant 0 : i32
    %dma_start3A_42 = arith.constant 0 : i32
    %dma_start3A_43 = tpu.memref_slice %arg7[%dma_start3A_41, %dma_start3A_42] : memref<2x80xi32, #tpu.memory_space<vmem>> -> memref<1x80xi32, #tpu.memory_space<vmem>>
    %dma_start3A_44 = tpu.memref_squeeze %dma_start3A_43 : memref<1x80xi32, #tpu.memory_space<vmem>> -> memref<80xi32, #tpu.memory_space<vmem>>
    %dma_start3A_45 = arith.constant 0 : i32
    %dma_start3A_46 = arith.constant 0 : i32
    %dma_start3A_47 = tpu.memref_slice %arg2[%dma_start3A_45, %dma_start3A_46] : memref<10000x128xf32, #tpu.memory_space<hbm>> -> memref<10000x128xf32, #tpu.memory_space<hbm>>
    tpu.enqueue_indirect_dma source(%dma_start3A_47 : memref<10000x128xf32, #tpu.memory_space<hbm>>) target(%arg11 : memref<80x128xf32, #tpu.memory_space<vmem>>) offsets(%dma_start3A_44 : memref<80xi32, #tpu.memory_space<vmem>>) semaphore(%arg17 : memref<!tpu.dma_semaphore, #tpu.memory_space<semaphore_mem>>)
    %dma_wait3A_48 = arith.constant 0 : i32
    %dma_wait3A_49 = tpu.memref_slice %arg6[%mul3A_2, %dma_wait3A_48] : memref<10240x128xf32, #tpu.memory_space<vmem_shared>> -> memref<640x128xf32, #tpu.memory_space<vmem_shared>>
    %dma_wait3A_50 = arith.constant 0 : i32
    %dma_wait3A_51 = tpu.memref_slice %arg4[%mul3A_2, %dma_wait3A_50] : memref<10240x128xf32, #tpu.memory_space<hbm>> -> memref<640x128xf32, #tpu.memory_space<hbm>>
    tpu.wait_dma2 semaphore(%arg21 : memref<!tpu.dma_semaphore, #tpu.memory_space<semaphore_mem>>) src(%dma_wait3A_51 : memref<640x128xf32, #tpu.memory_space<hbm>>) dst(%dma_wait3A_49 : memref<640x128xf32, #tpu.memory_space<vmem_shared>>)
    %barrier3A = arith.constant 0 : index
    tpu.barrier barrier_id(%barrier3A)
    %dma_wait3A_52 = arith.constant 0 : i32
    %dma_wait3A_53 = arith.constant 0 : i32
    %dma_wait3A_54 = tpu.memref_slice %arg7[%dma_wait3A_52, %dma_wait3A_53] : memref<2x80xi32, #tpu.memory_space<vmem>> -> memref<1x80xi32, #tpu.memory_space<vmem>>
    %dma_wait3A_55 = tpu.memref_squeeze %dma_wait3A_54 : memref<1x80xi32, #tpu.memory_space<vmem>> -> memref<80xi32, #tpu.memory_space<vmem>>
    %dma_wait3A_56 = arith.constant 0 : i32
    %dma_wait3A_57 = arith.constant 0 : i32
    %dma_wait3A_58 = tpu.memref_slice %arg2[%dma_wait3A_56, %dma_wait3A_57] : memref<10000x128xf32, #tpu.memory_space<hbm>> -> memref<10000x128xf32, #tpu.memory_space<hbm>>
    tpu.wait_indirect_dma semaphore(%arg17 : memref<!tpu.dma_semaphore, #tpu.memory_space<semaphore_mem>>) src(%dma_wait3A_58 : memref<10000x128xf32, #tpu.memory_space<hbm>>) dst(%arg11 : memref<80x128xf32, #tpu.memory_space<vmem>>)
    %dma_start3A_59 = arith.constant 1 : i32
    %dma_start3A_60 = arith.constant 0 : i32
    %dma_start3A_61 = tpu.memref_slice %arg7[%dma_start3A_59, %dma_start3A_60] : memref<2x80xi32, #tpu.memory_space<vmem>> -> memref<1x80xi32, #tpu.memory_space<vmem>>
    %dma_start3A_62 = tpu.memref_squeeze %dma_start3A_61 : memref<1x80xi32, #tpu.memory_space<vmem>> -> memref<80xi32, #tpu.memory_space<vmem>>
    %dma_start3A_63 = arith.constant 0 : i32
    %dma_start3A_64 = arith.constant 0 : i32
    %dma_start3A_65 = tpu.memref_slice %arg6[%dma_start3A_63, %dma_start3A_64] : memref<10240x128xf32, #tpu.memory_space<vmem_shared>> -> memref<10240x128xf32, #tpu.memory_space<vmem_shared>>
    tpu.enqueue_indirect_dma source(%arg11 : memref<80x128xf32, #tpu.memory_space<vmem>>) target(%dma_start3A_65 : memref<10240x128xf32, #tpu.memory_space<vmem_shared>>) offsets(%dma_start3A_62 : memref<80xi32, #tpu.memory_space<vmem>>) semaphore(%arg19 : memref<!tpu.dma_semaphore, #tpu.memory_space<semaphore_mem>>) {add = true}
    %dma_wait3A_66 = arith.constant 0 : i32
    %dma_wait3A_67 = arith.constant 0 : i32
    %dma_wait3A_68 = arith.constant 0 : i32
    %dma_wait3A_69 = tpu.memref_slice %arg3[%add3A, %dma_wait3A_66, %dma_wait3A_67, %dma_wait3A_68] : memref<32x125x2x80xi32, #tpu.memory_space<hbm>> -> memref<1x1x2x80xi32, #tpu.memory_space<hbm>>
    %dma_wait3A_70 = tpu.memref_squeeze %dma_wait3A_69 : memref<1x1x2x80xi32, #tpu.memory_space<hbm>> -> memref<2x80xi32, #tpu.memory_space<hbm>>
    %dma_wait3A_71 = arith.constant 0 : i32
    %dma_wait3A_72 = arith.constant 0 : i32
    %dma_wait3A_73 = tpu.memref_slice %arg3[%add3A, %dma_wait3A_66, %dma_wait3A_71, %dma_wait3A_72] : memref<32x125x2x80xi32, #tpu.memory_space<hbm>> -> memref<1x1x2x80xi32, #tpu.memory_space<hbm>>
    %dma_wait3A_74 = tpu.memref_squeeze %dma_wait3A_73 : memref<1x1x2x80xi32, #tpu.memory_space<hbm>> -> memref<2x80xi32, #tpu.memory_space<hbm>>
    tpu.wait_dma2 semaphore(%arg14 : memref<!tpu.dma_semaphore, #tpu.memory_space<semaphore_mem>>) src(%dma_wait3A_74 : memref<2x80xi32, #tpu.memory_space<hbm>>) dst(%arg8 : memref<2x80xi32, #tpu.memory_space<vmem>>)
    %dma_start3A_75 = arith.constant 0 : i32
    %dma_start3A_76 = arith.constant 0 : i32
    %dma_start3A_77 = tpu.memref_slice %arg8[%dma_start3A_75, %dma_start3A_76] : memref<2x80xi32, #tpu.memory_space<vmem>> -> memref<1x80xi32, #tpu.memory_space<vmem>>
    %dma_start3A_78 = tpu.memref_squeeze %dma_start3A_77 : memref<1x80xi32, #tpu.memory_space<vmem>> -> memref<80xi32, #tpu.memory_space<vmem>>
    %dma_start3A_79 = arith.constant 0 : i32
    %dma_start3A_80 = arith.constant 0 : i32
    %dma_start3A_81 = tpu.memref_slice %arg2[%dma_start3A_79, %dma_start3A_80] : memref<10000x128xf32, #tpu.memory_space<hbm>> -> memref<10000x128xf32, #tpu.memory_space<hbm>>
    tpu.enqueue_indirect_dma source(%dma_start3A_81 : memref<10000x128xf32, #tpu.memory_space<hbm>>) target(%arg12 : memref<80x128xf32, #tpu.memory_space<vmem>>) offsets(%dma_start3A_78 : memref<80xi32, #tpu.memory_space<vmem>>) semaphore(%arg18 : memref<!tpu.dma_semaphore, #tpu.memory_space<semaphore_mem>>)
    %dma_start3A_82 = arith.constant 3 : i32
    %dma_start3A_83 = arith.constant 0 : i32
    %dma_start3A_84 = arith.constant 0 : i32
    %dma_start3A_85 = tpu.memref_slice %arg3[%add3A, %dma_start3A_82, %dma_start3A_83, %dma_start3A_84] : memref<32x125x2x80xi32, #tpu.memory_space<hbm>> -> memref<1x1x2x80xi32, #tpu.memory_space<hbm>>
    %dma_start3A_86 = tpu.memref_squeeze %dma_start3A_85 : memref<1x1x2x80xi32, #tpu.memory_space<hbm>> -> memref<2x80xi32, #tpu.memory_space<hbm>>
    %dma_start3A_87 = arith.constant 0 : i32
    %dma_start3A_88 = arith.constant 0 : i32
    %dma_start3A_89 = tpu.memref_slice %arg3[%add3A, %dma_start3A_82, %dma_start3A_87, %dma_start3A_88] : memref<32x125x2x80xi32, #tpu.memory_space<hbm>> -> memref<1x1x2x80xi32, #tpu.memory_space<hbm>>
    %dma_start3A_90 = tpu.memref_squeeze %dma_start3A_89 : memref<1x1x2x80xi32, #tpu.memory_space<hbm>> -> memref<2x80xi32, #tpu.memory_space<hbm>>
    tpu.enqueue_dma source(%dma_start3A_90 : memref<2x80xi32, #tpu.memory_space<hbm>>) target(%arg10 : memref<2x80xi32, #tpu.memory_space<vmem>>) target_semaphore(%arg16 : memref<!tpu.dma_semaphore, #tpu.memory_space<semaphore_mem>>)
    %scan3A = arith.constant 0 : i32
    %scan3A_91 = arith.constant 0 : i32
    %scan3A_92 = arith.constant 30 : i32
    %scan3A_93 = arith.addi %scan3A_91, %scan3A_92 : i32
    %scan3A_94 = arith.constant 1 : i32
    scf.for %scan3A_245 = %scan3A_91 to %scan3A_93 step %scan3A_94  : i32 {
      %mul3A_246 = arith.constant 4 : i32
      %mul3A_247 = arith.muli %mul3A_246, %scan3A_245 : i32
      %add3A_248 = arith.constant 1 : i32
      %add3A_249 = arith.addi %mul3A_247, %add3A_248 : i32
      %dma_wait3A_250 = arith.constant 0 : i32
      %dma_wait3A_251 = arith.constant 0 : i32
      %dma_wait3A_252 = tpu.memref_slice %arg7[%dma_wait3A_250, %dma_wait3A_251] : memref<2x80xi32, #tpu.memory_space<vmem>> -> memref<1x80xi32, #tpu.memory_space<vmem>>
      %dma_wait3A_253 = tpu.memref_squeeze %dma_wait3A_252 : memref<1x80xi32, #tpu.memory_space<vmem>> -> memref<80xi32, #tpu.memory_space<vmem>>
      %dma_wait3A_254 = arith.constant 0 : i32
      %dma_wait3A_255 = arith.constant 0 : i32
      %dma_wait3A_256 = tpu.memref_slice %arg2[%dma_wait3A_254, %dma_wait3A_255] : memref<10000x128xf32, #tpu.memory_space<hbm>> -> memref<10000x128xf32, #tpu.memory_space<hbm>>
      tpu.wait_indirect_dma semaphore(%arg18 : memref<!tpu.dma_semaphore, #tpu.memory_space<semaphore_mem>>) src(%dma_wait3A_256 : memref<10000x128xf32, #tpu.memory_space<hbm>>) dst(%arg12 : memref<80x128xf32, #tpu.memory_space<vmem>>)
      %dma_start3A_257 = arith.constant 1 : i32
      %dma_start3A_258 = arith.constant 0 : i32
      %dma_start3A_259 = tpu.memref_slice %arg8[%dma_start3A_257, %dma_start3A_258] : memref<2x80xi32, #tpu.memory_space<vmem>> -> memref<1x80xi32, #tpu.memory_space<vmem>>
      %dma_start3A_260 = tpu.memref_squeeze %dma_start3A_259 : memref<1x80xi32, #tpu.memory_space<vmem>> -> memref<80xi32, #tpu.memory_space<vmem>>
      %dma_start3A_261 = arith.constant 0 : i32
      %dma_start3A_262 = arith.constant 0 : i32
      %dma_start3A_263 = tpu.memref_slice %arg6[%dma_start3A_261, %dma_start3A_262] : memref<10240x128xf32, #tpu.memory_space<vmem_shared>> -> memref<10240x128xf32, #tpu.memory_space<vmem_shared>>
      tpu.enqueue_indirect_dma source(%arg12 : memref<80x128xf32, #tpu.memory_space<vmem>>) target(%dma_start3A_263 : memref<10240x128xf32, #tpu.memory_space<vmem_shared>>) offsets(%dma_start3A_260 : memref<80xi32, #tpu.memory_space<vmem>>) semaphore(%arg20 : memref<!tpu.dma_semaphore, #tpu.memory_space<semaphore_mem>>) {add = true}
      %dma_wait3A_264 = arith.constant 0 : i32
      %dma_wait3A_265 = arith.constant 0 : i32
      %dma_wait3A_266 = tpu.memref_slice %arg7[%dma_wait3A_264, %dma_wait3A_265] : memref<2x80xi32, #tpu.memory_space<vmem>> -> memref<1x80xi32, #tpu.memory_space<vmem>>
      %dma_wait3A_267 = tpu.memref_squeeze %dma_wait3A_266 : memref<1x80xi32, #tpu.memory_space<vmem>> -> memref<80xi32, #tpu.memory_space<vmem>>
      %dma_wait3A_268 = arith.constant 0 : i32
      %dma_wait3A_269 = arith.constant 0 : i32
      %dma_wait3A_270 = tpu.memref_slice %arg2[%dma_wait3A_268, %dma_wait3A_269] : memref<10000x128xf32, #tpu.memory_space<hbm>> -> memref<10000x128xf32, #tpu.memory_space<hbm>>
      tpu.wait_indirect_dma semaphore(%arg19 : memref<!tpu.dma_semaphore, #tpu.memory_space<semaphore_mem>>) src(%dma_wait3A_270 : memref<10000x128xf32, #tpu.memory_space<hbm>>) dst(%arg11 : memref<80x128xf32, #tpu.memory_space<vmem>>)
      %dma_wait3A_271 = arith.constant 0 : i32
      %dma_wait3A_272 = arith.constant 0 : i32
      %dma_wait3A_273 = arith.constant 0 : i32
      %dma_wait3A_274 = tpu.memref_slice %arg3[%add3A, %dma_wait3A_271, %dma_wait3A_272, %dma_wait3A_273] : memref<32x125x2x80xi32, #tpu.memory_space<hbm>> -> memref<1x1x2x80xi32, #tpu.memory_space<hbm>>
      %dma_wait3A_275 = tpu.memref_squeeze %dma_wait3A_274 : memref<1x1x2x80xi32, #tpu.memory_space<hbm>> -> memref<2x80xi32, #tpu.memory_space<hbm>>
      %dma_wait3A_276 = arith.constant 0 : i32
      %dma_wait3A_277 = arith.constant 0 : i32
      %dma_wait3A_278 = tpu.memref_slice %arg3[%add3A, %dma_wait3A_271, %dma_wait3A_276, %dma_wait3A_277] : memref<32x125x2x80xi32, #tpu.memory_space<hbm>> -> memref<1x1x2x80xi32, #tpu.memory_space<hbm>>
      %dma_wait3A_279 = tpu.memref_squeeze %dma_wait3A_278 : memref<1x1x2x80xi32, #tpu.memory_space<hbm>> -> memref<2x80xi32, #tpu.memory_space<hbm>>
      tpu.wait_dma2 semaphore(%arg15 : memref<!tpu.dma_semaphore, #tpu.memory_space<semaphore_mem>>) src(%dma_wait3A_279 : memref<2x80xi32, #tpu.memory_space<hbm>>) dst(%arg9 : memref<2x80xi32, #tpu.memory_space<vmem>>)
      %dma_start3A_280 = arith.constant 0 : i32
      %dma_start3A_281 = arith.constant 0 : i32
      %dma_start3A_282 = tpu.memref_slice %arg9[%dma_start3A_280, %dma_start3A_281] : memref<2x80xi32, #tpu.memory_space<vmem>> -> memref<1x80xi32, #tpu.memory_space<vmem>>
      %dma_start3A_283 = tpu.memref_squeeze %dma_start3A_282 : memref<1x80xi32, #tpu.memory_space<vmem>> -> memref<80xi32, #tpu.memory_space<vmem>>
      %dma_start3A_284 = arith.constant 0 : i32
      %dma_start3A_285 = arith.constant 0 : i32
      %dma_start3A_286 = tpu.memref_slice %arg2[%dma_start3A_284, %dma_start3A_285] : memref<10000x128xf32, #tpu.memory_space<hbm>> -> memref<10000x128xf32, #tpu.memory_space<hbm>>
      tpu.enqueue_indirect_dma source(%dma_start3A_286 : memref<10000x128xf32, #tpu.memory_space<hbm>>) target(%arg11 : memref<80x128xf32, #tpu.memory_space<vmem>>) offsets(%dma_start3A_283 : memref<80xi32, #tpu.memory_space<vmem>>) semaphore(%arg17 : memref<!tpu.dma_semaphore, #tpu.memory_space<semaphore_mem>>)
      %add3A_287 = arith.constant 3 : i32
      %add3A_288 = arith.addi %add3A_249, %add3A_287 : i32
      %dma_start3A_289 = arith.constant 0 : i32
      %dma_start3A_290 = arith.constant 0 : i32
      %dma_start3A_291 = tpu.memref_slice %arg3[%add3A, %add3A_288, %dma_start3A_289, %dma_start3A_290] : memref<32x125x2x80xi32, #tpu.memory_space<hbm>> -> memref<1x1x2x80xi32, #tpu.memory_space<hbm>>
      %dma_start3A_292 = tpu.memref_squeeze %dma_start3A_291 : memref<1x1x2x80xi32, #tpu.memory_space<hbm>> -> memref<2x80xi32, #tpu.memory_space<hbm>>
      %dma_start3A_293 = arith.constant 0 : i32
      %dma_start3A_294 = arith.constant 0 : i32
      %dma_start3A_295 = tpu.memref_slice %arg3[%add3A, %add3A_288, %dma_start3A_293, %dma_start3A_294] : memref<32x125x2x80xi32, #tpu.memory_space<hbm>> -> memref<1x1x2x80xi32, #tpu.memory_space<hbm>>
      %dma_start3A_296 = tpu.memref_squeeze %dma_start3A_295 : memref<1x1x2x80xi32, #tpu.memory_space<hbm>> -> memref<2x80xi32, #tpu.memory_space<hbm>>
      tpu.enqueue_dma source(%dma_start3A_296 : memref<2x80xi32, #tpu.memory_space<hbm>>) target(%arg7 : memref<2x80xi32, #tpu.memory_space<vmem>>) target_semaphore(%arg13 : memref<!tpu.dma_semaphore, #tpu.memory_space<semaphore_mem>>)
      %add3A_297 = arith.constant 1 : i32
      %add3A_298 = arith.addi %add3A_249, %add3A_297 : i32
      %dma_wait3A_299 = arith.constant 0 : i32
      %dma_wait3A_300 = arith.constant 0 : i32
      %dma_wait3A_301 = tpu.memref_slice %arg7[%dma_wait3A_299, %dma_wait3A_300] : memref<2x80xi32, #tpu.memory_space<vmem>> -> memref<1x80xi32, #tpu.memory_space<vmem>>
      %dma_wait3A_302 = tpu.memref_squeeze %dma_wait3A_301 : memref<1x80xi32, #tpu.memory_space<vmem>> -> memref<80xi32, #tpu.memory_space<vmem>>
      %dma_wait3A_303 = arith.constant 0 : i32
      %dma_wait3A_304 = arith.constant 0 : i32
      %dma_wait3A_305 = tpu.memref_slice %arg2[%dma_wait3A_303, %dma_wait3A_304] : memref<10000x128xf32, #tpu.memory_space<hbm>> -> memref<10000x128xf32, #tpu.memory_space<hbm>>
      tpu.wait_indirect_dma semaphore(%arg17 : memref<!tpu.dma_semaphore, #tpu.memory_space<semaphore_mem>>) src(%dma_wait3A_305 : memref<10000x128xf32, #tpu.memory_space<hbm>>) dst(%arg11 : memref<80x128xf32, #tpu.memory_space<vmem>>)
      %dma_start3A_306 = arith.constant 1 : i32
      %dma_start3A_307 = arith.constant 0 : i32
      %dma_start3A_308 = tpu.memref_slice %arg9[%dma_start3A_306, %dma_start3A_307] : memref<2x80xi32, #tpu.memory_space<vmem>> -> memref<1x80xi32, #tpu.memory_space<vmem>>
      %dma_start3A_309 = tpu.memref_squeeze %dma_start3A_308 : memref<1x80xi32, #tpu.memory_space<vmem>> -> memref<80xi32, #tpu.memory_space<vmem>>
      %dma_start3A_310 = arith.constant 0 : i32
      %dma_start3A_311 = arith.constant 0 : i32
      %dma_start3A_312 = tpu.memref_slice %arg6[%dma_start3A_310, %dma_start3A_311] : memref<10240x128xf32, #tpu.memory_space<vmem_shared>> -> memref<10240x128xf32, #tpu.memory_space<vmem_shared>>
      tpu.enqueue_indirect_dma source(%arg11 : memref<80x128xf32, #tpu.memory_space<vmem>>) target(%dma_start3A_312 : memref<10240x128xf32, #tpu.memory_space<vmem_shared>>) offsets(%dma_start3A_309 : memref<80xi32, #tpu.memory_space<vmem>>) semaphore(%arg19 : memref<!tpu.dma_semaphore, #tpu.memory_space<semaphore_mem>>) {add = true}
      %dma_wait3A_313 = arith.constant 0 : i32
      %dma_wait3A_314 = arith.constant 0 : i32
      %dma_wait3A_315 = tpu.memref_slice %arg7[%dma_wait3A_313, %dma_wait3A_314] : memref<2x80xi32, #tpu.memory_space<vmem>> -> memref<1x80xi32, #tpu.memory_space<vmem>>
      %dma_wait3A_316 = tpu.memref_squeeze %dma_wait3A_315 : memref<1x80xi32, #tpu.memory_space<vmem>> -> memref<80xi32, #tpu.memory_space<vmem>>
      %dma_wait3A_317 = arith.constant 0 : i32
      %dma_wait3A_318 = arith.constant 0 : i32
      %dma_wait3A_319 = tpu.memref_slice %arg2[%dma_wait3A_317, %dma_wait3A_318] : memref<10000x128xf32, #tpu.memory_space<hbm>> -> memref<10000x128xf32, #tpu.memory_space<hbm>>
      tpu.wait_indirect_dma semaphore(%arg20 : memref<!tpu.dma_semaphore, #tpu.memory_space<semaphore_mem>>) src(%dma_wait3A_319 : memref<10000x128xf32, #tpu.memory_space<hbm>>) dst(%arg12 : memref<80x128xf32, #tpu.memory_space<vmem>>)
      %dma_wait3A_320 = arith.constant 0 : i32
      %dma_wait3A_321 = arith.constant 0 : i32
      %dma_wait3A_322 = arith.constant 0 : i32
      %dma_wait3A_323 = tpu.memref_slice %arg3[%add3A, %dma_wait3A_320, %dma_wait3A_321, %dma_wait3A_322] : memref<32x125x2x80xi32, #tpu.memory_space<hbm>> -> memref<1x1x2x80xi32, #tpu.memory_space<hbm>>
      %dma_wait3A_324 = tpu.memref_squeeze %dma_wait3A_323 : memref<1x1x2x80xi32, #tpu.memory_space<hbm>> -> memref<2x80xi32, #tpu.memory_space<hbm>>
      %dma_wait3A_325 = arith.constant 0 : i32
      %dma_wait3A_326 = arith.constant 0 : i32
      %dma_wait3A_327 = tpu.memref_slice %arg3[%add3A, %dma_wait3A_320, %dma_wait3A_325, %dma_wait3A_326] : memref<32x125x2x80xi32, #tpu.memory_space<hbm>> -> memref<1x1x2x80xi32, #tpu.memory_space<hbm>>
      %dma_wait3A_328 = tpu.memref_squeeze %dma_wait3A_327 : memref<1x1x2x80xi32, #tpu.memory_space<hbm>> -> memref<2x80xi32, #tpu.memory_space<hbm>>
      tpu.wait_dma2 semaphore(%arg16 : memref<!tpu.dma_semaphore, #tpu.memory_space<semaphore_mem>>) src(%dma_wait3A_328 : memref<2x80xi32, #tpu.memory_space<hbm>>) dst(%arg10 : memref<2x80xi32, #tpu.memory_space<vmem>>)
      %dma_start3A_329 = arith.constant 0 : i32
      %dma_start3A_330 = arith.constant 0 : i32
      %dma_start3A_331 = tpu.memref_slice %arg10[%dma_start3A_329, %dma_start3A_330] : memref<2x80xi32, #tpu.memory_space<vmem>> -> memref<1x80xi32, #tpu.memory_space<vmem>>
      %dma_start3A_332 = tpu.memref_squeeze %dma_start3A_331 : memref<1x80xi32, #tpu.memory_space<vmem>> -> memref<80xi32, #tpu.memory_space<vmem>>
      %dma_start3A_333 = arith.constant 0 : i32
      %dma_start3A_334 = arith.constant 0 : i32
      %dma_start3A_335 = tpu.memref_slice %arg2[%dma_start3A_333, %dma_start3A_334] : memref<10000x128xf32, #tpu.memory_space<hbm>> -> memref<10000x128xf32, #tpu.memory_space<hbm>>
      tpu.enqueue_indirect_dma source(%dma_start3A_335 : memref<10000x128xf32, #tpu.memory_space<hbm>>) target(%arg12 : memref<80x128xf32, #tpu.memory_space<vmem>>) offsets(%dma_start3A_332 : memref<80xi32, #tpu.memory_space<vmem>>) semaphore(%arg18 : memref<!tpu.dma_semaphore, #tpu.memory_space<semaphore_mem>>)
      %add3A_336 = arith.constant 3 : i32
      %add3A_337 = arith.addi %add3A_298, %add3A_336 : i32
      %dma_start3A_338 = arith.constant 0 : i32
      %dma_start3A_339 = arith.constant 0 : i32
      %dma_start3A_340 = tpu.memref_slice %arg3[%add3A, %add3A_337, %dma_start3A_338, %dma_start3A_339] : memref<32x125x2x80xi32, #tpu.memory_space<hbm>> -> memref<1x1x2x80xi32, #tpu.memory_space<hbm>>
      %dma_start3A_341 = tpu.memref_squeeze %dma_start3A_340 : memref<1x1x2x80xi32, #tpu.memory_space<hbm>> -> memref<2x80xi32, #tpu.memory_space<hbm>>
      %dma_start3A_342 = arith.constant 0 : i32
      %dma_start3A_343 = arith.constant 0 : i32
      %dma_start3A_344 = tpu.memref_slice %arg3[%add3A, %add3A_337, %dma_start3A_342, %dma_start3A_343] : memref<32x125x2x80xi32, #tpu.memory_space<hbm>> -> memref<1x1x2x80xi32, #tpu.memory_space<hbm>>
      %dma_start3A_345 = tpu.memref_squeeze %dma_start3A_344 : memref<1x1x2x80xi32, #tpu.memory_space<hbm>> -> memref<2x80xi32, #tpu.memory_space<hbm>>
      tpu.enqueue_dma source(%dma_start3A_345 : memref<2x80xi32, #tpu.memory_space<hbm>>) target(%arg8 : memref<2x80xi32, #tpu.memory_space<vmem>>) target_semaphore(%arg14 : memref<!tpu.dma_semaphore, #tpu.memory_space<semaphore_mem>>)
      %add3A_346 = arith.constant 2 : i32
      %add3A_347 = arith.addi %add3A_249, %add3A_346 : i32
      %dma_wait3A_348 = arith.constant 0 : i32
      %dma_wait3A_349 = arith.constant 0 : i32
      %dma_wait3A_350 = tpu.memref_slice %arg7[%dma_wait3A_348, %dma_wait3A_349] : memref<2x80xi32, #tpu.memory_space<vmem>> -> memref<1x80xi32, #tpu.memory_space<vmem>>
      %dma_wait3A_351 = tpu.memref_squeeze %dma_wait3A_350 : memref<1x80xi32, #tpu.memory_space<vmem>> -> memref<80xi32, #tpu.memory_space<vmem>>
      %dma_wait3A_352 = arith.constant 0 : i32
      %dma_wait3A_353 = arith.constant 0 : i32
      %dma_wait3A_354 = tpu.memref_slice %arg2[%dma_wait3A_352, %dma_wait3A_353] : memref<10000x128xf32, #tpu.memory_space<hbm>> -> memref<10000x128xf32, #tpu.memory_space<hbm>>
      tpu.wait_indirect_dma semaphore(%arg18 : memref<!tpu.dma_semaphore, #tpu.memory_space<semaphore_mem>>) src(%dma_wait3A_354 : memref<10000x128xf32, #tpu.memory_space<hbm>>) dst(%arg12 : memref<80x128xf32, #tpu.memory_space<vmem>>)
      %dma_start3A_355 = arith.constant 1 : i32
      %dma_start3A_356 = arith.constant 0 : i32
      %dma_start3A_357 = tpu.memref_slice %arg10[%dma_start3A_355, %dma_start3A_356] : memref<2x80xi32, #tpu.memory_space<vmem>> -> memref<1x80xi32, #tpu.memory_space<vmem>>
      %dma_start3A_358 = tpu.memref_squeeze %dma_start3A_357 : memref<1x80xi32, #tpu.memory_space<vmem>> -> memref<80xi32, #tpu.memory_space<vmem>>
      %dma_start3A_359 = arith.constant 0 : i32
      %dma_start3A_360 = arith.constant 0 : i32
      %dma_start3A_361 = tpu.memref_slice %arg6[%dma_start3A_359, %dma_start3A_360] : memref<10240x128xf32, #tpu.memory_space<vmem_shared>> -> memref<10240x128xf32, #tpu.memory_space<vmem_shared>>
      tpu.enqueue_indirect_dma source(%arg12 : memref<80x128xf32, #tpu.memory_space<vmem>>) target(%dma_start3A_361 : memref<10240x128xf32, #tpu.memory_space<vmem_shared>>) offsets(%dma_start3A_358 : memref<80xi32, #tpu.memory_space<vmem>>) semaphore(%arg20 : memref<!tpu.dma_semaphore, #tpu.memory_space<semaphore_mem>>) {add = true}
      %dma_wait3A_362 = arith.constant 0 : i32
      %dma_wait3A_363 = arith.constant 0 : i32
      %dma_wait3A_364 = tpu.memref_slice %arg7[%dma_wait3A_362, %dma_wait3A_363] : memref<2x80xi32, #tpu.memory_space<vmem>> -> memref<1x80xi32, #tpu.memory_space<vmem>>
      %dma_wait3A_365 = tpu.memref_squeeze %dma_wait3A_364 : memref<1x80xi32, #tpu.memory_space<vmem>> -> memref<80xi32, #tpu.memory_space<vmem>>
      %dma_wait3A_366 = arith.constant 0 : i32
      %dma_wait3A_367 = arith.constant 0 : i32
      %dma_wait3A_368 = tpu.memref_slice %arg2[%dma_wait3A_366, %dma_wait3A_367] : memref<10000x128xf32, #tpu.memory_space<hbm>> -> memref<10000x128xf32, #tpu.memory_space<hbm>>
      tpu.wait_indirect_dma semaphore(%arg19 : memref<!tpu.dma_semaphore, #tpu.memory_space<semaphore_mem>>) src(%dma_wait3A_368 : memref<10000x128xf32, #tpu.memory_space<hbm>>) dst(%arg11 : memref<80x128xf32, #tpu.memory_space<vmem>>)
      %dma_wait3A_369 = arith.constant 0 : i32
      %dma_wait3A_370 = arith.constant 0 : i32
      %dma_wait3A_371 = arith.constant 0 : i32
      %dma_wait3A_372 = tpu.memref_slice %arg3[%add3A, %dma_wait3A_369, %dma_wait3A_370, %dma_wait3A_371] : memref<32x125x2x80xi32, #tpu.memory_space<hbm>> -> memref<1x1x2x80xi32, #tpu.memory_space<hbm>>
      %dma_wait3A_373 = tpu.memref_squeeze %dma_wait3A_372 : memref<1x1x2x80xi32, #tpu.memory_space<hbm>> -> memref<2x80xi32, #tpu.memory_space<hbm>>
      %dma_wait3A_374 = arith.constant 0 : i32
      %dma_wait3A_375 = arith.constant 0 : i32
      %dma_wait3A_376 = tpu.memref_slice %arg3[%add3A, %dma_wait3A_369, %dma_wait3A_374, %dma_wait3A_375] : memref<32x125x2x80xi32, #tpu.memory_space<hbm>> -> memref<1x1x2x80xi32, #tpu.memory_space<hbm>>
      %dma_wait3A_377 = tpu.memref_squeeze %dma_wait3A_376 : memref<1x1x2x80xi32, #tpu.memory_space<hbm>> -> memref<2x80xi32, #tpu.memory_space<hbm>>
      tpu.wait_dma2 semaphore(%arg13 : memref<!tpu.dma_semaphore, #tpu.memory_space<semaphore_mem>>) src(%dma_wait3A_377 : memref<2x80xi32, #tpu.memory_space<hbm>>) dst(%arg7 : memref<2x80xi32, #tpu.memory_space<vmem>>)
      %dma_start3A_378 = arith.constant 0 : i32
      %dma_start3A_379 = arith.constant 0 : i32
      %dma_start3A_380 = tpu.memref_slice %arg7[%dma_start3A_378, %dma_start3A_379] : memref<2x80xi32, #tpu.memory_space<vmem>> -> memref<1x80xi32, #tpu.memory_space<vmem>>
      %dma_start3A_381 = tpu.memref_squeeze %dma_start3A_380 : memref<1x80xi32, #tpu.memory_space<vmem>> -> memref<80xi32, #tpu.memory_space<vmem>>
      %dma_start3A_382 = arith.constant 0 : i32
      %dma_start3A_383 = arith.constant 0 : i32
      %dma_start3A_384 = tpu.memref_slice %arg2[%dma_start3A_382, %dma_start3A_383] : memref<10000x128xf32, #tpu.memory_space<hbm>> -> memref<10000x128xf32, #tpu.memory_space<hbm>>
      tpu.enqueue_indirect_dma source(%dma_start3A_384 : memref<10000x128xf32, #tpu.memory_space<hbm>>) target(%arg11 : memref<80x128xf32, #tpu.memory_space<vmem>>) offsets(%dma_start3A_381 : memref<80xi32, #tpu.memory_space<vmem>>) semaphore(%arg17 : memref<!tpu.dma_semaphore, #tpu.memory_space<semaphore_mem>>)
      %add3A_385 = arith.constant 3 : i32
      %add3A_386 = arith.addi %add3A_347, %add3A_385 : i32
      %dma_start3A_387 = arith.constant 0 : i32
      %dma_start3A_388 = arith.constant 0 : i32
      %dma_start3A_389 = tpu.memref_slice %arg3[%add3A, %add3A_386, %dma_start3A_387, %dma_start3A_388] : memref<32x125x2x80xi32, #tpu.memory_space<hbm>> -> memref<1x1x2x80xi32, #tpu.memory_space<hbm>>
      %dma_start3A_390 = tpu.memref_squeeze %dma_start3A_389 : memref<1x1x2x80xi32, #tpu.memory_space<hbm>> -> memref<2x80xi32, #tpu.memory_space<hbm>>
      %dma_start3A_391 = arith.constant 0 : i32
      %dma_start3A_392 = arith.constant 0 : i32
      %dma_start3A_393 = tpu.memref_slice %arg3[%add3A, %add3A_386, %dma_start3A_391, %dma_start3A_392] : memref<32x125x2x80xi32, #tpu.memory_space<hbm>> -> memref<1x1x2x80xi32, #tpu.memory_space<hbm>>
      %dma_start3A_394 = tpu.memref_squeeze %dma_start3A_393 : memref<1x1x2x80xi32, #tpu.memory_space<hbm>> -> memref<2x80xi32, #tpu.memory_space<hbm>>
      tpu.enqueue_dma source(%dma_start3A_394 : memref<2x80xi32, #tpu.memory_space<hbm>>) target(%arg9 : memref<2x80xi32, #tpu.memory_space<vmem>>) target_semaphore(%arg15 : memref<!tpu.dma_semaphore, #tpu.memory_space<semaphore_mem>>)
      %add3A_395 = arith.constant 3 : i32
      %add3A_396 = arith.addi %add3A_249, %add3A_395 : i32
      %dma_wait3A_397 = arith.constant 0 : i32
      %dma_wait3A_398 = arith.constant 0 : i32
      %dma_wait3A_399 = tpu.memref_slice %arg7[%dma_wait3A_397, %dma_wait3A_398] : memref<2x80xi32, #tpu.memory_space<vmem>> -> memref<1x80xi32, #tpu.memory_space<vmem>>
      %dma_wait3A_400 = tpu.memref_squeeze %dma_wait3A_399 : memref<1x80xi32, #tpu.memory_space<vmem>> -> memref<80xi32, #tpu.memory_space<vmem>>
      %dma_wait3A_401 = arith.constant 0 : i32
      %dma_wait3A_402 = arith.constant 0 : i32
      %dma_wait3A_403 = tpu.memref_slice %arg2[%dma_wait3A_401, %dma_wait3A_402] : memref<10000x128xf32, #tpu.memory_space<hbm>> -> memref<10000x128xf32, #tpu.memory_space<hbm>>
      tpu.wait_indirect_dma semaphore(%arg17 : memref<!tpu.dma_semaphore, #tpu.memory_space<semaphore_mem>>) src(%dma_wait3A_403 : memref<10000x128xf32, #tpu.memory_space<hbm>>) dst(%arg11 : memref<80x128xf32, #tpu.memory_space<vmem>>)
      %dma_start3A_404 = arith.constant 1 : i32
      %dma_start3A_405 = arith.constant 0 : i32
      %dma_start3A_406 = tpu.memref_slice %arg7[%dma_start3A_404, %dma_start3A_405] : memref<2x80xi32, #tpu.memory_space<vmem>> -> memref<1x80xi32, #tpu.memory_space<vmem>>
      %dma_start3A_407 = tpu.memref_squeeze %dma_start3A_406 : memref<1x80xi32, #tpu.memory_space<vmem>> -> memref<80xi32, #tpu.memory_space<vmem>>
      %dma_start3A_408 = arith.constant 0 : i32
      %dma_start3A_409 = arith.constant 0 : i32
      %dma_start3A_410 = tpu.memref_slice %arg6[%dma_start3A_408, %dma_start3A_409] : memref<10240x128xf32, #tpu.memory_space<vmem_shared>> -> memref<10240x128xf32, #tpu.memory_space<vmem_shared>>
      tpu.enqueue_indirect_dma source(%arg11 : memref<80x128xf32, #tpu.memory_space<vmem>>) target(%dma_start3A_410 : memref<10240x128xf32, #tpu.memory_space<vmem_shared>>) offsets(%dma_start3A_407 : memref<80xi32, #tpu.memory_space<vmem>>) semaphore(%arg19 : memref<!tpu.dma_semaphore, #tpu.memory_space<semaphore_mem>>) {add = true}
      %dma_wait3A_411 = arith.constant 0 : i32
      %dma_wait3A_412 = arith.constant 0 : i32
      %dma_wait3A_413 = tpu.memref_slice %arg7[%dma_wait3A_411, %dma_wait3A_412] : memref<2x80xi32, #tpu.memory_space<vmem>> -> memref<1x80xi32, #tpu.memory_space<vmem>>
      %dma_wait3A_414 = tpu.memref_squeeze %dma_wait3A_413 : memref<1x80xi32, #tpu.memory_space<vmem>> -> memref<80xi32, #tpu.memory_space<vmem>>
      %dma_wait3A_415 = arith.constant 0 : i32
      %dma_wait3A_416 = arith.constant 0 : i32
      %dma_wait3A_417 = tpu.memref_slice %arg2[%dma_wait3A_415, %dma_wait3A_416] : memref<10000x128xf32, #tpu.memory_space<hbm>> -> memref<10000x128xf32, #tpu.memory_space<hbm>>
      tpu.wait_indirect_dma semaphore(%arg20 : memref<!tpu.dma_semaphore, #tpu.memory_space<semaphore_mem>>) src(%dma_wait3A_417 : memref<10000x128xf32, #tpu.memory_space<hbm>>) dst(%arg12 : memref<80x128xf32, #tpu.memory_space<vmem>>)
      %dma_wait3A_418 = arith.constant 0 : i32
      %dma_wait3A_419 = arith.constant 0 : i32
      %dma_wait3A_420 = arith.constant 0 : i32
      %dma_wait3A_421 = tpu.memref_slice %arg3[%add3A, %dma_wait3A_418, %dma_wait3A_419, %dma_wait3A_420] : memref<32x125x2x80xi32, #tpu.memory_space<hbm>> -> memref<1x1x2x80xi32, #tpu.memory_space<hbm>>
      %dma_wait3A_422 = tpu.memref_squeeze %dma_wait3A_421 : memref<1x1x2x80xi32, #tpu.memory_space<hbm>> -> memref<2x80xi32, #tpu.memory_space<hbm>>
      %dma_wait3A_423 = arith.constant 0 : i32
      %dma_wait3A_424 = arith.constant 0 : i32
      %dma_wait3A_425 = tpu.memref_slice %arg3[%add3A, %dma_wait3A_418, %dma_wait3A_423, %dma_wait3A_424] : memref<32x125x2x80xi32, #tpu.memory_space<hbm>> -> memref<1x1x2x80xi32, #tpu.memory_space<hbm>>
      %dma_wait3A_426 = tpu.memref_squeeze %dma_wait3A_425 : memref<1x1x2x80xi32, #tpu.memory_space<hbm>> -> memref<2x80xi32, #tpu.memory_space<hbm>>
      tpu.wait_dma2 semaphore(%arg14 : memref<!tpu.dma_semaphore, #tpu.memory_space<semaphore_mem>>) src(%dma_wait3A_426 : memref<2x80xi32, #tpu.memory_space<hbm>>) dst(%arg8 : memref<2x80xi32, #tpu.memory_space<vmem>>)
      %dma_start3A_427 = arith.constant 0 : i32
      %dma_start3A_428 = arith.constant 0 : i32
      %dma_start3A_429 = tpu.memref_slice %arg8[%dma_start3A_427, %dma_start3A_428] : memref<2x80xi32, #tpu.memory_space<vmem>> -> memref<1x80xi32, #tpu.memory_space<vmem>>
      %dma_start3A_430 = tpu.memref_squeeze %dma_start3A_429 : memref<1x80xi32, #tpu.memory_space<vmem>> -> memref<80xi32, #tpu.memory_space<vmem>>
      %dma_start3A_431 = arith.constant 0 : i32
      %dma_start3A_432 = arith.constant 0 : i32
      %dma_start3A_433 = tpu.memref_slice %arg2[%dma_start3A_431, %dma_start3A_432] : memref<10000x128xf32, #tpu.memory_space<hbm>> -> memref<10000x128xf32, #tpu.memory_space<hbm>>
      tpu.enqueue_indirect_dma source(%dma_start3A_433 : memref<10000x128xf32, #tpu.memory_space<hbm>>) target(%arg12 : memref<80x128xf32, #tpu.memory_space<vmem>>) offsets(%dma_start3A_430 : memref<80xi32, #tpu.memory_space<vmem>>) semaphore(%arg18 : memref<!tpu.dma_semaphore, #tpu.memory_space<semaphore_mem>>)
      %add3A_434 = arith.constant 3 : i32
      %add3A_435 = arith.addi %add3A_396, %add3A_434 : i32
      %dma_start3A_436 = arith.constant 0 : i32
      %dma_start3A_437 = arith.constant 0 : i32
      %dma_start3A_438 = tpu.memref_slice %arg3[%add3A, %add3A_435, %dma_start3A_436, %dma_start3A_437] : memref<32x125x2x80xi32, #tpu.memory_space<hbm>> -> memref<1x1x2x80xi32, #tpu.memory_space<hbm>>
      %dma_start3A_439 = tpu.memref_squeeze %dma_start3A_438 : memref<1x1x2x80xi32, #tpu.memory_space<hbm>> -> memref<2x80xi32, #tpu.memory_space<hbm>>
      %dma_start3A_440 = arith.constant 0 : i32
      %dma_start3A_441 = arith.constant 0 : i32
      %dma_start3A_442 = tpu.memref_slice %arg3[%add3A, %add3A_435, %dma_start3A_440, %dma_start3A_441] : memref<32x125x2x80xi32, #tpu.memory_space<hbm>> -> memref<1x1x2x80xi32, #tpu.memory_space<hbm>>
      %dma_start3A_443 = tpu.memref_squeeze %dma_start3A_442 : memref<1x1x2x80xi32, #tpu.memory_space<hbm>> -> memref<2x80xi32, #tpu.memory_space<hbm>>
      tpu.enqueue_dma source(%dma_start3A_443 : memref<2x80xi32, #tpu.memory_space<hbm>>) target(%arg10 : memref<2x80xi32, #tpu.memory_space<vmem>>) target_semaphore(%arg16 : memref<!tpu.dma_semaphore, #tpu.memory_space<semaphore_mem>>)
    }
    %scan3A_95 = arith.constant 30 : i32
    %dma_wait3A_96 = arith.constant 0 : i32
    %dma_wait3A_97 = arith.constant 0 : i32
    %dma_wait3A_98 = tpu.memref_slice %arg7[%dma_wait3A_96, %dma_wait3A_97] : memref<2x80xi32, #tpu.memory_space<vmem>> -> memref<1x80xi32, #tpu.memory_space<vmem>>
    %dma_wait3A_99 = tpu.memref_squeeze %dma_wait3A_98 : memref<1x80xi32, #tpu.memory_space<vmem>> -> memref<80xi32, #tpu.memory_space<vmem>>
    %dma_wait3A_100 = arith.constant 0 : i32
    %dma_wait3A_101 = arith.constant 0 : i32
    %dma_wait3A_102 = tpu.memref_slice %arg2[%dma_wait3A_100, %dma_wait3A_101] : memref<10000x128xf32, #tpu.memory_space<hbm>> -> memref<10000x128xf32, #tpu.memory_space<hbm>>
    tpu.wait_indirect_dma semaphore(%arg18 : memref<!tpu.dma_semaphore, #tpu.memory_space<semaphore_mem>>) src(%dma_wait3A_102 : memref<10000x128xf32, #tpu.memory_space<hbm>>) dst(%arg12 : memref<80x128xf32, #tpu.memory_space<vmem>>)
    %dma_start3A_103 = arith.constant 1 : i32
    %dma_start3A_104 = arith.constant 0 : i32
    %dma_start3A_105 = tpu.memref_slice %arg8[%dma_start3A_103, %dma_start3A_104] : memref<2x80xi32, #tpu.memory_space<vmem>> -> memref<1x80xi32, #tpu.memory_space<vmem>>
    %dma_start3A_106 = tpu.memref_squeeze %dma_start3A_105 : memref<1x80xi32, #tpu.memory_space<vmem>> -> memref<80xi32, #tpu.memory_space<vmem>>
    %dma_start3A_107 = arith.constant 0 : i32
    %dma_start3A_108 = arith.constant 0 : i32
    %dma_start3A_109 = tpu.memref_slice %arg6[%dma_start3A_107, %dma_start3A_108] : memref<10240x128xf32, #tpu.memory_space<vmem_shared>> -> memref<10240x128xf32, #tpu.memory_space<vmem_shared>>
    tpu.enqueue_indirect_dma source(%arg12 : memref<80x128xf32, #tpu.memory_space<vmem>>) target(%dma_start3A_109 : memref<10240x128xf32, #tpu.memory_space<vmem_shared>>) offsets(%dma_start3A_106 : memref<80xi32, #tpu.memory_space<vmem>>) semaphore(%arg20 : memref<!tpu.dma_semaphore, #tpu.memory_space<semaphore_mem>>) {add = true}
    %dma_wait3A_110 = arith.constant 0 : i32
    %dma_wait3A_111 = arith.constant 0 : i32
    %dma_wait3A_112 = tpu.memref_slice %arg7[%dma_wait3A_110, %dma_wait3A_111] : memref<2x80xi32, #tpu.memory_space<vmem>> -> memref<1x80xi32, #tpu.memory_space<vmem>>
    %dma_wait3A_113 = tpu.memref_squeeze %dma_wait3A_112 : memref<1x80xi32, #tpu.memory_space<vmem>> -> memref<80xi32, #tpu.memory_space<vmem>>
    %dma_wait3A_114 = arith.constant 0 : i32
    %dma_wait3A_115 = arith.constant 0 : i32
    %dma_wait3A_116 = tpu.memref_slice %arg2[%dma_wait3A_114, %dma_wait3A_115] : memref<10000x128xf32, #tpu.memory_space<hbm>> -> memref<10000x128xf32, #tpu.memory_space<hbm>>
    tpu.wait_indirect_dma semaphore(%arg19 : memref<!tpu.dma_semaphore, #tpu.memory_space<semaphore_mem>>) src(%dma_wait3A_116 : memref<10000x128xf32, #tpu.memory_space<hbm>>) dst(%arg11 : memref<80x128xf32, #tpu.memory_space<vmem>>)
    %dma_wait3A_117 = arith.constant 0 : i32
    %dma_wait3A_118 = arith.constant 0 : i32
    %dma_wait3A_119 = arith.constant 0 : i32
    %dma_wait3A_120 = tpu.memref_slice %arg3[%add3A, %dma_wait3A_117, %dma_wait3A_118, %dma_wait3A_119] : memref<32x125x2x80xi32, #tpu.memory_space<hbm>> -> memref<1x1x2x80xi32, #tpu.memory_space<hbm>>
    %dma_wait3A_121 = tpu.memref_squeeze %dma_wait3A_120 : memref<1x1x2x80xi32, #tpu.memory_space<hbm>> -> memref<2x80xi32, #tpu.memory_space<hbm>>
    %dma_wait3A_122 = arith.constant 0 : i32
    %dma_wait3A_123 = arith.constant 0 : i32
    %dma_wait3A_124 = tpu.memref_slice %arg3[%add3A, %dma_wait3A_117, %dma_wait3A_122, %dma_wait3A_123] : memref<32x125x2x80xi32, #tpu.memory_space<hbm>> -> memref<1x1x2x80xi32, #tpu.memory_space<hbm>>
    %dma_wait3A_125 = tpu.memref_squeeze %dma_wait3A_124 : memref<1x1x2x80xi32, #tpu.memory_space<hbm>> -> memref<2x80xi32, #tpu.memory_space<hbm>>
    tpu.wait_dma2 semaphore(%arg15 : memref<!tpu.dma_semaphore, #tpu.memory_space<semaphore_mem>>) src(%dma_wait3A_125 : memref<2x80xi32, #tpu.memory_space<hbm>>) dst(%arg9 : memref<2x80xi32, #tpu.memory_space<vmem>>)
    %dma_start3A_126 = arith.constant 0 : i32
    %dma_start3A_127 = arith.constant 0 : i32
    %dma_start3A_128 = tpu.memref_slice %arg9[%dma_start3A_126, %dma_start3A_127] : memref<2x80xi32, #tpu.memory_space<vmem>> -> memref<1x80xi32, #tpu.memory_space<vmem>>
    %dma_start3A_129 = tpu.memref_squeeze %dma_start3A_128 : memref<1x80xi32, #tpu.memory_space<vmem>> -> memref<80xi32, #tpu.memory_space<vmem>>
    %dma_start3A_130 = arith.constant 0 : i32
    %dma_start3A_131 = arith.constant 0 : i32
    %dma_start3A_132 = tpu.memref_slice %arg2[%dma_start3A_130, %dma_start3A_131] : memref<10000x128xf32, #tpu.memory_space<hbm>> -> memref<10000x128xf32, #tpu.memory_space<hbm>>
    tpu.enqueue_indirect_dma source(%dma_start3A_132 : memref<10000x128xf32, #tpu.memory_space<hbm>>) target(%arg11 : memref<80x128xf32, #tpu.memory_space<vmem>>) offsets(%dma_start3A_129 : memref<80xi32, #tpu.memory_space<vmem>>) semaphore(%arg17 : memref<!tpu.dma_semaphore, #tpu.memory_space<semaphore_mem>>)
    %dma_start3A_133 = arith.constant 124 : i32
    %dma_start3A_134 = arith.constant 0 : i32
    %dma_start3A_135 = arith.constant 0 : i32
    %dma_start3A_136 = tpu.memref_slice %arg3[%add3A, %dma_start3A_133, %dma_start3A_134, %dma_start3A_135] : memref<32x125x2x80xi32, #tpu.memory_space<hbm>> -> memref<1x1x2x80xi32, #tpu.memory_space<hbm>>
    %dma_start3A_137 = tpu.memref_squeeze %dma_start3A_136 : memref<1x1x2x80xi32, #tpu.memory_space<hbm>> -> memref<2x80xi32, #tpu.memory_space<hbm>>
    %dma_start3A_138 = arith.constant 0 : i32
    %dma_start3A_139 = arith.constant 0 : i32
    %dma_start3A_140 = tpu.memref_slice %arg3[%add3A, %dma_start3A_133, %dma_start3A_138, %dma_start3A_139] : memref<32x125x2x80xi32, #tpu.memory_space<hbm>> -> memref<1x1x2x80xi32, #tpu.memory_space<hbm>>
    %dma_start3A_141 = tpu.memref_squeeze %dma_start3A_140 : memref<1x1x2x80xi32, #tpu.memory_space<hbm>> -> memref<2x80xi32, #tpu.memory_space<hbm>>
    tpu.enqueue_dma source(%dma_start3A_141 : memref<2x80xi32, #tpu.memory_space<hbm>>) target(%arg7 : memref<2x80xi32, #tpu.memory_space<vmem>>) target_semaphore(%arg13 : memref<!tpu.dma_semaphore, #tpu.memory_space<semaphore_mem>>)
    %dma_wait3A_142 = arith.constant 0 : i32
    %dma_wait3A_143 = arith.constant 0 : i32
    %dma_wait3A_144 = tpu.memref_slice %arg7[%dma_wait3A_142, %dma_wait3A_143] : memref<2x80xi32, #tpu.memory_space<vmem>> -> memref<1x80xi32, #tpu.memory_space<vmem>>
    %dma_wait3A_145 = tpu.memref_squeeze %dma_wait3A_144 : memref<1x80xi32, #tpu.memory_space<vmem>> -> memref<80xi32, #tpu.memory_space<vmem>>
    %dma_wait3A_146 = arith.constant 0 : i32
    %dma_wait3A_147 = arith.constant 0 : i32
    %dma_wait3A_148 = tpu.memref_slice %arg2[%dma_wait3A_146, %dma_wait3A_147] : memref<10000x128xf32, #tpu.memory_space<hbm>> -> memref<10000x128xf32, #tpu.memory_space<hbm>>
    tpu.wait_indirect_dma semaphore(%arg17 : memref<!tpu.dma_semaphore, #tpu.memory_space<semaphore_mem>>) src(%dma_wait3A_148 : memref<10000x128xf32, #tpu.memory_space<hbm>>) dst(%arg11 : memref<80x128xf32, #tpu.memory_space<vmem>>)
    %dma_start3A_149 = arith.constant 1 : i32
    %dma_start3A_150 = arith.constant 0 : i32
    %dma_start3A_151 = tpu.memref_slice %arg9[%dma_start3A_149, %dma_start3A_150] : memref<2x80xi32, #tpu.memory_space<vmem>> -> memref<1x80xi32, #tpu.memory_space<vmem>>
    %dma_start3A_152 = tpu.memref_squeeze %dma_start3A_151 : memref<1x80xi32, #tpu.memory_space<vmem>> -> memref<80xi32, #tpu.memory_space<vmem>>
    %dma_start3A_153 = arith.constant 0 : i32
    %dma_start3A_154 = arith.constant 0 : i32
    %dma_start3A_155 = tpu.memref_slice %arg6[%dma_start3A_153, %dma_start3A_154] : memref<10240x128xf32, #tpu.memory_space<vmem_shared>> -> memref<10240x128xf32, #tpu.memory_space<vmem_shared>>
    tpu.enqueue_indirect_dma source(%arg11 : memref<80x128xf32, #tpu.memory_space<vmem>>) target(%dma_start3A_155 : memref<10240x128xf32, #tpu.memory_space<vmem_shared>>) offsets(%dma_start3A_152 : memref<80xi32, #tpu.memory_space<vmem>>) semaphore(%arg19 : memref<!tpu.dma_semaphore, #tpu.memory_space<semaphore_mem>>) {add = true}
    %dma_wait3A_156 = arith.constant 0 : i32
    %dma_wait3A_157 = arith.constant 0 : i32
    %dma_wait3A_158 = tpu.memref_slice %arg7[%dma_wait3A_156, %dma_wait3A_157] : memref<2x80xi32, #tpu.memory_space<vmem>> -> memref<1x80xi32, #tpu.memory_space<vmem>>
    %dma_wait3A_159 = tpu.memref_squeeze %dma_wait3A_158 : memref<1x80xi32, #tpu.memory_space<vmem>> -> memref<80xi32, #tpu.memory_space<vmem>>
    %dma_wait3A_160 = arith.constant 0 : i32
    %dma_wait3A_161 = arith.constant 0 : i32
    %dma_wait3A_162 = tpu.memref_slice %arg2[%dma_wait3A_160, %dma_wait3A_161] : memref<10000x128xf32, #tpu.memory_space<hbm>> -> memref<10000x128xf32, #tpu.memory_space<hbm>>
    tpu.wait_indirect_dma semaphore(%arg20 : memref<!tpu.dma_semaphore, #tpu.memory_space<semaphore_mem>>) src(%dma_wait3A_162 : memref<10000x128xf32, #tpu.memory_space<hbm>>) dst(%arg12 : memref<80x128xf32, #tpu.memory_space<vmem>>)
    %dma_wait3A_163 = arith.constant 0 : i32
    %dma_wait3A_164 = arith.constant 0 : i32
    %dma_wait3A_165 = arith.constant 0 : i32
    %dma_wait3A_166 = tpu.memref_slice %arg3[%add3A, %dma_wait3A_163, %dma_wait3A_164, %dma_wait3A_165] : memref<32x125x2x80xi32, #tpu.memory_space<hbm>> -> memref<1x1x2x80xi32, #tpu.memory_space<hbm>>
    %dma_wait3A_167 = tpu.memref_squeeze %dma_wait3A_166 : memref<1x1x2x80xi32, #tpu.memory_space<hbm>> -> memref<2x80xi32, #tpu.memory_space<hbm>>
    %dma_wait3A_168 = arith.constant 0 : i32
    %dma_wait3A_169 = arith.constant 0 : i32
    %dma_wait3A_170 = tpu.memref_slice %arg3[%add3A, %dma_wait3A_163, %dma_wait3A_168, %dma_wait3A_169] : memref<32x125x2x80xi32, #tpu.memory_space<hbm>> -> memref<1x1x2x80xi32, #tpu.memory_space<hbm>>
    %dma_wait3A_171 = tpu.memref_squeeze %dma_wait3A_170 : memref<1x1x2x80xi32, #tpu.memory_space<hbm>> -> memref<2x80xi32, #tpu.memory_space<hbm>>
    tpu.wait_dma2 semaphore(%arg16 : memref<!tpu.dma_semaphore, #tpu.memory_space<semaphore_mem>>) src(%dma_wait3A_171 : memref<2x80xi32, #tpu.memory_space<hbm>>) dst(%arg10 : memref<2x80xi32, #tpu.memory_space<vmem>>)
    %dma_start3A_172 = arith.constant 0 : i32
    %dma_start3A_173 = arith.constant 0 : i32
    %dma_start3A_174 = tpu.memref_slice %arg10[%dma_start3A_172, %dma_start3A_173] : memref<2x80xi32, #tpu.memory_space<vmem>> -> memref<1x80xi32, #tpu.memory_space<vmem>>
    %dma_start3A_175 = tpu.memref_squeeze %dma_start3A_174 : memref<1x80xi32, #tpu.memory_space<vmem>> -> memref<80xi32, #tpu.memory_space<vmem>>
    %dma_start3A_176 = arith.constant 0 : i32
    %dma_start3A_177 = arith.constant 0 : i32
    %dma_start3A_178 = tpu.memref_slice %arg2[%dma_start3A_176, %dma_start3A_177] : memref<10000x128xf32, #tpu.memory_space<hbm>> -> memref<10000x128xf32, #tpu.memory_space<hbm>>
    tpu.enqueue_indirect_dma source(%dma_start3A_178 : memref<10000x128xf32, #tpu.memory_space<hbm>>) target(%arg12 : memref<80x128xf32, #tpu.memory_space<vmem>>) offsets(%dma_start3A_175 : memref<80xi32, #tpu.memory_space<vmem>>) semaphore(%arg18 : memref<!tpu.dma_semaphore, #tpu.memory_space<semaphore_mem>>)
    %dma_wait3A_179 = arith.constant 0 : i32
    %dma_wait3A_180 = arith.constant 0 : i32
    %dma_wait3A_181 = tpu.memref_slice %arg7[%dma_wait3A_179, %dma_wait3A_180] : memref<2x80xi32, #tpu.memory_space<vmem>> -> memref<1x80xi32, #tpu.memory_space<vmem>>
    %dma_wait3A_182 = tpu.memref_squeeze %dma_wait3A_181 : memref<1x80xi32, #tpu.memory_space<vmem>> -> memref<80xi32, #tpu.memory_space<vmem>>
    %dma_wait3A_183 = arith.constant 0 : i32
    %dma_wait3A_184 = arith.constant 0 : i32
    %dma_wait3A_185 = tpu.memref_slice %arg2[%dma_wait3A_183, %dma_wait3A_184] : memref<10000x128xf32, #tpu.memory_space<hbm>> -> memref<10000x128xf32, #tpu.memory_space<hbm>>
    tpu.wait_indirect_dma semaphore(%arg18 : memref<!tpu.dma_semaphore, #tpu.memory_space<semaphore_mem>>) src(%dma_wait3A_185 : memref<10000x128xf32, #tpu.memory_space<hbm>>) dst(%arg12 : memref<80x128xf32, #tpu.memory_space<vmem>>)
    %dma_start3A_186 = arith.constant 1 : i32
    %dma_start3A_187 = arith.constant 0 : i32
    %dma_start3A_188 = tpu.memref_slice %arg10[%dma_start3A_186, %dma_start3A_187] : memref<2x80xi32, #tpu.memory_space<vmem>> -> memref<1x80xi32, #tpu.memory_space<vmem>>
    %dma_start3A_189 = tpu.memref_squeeze %dma_start3A_188 : memref<1x80xi32, #tpu.memory_space<vmem>> -> memref<80xi32, #tpu.memory_space<vmem>>
    %dma_start3A_190 = arith.constant 0 : i32
    %dma_start3A_191 = arith.constant 0 : i32
    %dma_start3A_192 = tpu.memref_slice %arg6[%dma_start3A_190, %dma_start3A_191] : memref<10240x128xf32, #tpu.memory_space<vmem_shared>> -> memref<10240x128xf32, #tpu.memory_space<vmem_shared>>
    tpu.enqueue_indirect_dma source(%arg12 : memref<80x128xf32, #tpu.memory_space<vmem>>) target(%dma_start3A_192 : memref<10240x128xf32, #tpu.memory_space<vmem_shared>>) offsets(%dma_start3A_189 : memref<80xi32, #tpu.memory_space<vmem>>) semaphore(%arg20 : memref<!tpu.dma_semaphore, #tpu.memory_space<semaphore_mem>>) {add = true}
    %dma_wait3A_193 = arith.constant 0 : i32
    %dma_wait3A_194 = arith.constant 0 : i32
    %dma_wait3A_195 = tpu.memref_slice %arg7[%dma_wait3A_193, %dma_wait3A_194] : memref<2x80xi32, #tpu.memory_space<vmem>> -> memref<1x80xi32, #tpu.memory_space<vmem>>
    %dma_wait3A_196 = tpu.memref_squeeze %dma_wait3A_195 : memref<1x80xi32, #tpu.memory_space<vmem>> -> memref<80xi32, #tpu.memory_space<vmem>>
    %dma_wait3A_197 = arith.constant 0 : i32
    %dma_wait3A_198 = arith.constant 0 : i32
    %dma_wait3A_199 = tpu.memref_slice %arg2[%dma_wait3A_197, %dma_wait3A_198] : memref<10000x128xf32, #tpu.memory_space<hbm>> -> memref<10000x128xf32, #tpu.memory_space<hbm>>
    tpu.wait_indirect_dma semaphore(%arg19 : memref<!tpu.dma_semaphore, #tpu.memory_space<semaphore_mem>>) src(%dma_wait3A_199 : memref<10000x128xf32, #tpu.memory_space<hbm>>) dst(%arg11 : memref<80x128xf32, #tpu.memory_space<vmem>>)
    %dma_wait3A_200 = arith.constant 0 : i32
    %dma_wait3A_201 = arith.constant 0 : i32
    %dma_wait3A_202 = arith.constant 0 : i32
    %dma_wait3A_203 = tpu.memref_slice %arg3[%add3A, %dma_wait3A_200, %dma_wait3A_201, %dma_wait3A_202] : memref<32x125x2x80xi32, #tpu.memory_space<hbm>> -> memref<1x1x2x80xi32, #tpu.memory_space<hbm>>
    %dma_wait3A_204 = tpu.memref_squeeze %dma_wait3A_203 : memref<1x1x2x80xi32, #tpu.memory_space<hbm>> -> memref<2x80xi32, #tpu.memory_space<hbm>>
    %dma_wait3A_205 = arith.constant 0 : i32
    %dma_wait3A_206 = arith.constant 0 : i32
    %dma_wait3A_207 = tpu.memref_slice %arg3[%add3A, %dma_wait3A_200, %dma_wait3A_205, %dma_wait3A_206] : memref<32x125x2x80xi32, #tpu.memory_space<hbm>> -> memref<1x1x2x80xi32, #tpu.memory_space<hbm>>
    %dma_wait3A_208 = tpu.memref_squeeze %dma_wait3A_207 : memref<1x1x2x80xi32, #tpu.memory_space<hbm>> -> memref<2x80xi32, #tpu.memory_space<hbm>>
    tpu.wait_dma2 semaphore(%arg13 : memref<!tpu.dma_semaphore, #tpu.memory_space<semaphore_mem>>) src(%dma_wait3A_208 : memref<2x80xi32, #tpu.memory_space<hbm>>) dst(%arg7 : memref<2x80xi32, #tpu.memory_space<vmem>>)
    %dma_start3A_209 = arith.constant 0 : i32
    %dma_start3A_210 = arith.constant 0 : i32
    %dma_start3A_211 = tpu.memref_slice %arg7[%dma_start3A_209, %dma_start3A_210] : memref<2x80xi32, #tpu.memory_space<vmem>> -> memref<1x80xi32, #tpu.memory_space<vmem>>
    %dma_start3A_212 = tpu.memref_squeeze %dma_start3A_211 : memref<1x80xi32, #tpu.memory_space<vmem>> -> memref<80xi32, #tpu.memory_space<vmem>>
    %dma_start3A_213 = arith.constant 0 : i32
    %dma_start3A_214 = arith.constant 0 : i32
    %dma_start3A_215 = tpu.memref_slice %arg2[%dma_start3A_213, %dma_start3A_214] : memref<10000x128xf32, #tpu.memory_space<hbm>> -> memref<10000x128xf32, #tpu.memory_space<hbm>>
    tpu.enqueue_indirect_dma source(%dma_start3A_215 : memref<10000x128xf32, #tpu.memory_space<hbm>>) target(%arg11 : memref<80x128xf32, #tpu.memory_space<vmem>>) offsets(%dma_start3A_212 : memref<80xi32, #tpu.memory_space<vmem>>) semaphore(%arg17 : memref<!tpu.dma_semaphore, #tpu.memory_space<semaphore_mem>>)
    %dma_wait3A_216 = arith.constant 0 : i32
    %dma_wait3A_217 = arith.constant 0 : i32
    %dma_wait3A_218 = tpu.memref_slice %arg7[%dma_wait3A_216, %dma_wait3A_217] : memref<2x80xi32, #tpu.memory_space<vmem>> -> memref<1x80xi32, #tpu.memory_space<vmem>>
    %dma_wait3A_219 = tpu.memref_squeeze %dma_wait3A_218 : memref<1x80xi32, #tpu.memory_space<vmem>> -> memref<80xi32, #tpu.memory_space<vmem>>
    %dma_wait3A_220 = arith.constant 0 : i32
    %dma_wait3A_221 = arith.constant 0 : i32
    %dma_wait3A_222 = tpu.memref_slice %arg2[%dma_wait3A_220, %dma_wait3A_221] : memref<10000x128xf32, #tpu.memory_space<hbm>> -> memref<10000x128xf32, #tpu.memory_space<hbm>>
    tpu.wait_indirect_dma semaphore(%arg17 : memref<!tpu.dma_semaphore, #tpu.memory_space<semaphore_mem>>) src(%dma_wait3A_222 : memref<10000x128xf32, #tpu.memory_space<hbm>>) dst(%arg11 : memref<80x128xf32, #tpu.memory_space<vmem>>)
    %dma_start3A_223 = arith.constant 1 : i32
    %dma_start3A_224 = arith.constant 0 : i32
    %dma_start3A_225 = tpu.memref_slice %arg7[%dma_start3A_223, %dma_start3A_224] : memref<2x80xi32, #tpu.memory_space<vmem>> -> memref<1x80xi32, #tpu.memory_space<vmem>>
    %dma_start3A_226 = tpu.memref_squeeze %dma_start3A_225 : memref<1x80xi32, #tpu.memory_space<vmem>> -> memref<80xi32, #tpu.memory_space<vmem>>
    %dma_start3A_227 = arith.constant 0 : i32
    %dma_start3A_228 = arith.constant 0 : i32
    %dma_start3A_229 = tpu.memref_slice %arg6[%dma_start3A_227, %dma_start3A_228] : memref<10240x128xf32, #tpu.memory_space<vmem_shared>> -> memref<10240x128xf32, #tpu.memory_space<vmem_shared>>
    tpu.enqueue_indirect_dma source(%arg11 : memref<80x128xf32, #tpu.memory_space<vmem>>) target(%dma_start3A_229 : memref<10240x128xf32, #tpu.memory_space<vmem_shared>>) offsets(%dma_start3A_226 : memref<80xi32, #tpu.memory_space<vmem>>) semaphore(%arg19 : memref<!tpu.dma_semaphore, #tpu.memory_space<semaphore_mem>>) {add = true}
    %dma_wait3A_230 = arith.constant 0 : i32
    %dma_wait3A_231 = arith.constant 0 : i32
    %dma_wait3A_232 = tpu.memref_slice %arg7[%dma_wait3A_230, %dma_wait3A_231] : memref<2x80xi32, #tpu.memory_space<vmem>> -> memref<1x80xi32, #tpu.memory_space<vmem>>
    %dma_wait3A_233 = tpu.memref_squeeze %dma_wait3A_232 : memref<1x80xi32, #tpu.memory_space<vmem>> -> memref<80xi32, #tpu.memory_space<vmem>>
    %dma_wait3A_234 = arith.constant 0 : i32
    %dma_wait3A_235 = arith.constant 0 : i32
    %dma_wait3A_236 = tpu.memref_slice %arg2[%dma_wait3A_234, %dma_wait3A_235] : memref<10000x128xf32, #tpu.memory_space<hbm>> -> memref<10000x128xf32, #tpu.memory_space<hbm>>
    tpu.wait_indirect_dma semaphore(%arg20 : memref<!tpu.dma_semaphore, #tpu.memory_space<semaphore_mem>>) src(%dma_wait3A_236 : memref<10000x128xf32, #tpu.memory_space<hbm>>) dst(%arg12 : memref<80x128xf32, #tpu.memory_space<vmem>>)
    %dma_wait3A_237 = arith.constant 0 : i32
    %dma_wait3A_238 = arith.constant 0 : i32
    %dma_wait3A_239 = tpu.memref_slice %arg7[%dma_wait3A_237, %dma_wait3A_238] : memref<2x80xi32, #tpu.memory_space<vmem>> -> memref<1x80xi32, #tpu.memory_space<vmem>>
    %dma_wait3A_240 = tpu.memref_squeeze %dma_wait3A_239 : memref<1x80xi32, #tpu.memory_space<vmem>> -> memref<80xi32, #tpu.memory_space<vmem>>
    %dma_wait3A_241 = arith.constant 0 : i32
    %dma_wait3A_242 = arith.constant 0 : i32
    %dma_wait3A_243 = tpu.memref_slice %arg2[%dma_wait3A_241, %dma_wait3A_242] : memref<10000x128xf32, #tpu.memory_space<hbm>> -> memref<10000x128xf32, #tpu.memory_space<hbm>>
    tpu.wait_indirect_dma semaphore(%arg19 : memref<!tpu.dma_semaphore, #tpu.memory_space<semaphore_mem>>) src(%dma_wait3A_243 : memref<10000x128xf32, #tpu.memory_space<hbm>>) dst(%arg11 : memref<80x128xf32, #tpu.memory_space<vmem>>)
    %barrier3A_244 = arith.constant 0 : index
    tpu.barrier barrier_id(%barrier3A_244)
    "tpu.region"() ({
      %run_scoped3A = tpu.sem_alloc : memref<!tpu.dma_semaphore, #tpu.memory_space<semaphore_mem>>
      %dma_start3A_245 = arith.constant 0 : i32
      %dma_start3A_246 = tpu.memref_slice %arg5[%arg0, %mul3A_2, %dma_start3A_245] : memref<2x10240x128xf32, #tpu.memory_space<hbm>> -> memref<1x640x128xf32, #tpu.memory_space<hbm>>
      %dma_start3A_247 = tpu.memref_squeeze %dma_start3A_246 : memref<1x640x128xf32, #tpu.memory_space<hbm>> -> memref<640x128xf32, #tpu.memory_space<hbm>>
      %dma_start3A_248 = arith.constant 0 : i32
      %dma_start3A_249 = tpu.memref_slice %arg6[%mul3A_2, %dma_start3A_248] : memref<10240x128xf32, #tpu.memory_space<vmem_shared>> -> memref<640x128xf32, #tpu.memory_space<vmem_shared>>
      tpu.enqueue_dma source(%dma_start3A_249 : memref<640x128xf32, #tpu.memory_space<vmem_shared>>) target(%dma_start3A_247 : memref<640x128xf32, #tpu.memory_space<hbm>>) target_semaphore(%run_scoped3A : memref<!tpu.dma_semaphore, #tpu.memory_space<semaphore_mem>>)
      %dma_wait3A_250 = arith.constant 0 : i32
      %dma_wait3A_251 = tpu.memref_slice %arg5[%arg0, %mul3A_2, %dma_wait3A_250] : memref<2x10240x128xf32, #tpu.memory_space<hbm>> -> memref<1x640x128xf32, #tpu.memory_space<hbm>>
      %dma_wait3A_252 = tpu.memref_squeeze %dma_wait3A_251 : memref<1x640x128xf32, #tpu.memory_space<hbm>> -> memref<640x128xf32, #tpu.memory_space<hbm>>
      %dma_wait3A_253 = arith.constant 0 : i32
      %dma_wait3A_254 = tpu.memref_slice %arg6[%mul3A_2, %dma_wait3A_253] : memref<10240x128xf32, #tpu.memory_space<vmem_shared>> -> memref<640x128xf32, #tpu.memory_space<vmem_shared>>
      tpu.wait_dma2 semaphore(%run_scoped3A : memref<!tpu.dma_semaphore, #tpu.memory_space<semaphore_mem>>) src(%dma_wait3A_254 : memref<640x128xf32, #tpu.memory_space<vmem_shared>>) dst(%dma_wait3A_252 : memref<640x128xf32, #tpu.memory_space<hbm>>)
      tpu.yield
    }) : () -> ()
    return
  }
}

module attributes {stable_mosaic.version = 14 : i64} {
  func.func @_xr_body(%arg0: i32, %arg1: memref<1000x128xf32, #tpu.memory_space<vmem>>, %arg2: memref<128x128xf32, #tpu.memory_space<vmem>>, %arg3: memref<1x128xf32, #tpu.memory_space<vmem>>, %arg4: memref<1000x128xf32, #tpu.memory_space<vmem>>) attributes {dimension_semantics = [#tpu.dimension_semantics<arbitrary>], iteration_bounds = array<i64: 10>, scalar_prefetch = 0 : i64, scratch_operands = 0 : i64, tpu.core_type = #tpu.core_type<tc>, window_params = [{transform_indices = @transform_0, window_bounds = array<i64: 1000, 128>}, {pipeline_mode = #tpu.pipeline_mode<synchronous>, transform_indices = @transform_1, window_bounds = array<i64: 128, 128>}, {pipeline_mode = #tpu.pipeline_mode<synchronous>, transform_indices = @transform_2, window_bounds = array<i64: 1, 128>}, {transform_indices = @transform_3, window_bounds = array<i64: 1000, 128>}]} {
    %get3A = arith.constant 0 : index
    %get3A_0 = arith.constant 0 : index
    %get3A_1 = vector.load %arg1[%get3A, %get3A_0] : memref<1000x128xf32, #tpu.memory_space<vmem>>, vector<1000x128xf32>
    %get3A_2 = arith.constant 0 : index
    %get3A_3 = arith.constant 0 : index
    %get3A_4 = vector.load %arg2[%get3A_2, %get3A_3] : memref<128x128xf32, #tpu.memory_space<vmem>>, vector<128x128xf32>
    %dot_general3A = arith.constant dense<0.000000e+00> : vector<1000x128xf32>
    %dot_general3A_5 = tpu.matmul %get3A_1, %get3A_4, %dot_general3A {dimension_numbers = #tpu.dot_dimension_numbers<[1], [1], [0], [0], [0, 0, 1, 0], [], []>, transpose_lhs_hint = false} : vector<1000x128xf32>, vector<128x128xf32>, vector<1000x128xf32> -> vector<1000x128xf32>
    %get3A_6 = arith.constant 0 : index
    %get3A_7 = arith.constant 0 : index
    %get3A_8 = vector.load %arg3[%get3A_6, %get3A_7] : memref<1x128xf32, #tpu.memory_space<vmem>>, vector<1x128xf32>
    %add3A = vector.broadcast %get3A_8 : vector<1x128xf32> to vector<1000x128xf32>
    %add3A_9 = arith.addf %dot_general3A_5, %add3A : vector<1000x128xf32>
    %swap3A = arith.constant 0 : index
    %swap3A_10 = arith.constant 0 : index
    %swap3A_11 = vector.load %arg4[%swap3A, %swap3A_10] : memref<1000x128xf32, #tpu.memory_space<vmem>>, vector<1000x128xf32>
    tpu.vector_store %arg4[%swap3A, %swap3A_10], %add3A_9 {strides = array<i32>} : memref<1000x128xf32, #tpu.memory_space<vmem>>, vector<1000x128xf32>,
    return
  }
  func.func @transform_0(%arg0: i32) -> (i32, i32) {
    %c0_i32 = arith.constant 0 : i32
    %c0_i32_0 = arith.constant 0 : i32
    return %arg0, %c0_i32 : i32, i32
  }
  func.func @transform_1(%arg0: i32) -> (i32, i32) {
    %c0_i32 = arith.constant 0 : i32
    %c0_i32_0 = arith.constant 0 : i32
    %c0_i32_1 = arith.constant 0 : i32
    return %c0_i32, %c0_i32_0 : i32, i32
  }
  func.func @transform_2(%arg0: i32) -> (i32, i32) {
    %c0_i32 = arith.constant 0 : i32
    %c0_i32_0 = arith.constant 0 : i32
    %c0_i32_1 = arith.constant 0 : i32
    return %c0_i32, %c0_i32_0 : i32, i32
  }
  func.func @transform_3(%arg0: i32) -> (i32, i32) {
    %c0_i32 = arith.constant 0 : i32
    %c0_i32_0 = arith.constant 0 : i32
    return %arg0, %c0_i32 : i32, i32
  }
}

module attributes {stable_mosaic.version = 14 : i64} {
  func.func @_dense_layer_body(%arg0: i32, %arg1: memref<1000x128xf32, #tpu.memory_space<vmem>>, %arg2: memref<2x1000x128xf32, #tpu.memory_space<vmem>>, %arg3: memref<1000x128xf32, #tpu.memory_space<vmem>>, %arg4: memref<128x128xf32, #tpu.memory_space<vmem>>, %arg5: memref<1000x128xf32, #tpu.memory_space<vmem>>) attributes {dimension_semantics = [#tpu.dimension_semantics<arbitrary>], iteration_bounds = array<i64: 10>, scalar_prefetch = 0 : i64, scratch_operands = 0 : i64, tpu.core_type = #tpu.core_type<tc>, window_params = [{transform_indices = @transform_0, window_bounds = array<i64: 1000, 128>}, {transform_indices = @transform_1, window_bounds = array<i64: 2, 1000, 128>}, {transform_indices = @transform_2, window_bounds = array<i64: 1000, 128>}, {pipeline_mode = #tpu.pipeline_mode<synchronous>, transform_indices = @transform_3, window_bounds = array<i64: 128, 128>}, {transform_indices = @transform_4, window_bounds = array<i64: 1000, 128>}]} {
    %get3A = arith.constant 0 : index
    %get3A_0 = arith.constant 0 : index
    %get3A_1 = arith.constant 0 : index
    %get3A_2 = vector.load %arg2[%get3A, %get3A_0, %get3A_1] : memref<2x1000x128xf32, #tpu.memory_space<vmem>>, vector<1x1000x128xf32>
    %get3A_3 = vector.shape_cast %get3A_2 : vector<1x1000x128xf32> to vector<1000x128xf32>
    %get3A_4 = arith.constant 1 : index
    %get3A_5 = arith.constant 0 : index
    %get3A_6 = arith.constant 0 : index
    %get3A_7 = vector.load %arg2[%get3A_4, %get3A_5, %get3A_6] : memref<2x1000x128xf32, #tpu.memory_space<vmem>>, vector<1x1000x128xf32>
    %get3A_8 = vector.shape_cast %get3A_7 : vector<1x1000x128xf32> to vector<1000x128xf32>
    %add3A = arith.addf %get3A_3, %get3A_8 : vector<1000x128xf32>
    %get3A_9 = arith.constant 0 : index
    %get3A_10 = arith.constant 0 : index
    %get3A_11 = vector.load %arg1[%get3A_9, %get3A_10] : memref<1000x128xf32, #tpu.memory_space<vmem>>, vector<1000x128xf32>
    %mul3A = arith.mulf %add3A, %get3A_11 : vector<1000x128xf32>
    %get3A_12 = arith.constant 0 : index
    %get3A_13 = arith.constant 0 : index
    %get3A_14 = vector.load %arg4[%get3A_12, %get3A_13] : memref<128x128xf32, #tpu.memory_space<vmem>>, vector<128x128xf32>
    %dot_general3A = arith.constant dense<0.000000e+00> : vector<1000x128xf32>
    %dot_general3A_15 = tpu.matmul %mul3A, %get3A_14, %dot_general3A {dimension_numbers = #tpu.dot_dimension_numbers<[1], [1], [0], [0], [0, 0, 1, 0], [], []>, transpose_lhs_hint = false} : vector<1000x128xf32>, vector<128x128xf32>, vector<1000x128xf32> -> vector<1000x128xf32>
    %get3A_16 = arith.constant 0 : index
    %get3A_17 = arith.constant 0 : index
    %get3A_18 = vector.load %arg3[%get3A_16, %get3A_17] : memref<1000x128xf32, #tpu.memory_space<vmem>>, vector<1000x128xf32>
    %add3A_19 = arith.addf %dot_general3A_15, %get3A_18 : vector<1000x128xf32>
    %max3A = arith.constant 0.000000e+00 : f32
    %max3A_20 = vector.broadcast %max3A : f32 to vector<1000x128xf32>
    %max3A_21 = arith.maximumf %add3A_19, %max3A_20 : vector<1000x128xf32>
    %swap3A = arith.constant 0 : index
    %swap3A_22 = arith.constant 0 : index
    %swap3A_23 = vector.load %arg5[%swap3A, %swap3A_22] : memref<1000x128xf32, #tpu.memory_space<vmem>>, vector<1000x128xf32>
    tpu.vector_store %arg5[%swap3A, %swap3A_22], %max3A_21 {strides = array<i32>} : memref<1000x128xf32, #tpu.memory_space<vmem>>, vector<1000x128xf32>,
    return
  }
  func.func @transform_0(%arg0: i32) -> (i32, i32) {
    %c0_i32 = arith.constant 0 : i32
    %c0_i32_0 = arith.constant 0 : i32
    return %arg0, %c0_i32 : i32, i32
  }
  func.func @transform_1(%arg0: i32) -> (i32, i32, i32) {
    %c0_i32 = arith.constant 0 : i32
    %c0_i32_0 = arith.constant 0 : i32
    %c0_i32_1 = arith.constant 0 : i32
    return %c0_i32, %arg0, %c0_i32_0 : i32, i32, i32
  }
  func.func @transform_2(%arg0: i32) -> (i32, i32) {
    %c0_i32 = arith.constant 0 : i32
    %c0_i32_0 = arith.constant 0 : i32
    return %arg0, %c0_i32 : i32, i32
  }
  func.func @transform_3(%arg0: i32) -> (i32, i32) {
    %c0_i32 = arith.constant 0 : i32
    %c0_i32_0 = arith.constant 0 : i32
    %c0_i32_1 = arith.constant 0 : i32
    return %c0_i32, %c0_i32_0 : i32, i32
  }
  func.func @transform_4(%arg0: i32) -> (i32, i32) {
    %c0_i32 = arith.constant 0 : i32
    %c0_i32_0 = arith.constant 0 : i32
    return %arg0, %c0_i32 : i32, i32
  }
}

module attributes {stable_mosaic.version = 14 : i64} {
  func.func @_dense3_head_body(%arg0: i32, %arg1: memref<1000x128xf32, #tpu.memory_space<vmem>>, %arg2: memref<2x1000x128xf32, #tpu.memory_space<vmem>>, %arg3: memref<1000x128xf32, #tpu.memory_space<vmem>>, %arg4: memref<128x128xf32, #tpu.memory_space<vmem>>, %arg5: memref<1x1x1000xi32, #tpu.memory_space<vmem>>, %arg6: memref<8x128xf32, #tpu.memory_space<vmem>>, %arg7: memref<1x8xf32, #tpu.memory_space<vmem>>, %arg8: memref<64x8xf32, #tpu.memory_space<vmem>>, %arg9: memref<64x8xf32, #tpu.memory_space<vmem>>, %arg10: memref<64x1xf32, #tpu.memory_space<vmem>>) attributes {dimension_semantics = [#tpu.dimension_semantics<arbitrary>], iteration_bounds = array<i64: 10>, scalar_prefetch = 0 : i64, scratch_operands = 2 : i64, tpu.core_type = #tpu.core_type<tc>, window_params = [{transform_indices = @transform_0, window_bounds = array<i64: 1000, 128>}, {transform_indices = @transform_1, window_bounds = array<i64: 2, 1000, 128>}, {transform_indices = @transform_2, window_bounds = array<i64: 1000, 128>}, {pipeline_mode = #tpu.pipeline_mode<synchronous>, transform_indices = @transform_3, window_bounds = array<i64: 128, 128>}, {transform_indices = @transform_4, window_bounds = array<i64: 1, 1, 1000>}, {pipeline_mode = #tpu.pipeline_mode<synchronous>, transform_indices = @transform_5, window_bounds = array<i64: 8, 128>}, {pipeline_mode = #tpu.pipeline_mode<synchronous>, transform_indices = @transform_6, window_bounds = array<i64: 1, 8>}, {pipeline_mode = #tpu.pipeline_mode<synchronous>, transform_indices = @transform_7, window_bounds = array<i64: 64, 8>}]} {
    %get3A = arith.constant 0 : index
    %get3A_0 = arith.constant 0 : index
    %get3A_1 = arith.constant 0 : index
    %get3A_2 = vector.load %arg2[%get3A, %get3A_0, %get3A_1] : memref<2x1000x128xf32, #tpu.memory_space<vmem>>, vector<1x1000x128xf32>
    %get3A_3 = vector.shape_cast %get3A_2 : vector<1x1000x128xf32> to vector<1000x128xf32>
    %get3A_4 = arith.constant 1 : index
    %get3A_5 = arith.constant 0 : index
    %get3A_6 = arith.constant 0 : index
    %get3A_7 = vector.load %arg2[%get3A_4, %get3A_5, %get3A_6] : memref<2x1000x128xf32, #tpu.memory_space<vmem>>, vector<1x1000x128xf32>
    %get3A_8 = vector.shape_cast %get3A_7 : vector<1x1000x128xf32> to vector<1000x128xf32>
    %add3A = arith.addf %get3A_3, %get3A_8 : vector<1000x128xf32>
    %get3A_9 = arith.constant 0 : index
    %get3A_10 = arith.constant 0 : index
    %get3A_11 = vector.load %arg1[%get3A_9, %get3A_10] : memref<1000x128xf32, #tpu.memory_space<vmem>>, vector<1000x128xf32>
    %mul3A = arith.mulf %add3A, %get3A_11 : vector<1000x128xf32>
    %get3A_12 = arith.constant 0 : index
    %get3A_13 = arith.constant 0 : index
    %get3A_14 = vector.load %arg4[%get3A_12, %get3A_13] : memref<128x128xf32, #tpu.memory_space<vmem>>, vector<128x128xf32>
    %dot_general3A = arith.constant dense<0.000000e+00> : vector<1000x128xf32>
    %dot_general3A_15 = tpu.matmul %mul3A, %get3A_14, %dot_general3A {dimension_numbers = #tpu.dot_dimension_numbers<[1], [1], [0], [0], [0, 0, 1, 0], [], []>, transpose_lhs_hint = false} : vector<1000x128xf32>, vector<128x128xf32>, vector<1000x128xf32> -> vector<1000x128xf32>
    %get3A_16 = arith.constant 0 : index
    %get3A_17 = arith.constant 0 : index
    %get3A_18 = vector.load %arg3[%get3A_16, %get3A_17] : memref<1000x128xf32, #tpu.memory_space<vmem>>, vector<1000x128xf32>
    %add3A_19 = arith.addf %dot_general3A_15, %get3A_18 : vector<1000x128xf32>
    %max3A = arith.constant 0.000000e+00 : f32
    %max3A_20 = vector.broadcast %max3A : f32 to vector<1000x128xf32>
    %max3A_21 = arith.maximumf %add3A_19, %max3A_20 : vector<1000x128xf32>
    %get3A_22 = arith.constant 0 : index
    %get3A_23 = arith.constant 0 : index
    %get3A_24 = vector.load %arg6[%get3A_22, %get3A_23] : memref<8x128xf32, #tpu.memory_space<vmem>>, vector<8x128xf32>
    %dot_general3A_25 = arith.constant dense<0.000000e+00> : vector<1000x8xf32>
    %dot_general3A_26 = tpu.matmul %max3A_21, %get3A_24, %dot_general3A_25 {dimension_numbers = #tpu.dot_dimension_numbers<[1], [1], [0], [0], [0, 0, 1, 0], [], []>, transpose_lhs_hint = false} : vector<1000x128xf32>, vector<8x128xf32>, vector<1000x8xf32> -> vector<1000x8xf32>
    %get3A_27 = arith.constant 0 : index
    %get3A_28 = arith.constant 0 : index
    %get3A_29 = vector.load %arg7[%get3A_27, %get3A_28] : memref<1x8xf32, #tpu.memory_space<vmem>>, vector<1x8xf32>
    %add3A_30 = vector.broadcast %get3A_29 : vector<1x8xf32> to vector<1000x8xf32>
    %add3A_31 = arith.addf %dot_general3A_26, %add3A_30 : vector<1000x8xf32>
    %tanh3A = math.tanh %add3A_31 : vector<1000x8xf32>
    %get3A_32 = arith.constant 0 : index
    %get3A_33 = arith.constant 0 : index
    %get3A_34 = arith.constant 0 : index
    %get3A_35 = vector.load %arg5[%get3A_32, %get3A_33, %get3A_34] : memref<1x1x1000xi32, #tpu.memory_space<vmem>>, vector<1x1x1000xi32>
    %get3A_36 = vector.shape_cast %get3A_35 : vector<1x1x1000xi32> to vector<1x1000xi32>
    %iota3A = tpu.iota {dimensions = array<i32: 0>} : vector<64x1000xi32>
    %eq3A = vector.broadcast %get3A_36 : vector<1x1000xi32> to vector<64x1000xi32>
    %eq3A_37 = arith.cmpi eq, %iota3A, %eq3A : vector<64x1000xi32>
    %convert_element_type3A = arith.extui %eq3A_37 : vector<64x1000xi1> to vector<64x1000xi32>
    %convert_element_type3A_38 = arith.sitofp %convert_element_type3A : vector<64x1000xi32> to vector<64x1000xf32>
    %dot_general3A_39 = arith.constant dense<0.000000e+00> : vector<64x8xf32>
    %dot_general3A_40 = tpu.matmul %convert_element_type3A_38, %tanh3A, %dot_general3A_39 {dimension_numbers = #tpu.dot_dimension_numbers<[1], [0], [0], [1], [0, 0, 1, 1], [], []>, transpose_lhs_hint = false} : vector<64x1000xf32>, vector<1000x8xf32>, vector<64x8xf32> -> vector<64x8xf32>
    %reduce_sum3A = arith.constant dense<0.000000e+00> : vector<64xf32>
    %reduce_sum3A_41 = vector.multi_reduction <add>, %convert_element_type3A_38, %reduce_sum3A [1] : vector<64x1000xf32> to vector<64xf32>
    %broadcast_in_dim3A = vector.shape_cast %reduce_sum3A_41 : vector<64xf32> to vector<64x1xf32>
    %eq3A_42 = arith.constant 0 : i32
    %eq3A_43 = arith.cmpi eq, %arg0, %eq3A_42 : i32
    %convert_element_type3A_44 = arith.extui %eq3A_43 : i1 to i32
    %cond3A = arith.constant 0 : i32
    %cond3A_45 = arith.cmpi ne, %convert_element_type3A_44, %cond3A : i32
    scf.if %cond3A_45 {
      %swap3A = arith.constant 0 : index
      %swap3A_55 = arith.constant 0 : index
      %swap3A_56 = vector.load %arg9[%swap3A, %swap3A_55] : memref<64x8xf32, #tpu.memory_space<vmem>>, vector<64x8xf32>
      tpu.vector_store %arg9[%swap3A, %swap3A_55], %dot_general3A_40 {strides = array<i32>} : memref<64x8xf32, #tpu.memory_space<vmem>>, vector<64x8xf32>,
      %swap3A_57 = arith.constant 0 : index
      %swap3A_58 = arith.constant 0 : index
      %swap3A_59 = vector.load %arg10[%swap3A_57, %swap3A_58] : memref<64x1xf32, #tpu.memory_space<vmem>>, vector<64x1xf32>
      tpu.vector_store %arg10[%swap3A_57, %swap3A_58], %broadcast_in_dim3A {strides = array<i32>} : memref<64x1xf32, #tpu.memory_space<vmem>>, vector<64x1xf32>,
    } else {
    }
    %gt3A = arith.constant 0 : i32
    %gt3A_46 = arith.cmpi sgt, %arg0, %gt3A : i32
    %convert_element_type3A_47 = arith.extui %gt3A_46 : i1 to i32
    %cond3A_48 = arith.constant 0 : i32
    %cond3A_49 = arith.cmpi ne, %convert_element_type3A_47, %cond3A_48 : i32
    scf.if %cond3A_49 {
      %get3A_55 = arith.constant 0 : index
      %get3A_56 = arith.constant 0 : index
      %get3A_57 = vector.load %arg9[%get3A_55, %get3A_56] : memref<64x8xf32, #tpu.memory_space<vmem>>, vector<64x8xf32>
      %add3A_58 = arith.addf %get3A_57, %dot_general3A_40 : vector<64x8xf32>
      %swap3A = arith.constant 0 : index
      %swap3A_59 = arith.constant 0 : index
      %swap3A_60 = vector.load %arg9[%swap3A, %swap3A_59] : memref<64x8xf32, #tpu.memory_space<vmem>>, vector<64x8xf32>
      tpu.vector_store %arg9[%swap3A, %swap3A_59], %add3A_58 {strides = array<i32>} : memref<64x8xf32, #tpu.memory_space<vmem>>, vector<64x8xf32>,
      %get3A_61 = arith.constant 0 : index
      %get3A_62 = arith.constant 0 : index
      %get3A_63 = vector.load %arg10[%get3A_61, %get3A_62] : memref<64x1xf32, #tpu.memory_space<vmem>>, vector<64x1xf32>
      %add3A_64 = arith.addf %get3A_63, %broadcast_in_dim3A : vector<64x1xf32>
      %swap3A_65 = arith.constant 0 : index
      %swap3A_66 = arith.constant 0 : index
      %swap3A_67 = vector.load %arg10[%swap3A_65, %swap3A_66] : memref<64x1xf32, #tpu.memory_space<vmem>>, vector<64x1xf32>
      tpu.vector_store %arg10[%swap3A_65, %swap3A_66], %add3A_64 {strides = array<i32>} : memref<64x1xf32, #tpu.memory_space<vmem>>, vector<64x1xf32>,
    } else {
    }
    %eq3A_50 = arith.constant 9 : i32
    %eq3A_51 = arith.cmpi eq, %arg0, %eq3A_50 : i32
    %convert_element_type3A_52 = arith.extui %eq3A_51 : i1 to i32
    %cond3A_53 = arith.constant 0 : i32
    %cond3A_54 = arith.cmpi ne, %convert_element_type3A_52, %cond3A_53 : i32
    scf.if %cond3A_54 {
      %get3A_55 = arith.constant 0 : index
      %get3A_56 = arith.constant 0 : index
      %get3A_57 = vector.load %arg9[%get3A_55, %get3A_56] : memref<64x8xf32, #tpu.memory_space<vmem>>, vector<64x8xf32>
      %get3A_58 = arith.constant 0 : index
      %get3A_59 = arith.constant 0 : index
      %get3A_60 = vector.load %arg10[%get3A_58, %get3A_59] : memref<64x1xf32, #tpu.memory_space<vmem>>, vector<64x1xf32>
      %max3A_61 = arith.constant 1.000000e+00 : f32
      %max3A_62 = vector.broadcast %max3A_61 : f32 to vector<64x1xf32>
      %max3A_63 = arith.maximumf %get3A_60, %max3A_62 : vector<64x1xf32>
      %div3A = vector.broadcast %max3A_63 : vector<64x1xf32> to vector<64x8xf32>
      %div3A_64 = arith.divf %get3A_57, %div3A : vector<64x8xf32>
      %swap3A = arith.constant 0 : index
      %swap3A_65 = arith.constant 0 : index
      %swap3A_66 = vector.load %arg8[%swap3A, %swap3A_65] : memref<64x8xf32, #tpu.memory_space<vmem>>, vector<64x8xf32>
      tpu.vector_store %arg8[%swap3A, %swap3A_65], %div3A_64 {strides = array<i32>} : memref<64x8xf32, #tpu.memory_space<vmem>>, vector<64x8xf32>,
    } else {
    }
    return
  }
  func.func @transform_0(%arg0: i32) -> (i32, i32) {
    %c0_i32 = arith.constant 0 : i32
    %c0_i32_0 = arith.constant 0 : i32
    return %arg0, %c0_i32 : i32, i32
  }
  func.func @transform_1(%arg0: i32) -> (i32, i32, i32) {
    %c0_i32 = arith.constant 0 : i32
    %c0_i32_0 = arith.constant 0 : i32
    %c0_i32_1 = arith.constant 0 : i32
    return %c0_i32, %arg0, %c0_i32_0 : i32, i32, i32
  }
  func.func @transform_2(%arg0: i32) -> (i32, i32) {
    %c0_i32 = arith.constant 0 : i32
    %c0_i32_0 = arith.constant 0 : i32
    return %arg0, %c0_i32 : i32, i32
  }
  func.func @transform_3(%arg0: i32) -> (i32, i32) {
    %c0_i32 = arith.constant 0 : i32
    %c0_i32_0 = arith.constant 0 : i32
    %c0_i32_1 = arith.constant 0 : i32
    return %c0_i32, %c0_i32_0 : i32, i32
  }
  func.func @transform_4(%arg0: i32) -> (i32, i32, i32) {
    %c0_i32 = arith.constant 0 : i32
    %c0_i32_0 = arith.constant 0 : i32
    %c0_i32_1 = arith.constant 0 : i32
    return %arg0, %c0_i32, %c0_i32_0 : i32, i32, i32
  }
  func.func @transform_5(%arg0: i32) -> (i32, i32) {
    %c0_i32 = arith.constant 0 : i32
    %c0_i32_0 = arith.constant 0 : i32
    %c0_i32_1 = arith.constant 0 : i32
    return %c0_i32, %c0_i32_0 : i32, i32
  }
  func.func @transform_6(%arg0: i32) -> (i32, i32) {
    %c0_i32 = arith.constant 0 : i32
    %c0_i32_0 = arith.constant 0 : i32
    %c0_i32_1 = arith.constant 0 : i32
    return %c0_i32, %c0_i32_0 : i32, i32
  }
  func.func @transform_7(%arg0: i32) -> (i32, i32) {
    %c0_i32 = arith.constant 0 : i32
    %c0_i32_0 = arith.constant 0 : i32
    %c0_i32_1 = arith.constant 0 : i32
    return %c0_i32, %c0_i32_0 : i32, i32
  }
}

</mosaic_0001>

<sc_bundles>
// kernel: kernel.12.cloned.1.call-start
scs
__scs_entry_jumppad:
0x0: {  	(pc) =	sbr.rel $0x88, $3  }
0x1: {  	(tag) =	ssettag $0x0;
	lr =	simm.s32 $0x1  }
0x2: {  	[smem:$0x3F93] =	sst lr;
	_ =	strace $0xD0000000  }
0x3: {  	_ = 	snop  }
0x4: {  	_ = 	snop  }
0x5: {  	_ = 	snop  }
0x6: {  	_ = 	snop  }
0x7: {  	_ = 	snop  }
__scs_overlays_trampoline_lowered:
0x8: {  	[smem:$0x3FA2] =	sst s0  }
0x9: {  	[smem:$0x3FA3] =	sst s1  }
0xa: {  	[smem:$0x3FA4] =	sst s2  }
0xb: {  	[smem:$0x3FA5] =	sst s3  }
0xc: {  	[smem:$0x3FA6] =	sst s4  }
0xd: {  	[smem:$0x3FA7] =	sst s5  }
0xe: {  	[smem:$0x3FA8] =	sst s6  }
0xf: {  	[smem:$0x3FA9] =	sst s7  }
0x10: {  	[smem:$0x3FAA] =	sst s8  }
0x11: {  	[smem:$0x3FAB] =	sst s9;
	s0 =	simm.s32 @!p0 $0x0  }
0x12: {  	s1 =	sld [smem:$0x3F91];
	s0 =	simm.s32 @p0 $0x1  }
0x13: {  	[smem:$0x3FAC] =	sst s0;
	s0 =	simm.s32 @!p1 $0x0  }
0x14: {  	s2 =	sld [smem:$0x3F90];
	s0 =	simm.s32 @p1 $0x1  }
0x15: {  	[smem:$0x3FAD] =	sst s0;
	s0 =	simm.s32 @!p2 $0x0  }
0x16: {  	s3 =	sld [smem:$0x3FDB];
	s0 =	simm.s32 @p2 $0x1  }
0x17: {  	s4 =	simm.s32 $0x1BF5;
	[smem:$0x3FAF] =	sst s0  }
0x18: {  	s0 =	sld [smem:$0x3F92];
	_ =	swait.ge [sflag:s4], $0x0  }
0x19: {  	s7 =	sld [smem:$0x3F93]  }
0x1a: {  	s8 =	sadd.s32 $0xFFFFE003, lr  }
0x1b: {  	s9 =	sadd.s32 $0xFFFFFEF7, lr;
	s5 =	simm.s32 $0xFFFFFFFF;
	p2 =	slt.u32 s8, $0xFFFFF086  }
0x1c: {  	p1 =	slt.u32 s9, $0xF7A;
	s5 =	simm.s32 @!p2 $0x0  }
0x1d: {  	s5 =	simm.s32 @p1 $0x1;
	p0 =	seq.s32 s7, s2  }
0x1e: {  	s7 =	smul.u32 @!p0 $0xF7A, s2;
	p2 =	seq.s32 @!p0 s5, $0x0  }
0x1f: {  	s9 =	smul.u32 $0xF7A, s1;
	s8 =	simm.s32 @!p0 $0x1BF5;
	p2 =	por !p2, p0  }
0x20: {  	[sflag:s8] =	ssyncset.s32 @!p0 $0xFFFFF086;
	s6 =	sadd.s32 @!p0 s3, s7;
	s7 =	simm.s32 @!p0 $0x108  }
0x21: {  	s3 =	sadd.s32 s3, s9;
	s6 =	sadd.s32 @!p0 $0x88, s6;
	s7 =	simm.s32 @p2 $0x1082  }
0x22: {  	[simem:s7], [sflag:s8] =	dma.local @!p0 [hbm:s6], $0xF7A  }
0x23: {  	s9 =	sor.u32 $0xD0000000, s2;
	s6 =	simm.s32 $0x108;
	_ =	swait.ge @!p0 [sflag:s8], $0x0  }
0x24: {  	s3 =	sadd.s32 $0x88, s3;
	s6 =	simm.s32 @!p1 $0x1082;
	[sflag:s4] =	ssyncset.s32 $0xFFFFF086  }
0x25: {  	[simem:s6], [sflag:s4] =	dma.local [hbm:s3], $0xF7A  }
0x26: {  	[smem:$0x3F93] =	sst s1;
	(tag) =	ssettag s2;
	_ =	strace s9  }
0x27: {  	s1 =	sld [smem:$0x3FA3]  }
0x28: {  	s2 =	sld [smem:$0x3FA4]  }
0x29: {  	s4 =	sld [smem:$0x3FA6]  }
0x2a: {  	p0 =	seq.s32 s5, $0x0;
	s5 =	sld [smem:$0x3FA7]  }
0x2b: {  	s6 =	sld [smem:$0x3FA8]  }
0x2c: {  	s7 =	sld [smem:$0x3FA9]  }
0x2d: {  	s3 =	simm.s32 $0x108;
	s8 =	sld [smem:$0x3FAA]  }
0x2e: {  	s3 =	simm.s32 @!p0 $0x1082;
	s9 =	sld [smem:$0x3FAB]  }
0x2f: {  	lr =	sadd.s32 s0, s3;
	s0 =	sld [smem:$0x3FA2]  }
0x30: {  	s3 =	sld [smem:$0x3FA5]  }
0x31: {  	[smem:$0x3FAE] =	sst s10  }
0x32: {  	s10 =	sld [smem:$0x3FAC];
	_ =	sdelay $0x3  }
0x33: {  	p0 =	seq.s32 s10, $0x1;
	s10 =	sld [smem:$0x3FAE];
	_ =	sdelay $0x3  }
0x34: {  	[smem:$0x3FAE] =	sst s10  }
0x35: {  	s10 =	sld [smem:$0x3FAD];
	_ =	sdelay $0x3  }
0x36: {  	p1 =	seq.s32 s10, $0x1;
	s10 =	sld [smem:$0x3FAE];
	_ =	sdelay $0x3  }
0x37: {  	[smem:$0x3FAE] =	sst s10  }
0x38: {  	s10 =	sld [smem:$0x3FAF]  }
0x39: {  	_ = 	snop;
	(pc) =	sbr.ind lr, $3  }
0x3a: {  	_ = 	snop  }
0x3b: {  	_ = 	snop  }
0x3c: {  	p2 =	seq.s32 s10, $0x1;
	s10 =	sld [smem:$0x3FAE]  }
0x3d: {  	_ =	shalt  }
0x3e: {  	_ =	shalt  }
0x3f: {  	_ =	shalt  }
0x40: {  	_ =	shalt  }
0x41: {  	_ =	shalt  }
0x42: {  	_ =	shalt  }
0x43: {  	_ =	shalt  }
0x44: {  	_ =	shalt  }
0x45: {  	_ =	shalt  }
0x46: {  	_ =	shalt  }
0x47: {  	_ =	shalt  }
0x48: {  	_ =	shalt  }
0x49: {  	_ =	shalt  }
0x4a: {  	_ =	shalt  }
0x4b: {  	_ =	shalt  }
0x4c: {  	_ =	shalt  }
0x4d: {  	_ =	shalt  }
0x4e: {  	_ =	shalt  }
0x4f: {  	_ =	shalt  }
0x50: {  	_ =	shalt  }
0x51: {  	_ =	shalt  }
0x52: {  	_ =	shalt  }
0x53: {  	_ =	shalt  }
0x54: {  	_ =	shalt  }
0x55: {  	_ =	shalt  }
0x56: {  	_ =	shalt  }
0x57: {  	_ =	shalt  }
0x58: {  	_ =	shalt  }
0x59: {  	_ =	shalt  }
0x5a: {  	_ =	shalt  }
0x5b: {  	_ =	shalt  }
0x5c: {  	_ =	shalt  }
0x5d: {  	_ =	shalt  }
0x5e: {  	_ =	shalt  }
0x5f: {  	_ =	shalt  }
0x60: {  	_ =	shalt  }
0x61: {  	_ =	shalt  }
0x62: {  	_ =	shalt  }
0x63: {  	_ =	shalt  }
0x64: {  	_ =	shalt  }
0x65: {  	_ =	shalt  }
0x66: {  	_ =	shalt  }
0x67: {  	_ =	shalt  }
0x68: {  	_ =	shalt  }
0x69: {  	_ =	shalt  }
0x6a: {  	_ =	shalt  }
0x6b: {  	_ =	shalt  }
0x6c: {  	_ =	shalt  }
0x6d: {  	_ =	shalt  }
0x6e: {  	_ =	shalt  }
0x6f: {  	_ =	shalt  }
0x70: {  	_ =	shalt  }
0x71: {  	_ =	shalt  }
0x72: {  	_ =	shalt  }
0x73: {  	_ =	shalt  }
0x74: {  	_ =	shalt  }
0x75: {  	_ =	shalt  }
0x76: {  	_ =	shalt  }
0x77: {  	_ =	shalt  }
0x78: {  	_ =	shalt  }
0x79: {  	_ =	shalt  }
0x7a: {  	_ =	shalt  }
0x7b: {  	_ =	shalt  }
0x7c: {  	_ =	shalt  }
0x7d: {  	_ =	shalt  }
0x7e: {  	_ =	shalt  }
0x7f: {  	_ =	shalt  }
0x80: {  	_ =	shalt  }
0x81: {  	_ =	shalt  }
0x82: {  	_ =	shalt  }
0x83: {  	_ =	shalt  }
0x84: {  	_ =	shalt  }
0x85: {  	_ =	shalt  }
0x86: {  	_ =	shalt  }
0x87: {  	_ =	shalt  }
.Lfunc_end0:
.L_simem_size_0:
called_computation_lowered:
.L_overlay_start_0:
0x88: {  	s2 =	sld [smem:$0x3FD9]  }
0x89: {  	s3 =	sld [smem:$0x3FFE];
	_ =	sdelay $0x1  }
0x8a: {  	s1 =	srdreg.scid  }
0x8b: {  	s0 =	sand.u32 $0x1, s1  }
0x8c: {  	s17 =	sshll.u32 s0, $0xA;
	s2 =	sadd.s32 s3, s2  }
0x8d: {  	s2 =	sadd.s32 s2, s17  }
0x8e: {  	[smem:$0x3FBA] =	sst s2  }
0x8f: {  	_ = 	snop  }
0x90: {  	(tm) =	ssettm $0x1  }
0x91: {  	s18 =	sld [smem:$0x3FFB];
	_ =	sdelay $0x3  }
0x92: {  	_ =	strace s18  }
0x93: {  	s2 =	sld [smem:$0x3FFC];
	_ =	sdelay $0x3  }
0x94: {  	_ =	strace s2  }
0x95: {  	s2 =	sld [smem:$0x3FFD];
	_ =	sdelay $0x3  }
0x96: {  	_ =	strace s2  }
0x97: {  	_ =	strace $0x8FFFFFFF  }
0x98: {  	s19 =	sld [smem:$0x3FDB];
	_ =	sdelay $0x1  }
0x99: {  	s20 =	simm.s32 $_scs_section_size  }
0x9a: {  	s4 =	simm.s32 $_size__tile_overlayer_lowered;
	s5 =	simm.s32 $_tile_overlayer_lowered  }
0x9b: {  	s6 =	simm.s32 $0x1BFF;
	s21 =	sshll.u32 s5, $0x1;
	s3 =	sadd.s32 s20, s19  }
0x9c: {  	s22 =	simm.s32 $0x0;
	s4 =	sshll.u32 s4, $0x1;
	s5 =	sadd.s32 s21, s3  }
0x9d: {  	[timem:s22], [sflag:s6] =	dma.local [hbm:s5], s4  }
0x9e: {  	_ =	swait.ge [sflag:s6], s4  }
0x9f: {  	s4 =	ssub.s32 $0x0, s4;
	[sflag:s6] =	ssyncset.done $0x0  }
0xa0: {  	[sflag:s6] =	ssyncadd.s32 s4;
	_ =	sdelay $0x1  }
0xa1: {  	s23 =	simm.s32 $0x1B8B  }
0xa2: {  	_ =	swait.ge [sflag:s23], $0x1  }
0xa3: {  	[sflag:s23] =	ssyncset.done $0x0  }
0xa4: {  	[sflag:s23] =	ssyncadd.s32 $0xFFFFFFFF  }
0xa5: {  	s4 =	sld [smem:$0x0]  }
0xa6: {  	s5 =	sand.u32 $0xFFFFFFFE, s1  }
0xa7: {  	p0 =	sne.s32 s1, s5  }
0xa8: {  	s5 =	sshll.u32 @p0 s5, $0xE  }
0xa9: {  	s5 =	sadd.s32 @p0 $0x11B8D, s5;
	s6 =	sshll.u32 @p0 s4, $0x11  }
0xaa: {  	s5 =	sor.u32 @p0 s6, s5  }
0xab: {  	[sflag:s5] =	ssyncadd.remote.s32 @p0 $0x1;
	_ =	sdelay $0x1  }
0xac: {  	s5 =	simm.s32 @p0 $0x1B8D  }
0xad: {  	_ =	swait.eq @p0 [sflag:s5], $0x1  }
0xae: {  	[sflag:s5] =	ssyncadd.s32 @p0 $0xFFFFFFFF  }
0xaf: {  	s6 =	sshll.u32 @!p0 s1, $0xE  }
0xb0: {  	s6 =	sor.u32 @!p0 $0x4000, s6;
	s5 =	simm.s32 @!p0 $0x1B8D  }
0xb1: {  	s4 =	sshll.u32 @!p0 s4, $0x11;
	s6 =	sadd.s32 @!p0 $0x11B8D, s6;
	_ =	swait.eq @!p0 [sflag:s5], $0x1  }
0xb2: {  	s4 =	sor.u32 @!p0 s4, s6;
	[sflag:s5] =	ssyncadd.s32 @!p0 $0xFFFFFFFF  }
0xb3: {  	s25 =	simm.s32 $0x1B8E;
	s24 =	sld [smem:$0x3FFE];
	[sflag:s4] =	ssyncadd.remote.s32 @!p0 $0x1  }
0xb4: {  	s26 =	simm.s32 $execute0_lowered;
	[smem:$0x3FD2] =	sst s25  }
0xb5: {  	s5 =	sshll.u32 s26, $0x1;
	_ =	strace $0x80000049;
	[dreg:$0x1] =	wrdreg $0xFFFFFFFF  }
0xb6: {  	s28 =	simm.s32 $_size_execute0_lowered;
	s3 =	sadd.s32 s3, s5;
	[dreg:$0x0] =	wrdreg $0x0  }
0xb7: {  	s5 =	sshll.u32 s28, $0x1;
	[dreg:$0x2] =	wrdreg s3  }
0xb8: {  	[dreg:$0x3] =	wrdreg s5  }
0xb9: {  	[dreg:$0x4] =	wrdreg $0xC0  }
0xba: {  	_ =	task [dreg:s22], $0x5FFFF  }
0xbb: {  	[dreg:$0x1] =	wrdreg $0xFFFFFFFF  }
0xbc: {  	[dreg:$0x0] =	wrdreg $0x60  }
0xbd: {  	[dreg:$0x2] =	wrdreg s24  }
0xbe: {  	[dreg:$0x3] =	wrdreg $0x0  }
0xbf: {  	[dreg:$0x4] =	wrdreg $0x9  }
0xc0: {  	_ =	task.clear_ibuf [dreg:s22], $0x5FFFF;
	_ =	strace $0x90000049  }
0xc1: {  	s29 =	simm.s32 $0x9;
	_ =	strace $0x8000004B  }
0xc2: {  	_ =	swait.ge [sflag:s29], $0x1  }
0xc3: {  	[sflag:s29] =	ssyncadd.s32 $0xFFFFFFFF  }
0xc4: {  	_ =	strace $0x9000004B  }
0xc5: {  	_ =	sfence  }
0xc6: {  	s30 =	sld [smem:$0x0];
	_ =	sdelay $0x2  }
0xc7: {  	s31 =	sshll.u32 s1, $0xD;
	s1 =	sshrl.u32 s1, $0x2  }
0xc8: {  	s4 =	sand.u32 $0x4000, s31;
	s1 =	sadd.s32 s1, s30  }
0xc9: {  	s0 =	sor.u32 s4, s0;
	s1 =	sshll.u32 s1, $0x11  }
0xca: {  	s0 =	sor.u32 s1, s0  }
0xcb: {  	s0 =	sadd.s32 $0x8F2B, s0  }
0xcc: {  	[sflag:s0] =	ssyncadd.remote.s32 $0x1  }
0xcd: {  	_ =	sfence.sel $0xFFFF  }
0xce: {  	[dreg:$0x0] =	wrdreg $0xFFFFFFFF;
	(pc) =	sbr.abs _section_cstart, $3  }
0xcf: {  	[dreg:$0x1] =	wrdreg $0xFFFFFFFF  }
0xd0: {  	_ =	task.clear_ibuf [dreg:s22], $0x2FFFF;
	_ =	strace $0x9FFFFFFF  }
0xd1: {  	(tm) =	ssettm $0x7FFFFFFF  }
tec
execute0_lowered:
.L_overlay_start_1:
0x0: {  	(tag) =	ssettag $0x1  }
0x1: {  	s4 =	rddreg [dreg:$0x0]  }
0x2: {  	s6 =	rddreg [dreg:$0x1]  }
0x3: {  	s0 =	rddreg [dreg:$0x2]  }
0x4: {  	s1 =	stileid.u32;
	s5 =	srdreg.scid  }
0x5: {  	s2 =	simm.s32 $0x0;
	s14 =	simm.s32 $0x80;
	s15 =	simm.s32 $0x400  }
0x6: {  	s16 =	simm.s32 $0x1400;
	s17 =	simm.s32 $0x14000;
	s18 =	simm.s32 $0x9E80  }
0x7: {  	s19 =	simm.s32 $0xC680;
	s20 =	simm.s32 $0x0;
	s3 =	smul.u32 $0x9C4, s1  }
0x8: {  	s10 =	sand.u32 $0x1, s5;
	s24 =	smul.u32 $0x2800, s1;
	[smem:$0x7FF] =	sst s2  }
0x9: {  	s25 =	sshrl.u32 s1, $0x3;
	s29 =	sshll.u32 s1, $0x7;
	s12 =	smul.u32 $0x5000, s1  }
0xa: {  	s7 =	smul.u32 $0x1400, s10;
	_ =	strace $0x8000004A;
	s26 =	ssub.s32 $0x2, s10  }
0xb: {  	s9 =	smul.u32 $0x50000, s25;
	s8 =	sadd.s32 s3, s4;
	s3 =	sadd.s32 $0xA5400, s4  }
0xc: {  	s28 =	sshrl.u32 s26, $0x1;
	s31 =	sshrl.u32 s12, $0x2;
	s12 =	simm.s32 $0x1  }
0xd: {  	s5 =	sadd.s32 s7, s24;
	s9 =	sshrl.u32 s9, $0x2;
	s7 =	smul.u32 $0x140, s10  }
0xe: {  	s13 =	ssub.s32 s26, s28;
	s10 =	smul.u32 $0xA00, s10;
	s11 =	sadd.s32 s5, s4  }
0xf: {  	s5 =	sand.u32 $0x380, s29;
	s30 =	sadd.s32 s9, s6;
	s4 =	sadd.s32 $0x9B600, s8  }
0x10: {  	s6 =	sadd.s32 s31, s6;
	s9 =	smax.u32 s13, $0x1;
	s13 =	simm.s32 $0x2800  }
0x11: {  	v0 =	vimm.f32 $1.000000000e+00;
	s5 =	sadd.s32 s5, s30;
	s8 =	sadd.s32 $0xA5A00, s11;
	s11 =	simm.s32 $0x5000  }
.LBB2_1:
0x12: {  	[tilespmem:s11], [sflag:$0x1] =	stream.linear.gather [hbm4b:s4+s2], $0x4E20, $0x38;
	[tilespmem:$0x16680] =	vst v63  }
0x13: {  	_ =	swait.ge [sflag:s12], $0x4E20  }
0x14: {  	[sflag:s12] =	ssyncset.done $0x0  }
0x15: {  	[sflag:s12] =	ssyncadd.s32 $0xFFFFB1E0  }
0x16: {  	[tilespmem:s13], [sflag:$0x1] =	stream.linear.gather [hbm4b:s3+s2], $0x2800, $0x38;
	[tilespmem:$0x16680] =	vst v63  }
0x17: {  	_ =	swait.ge [sflag:s12], $0x2800  }
0x18: {  	[sflag:s12] =	ssyncset.done $0x0  }
0x19: {  	s22 =	simm.s32 $0x0;
	s21 =	simm.s32 $0x40;
	[sflag:s12] =	ssyncadd.s32 $0xFFFFD800  }
.LBB2_2:
0x1a: {  	p0 =	sne.s32 s21, $0x13840;
	v1 =	vld [tilespmem:s22+$0x5000];
	_ =	sdelay $0x3  }
.Ltmp0:
0x1b: {  	(pc) =	sbr.rel @p0 .LBB2_2-.Ltmp0, $2  }
0x1c: {  	_ =	sdelay $0x2  }
0x1d: {  	s22 =	sshra.s32 s21, $0x2;
	s21 =	sadd.s32 $0x40, s21;
	[tilespmem:v1+s13+$0x0] =	vst.idx.add.f32.msk $0xffff, v0  }
0x1e: {  	v1 =	vld [tilespmem:s22+$0x5000];
	_ =	sdelay $0x7  }
0x1f: {  	[tilespmem:v1+s13+$0x0] =	vst.idx.add.f32.msk $0xffff, v0  }
0x20: {  	[spmem:s5] =	stream.strided.scatter [tilespmem:s13], [sflag:$0x1], $0x2800, s15, s14, $0x38;
	[tilespmem:$0x16680] =	vst v63  }
0x21: {  	_ =	swait.ge [sflag:s12], $0x2800  }
0x22: {  	[sflag:s12] =	ssyncset.done $0x0  }
0x23: {  	[sflag:s12] =	ssyncadd.s32 $0xFFFFD800  }
0x24: {  	[bflag:$0x0] =	sbarrier.arrive $0xFFFF  }
0x25: {  	[tilespmem:s18], [sflag:$0x1] =	stream.strided.gather [spmem:s6], $0x2800, s17, s16, $0x38;
	[tilespmem:$0x16680] =	vst v63  }
0x26: {  	s21 =	sadd.s32 $0x0, s7;
	_ =	swait.ge [sflag:s12], $0x2800  }
0x27: {  	s23 =	sand.u32 $0x1C00, s10;
	s31 =	sand.u32 $0x70, s21;
	[sflag:s12] =	ssyncset.done $0x0  }
0x28: {  	s22 =	sor.u32 s31, s23;
	[sflag:s12] =	ssyncadd.s32 $0xFFFFD800  }
0x29: {  	v1 =	vld [tilespmem:s22+$0x9F00]  }
0x2a: {  	v2 =	vld [tilespmem:s22+$0x9E80];
	_ =	sdelay $0x1  }
0x2b: {  	v3 =	vld [tilespmem:s22+$0x9F80];
	_ =	sdelay $0x1  }
0x2c: {  	v4 =	vld [tilespmem:s22+$0xA000]  }
0x2d: {  	v1 =	vadd.f32 v1, v2  }
0x2e: {  	v2 =	vld [tilespmem:s22+$0xA080]  }
0x2f: {  	v1 =	vadd.f32 v3, v1  }
0x30: {  	v3 =	vld [tilespmem:s22+$0xA100]  }
0x31: {  	v1 =	vadd.f32 v4, v1  }
0x32: {  	s21 =	sor.u32 s10, s21;
	v60 =	vld [tilespmem:s22+$0xA180]  }
0x33: {  	s21 =	sor.u32 $0x380, s21;
	v1 =	vadd.f32 v2, v1  }
0x34: {  	v2 =	vld [tilespmem:s21+$0x9E80]  }
0x35: {  	v1 =	vadd.f32 v3, v1  }
0x36: {  	v3 =	vld [tilespmem:s22+$0xB280]  }
0x37: {  	v1 =	vadd.f32 v60, v1  }
0x38: {  	v61 =	vld [tilespmem:s22+$0xB300]  }
0x39: {  	v1 =	vadd.f32 v2, v1  }
0x3a: {  	v2 =	vld [tilespmem:s22+$0xB380]  }
0x3b: {  	v1 =	vadd.f32 v3, v1  }
0x3c: {  	v3 =	vld [tilespmem:s22+$0xB400]  }
0x3d: {  	v1 =	vadd.f32 v61, v1  }
0x3e: {  	v62 =	vld [tilespmem:s22+$0xB480]  }
0x3f: {  	v1 =	vadd.f32 v2, v1  }
0x40: {  	v2 =	vld [tilespmem:s22+$0xB500]  }
0x41: {  	v1 =	vadd.f32 v3, v1  }
0x42: {  	v3 =	vld [tilespmem:s22+$0xB580]  }
0x43: {  	v1 =	vadd.f32 v62, v1  }
0x44: {  	v63 =	vld [tilespmem:s22+$0xB600]  }
0x45: {  	v1 =	vadd.f32 v2, v1;
	_ =	sdelay $0x1  }
0x46: {  	v1 =	vadd.f32 v3, v1;
	_ =	sdelay $0x1  }
0x47: {  	v1 =	vadd.f32 v63, v1;
	_ =	sdelay $0x1  }
0x48: {  	v1 =	vmax.f32 v1, $1.000000000e+00  }
0x49: {  	(erf) = vrcp.f32 v1;
	_ =	sdelay $0x8  }
0x4a: {  	v1 =	vpop (erf)  }
0x4b: {  	v2 =	vbroadcast v1, $0xF  }
0x4c: {  	s21 =	simm.s32 $0xCA80  }
0x4d: {  	[tilespmem:s21+$0x3F0] =	vst v2  }
0x4e: {  	[tilespmem:s21+$0x3E0] =	vst v2  }
0x4f: {  	[tilespmem:s21+$0x3D0] =	vst v2  }
0x50: {  	[tilespmem:s21+$0x3C0] =	vst v2  }
0x51: {  	[tilespmem:s21+$0x3B0] =	vst v2  }
0x52: {  	[tilespmem:s21+$0x3A0] =	vst v2  }
0x53: {  	v3 =	vbroadcast v1, $0xE;
	[tilespmem:s21+$0x390] =	vst v2  }
0x54: {  	[tilespmem:s21+$0x380] =	vst v2  }
0x55: {  	[tilespmem:s21+$0x370] =	vst v3  }
0x56: {  	[tilespmem:s21+$0x360] =	vst v3  }
0x57: {  	[tilespmem:s21+$0x350] =	vst v3  }
0x58: {  	[tilespmem:s21+$0x340] =	vst v3  }
0x59: {  	[tilespmem:s21+$0x330] =	vst v3  }
0x5a: {  	[tilespmem:s21+$0x320] =	vst v3  }
0x5b: {  	v2 =	vbroadcast v1, $0xD;
	[tilespmem:s21+$0x310] =	vst v3  }
0x5c: {  	[tilespmem:s21+$0x300] =	vst v3  }
0x5d: {  	[tilespmem:s21+$0x2F0] =	vst v2  }
0x5e: {  	[tilespmem:s21+$0x2E0] =	vst v2  }
0x5f: {  	[tilespmem:s21+$0x2D0] =	vst v2  }
0x60: {  	[tilespmem:s21+$0x2C0] =	vst v2  }
0x61: {  	[tilespmem:s21+$0x2B0] =	vst v2  }
0x62: {  	[tilespmem:s21+$0x2A0] =	vst v2  }
0x63: {  	v3 =	vbroadcast v1, $0xC;
	[tilespmem:s21+$0x290] =	vst v2  }
0x64: {  	[tilespmem:s21+$0x280] =	vst v2  }
0x65: {  	[tilespmem:s21+$0x270] =	vst v3  }
0x66: {  	[tilespmem:s21+$0x260] =	vst v3  }
0x67: {  	[tilespmem:s21+$0x250] =	vst v3  }
0x68: {  	[tilespmem:s21+$0x240] =	vst v3  }
0x69: {  	[tilespmem:s21+$0x230] =	vst v3  }
0x6a: {  	[tilespmem:s21+$0x220] =	vst v3  }
0x6b: {  	v2 =	vbroadcast v1, $0xB;
	[tilespmem:s21+$0x210] =	vst v3  }
0x6c: {  	[tilespmem:s21+$0x200] =	vst v3  }
0x6d: {  	[tilespmem:s21+$0x1F0] =	vst v2  }
0x6e: {  	[tilespmem:s21+$0x1E0] =	vst v2  }
0x6f: {  	[tilespmem:s21+$0x1D0] =	vst v2  }
0x70: {  	[tilespmem:s21+$0x1C0] =	vst v2  }
0x71: {  	[tilespmem:s21+$0x1B0] =	vst v2  }
0x72: {  	[tilespmem:s21+$0x1A0] =	vst v2  }
0x73: {  	v3 =	vbroadcast v1, $0xA;
	[tilespmem:s21+$0x190] =	vst v2  }
0x74: {  	[tilespmem:s21+$0x180] =	vst v2  }
0x75: {  	[tilespmem:s21+$0x170] =	vst v3  }
0x76: {  	[tilespmem:s21+$0x160] =	vst v3  }
0x77: {  	[tilespmem:s21+$0x150] =	vst v3  }
0x78: {  	[tilespmem:s21+$0x140] =	vst v3  }
0x79: {  	[tilespmem:s21+$0x130] =	vst v3  }
0x7a: {  	[tilespmem:s21+$0x120] =	vst v3  }
0x7b: {  	v2 =	vbroadcast v1, $0x9;
	[tilespmem:s21+$0x110] =	vst v3  }
0x7c: {  	[tilespmem:s21+$0x100] =	vst v3  }
0x7d: {  	[tilespmem:s21+$0xF0] =	vst v2  }
0x7e: {  	[tilespmem:s21+$0xE0] =	vst v2  }
0x7f: {  	[tilespmem:s21+$0xD0] =	vst v2  }
0x80: {  	[tilespmem:s21+$0xC0] =	vst v2  }
0x81: {  	[tilespmem:s21+$0xB0] =	vst v2  }
0x82: {  	[tilespmem:s21+$0xA0] =	vst v2  }
0x83: {  	v3 =	vbroadcast v1, $0x8;
	[tilespmem:s21+$0x90] =	vst v2  }
0x84: {  	[tilespmem:s21+$0x80] =	vst v2  }
0x85: {  	[tilespmem:s21+$0x70] =	vst v3  }
0x86: {  	[tilespmem:s21+$0x60] =	vst v3  }
0x87: {  	[tilespmem:s21+$0x50] =	vst v3  }
0x88: {  	[tilespmem:s21+$0x40] =	vst v3  }
0x89: {  	[tilespmem:s21+$0x30] =	vst v3  }
0x8a: {  	[tilespmem:s21+$0x20] =	vst v3  }
0x8b: {  	v2 =	vbroadcast v1, $0x7;
	[tilespmem:s21+$0x10] =	vst v3  }
0x8c: {  	[tilespmem:s21+$0x0] =	vst v3  }
0x8d: {  	[tilespmem:s21+$0xFFFFFFF0] =	vst v2  }
0x8e: {  	[tilespmem:s21+$0xFFFFFFE0] =	vst v2  }
0x8f: {  	[tilespmem:s21+$0xFFFFFFD0] =	vst v2  }
0x90: {  	[tilespmem:s21+$0xFFFFFFC0] =	vst v2  }
0x91: {  	[tilespmem:s21+$0xFFFFFFB0] =	vst v2  }
0x92: {  	[tilespmem:s21+$0xFFFFFFA0] =	vst v2  }
0x93: {  	v3 =	vbroadcast v1, $0x6;
	[tilespmem:s21+$0xFFFFFF90] =	vst v2  }
0x94: {  	[tilespmem:s21+$0xFFFFFF80] =	vst v2  }
0x95: {  	[tilespmem:s21+$0xFFFFFF70] =	vst v3  }
0x96: {  	[tilespmem:s21+$0xFFFFFF60] =	vst v3  }
0x97: {  	[tilespmem:s21+$0xFFFFFF50] =	vst v3  }
0x98: {  	[tilespmem:s21+$0xFFFFFF40] =	vst v3  }
0x99: {  	[tilespmem:s21+$0xFFFFFF30] =	vst v3  }
0x9a: {  	[tilespmem:s21+$0xFFFFFF20] =	vst v3  }
0x9b: {  	v2 =	vbroadcast v1, $0x5;
	[tilespmem:s21+$0xFFFFFF10] =	vst v3  }
0x9c: {  	[tilespmem:s21+$0xFFFFFF00] =	vst v3  }
0x9d: {  	[tilespmem:s21+$0xFFFFFEF0] =	vst v2  }
0x9e: {  	[tilespmem:s21+$0xFFFFFEE0] =	vst v2  }
0x9f: {  	[tilespmem:s21+$0xFFFFFED0] =	vst v2  }
0xa0: {  	[tilespmem:s21+$0xFFFFFEC0] =	vst v2  }
0xa1: {  	[tilespmem:s21+$0xFFFFFEB0] =	vst v2  }
0xa2: {  	[tilespmem:s21+$0xFFFFFEA0] =	vst v2  }
0xa3: {  	v3 =	vbroadcast v1, $0x4;
	[tilespmem:s21+$0xFFFFFE90] =	vst v2  }
0xa4: {  	[tilespmem:s21+$0xFFFFFE80] =	vst v2  }
0xa5: {  	[tilespmem:s21+$0xFFFFFE70] =	vst v3  }
0xa6: {  	[tilespmem:s21+$0xFFFFFE60] =	vst v3  }
0xa7: {  	[tilespmem:s21+$0xFFFFFE50] =	vst v3  }
0xa8: {  	[tilespmem:s21+$0xFFFFFE40] =	vst v3  }
0xa9: {  	[tilespmem:s21+$0xFFFFFE30] =	vst v3  }
0xaa: {  	[tilespmem:s21+$0xFFFFFE20] =	vst v3  }
0xab: {  	v2 =	vbroadcast v1, $0x3;
	[tilespmem:s21+$0xFFFFFE10] =	vst v3  }
0xac: {  	[tilespmem:s21+$0xFFFFFE00] =	vst v3  }
0xad: {  	[tilespmem:s21+$0xFFFFFDF0] =	vst v2  }
0xae: {  	[tilespmem:s21+$0xFFFFFDE0] =	vst v2  }
0xaf: {  	[tilespmem:s21+$0xFFFFFDD0] =	vst v2  }
0xb0: {  	[tilespmem:s21+$0xFFFFFDC0] =	vst v2  }
0xb1: {  	[tilespmem:s21+$0xFFFFFDB0] =	vst v2  }
0xb2: {  	[tilespmem:s21+$0xFFFFFDA0] =	vst v2  }
0xb3: {  	v3 =	vbroadcast v1, $0x2;
	[tilespmem:s21+$0xFFFFFD90] =	vst v2  }
0xb4: {  	[tilespmem:s21+$0xFFFFFD80] =	vst v2  }
0xb5: {  	[tilespmem:s21+$0xFFFFFD70] =	vst v3  }
0xb6: {  	[tilespmem:s21+$0xFFFFFD60] =	vst v3  }
0xb7: {  	[tilespmem:s21+$0xFFFFFD50] =	vst v3  }
0xb8: {  	[tilespmem:s21+$0xFFFFFD40] =	vst v3  }
0xb9: {  	[tilespmem:s21+$0xFFFFFD30] =	vst v3  }
0xba: {  	[tilespmem:s21+$0xFFFFFD20] =	vst v3  }
0xbb: {  	v2 =	vbroadcast v1, $0x1;
	[tilespmem:s21+$0xFFFFFD10] =	vst v3  }
0xbc: {  	[tilespmem:s21+$0xFFFFFD00] =	vst v3  }
0xbd: {  	[tilespmem:s21+$0xFFFFFCF0] =	vst v2  }
0xbe: {  	[tilespmem:s21+$0xFFFFFCE0] =	vst v2  }
0xbf: {  	[tilespmem:s21+$0xFFFFFCD0] =	vst v2  }
0xc0: {  	[tilespmem:s21+$0xFFFFFCC0] =	vst v2  }
0xc1: {  	[tilespmem:s21+$0xFFFFFCB0] =	vst v2  }
0xc2: {  	[tilespmem:s21+$0xFFFFFCA0] =	vst v2  }
0xc3: {  	v1 =	vbroadcast v1, $0x0;
	[tilespmem:s21+$0xFFFFFC90] =	vst v2  }
0xc4: {  	[tilespmem:s21+$0xFFFFFC80] =	vst v2  }
0xc5: {  	[tilespmem:s21+$0xFFFFFC70] =	vst v1  }
0xc6: {  	[tilespmem:s21+$0xFFFFFC60] =	vst v1  }
0xc7: {  	[tilespmem:s21+$0xFFFFFC50] =	vst v1  }
0xc8: {  	[tilespmem:s21+$0xFFFFFC40] =	vst v1  }
0xc9: {  	[tilespmem:s21+$0xFFFFFC30] =	vst v1  }
0xca: {  	s24 =	sadd.s32 $0x10, s7;
	s22 =	sadd.s32 $0x80, s10;
	[tilespmem:s21+$0xFFFFFC20] =	vst v1  }
0xcb: {  	s25 =	sand.u32 $0x70, s24;
	s23 =	simm.s32 $0x20;
	s26 =	sand.u32 $0x1C00, s22;
	[tilespmem:s21+$0xFFFFFC10] =	vst v1  }
.LBB2_4:
0xcc: {  	p0 =	sne.s32 s23, $0x130;
	s25 =	sor.u32 s25, s26;
	[tilespmem:s21+$0xFFFFFC00] =	vst v1  }
0xcd: {  	v1 =	vld [tilespmem:s25+$0x9F00]  }
0xce: {  	v2 =	vld [tilespmem:s25+$0x9E80]  }
0xcf: {  	v3 =	vld [tilespmem:s25+$0x9F80]  }
0xd0: {  	v4 =	vld [tilespmem:s25+$0xA000]  }
0xd1: {  	v5 =	vld [tilespmem:s25+$0xA080]  }
0xd2: {  	s24 =	sor.u32 s22, s24;
	v6 =	vld [tilespmem:s25+$0xA100]  }
0xd3: {  	s24 =	sor.u32 $0x380, s24;
	v1 =	vadd.f32 v1, v2;
	v2 =	vld [tilespmem:s25+$0xA180]  }
0xd4: {  	v7 =	vld [tilespmem:s24+$0x9E80]  }
0xd5: {  	v1 =	vadd.f32 v3, v1;
	v3 =	vld [tilespmem:s25+$0xB280]  }
0xd6: {  	v8 =	vld [tilespmem:s25+$0xB300]  }
0xd7: {  	v1 =	vadd.f32 v4, v1;
	v4 =	vld [tilespmem:s25+$0xB380]  }
0xd8: {  	v9 =	vld [tilespmem:s25+$0xB400]  }
0xd9: {  	v1 =	vadd.f32 v5, v1;
	v5 =	vld [tilespmem:s25+$0xB480]  }
0xda: {  	v10 =	vld [tilespmem:s25+$0xB500]  }
0xdb: {  	v1 =	vadd.f32 v6, v1;
	v6 =	vld [tilespmem:s25+$0xB580]  }
0xdc: {  	v11 =	vld [tilespmem:s25+$0xB600]  }
0xdd: {  	v1 =	vadd.f32 v2, v1;
	_ =	sdelay $0x1  }
0xde: {  	v1 =	vadd.f32 v7, v1;
	_ =	sdelay $0x1  }
0xdf: {  	v1 =	vadd.f32 v3, v1;
	_ =	sdelay $0x1  }
0xe0: {  	v1 =	vadd.f32 v8, v1;
	_ =	sdelay $0x1  }
0xe1: {  	v1 =	vadd.f32 v4, v1;
	_ =	sdelay $0x1  }
0xe2: {  	v1 =	vadd.f32 v9, v1;
	_ =	sdelay $0x1  }
0xe3: {  	v1 =	vadd.f32 v5, v1;
	_ =	sdelay $0x1  }
0xe4: {  	v1 =	vadd.f32 v10, v1;
	_ =	sdelay $0x1  }
0xe5: {  	v1 =	vadd.f32 v6, v1;
	_ =	sdelay $0x1  }
0xe6: {  	v1 =	vadd.f32 v11, v1;
	_ =	sdelay $0x1  }
0xe7: {  	v1 =	vmax.f32 v1, $1.000000000e+00  }
0xe8: {  	(erf) = vrcp.f32 v1;
	_ =	sdelay $0x8  }
0xe9: {  	v2 =	vpop (erf)  }
0xea: {  	v10 =	vbroadcast v2, $0xE;
	v11 =	vbroadcast v2, $0xF  }
0xeb: {  	s21 =	sadd.s32 $0x800, s21;
	v12 =	vbroadcast v2, $0xC;
	v13 =	vbroadcast v2, $0xD  }
0xec: {  	v14 =	vbroadcast v2, $0xA;
	v15 =	vbroadcast v2, $0xB;
	[tilespmem:s21+$0x3F0] =	vst v11  }
0xed: {  	v9 =	vbroadcast v2, $0x8;
	v16 =	vbroadcast v2, $0x9;
	[tilespmem:s21+$0x3E0] =	vst v11  }
0xee: {  	v7 =	vbroadcast v2, $0x6;
	v8 =	vbroadcast v2, $0x7;
	[tilespmem:s21+$0x3D0] =	vst v11  }
0xef: {  	v5 =	vbroadcast v2, $0x4;
	v6 =	vbroadcast v2, $0x5;
	[tilespmem:s21+$0x3C0] =	vst v11  }
0xf0: {  	v3 =	vbroadcast v2, $0x2;
	v4 =	vbroadcast v2, $0x3;
	[tilespmem:s21+$0x3B0] =	vst v11  }
0xf1: {  	v1 =	vbroadcast v2, $0x0;
	v2 =	vbroadcast v2, $0x1;
	[tilespmem:s21+$0x3A0] =	vst v11  }
0xf2: {  	[tilespmem:s21+$0x390] =	vst v11  }
0xf3: {  	[tilespmem:s21+$0x380] =	vst v11  }
0xf4: {  	[tilespmem:s21+$0x370] =	vst v10  }
0xf5: {  	[tilespmem:s21+$0x360] =	vst v10  }
0xf6: {  	[tilespmem:s21+$0x350] =	vst v10  }
0xf7: {  	[tilespmem:s21+$0x340] =	vst v10  }
0xf8: {  	[tilespmem:s21+$0x330] =	vst v10  }
0xf9: {  	[tilespmem:s21+$0x320] =	vst v10  }
0xfa: {  	[tilespmem:s21+$0x310] =	vst v10  }
0xfb: {  	[tilespmem:s21+$0x300] =	vst v10  }
0xfc: {  	[tilespmem:s21+$0x2F0] =	vst v13  }
0xfd: {  	[tilespmem:s21+$0x2E0] =	vst v13  }
0xfe: {  	[tilespmem:s21+$0x2D0] =	vst v13  }
0xff: {  	[tilespmem:s21+$0x2C0] =	vst v13  }
0x100: {  	[tilespmem:s21+$0x2B0] =	vst v13  }
0x101: {  	[tilespmem:s21+$0x2A0] =	vst v13  }
0x102: {  	[tilespmem:s21+$0x290] =	vst v13  }
0x103: {  	[tilespmem:s21+$0x280] =	vst v13  }
0x104: {  	[tilespmem:s21+$0x270] =	vst v12  }
0x105: {  	[tilespmem:s21+$0x260] =	vst v12  }
0x106: {  	[tilespmem:s21+$0x250] =	vst v12  }
0x107: {  	[tilespmem:s21+$0x240] =	vst v12  }
0x108: {  	[tilespmem:s21+$0x230] =	vst v12  }
0x109: {  	[tilespmem:s21+$0x220] =	vst v12  }
0x10a: {  	[tilespmem:s21+$0x210] =	vst v12  }
0x10b: {  	[tilespmem:s21+$0x200] =	vst v12  }
0x10c: {  	[tilespmem:s21+$0x1F0] =	vst v15  }
0x10d: {  	[tilespmem:s21+$0x1E0] =	vst v15  }
0x10e: {  	[tilespmem:s21+$0x1D0] =	vst v15  }
0x10f: {  	[tilespmem:s21+$0x1C0] =	vst v15  }
0x110: {  	[tilespmem:s21+$0x1B0] =	vst v15  }
0x111: {  	[tilespmem:s21+$0x1A0] =	vst v15  }
0x112: {  	[tilespmem:s21+$0x190] =	vst v15  }
0x113: {  	[tilespmem:s21+$0x180] =	vst v15  }
0x114: {  	[tilespmem:s21+$0x170] =	vst v14  }
0x115: {  	[tilespmem:s21+$0x160] =	vst v14  }
0x116: {  	[tilespmem:s21+$0x150] =	vst v14  }
0x117: {  	[tilespmem:s21+$0x140] =	vst v14  }
0x118: {  	[tilespmem:s21+$0x130] =	vst v14  }
0x119: {  	[tilespmem:s21+$0x120] =	vst v14  }
0x11a: {  	[tilespmem:s21+$0x110] =	vst v14  }
0x11b: {  	[tilespmem:s21+$0x100] =	vst v14  }
0x11c: {  	[tilespmem:s21+$0xF0] =	vst v16  }
0x11d: {  	[tilespmem:s21+$0xE0] =	vst v16  }
0x11e: {  	[tilespmem:s21+$0xD0] =	vst v16  }
0x11f: {  	[tilespmem:s21+$0xC0] =	vst v16  }
0x120: {  	[tilespmem:s21+$0xB0] =	vst v16  }
0x121: {  	[tilespmem:s21+$0xA0] =	vst v16  }
0x122: {  	[tilespmem:s21+$0x90] =	vst v16  }
0x123: {  	[tilespmem:s21+$0x80] =	vst v16  }
0x124: {  	[tilespmem:s21+$0x70] =	vst v9  }
0x125: {  	[tilespmem:s21+$0x60] =	vst v9  }
0x126: {  	[tilespmem:s21+$0x50] =	vst v9  }
0x127: {  	[tilespmem:s21+$0x40] =	vst v9  }
0x128: {  	[tilespmem:s21+$0x30] =	vst v9  }
0x129: {  	[tilespmem:s21+$0x20] =	vst v9  }
0x12a: {  	[tilespmem:s21+$0x10] =	vst v9  }
0x12b: {  	[tilespmem:s21+$0x0] =	vst v9  }
0x12c: {  	[tilespmem:s21+$0xFFFFFFF0] =	vst v8  }
0x12d: {  	[tilespmem:s21+$0xFFFFFFE0] =	vst v8  }
0x12e: {  	[tilespmem:s21+$0xFFFFFFD0] =	vst v8  }
0x12f: {  	[tilespmem:s21+$0xFFFFFFC0] =	vst v8  }
0x130: {  	[tilespmem:s21+$0xFFFFFFB0] =	vst v8  }
0x131: {  	[tilespmem:s21+$0xFFFFFFA0] =	vst v8  }
0x132: {  	[tilespmem:s21+$0xFFFFFF90] =	vst v8  }
0x133: {  	[tilespmem:s21+$0xFFFFFF80] =	vst v8  }
0x134: {  	[tilespmem:s21+$0xFFFFFF70] =	vst v7  }
0x135: {  	[tilespmem:s21+$0xFFFFFF60] =	vst v7  }
0x136: {  	[tilespmem:s21+$0xFFFFFF50] =	vst v7  }
0x137: {  	[tilespmem:s21+$0xFFFFFF40] =	vst v7  }
0x138: {  	[tilespmem:s21+$0xFFFFFF30] =	vst v7  }
0x139: {  	[tilespmem:s21+$0xFFFFFF20] =	vst v7  }
0x13a: {  	[tilespmem:s21+$0xFFFFFF10] =	vst v7  }
0x13b: {  	[tilespmem:s21+$0xFFFFFF00] =	vst v7  }
0x13c: {  	[tilespmem:s21+$0xFFFFFEF0] =	vst v6  }
0x13d: {  	[tilespmem:s21+$0xFFFFFEE0] =	vst v6  }
0x13e: {  	[tilespmem:s21+$0xFFFFFED0] =	vst v6  }
0x13f: {  	[tilespmem:s21+$0xFFFFFEC0] =	vst v6  }
0x140: {  	[tilespmem:s21+$0xFFFFFEB0] =	vst v6  }
0x141: {  	[tilespmem:s21+$0xFFFFFEA0] =	vst v6  }
0x142: {  	[tilespmem:s21+$0xFFFFFE90] =	vst v6  }
0x143: {  	[tilespmem:s21+$0xFFFFFE80] =	vst v6  }
0x144: {  	[tilespmem:s21+$0xFFFFFE70] =	vst v5  }
0x145: {  	[tilespmem:s21+$0xFFFFFE60] =	vst v5  }
0x146: {  	[tilespmem:s21+$0xFFFFFE50] =	vst v5  }
0x147: {  	[tilespmem:s21+$0xFFFFFE40] =	vst v5  }
0x148: {  	[tilespmem:s21+$0xFFFFFE30] =	vst v5  }
0x149: {  	[tilespmem:s21+$0xFFFFFE20] =	vst v5  }
0x14a: {  	[tilespmem:s21+$0xFFFFFE10] =	vst v5  }
0x14b: {  	[tilespmem:s21+$0xFFFFFE00] =	vst v5  }
0x14c: {  	[tilespmem:s21+$0xFFFFFDF0] =	vst v4  }
0x14d: {  	[tilespmem:s21+$0xFFFFFDE0] =	vst v4  }
0x14e: {  	[tilespmem:s21+$0xFFFFFDD0] =	vst v4  }
0x14f: {  	[tilespmem:s21+$0xFFFFFDC0] =	vst v4  }
0x150: {  	[tilespmem:s21+$0xFFFFFDB0] =	vst v4  }
0x151: {  	[tilespmem:s21+$0xFFFFFDA0] =	vst v4  }
0x152: {  	[tilespmem:s21+$0xFFFFFD90] =	vst v4  }
0x153: {  	[tilespmem:s21+$0xFFFFFD80] =	vst v4  }
0x154: {  	[tilespmem:s21+$0xFFFFFD70] =	vst v3  }
0x155: {  	[tilespmem:s21+$0xFFFFFD60] =	vst v3  }
0x156: {  	[tilespmem:s21+$0xFFFFFD50] =	vst v3  }
0x157: {  	[tilespmem:s21+$0xFFFFFD40] =	vst v3  }
0x158: {  	[tilespmem:s21+$0xFFFFFD30] =	vst v3  }
0x159: {  	[tilespmem:s21+$0xFFFFFD20] =	vst v3  }
0x15a: {  	[tilespmem:s21+$0xFFFFFD10] =	vst v3  }
0x15b: {  	[tilespmem:s21+$0xFFFFFD00] =	vst v3  }
0x15c: {  	[tilespmem:s21+$0xFFFFFCF0] =	vst v2  }
0x15d: {  	[tilespmem:s21+$0xFFFFFCE0] =	vst v2  }
0x15e: {  	[tilespmem:s21+$0xFFFFFCD0] =	vst v2  }
0x15f: {  	[tilespmem:s21+$0xFFFFFCC0] =	vst v2  }
0x160: {  	[tilespmem:s21+$0xFFFFFCB0] =	vst v2  }
0x161: {  	[tilespmem:s21+$0xFFFFFCA0] =	vst v2  }
0x162: {  	[tilespmem:s21+$0xFFFFFC90] =	vst v2  }
0x163: {  	[tilespmem:s21+$0xFFFFFC80] =	vst v2  }
0x164: {  	[tilespmem:s21+$0xFFFFFC70] =	vst v1  }
0x165: {  	[tilespmem:s21+$0xFFFFFC60] =	vst v1  }
.Ltmp1:
0x166: {  	[tilespmem:s21+$0xFFFFFC50] =	vst v1;
	(pc) =	sbr.rel @p0 .LBB2_4-.Ltmp1, $4  }
0x167: {  	[tilespmem:s21+$0xFFFFFC40] =	vst v1  }
0x168: {  	[tilespmem:s21+$0xFFFFFC30] =	vst v1  }
0x169: {  	s22 =	sadd.s32 $0x80, s22;
	s24 =	sadd.s32 s23, s7;
	[tilespmem:s21+$0xFFFFFC20] =	vst v1  }
0x16a: {  	s26 =	sand.u32 $0x1C00, s22;
	s23 =	sadd.s32 $0x10, s23;
	s25 =	sand.u32 $0x70, s24;
	[tilespmem:s21+$0xFFFFFC10] =	vst v1  }
0x16b: {  	s23 =	sor.u32 s25, s26;
	[tilespmem:s21+$0xFFFFFC00] =	vst v1  }
0x16c: {  	v1 =	vld [tilespmem:s23+$0x9F00]  }
0x16d: {  	v2 =	vld [tilespmem:s23+$0x9E80];
	_ =	sdelay $0x1  }
0x16e: {  	v3 =	vld [tilespmem:s23+$0x9F80];
	_ =	sdelay $0x1  }
0x16f: {  	v4 =	vld [tilespmem:s23+$0xA000]  }
0x170: {  	v1 =	vadd.f32 v1, v2  }
0x171: {  	v2 =	vld [tilespmem:s23+$0xA080]  }
0x172: {  	v1 =	vadd.f32 v3, v1  }
0x173: {  	v3 =	vld [tilespmem:s23+$0xA100]  }
0x174: {  	v1 =	vadd.f32 v4, v1  }
0x175: {  	s22 =	sor.u32 s22, s24;
	v60 =	vld [tilespmem:s23+$0xA180]  }
0x176: {  	s22 =	sor.u32 $0x380, s22;
	v1 =	vadd.f32 v2, v1  }
0x177: {  	v2 =	vld [tilespmem:s22+$0x9E80]  }
0x178: {  	v1 =	vadd.f32 v3, v1  }
0x179: {  	v3 =	vld [tilespmem:s23+$0xB280]  }
0x17a: {  	v1 =	vadd.f32 v60, v1  }
0x17b: {  	v61 =	vld [tilespmem:s23+$0xB300]  }
0x17c: {  	v1 =	vadd.f32 v2, v1  }
0x17d: {  	v2 =	vld [tilespmem:s23+$0xB380]  }
0x17e: {  	v1 =	vadd.f32 v3, v1  }
0x17f: {  	v3 =	vld [tilespmem:s23+$0xB400]  }
0x180: {  	v1 =	vadd.f32 v61, v1  }
0x181: {  	v62 =	vld [tilespmem:s23+$0xB480]  }
0x182: {  	v1 =	vadd.f32 v2, v1  }
0x183: {  	v2 =	vld [tilespmem:s23+$0xB500]  }
0x184: {  	v1 =	vadd.f32 v3, v1  }
0x185: {  	v3 =	vld [tilespmem:s23+$0xB580]  }
0x186: {  	v1 =	vadd.f32 v62, v1  }
0x187: {  	v63 =	vld [tilespmem:s23+$0xB600]  }
0x188: {  	v1 =	vadd.f32 v2, v1;
	_ =	sdelay $0x1  }
0x189: {  	v1 =	vadd.f32 v3, v1;
	_ =	sdelay $0x1  }
0x18a: {  	v1 =	vadd.f32 v63, v1;
	_ =	sdelay $0x1  }
0x18b: {  	v1 =	vmax.f32 v1, $1.000000000e+00  }
0x18c: {  	(erf) = vrcp.f32 v1;
	_ =	sdelay $0x8  }
0x18d: {  	v1 =	vpop (erf)  }
0x18e: {  	v2 =	vbroadcast v1, $0xF  }
0x18f: {  	s31 =	sadd.s32 $0x800, s21  }
0x190: {  	[tilespmem:s31+$0x3F0] =	vst v2  }
0x191: {  	[tilespmem:s31+$0x3E0] =	vst v2  }
0x192: {  	[tilespmem:s31+$0x3D0] =	vst v2  }
0x193: {  	[tilespmem:s31+$0x3C0] =	vst v2  }
0x194: {  	[tilespmem:s31+$0x3B0] =	vst v2  }
0x195: {  	[tilespmem:s31+$0x3A0] =	vst v2  }
0x196: {  	v3 =	vbroadcast v1, $0xE;
	[tilespmem:s31+$0x390] =	vst v2  }
0x197: {  	[tilespmem:s31+$0x380] =	vst v2  }
0x198: {  	[tilespmem:s31+$0x370] =	vst v3  }
0x199: {  	[tilespmem:s31+$0x360] =	vst v3  }
0x19a: {  	[tilespmem:s31+$0x350] =	vst v3  }
0x19b: {  	[tilespmem:s31+$0x340] =	vst v3  }
0x19c: {  	[tilespmem:s31+$0x330] =	vst v3  }
0x19d: {  	[tilespmem:s31+$0x320] =	vst v3  }
0x19e: {  	v2 =	vbroadcast v1, $0xD;
	[tilespmem:s31+$0x310] =	vst v3  }
0x19f: {  	[tilespmem:s31+$0x300] =	vst v3  }
0x1a0: {  	[tilespmem:s31+$0x2F0] =	vst v2  }
0x1a1: {  	[tilespmem:s31+$0x2E0] =	vst v2  }
0x1a2: {  	[tilespmem:s31+$0x2D0] =	vst v2  }
0x1a3: {  	[tilespmem:s31+$0x2C0] =	vst v2  }
0x1a4: {  	[tilespmem:s31+$0x2B0] =	vst v2  }
0x1a5: {  	[tilespmem:s31+$0x2A0] =	vst v2  }
0x1a6: {  	v3 =	vbroadcast v1, $0xC;
	[tilespmem:s31+$0x290] =	vst v2  }
0x1a7: {  	[tilespmem:s31+$0x280] =	vst v2  }
0x1a8: {  	[tilespmem:s31+$0x270] =	vst v3  }
0x1a9: {  	[tilespmem:s31+$0x260] =	vst v3  }
0x1aa: {  	[tilespmem:s31+$0x250] =	vst v3  }
0x1ab: {  	[tilespmem:s31+$0x240] =	vst v3  }
0x1ac: {  	[tilespmem:s31+$0x230] =	vst v3  }
0x1ad: {  	[tilespmem:s31+$0x220] =	vst v3  }
0x1ae: {  	v2 =	vbroadcast v1, $0xB;
	[tilespmem:s31+$0x210] =	vst v3  }
0x1af: {  	[tilespmem:s31+$0x200] =	vst v3  }
0x1b0: {  	[tilespmem:s31+$0x1F0] =	vst v2  }
0x1b1: {  	[tilespmem:s31+$0x1E0] =	vst v2  }
0x1b2: {  	[tilespmem:s31+$0x1D0] =	vst v2  }
0x1b3: {  	[tilespmem:s31+$0x1C0] =	vst v2  }
0x1b4: {  	[tilespmem:s31+$0x1B0] =	vst v2  }
0x1b5: {  	[tilespmem:s31+$0x1A0] =	vst v2  }
0x1b6: {  	v3 =	vbroadcast v1, $0xA;
	[tilespmem:s31+$0x190] =	vst v2  }
0x1b7: {  	[tilespmem:s31+$0x180] =	vst v2  }
0x1b8: {  	[tilespmem:s31+$0x170] =	vst v3  }
0x1b9: {  	[tilespmem:s31+$0x160] =	vst v3  }
0x1ba: {  	[tilespmem:s31+$0x150] =	vst v3  }
0x1bb: {  	[tilespmem:s31+$0x140] =	vst v3  }
0x1bc: {  	[tilespmem:s31+$0x130] =	vst v3  }
0x1bd: {  	[tilespmem:s31+$0x120] =	vst v3  }
0x1be: {  	v2 =	vbroadcast v1, $0x9;
	[tilespmem:s31+$0x110] =	vst v3  }
0x1bf: {  	[tilespmem:s31+$0x100] =	vst v3  }
0x1c0: {  	[tilespmem:s31+$0xF0] =	vst v2  }
0x1c1: {  	[tilespmem:s31+$0xE0] =	vst v2  }
0x1c2: {  	[tilespmem:s31+$0xD0] =	vst v2  }
0x1c3: {  	[tilespmem:s31+$0xC0] =	vst v2  }
0x1c4: {  	[tilespmem:s31+$0xB0] =	vst v2  }
0x1c5: {  	[tilespmem:s31+$0xA0] =	vst v2  }
0x1c6: {  	v3 =	vbroadcast v1, $0x8;
	[tilespmem:s31+$0x90] =	vst v2  }
0x1c7: {  	[tilespmem:s31+$0x80] =	vst v2  }
0x1c8: {  	[tilespmem:s31+$0x70] =	vst v3  }
0x1c9: {  	[tilespmem:s31+$0x60] =	vst v3  }
0x1ca: {  	[tilespmem:s31+$0x50] =	vst v3  }
0x1cb: {  	[tilespmem:s31+$0x40] =	vst v3  }
0x1cc: {  	[tilespmem:s31+$0x30] =	vst v3  }
0x1cd: {  	[tilespmem:s31+$0x20] =	vst v3  }
0x1ce: {  	v2 =	vbroadcast v1, $0x7;
	[tilespmem:s31+$0x10] =	vst v3  }
0x1cf: {  	[tilespmem:s31+$0x0] =	vst v3  }
0x1d0: {  	[tilespmem:s31+$0xFFFFFFF0] =	vst v2  }
0x1d1: {  	[tilespmem:s31+$0xFFFFFFE0] =	vst v2  }
0x1d2: {  	[tilespmem:s31+$0xFFFFFFD0] =	vst v2  }
0x1d3: {  	[tilespmem:s31+$0xFFFFFFC0] =	vst v2  }
0x1d4: {  	[tilespmem:s31+$0xFFFFFFB0] =	vst v2  }
0x1d5: {  	[tilespmem:s31+$0xFFFFFFA0] =	vst v2  }
0x1d6: {  	v3 =	vbroadcast v1, $0x6;
	[tilespmem:s31+$0xFFFFFF90] =	vst v2  }
0x1d7: {  	[tilespmem:s31+$0xFFFFFF80] =	vst v2  }
0x1d8: {  	[tilespmem:s31+$0xFFFFFF70] =	vst v3  }
0x1d9: {  	[tilespmem:s31+$0xFFFFFF60] =	vst v3  }
0x1da: {  	[tilespmem:s31+$0xFFFFFF50] =	vst v3  }
0x1db: {  	[tilespmem:s31+$0xFFFFFF40] =	vst v3  }
0x1dc: {  	[tilespmem:s31+$0xFFFFFF30] =	vst v3  }
0x1dd: {  	[tilespmem:s31+$0xFFFFFF20] =	vst v3  }
0x1de: {  	v2 =	vbroadcast v1, $0x5;
	[tilespmem:s31+$0xFFFFFF10] =	vst v3  }
0x1df: {  	[tilespmem:s31+$0xFFFFFF00] =	vst v3  }
0x1e0: {  	[tilespmem:s31+$0xFFFFFEF0] =	vst v2  }
0x1e1: {  	[tilespmem:s31+$0xFFFFFEE0] =	vst v2  }
0x1e2: {  	[tilespmem:s31+$0xFFFFFED0] =	vst v2  }
0x1e3: {  	[tilespmem:s31+$0xFFFFFEC0] =	vst v2  }
0x1e4: {  	[tilespmem:s31+$0xFFFFFEB0] =	vst v2  }
0x1e5: {  	[tilespmem:s31+$0xFFFFFEA0] =	vst v2  }
0x1e6: {  	v3 =	vbroadcast v1, $0x4;
	[tilespmem:s31+$0xFFFFFE90] =	vst v2  }
0x1e7: {  	[tilespmem:s31+$0xFFFFFE80] =	vst v2  }
0x1e8: {  	[tilespmem:s31+$0xFFFFFE70] =	vst v3  }
0x1e9: {  	[tilespmem:s31+$0xFFFFFE60] =	vst v3  }
0x1ea: {  	[tilespmem:s31+$0xFFFFFE50] =	vst v3  }
0x1eb: {  	[tilespmem:s31+$0xFFFFFE40] =	vst v3  }
0x1ec: {  	[tilespmem:s31+$0xFFFFFE30] =	vst v3  }
0x1ed: {  	[tilespmem:s31+$0xFFFFFE20] =	vst v3  }
0x1ee: {  	v2 =	vbroadcast v1, $0x3;
	[tilespmem:s31+$0xFFFFFE10] =	vst v3  }
0x1ef: {  	[tilespmem:s31+$0xFFFFFE00] =	vst v3  }
0x1f0: {  	[tilespmem:s31+$0xFFFFFDF0] =	vst v2  }
0x1f1: {  	[tilespmem:s31+$0xFFFFFDE0] =	vst v2  }
0x1f2: {  	[tilespmem:s31+$0xFFFFFDD0] =	vst v2  }
0x1f3: {  	[tilespmem:s31+$0xFFFFFDC0] =	vst v2  }
0x1f4: {  	[tilespmem:s31+$0xFFFFFDB0] =	vst v2  }
0x1f5: {  	[tilespmem:s31+$0xFFFFFDA0] =	vst v2  }
0x1f6: {  	v3 =	vbroadcast v1, $0x2;
	[tilespmem:s31+$0xFFFFFD90] =	vst v2  }
0x1f7: {  	[tilespmem:s31+$0xFFFFFD80] =	vst v2  }
0x1f8: {  	[tilespmem:s31+$0xFFFFFD70] =	vst v3  }
0x1f9: {  	[tilespmem:s31+$0xFFFFFD60] =	vst v3  }
0x1fa: {  	[tilespmem:s31+$0xFFFFFD50] =	vst v3  }
0x1fb: {  	[tilespmem:s31+$0xFFFFFD40] =	vst v3  }
0x1fc: {  	[tilespmem:s31+$0xFFFFFD30] =	vst v3  }
0x1fd: {  	[tilespmem:s31+$0xFFFFFD20] =	vst v3  }
0x1fe: {  	v2 =	vbroadcast v1, $0x1;
	[tilespmem:s31+$0xFFFFFD10] =	vst v3  }
0x1ff: {  	[tilespmem:s31+$0xFFFFFD00] =	vst v3  }
0x200: {  	[tilespmem:s31+$0xFFFFFCF0] =	vst v2  }
0x201: {  	[tilespmem:s31+$0xFFFFFCE0] =	vst v2  }
0x202: {  	[tilespmem:s31+$0xFFFFFCD0] =	vst v2  }
0x203: {  	[tilespmem:s31+$0xFFFFFCC0] =	vst v2  }
0x204: {  	[tilespmem:s31+$0xFFFFFCB0] =	vst v2  }
0x205: {  	[tilespmem:s31+$0xFFFFFCA0] =	vst v2  }
0x206: {  	v1 =	vbroadcast v1, $0x0;
	[tilespmem:s31+$0xFFFFFC90] =	vst v2  }
0x207: {  	[tilespmem:s31+$0xFFFFFC80] =	vst v2  }
0x208: {  	[tilespmem:s31+$0xFFFFFC70] =	vst v1  }
0x209: {  	[tilespmem:s31+$0xFFFFFC60] =	vst v1  }
0x20a: {  	[tilespmem:s31+$0xFFFFFC50] =	vst v1  }
0x20b: {  	[tilespmem:s31+$0xFFFFFC40] =	vst v1  }
0x20c: {  	[tilespmem:s31+$0xFFFFFC30] =	vst v1  }
0x20d: {  	s20 =	sadd.s32 $0x1, s20;
	[tilespmem:s31+$0xFFFFFC20] =	vst v1  }
0x20e: {  	p0 =	sne.s32 s20, s9;
	[tilespmem:s31+$0xFFFFFC10] =	vst v1  }
.Ltmp2:
0x20f: {  	[tilespmem:s31+$0xFFFFFC00] =	vst v1;
	(pc) =	sbr.rel @p0 .LBB2_1-.Ltmp2, $4  }
0x210: {  	[hbm4b:s8+s2] =	stream.linear.scatter [tilespmem:s19], [sflag:$0x1], $0xA000, $0x38;
	[tilespmem:$0x16680] =	vst v63  }
0x211: {  	_ =	swait.ge [sflag:s12], $0xA000  }
0x212: {  	[sflag:s12] =	ssyncset.done $0x0  }
0x213: {  	[sflag:s12] =	ssyncadd.s32 $0xFFFF6000  }
0x214: {  	_ =	sfence.sel $0x180000  }
0x215: {  	[bflag:$0x0] =	sbarrier.arrive $0xFFFF  }
0x216: {  	p0 =	sne.s32 s1, $0x0;
	_ =	strace $0x9000004A  }
0x217: {  	s0 =	sadd.s32 @!p0 $0x100000, s0;
	[bflag:$0x2] =	sbarrier.arrive $0xFFFF  }
0x218: {  	[sflag:s0] =	ssyncadd.tile.s32 @!p0 $0x1;
	_ =	shalt  }
.Lfunc_end2:
_tile_overlayer_lowered:
.L_overlay_start_2:
0x219: {  	(tag) =	ssettag $0x2  }
0x21a: {  	s0 =	rddreg [dreg:$0x0];
	s2 =	stileid.u32  }
0x21b: {  	s1 =	rddreg [dreg:$0x1];
	p0 =	sne.s32 s2, $0x0  }
0x21c: {  	s3 =	rddreg [dreg:$0x2];
	[bflag:$0x3] =	sbarrier.arrive $0xFFFF;
	s2 =	simm.s32 @!p0 $0x1C01  }
0x21d: {  	[timem:s3], [sflag:s2] =	dma.local @!p0 [hbm:s0], s1  }
0x21e: {  	s0 =	simm.s32 @!p0 $0x1  }
0x21f: {  	_ =	swait.ge @!p0 [sflag:s0], s1  }
0x220: {  	s1 =	ssub.s32 @!p0 $0x0, s1;
	[sflag:s0] =	ssyncset.done @!p0 $0x0  }
0x221: {  	[sflag:s0] =	ssyncadd.s32 @!p0 s1  }
0x222: {  	[bflag:$0x3] =	sbarrier.arrive $0xFFFF  }
0x223: {  	_ =	shalt  }

// kernel: kernel.15.cloned.1.call-start
scs
__scs_entry_jumppad:
0x0: {  	(pc) =	sbr.rel $0x88, $3  }
0x1: {  	(tag) =	ssettag $0x0;
	lr =	simm.s32 $0x1  }
0x2: {  	[smem:$0x3F93] =	sst lr;
	_ =	strace $0xD0000000  }
0x3: {  	_ = 	snop  }
0x4: {  	_ = 	snop  }
0x5: {  	_ = 	snop  }
0x6: {  	_ = 	snop  }
0x7: {  	_ = 	snop  }
__scs_overlays_trampoline_lowered:
0x8: {  	[smem:$0x3FA2] =	sst s0  }
0x9: {  	[smem:$0x3FA3] =	sst s1  }
0xa: {  	[smem:$0x3FA4] =	sst s2  }
0xb: {  	[smem:$0x3FA5] =	sst s3  }
0xc: {  	[smem:$0x3FA6] =	sst s4  }
0xd: {  	[smem:$0x3FA7] =	sst s5  }
0xe: {  	[smem:$0x3FA8] =	sst s6  }
0xf: {  	[smem:$0x3FA9] =	sst s7  }
0x10: {  	[smem:$0x3FAA] =	sst s8  }
0x11: {  	[smem:$0x3FAB] =	sst s9;
	s0 =	simm.s32 @!p0 $0x0  }
0x12: {  	s1 =	sld [smem:$0x3F91];
	s0 =	simm.s32 @p0 $0x1  }
0x13: {  	[smem:$0x3FAC] =	sst s0;
	s0 =	simm.s32 @!p1 $0x0  }
0x14: {  	s2 =	sld [smem:$0x3F90];
	s0 =	simm.s32 @p1 $0x1  }
0x15: {  	[smem:$0x3FAD] =	sst s0;
	s0 =	simm.s32 @!p2 $0x0  }
0x16: {  	s3 =	sld [smem:$0x3FDB];
	s0 =	simm.s32 @p2 $0x1  }
0x17: {  	s4 =	simm.s32 $0x1BF5;
	[smem:$0x3FAF] =	sst s0  }
0x18: {  	s0 =	sld [smem:$0x3F92];
	_ =	swait.ge [sflag:s4], $0x0  }
0x19: {  	s7 =	sld [smem:$0x3F93]  }
0x1a: {  	s8 =	sadd.s32 $0xFFFFE003, lr  }
0x1b: {  	s9 =	sadd.s32 $0xFFFFFEF7, lr;
	s5 =	simm.s32 $0xFFFFFFFF;
	p2 =	slt.u32 s8, $0xFFFFF086  }
0x1c: {  	p1 =	slt.u32 s9, $0xF7A;
	s5 =	simm.s32 @!p2 $0x0  }
0x1d: {  	s5 =	simm.s32 @p1 $0x1;
	p0 =	seq.s32 s7, s2  }
0x1e: {  	s7 =	smul.u32 @!p0 $0xF7A, s2;
	p2 =	seq.s32 @!p0 s5, $0x0  }
0x1f: {  	s9 =	smul.u32 $0xF7A, s1;
	s8 =	simm.s32 @!p0 $0x1BF5;
	p2 =	por !p2, p0  }
0x20: {  	[sflag:s8] =	ssyncset.s32 @!p0 $0xFFFFF086;
	s6 =	sadd.s32 @!p0 s3, s7;
	s7 =	simm.s32 @!p0 $0x108  }
0x21: {  	s3 =	sadd.s32 s3, s9;
	s6 =	sadd.s32 @!p0 $0x88, s6;
	s7 =	simm.s32 @p2 $0x1082  }
0x22: {  	[simem:s7], [sflag:s8] =	dma.local @!p0 [hbm:s6], $0xF7A  }
0x23: {  	s9 =	sor.u32 $0xD0000000, s2;
	s6 =	simm.s32 $0x108;
	_ =	swait.ge @!p0 [sflag:s8], $0x0  }
0x24: {  	s3 =	sadd.s32 $0x88, s3;
	s6 =	simm.s32 @!p1 $0x1082;
	[sflag:s4] =	ssyncset.s32 $0xFFFFF086  }
0x25: {  	[simem:s6], [sflag:s4] =	dma.local [hbm:s3], $0xF7A  }
0x26: {  	[smem:$0x3F93] =	sst s1;
	(tag) =	ssettag s2;
	_ =	strace s9  }
0x27: {  	s1 =	sld [smem:$0x3FA3]  }
0x28: {  	s2 =	sld [smem:$0x3FA4]  }
0x29: {  	s4 =	sld [smem:$0x3FA6]  }
0x2a: {  	p0 =	seq.s32 s5, $0x0;
	s5 =	sld [smem:$0x3FA7]  }
0x2b: {  	s6 =	sld [smem:$0x3FA8]  }
0x2c: {  	s7 =	sld [smem:$0x3FA9]  }
0x2d: {  	s3 =	simm.s32 $0x108;
	s8 =	sld [smem:$0x3FAA]  }
0x2e: {  	s3 =	simm.s32 @!p0 $0x1082;
	s9 =	sld [smem:$0x3FAB]  }
0x2f: {  	lr =	sadd.s32 s0, s3;
	s0 =	sld [smem:$0x3FA2]  }
0x30: {  	s3 =	sld [smem:$0x3FA5]  }
0x31: {  	[smem:$0x3FAE] =	sst s10  }
0x32: {  	s10 =	sld [smem:$0x3FAC];
	_ =	sdelay $0x3  }
0x33: {  	p0 =	seq.s32 s10, $0x1;
	s10 =	sld [smem:$0x3FAE];
	_ =	sdelay $0x3  }
0x34: {  	[smem:$0x3FAE] =	sst s10  }
0x35: {  	s10 =	sld [smem:$0x3FAD];
	_ =	sdelay $0x3  }
0x36: {  	p1 =	seq.s32 s10, $0x1;
	s10 =	sld [smem:$0x3FAE];
	_ =	sdelay $0x3  }
0x37: {  	[smem:$0x3FAE] =	sst s10  }
0x38: {  	s10 =	sld [smem:$0x3FAF]  }
0x39: {  	_ = 	snop;
	(pc) =	sbr.ind lr, $3  }
0x3a: {  	_ = 	snop  }
0x3b: {  	_ = 	snop  }
0x3c: {  	p2 =	seq.s32 s10, $0x1;
	s10 =	sld [smem:$0x3FAE]  }
0x3d: {  	_ =	shalt  }
0x3e: {  	_ =	shalt  }
0x3f: {  	_ =	shalt  }
0x40: {  	_ =	shalt  }
0x41: {  	_ =	shalt  }
0x42: {  	_ =	shalt  }
0x43: {  	_ =	shalt  }
0x44: {  	_ =	shalt  }
0x45: {  	_ =	shalt  }
0x46: {  	_ =	shalt  }
0x47: {  	_ =	shalt  }
0x48: {  	_ =	shalt  }
0x49: {  	_ =	shalt  }
0x4a: {  	_ =	shalt  }
0x4b: {  	_ =	shalt  }
0x4c: {  	_ =	shalt  }
0x4d: {  	_ =	shalt  }
0x4e: {  	_ =	shalt  }
0x4f: {  	_ =	shalt  }
0x50: {  	_ =	shalt  }
0x51: {  	_ =	shalt  }
0x52: {  	_ =	shalt  }
0x53: {  	_ =	shalt  }
0x54: {  	_ =	shalt  }
0x55: {  	_ =	shalt  }
0x56: {  	_ =	shalt  }
0x57: {  	_ =	shalt  }
0x58: {  	_ =	shalt  }
0x59: {  	_ =	shalt  }
0x5a: {  	_ =	shalt  }
0x5b: {  	_ =	shalt  }
0x5c: {  	_ =	shalt  }
0x5d: {  	_ =	shalt  }
0x5e: {  	_ =	shalt  }
0x5f: {  	_ =	shalt  }
0x60: {  	_ =	shalt  }
0x61: {  	_ =	shalt  }
0x62: {  	_ =	shalt  }
0x63: {  	_ =	shalt  }
0x64: {  	_ =	shalt  }
0x65: {  	_ =	shalt  }
0x66: {  	_ =	shalt  }
0x67: {  	_ =	shalt  }
0x68: {  	_ =	shalt  }
0x69: {  	_ =	shalt  }
0x6a: {  	_ =	shalt  }
0x6b: {  	_ =	shalt  }
0x6c: {  	_ =	shalt  }
0x6d: {  	_ =	shalt  }
0x6e: {  	_ =	shalt  }
0x6f: {  	_ =	shalt  }
0x70: {  	_ =	shalt  }
0x71: {  	_ =	shalt  }
0x72: {  	_ =	shalt  }
0x73: {  	_ =	shalt  }
0x74: {  	_ =	shalt  }
0x75: {  	_ =	shalt  }
0x76: {  	_ =	shalt  }
0x77: {  	_ =	shalt  }
0x78: {  	_ =	shalt  }
0x79: {  	_ =	shalt  }
0x7a: {  	_ =	shalt  }
0x7b: {  	_ =	shalt  }
0x7c: {  	_ =	shalt  }
0x7d: {  	_ =	shalt  }
0x7e: {  	_ =	shalt  }
0x7f: {  	_ =	shalt  }
0x80: {  	_ =	shalt  }
0x81: {  	_ =	shalt  }
0x82: {  	_ =	shalt  }
0x83: {  	_ =	shalt  }
0x84: {  	_ =	shalt  }
0x85: {  	_ =	shalt  }
0x86: {  	_ =	shalt  }
0x87: {  	_ =	shalt  }
.Lfunc_end0:
.L_simem_size_0:
called_computation.1_lowered:
.L_overlay_start_0:
0x88: {  	s2 =	sld [smem:$0x3FD9]  }
0x89: {  	s3 =	sld [smem:$0x3FFE];
	_ =	sdelay $0x1  }
0x8a: {  	s1 =	srdreg.scid  }
0x8b: {  	s0 =	sand.u32 $0x1, s1  }
0x8c: {  	s17 =	sshll.u32 s0, $0xA;
	s2 =	sadd.s32 s3, s2  }
0x8d: {  	s2 =	sadd.s32 s2, s17  }
0x8e: {  	[smem:$0x3FBA] =	sst s2  }
0x8f: {  	_ = 	snop  }
0x90: {  	s2 =	sld [smem:$0x3FC9];
	(tm) =	ssettm $0x1  }
0x91: {  	s18 =	sld [smem:$0x3FFB];
	_ =	sdelay $0x3  }
0x92: {  	_ =	strace s18  }
0x93: {  	s3 =	sld [smem:$0x3FFC];
	_ =	sdelay $0x3  }
0x94: {  	_ =	strace s3  }
0x95: {  	s3 =	sld [smem:$0x3FFD];
	_ =	sdelay $0x3  }
0x96: {  	_ =	strace s3  }
0x97: {  	_ =	strace $0x8FFFFFFF  }
0x98: {  	s19 =	sld [smem:$0x3FDB];
	_ =	sdelay $0x1  }
0x99: {  	s4 =	simm.s32 $_scs_section_size  }
0x9a: {  	s5 =	simm.s32 $_size__tile_overlayer_lowered;
	s6 =	simm.s32 $_tile_overlayer_lowered  }
0x9b: {  	s22 =	simm.s32 $0x1BFF;
	s21 =	sshll.u32 s6, $0x1;
	s3 =	sadd.s32 s4, s19  }
0x9c: {  	s7 =	simm.s32 $0x0;
	s20 =	sshll.u32 s5, $0x1;
	s5 =	sadd.s32 s21, s3  }
0x9d: {  	[timem:s7], [sflag:s22] =	dma.local [hbm:s5], s20  }
0x9e: {  	_ =	swait.ge [sflag:s22], s20  }
0x9f: {  	s4 =	ssub.s32 $0x0, s20;
	[sflag:s22] =	ssyncset.done $0x0  }
0xa0: {  	[sflag:s22] =	ssyncadd.s32 s4;
	_ =	sdelay $0x1  }
0xa1: {  	s23 =	simm.s32 $0x1B8B  }
0xa2: {  	_ =	swait.ge [sflag:s23], $0x1  }
0xa3: {  	[sflag:s23] =	ssyncset.done $0x0  }
0xa4: {  	s25 =	simm.s32 $0x1B8E;
	s24 =	sld [smem:$0x3FFE];
	[sflag:s23] =	ssyncadd.s32 $0xFFFFFFFF  }
0xa5: {  	s26 =	simm.s32 $execute0_lowered;
	[smem:$0x3FD2] =	sst s25  }
0xa6: {  	s5 =	sshll.u32 s26, $0x1;
	_ =	strace $0x80000046;
	[dreg:$0x1] =	wrdreg $0xFFFFFFFF  }
0xa7: {  	s28 =	simm.s32 $_size_execute0_lowered;
	s3 =	sadd.s32 s3, s5;
	[dreg:$0x0] =	wrdreg $0x0  }
0xa8: {  	s5 =	sshll.u32 s28, $0x1;
	[dreg:$0x2] =	wrdreg s3  }
0xa9: {  	[dreg:$0x3] =	wrdreg s5  }
0xaa: {  	[dreg:$0x4] =	wrdreg $0xC0  }
0xab: {  	_ =	task [dreg:s7], $0x5FFFF  }
0xac: {  	[dreg:$0x1] =	wrdreg $0xFFFFFFFF  }
0xad: {  	[dreg:$0x0] =	wrdreg $0x60  }
0xae: {  	[dreg:$0x2] =	wrdreg s2  }
0xaf: {  	[dreg:$0x3] =	wrdreg s24  }
0xb0: {  	[dreg:$0x4] =	wrdreg $0x0  }
0xb1: {  	[dreg:$0x5] =	wrdreg $0xA  }
0xb2: {  	_ =	task.clear_ibuf [dreg:s7], $0x6FFFF;
	_ =	strace $0x90000046  }
0xb3: {  	s29 =	simm.s32 $0xA;
	_ =	strace $0x80000048  }
0xb4: {  	_ =	swait.ge [sflag:s29], $0x1  }
0xb5: {  	[sflag:s29] =	ssyncadd.s32 $0xFFFFFFFF  }
0xb6: {  	_ =	strace $0x90000048  }
0xb7: {  	_ =	sfence  }
0xb8: {  	s30 =	sld [smem:$0x0];
	_ =	sdelay $0x2  }
0xb9: {  	s31 =	sshll.u32 s1, $0xD;
	s1 =	sshrl.u32 s1, $0x2  }
0xba: {  	s3 =	sand.u32 $0x4000, s31;
	s1 =	sadd.s32 s1, s30  }
0xbb: {  	s0 =	sor.u32 s3, s0;
	s1 =	sshll.u32 s1, $0x11  }
0xbc: {  	s0 =	sor.u32 s1, s0  }
0xbd: {  	s0 =	sadd.s32 $0x8F2B, s0  }
0xbe: {  	[sflag:s0] =	ssyncadd.remote.s32 $0x1  }
0xbf: {  	_ =	sfence.sel $0xFFFF  }
0xc0: {  	[dreg:$0x0] =	wrdreg $0xFFFFFFFF;
	(pc) =	sbr.abs _section_cstart, $3  }
0xc1: {  	[dreg:$0x1] =	wrdreg $0xFFFFFFFF  }
0xc2: {  	_ =	task.clear_ibuf [dreg:s7], $0x2FFFF;
	_ =	strace $0x9FFFFFFF  }
0xc3: {  	(tm) =	ssettm $0x7FFFFFFF  }
tec
execute0_lowered:
.L_overlay_start_1:
0x0: {  	(tag) =	ssettag $0x1  }
0x1: {  	s2 =	rddreg [dreg:$0x0]  }
0x2: {  	s0 =	rddreg [dreg:$0x1]  }
0x3: {  	s3 =	rddreg [dreg:$0x2];
	s12 =	stileid.u32  }
0x4: {  	s1 =	srdreg.scid;
	s4 =	simm.s32 $0x0;
	s28 =	simm.s32 $0x2  }
0x5: {  	s29 =	simm.s32 $0x16C00;
	s30 =	simm.s32 $0x14300;
	s31 =	simm.s32 $0x6  }
0x6: {  	s6 =	smul.u32 $0x14000, s12;
	s1 =	sand.u32 $0x1, s1;
	[smem:$0x7FF] =	sst s4  }
0x7: {  	s5 =	sadd.s32 $0x4200, s0;
	s13 =	sshll.u32 s12, $0x1;
	s9 =	smul.u32 $0x50000, s12  }
0x8: {  	s11 =	smul.u32 $0xFA00, s12;
	s15 =	sshll.u32 s12, $0x6;
	s12 =	simm.s32 $0x14380  }
0x9: {  	s7 =	smul.u32 $0x140000, s1;
	_ =	strace $0x80000047;
	s14 =	ssub.s32 $0x2, s1  }
0xa: {  	[dreg:$0x8] =	wrdreg s15;
	s8 =	sshrl.u32 s6, $0x3;
	s10 =	sshrl.u32 s14, $0x1  }
0xb: {  	s9 =	sshrl.u32 s9, $0x2;
	s8 =	sadd.s32 s8, s0;
	s6 =	sadd.s32 s6, s7  }
0xc: {  	s7 =	sor.u32 s1, s13;
	s9 =	sadd.s32 s9, s3;
	s1 =	smul.u32 $0x7D00, s1  }
0xd: {  	s13 =	simm.s32 $0x0;
	s6 =	sshrl.u32 s6, $0x3;
	s7 =	smul.u32 $0x7D00, s7  }
0xe: {  	s8 =	sadd.s32 $0x23600, s8;
	s0 =	sadd.s32 s6, s0;
	s6 =	ssub.s32 s14, s10  }
0xf: {  	[dreg:$0x7] =	wrdreg s8;
	s8 =	sor.u32 $0x1C09, s15;
	s1 =	sadd.s32 s1, s11  }
0x10: {  	s10 =	simm.s32 $0x8;
	s11 =	simm.s32 $0x4;
	s7 =	sshrl.u32 s7, $0x3  }
0x11: {  	[dreg:$0x9] =	wrdreg s8;
	s18 =	sadd.s32 $0x700, s1;
	s20 =	sadd.s32 $0x600, s1  }
0x12: {  	s21 =	sadd.s32 $0x500, s1;
	s0 =	sadd.s32 $0x4B600, s0;
	s26 =	smax.u32 s6, $0x1  }
0x13: {  	s6 =	simm.s32 $0x3;
	s16 =	sadd.s32 s5, s7;
	[dreg:$0xf] =	wrdreg s0  }
0x14: {  	s8 =	sshrl.u32 s20, $0x3;
	s23 =	sshrl.u32 s21, $0x3;
	[dreg:$0x10] =	wrdreg s26  }
0x15: {  	s20 =	simm.s32 $0x14200;
	s21 =	simm.s32 $0x1;
	s26 =	simm.s32 $0x14080  }
0x16: {  	s0 =	simm.s32 $0x14180;
	s7 =	sadd.s32 $0x20, s16;
	[dreg:$0xa] =	wrdreg s16  }
0x17: {  	s17 =	sadd.s32 $0x40, s16;
	s19 =	sadd.s32 $0x60, s16;
	[dreg:$0xb] =	wrdreg s7  }
0x18: {  	s22 =	sadd.s32 s8, s5;
	s24 =	sadd.s32 $0xF80, s16;
	[dreg:$0xc] =	wrdreg s17  }
0x19: {  	s25 =	sadd.s32 s23, s5;
	s16 =	sadd.s32 $0x400, s1;
	[dreg:$0xd] =	wrdreg s19  }
0x1a: {  	s23 =	simm.s32 $0x14400;
	s1 =	simm.s32 $0x7;
	[dreg:$0xe] =	wrdreg s24  }
0x1b: {  	s8 =	simm.s32 $0x14280;
	s7 =	sshrl.u32 s18, $0x3;
	[dreg:$0x5] =	wrdreg s22  }
0x1c: {  	[dreg:$0x6] =	wrdreg s25;
	s17 =	sshrl.u32 s9, $0x3;
	s18 =	simm.s32 $0x14000  }
0x1d: {  	s19 =	simm.s32 $0x14100;
	s22 =	simm.s32 $0x50;
	s7 =	sadd.s32 s7, s5  }
0x1e: {  	s25 =	simm.s32 $0x5;
	[dreg:$0x4] =	wrdreg s7;
	s7 =	simm.s32 $0xA  }
.LBB2_1:
0x1f: {  	s9 =	rddreg [dreg:$0x7]  }
0x20: {  	s14 =	rddreg [dreg:$0x9]  }
0x21: {  	[spmem:s17], [sflag:s14] =	dma.local [hbm:s9], $0x2800  }
0x22: {  	s9 =	rddreg [dreg:$0xa]  }
0x23: {  	[tilespmem:s18], [sflag:$0x1] =	stream.linear.gather [hbm4b:s9+s4], $0x100, $0x38;
	[tilespmem:$0x19400] =	vst v63  }
0x24: {  	s15 =	rddreg [dreg:$0xb]  }
0x25: {  	[tilespmem:s19], [sflag:$0x2] =	stream.linear.gather [hbm4b:s15+s4], $0x100, $0x38;
	[tilespmem:$0x19400] =	vst v63  }
0x26: {  	s24 =	rddreg [dreg:$0xc]  }
0x27: {  	[tilespmem:s20], [sflag:$0x3] =	stream.linear.gather [hbm4b:s24+s4], $0x100, $0x38;
	[tilespmem:$0x19400] =	vst v63  }
0x28: {  	_ =	swait.ge [sflag:s21], $0x100  }
0x29: {  	[sflag:s21] =	ssyncset.done $0x0  }
0x2a: {  	s14 =	simm.s32 $0x9;
	[sflag:s21] =	ssyncadd.s32 $0xFFFFFF00  }
0x2b: {  	[tilespmem:s23], [sflag:$0x5] =	stream.indirect.gather [hbm4b:s2+s22], $0x80, s18, s22, $0xb8;
	[tilespmem:$0x19400] =	vst v63  }
0x2c: {  	_ =	swait.ge [sflag:s14], $0x2800  }
0x2d: {  	[sflag:s14] =	ssyncset.done $0x0  }
0x2e: {  	[sflag:s14] =	ssyncadd.s32 $0xFFFFD800  }
0x2f: {  	[bflag:$0x0] =	sbarrier.arrive $0xFFFF  }
0x30: {  	_ =	swait.ge [sflag:s25], $0x2800  }
0x31: {  	[sflag:s25] =	ssyncset.done $0x0  }
0x32: {  	[sflag:s25] =	ssyncadd.s32 $0xFFFFD800  }
0x33: {  	[spmem:s3] =	stream.indirect.scatter.add.f32 [tilespmem:s23], [sflag:$0x7], $0x80, s26, s22, $0xb8;
	[tilespmem:$0x19400] =	vst v63  }
0x34: {  	_ =	swait.ge [sflag:s28], $0x100  }
0x35: {  	[sflag:s28] =	ssyncset.done $0x0  }
0x36: {  	[sflag:s28] =	ssyncadd.s32 $0xFFFFFF00  }
0x37: {  	[tilespmem:s29], [sflag:$0x6] =	stream.indirect.gather [hbm4b:s2+s22], $0x80, s19, s22, $0xb8;
	[tilespmem:$0x19400] =	vst v63  }
0x38: {  	s15 =	rddreg [dreg:$0xd]  }
0x39: {  	[tilespmem:s30], [sflag:$0x4] =	stream.linear.gather [hbm4b:s15+s4], $0x100, $0x38;
	[tilespmem:$0x19400] =	vst v63  }
0x3a: {  	_ =	swait.ge [sflag:s31], $0x2800  }
0x3b: {  	[sflag:s31] =	ssyncset.done $0x0  }
0x3c: {  	[sflag:s31] =	ssyncadd.s32 $0xFFFFD800  }
0x3d: {  	[spmem:s3] =	stream.indirect.scatter.add.f32 [tilespmem:s29], [sflag:$0x8], $0x80, s0, s22, $0xb8;
	[tilespmem:$0x19400] =	vst v63  }
0x3e: {  	_ =	swait.ge [sflag:s1], $0x2800  }
0x3f: {  	[sflag:s1] =	ssyncset.done $0x0  }
0x40: {  	[sflag:s1] =	ssyncadd.s32 $0xFFFFD800  }
0x41: {  	_ =	swait.ge [sflag:s6], $0x100  }
0x42: {  	[sflag:s6] =	ssyncset.done $0x0  }
0x43: {  	s24 =	sshrl.u32 s16, $0x3;
	[sflag:s6] =	ssyncadd.s32 $0xFFFFFF00  }
0x44: {  	[tilespmem:s23], [sflag:$0x5] =	stream.indirect.gather [hbm4b:s2+s22], $0x80, s20, s22, $0xb8;
	[tilespmem:$0x19400] =	vst v63  }
0x45: {  	s9 =	sadd.s32 s5, s24  }
0x46: {  	[tilespmem:s18], [sflag:$0x1] =	stream.linear.gather [hbm4b:s9+s4], $0x100, $0x38;
	[tilespmem:$0x19400] =	vst v63  }
0x47: {  	_ =	swait.ge [sflag:s25], $0x2800  }
0x48: {  	[sflag:s25] =	ssyncset.done $0x0  }
0x49: {  	[sflag:s25] =	ssyncadd.s32 $0xFFFFD800  }
0x4a: {  	[spmem:s3] =	stream.indirect.scatter.add.f32 [tilespmem:s23], [sflag:$0x7], $0x80, s8, s22, $0xb8;
	[tilespmem:$0x19400] =	vst v63  }
0x4b: {  	_ =	swait.ge [sflag:s10], $0x2800  }
0x4c: {  	[sflag:s10] =	ssyncset.done $0x0  }
0x4d: {  	[sflag:s10] =	ssyncadd.s32 $0xFFFFD800  }
0x4e: {  	_ =	swait.ge [sflag:s11], $0x100  }
0x4f: {  	[sflag:s11] =	ssyncset.done $0x0  }
0x50: {  	s14 =	rddreg [dreg:$0x6];
	[sflag:s11] =	ssyncadd.s32 $0xFFFFFF00  }
0x51: {  	[tilespmem:s29], [sflag:$0x6] =	stream.indirect.gather [hbm4b:s2+s22], $0x80, s30, s22, $0xb8;
	[tilespmem:$0x19400] =	vst v63  }
0x52: {  	s9 =	sadd.s32 $0x0, s14  }
0x53: {  	[tilespmem:s19], [sflag:$0x2] =	stream.linear.gather [hbm4b:s9+s4], $0x100, $0x38;
	[tilespmem:$0x19400] =	vst v63  }
0x54: {  	_ =	swait.ge [sflag:s31], $0x2800  }
0x55: {  	[sflag:s31] =	ssyncset.done $0x0  }
0x56: {  	[sflag:s31] =	ssyncadd.s32 $0xFFFFD800  }
0x57: {  	[spmem:s3] =	stream.indirect.scatter.add.f32 [tilespmem:s29], [sflag:$0x8], $0x80, s12, s22, $0xb8;
	[tilespmem:$0x19400] =	vst v63  }
0x58: {  	_ =	swait.ge [sflag:s1], $0x2800  }
0x59: {  	[sflag:s1] =	ssyncset.done $0x0  }
0x5a: {  	[sflag:s1] =	ssyncadd.s32 $0xFFFFD800  }
0x5b: {  	_ =	swait.ge [sflag:s21], $0x100  }
0x5c: {  	[sflag:s21] =	ssyncset.done $0x0  }
0x5d: {  	s15 =	rddreg [dreg:$0x5];
	[sflag:s21] =	ssyncadd.s32 $0xFFFFFF00  }
0x5e: {  	[tilespmem:s23], [sflag:$0x5] =	stream.indirect.gather [hbm4b:s2+s22], $0x80, s18, s22, $0xb8;
	[tilespmem:$0x19400] =	vst v63  }
0x5f: {  	s9 =	sadd.s32 $0x0, s15  }
0x60: {  	[tilespmem:s20], [sflag:$0x3] =	stream.linear.gather [hbm4b:s9+s4], $0x100, $0x38;
	[tilespmem:$0x19400] =	vst v63  }
0x61: {  	_ =	swait.ge [sflag:s25], $0x2800  }
0x62: {  	[sflag:s25] =	ssyncset.done $0x0  }
0x63: {  	[sflag:s25] =	ssyncadd.s32 $0xFFFFD800  }
0x64: {  	[spmem:s3] =	stream.indirect.scatter.add.f32 [tilespmem:s23], [sflag:$0x7], $0x80, s26, s22, $0xb8;
	[tilespmem:$0x19400] =	vst v63  }
0x65: {  	_ =	swait.ge [sflag:s10], $0x2800  }
0x66: {  	[sflag:s10] =	ssyncset.done $0x0  }
0x67: {  	[sflag:s10] =	ssyncadd.s32 $0xFFFFD800  }
0x68: {  	_ =	swait.ge [sflag:s28], $0x100  }
0x69: {  	s14 =	simm.s32 $0x80;
	[sflag:s28] =	ssyncset.done $0x0;
	s24 =	rddreg [dreg:$0x4]  }
0x6a: {  	s15 =	sadd.s32 $0x400, s16;
	[sflag:s28] =	ssyncadd.s32 $0xFFFFFF00;
	s9 =	sadd.s32 $0x0, s24  }
0x6b: {  	[tilespmem:s29], [sflag:$0x6] =	stream.indirect.gather [hbm4b:s2+s22], $0x80, s19, s22, $0xb8;
	[tilespmem:$0x19400] =	vst v63  }
.LBB2_2:
0x6c: {  	[tilespmem:s30], [sflag:$0x4] =	stream.linear.gather [hbm4b:s9+s4], $0x100, $0x38;
	[tilespmem:$0x19400] =	vst v63  }
0x6d: {  	_ =	swait.ge [sflag:s31], $0x2800  }
0x6e: {  	[sflag:s31] =	ssyncset.done $0x0  }
0x6f: {  	[sflag:s31] =	ssyncadd.s32 $0xFFFFD800  }
0x70: {  	[spmem:s3] =	stream.indirect.scatter.add.f32 [tilespmem:s29], [sflag:$0x8], $0x80, s0, s22, $0xb8;
	[tilespmem:$0x19400] =	vst v63  }
0x71: {  	_ =	swait.ge [sflag:s1], $0x2800  }
0x72: {  	[sflag:s1] =	ssyncset.done $0x0  }
0x73: {  	[sflag:s1] =	ssyncadd.s32 $0xFFFFD800  }
0x74: {  	_ =	swait.ge [sflag:s6], $0x100  }
0x75: {  	[sflag:s6] =	ssyncset.done $0x0  }
0x76: {  	s24 =	sshrl.u32 s15, $0x3;
	[sflag:s6] =	ssyncadd.s32 $0xFFFFFF00  }
0x77: {  	[tilespmem:s23], [sflag:$0x5] =	stream.indirect.gather [hbm4b:s2+s22], $0x80, s20, s22, $0xb8;
	[tilespmem:$0x19400] =	vst v63  }
0x78: {  	s24 =	sadd.s32 s5, s24  }
0x79: {  	[tilespmem:s18], [sflag:$0x1] =	stream.linear.gather [hbm4b:s24+s4], $0x100, $0x38;
	[tilespmem:$0x19400] =	vst v63  }
0x7a: {  	_ =	swait.ge [sflag:s25], $0x2800  }
0x7b: {  	[sflag:s25] =	ssyncset.done $0x0  }
0x7c: {  	[sflag:s25] =	ssyncadd.s32 $0xFFFFD800  }
0x7d: {  	[spmem:s3] =	stream.indirect.scatter.add.f32 [tilespmem:s23], [sflag:$0x7], $0x80, s8, s22, $0xb8;
	[tilespmem:$0x19400] =	vst v63  }
0x7e: {  	_ =	swait.ge [sflag:s10], $0x2800  }
0x7f: {  	[sflag:s10] =	ssyncset.done $0x0  }
0x80: {  	[sflag:s10] =	ssyncadd.s32 $0xFFFFD800  }
0x81: {  	_ =	swait.ge [sflag:s11], $0x100  }
0x82: {  	[sflag:s11] =	ssyncset.done $0x0  }
0x83: {  	s9 =	smov.u32 s14;
	s24 =	rddreg [dreg:$0x6];
	[sflag:s11] =	ssyncadd.s32 $0xFFFFFF00  }
0x84: {  	[tilespmem:s29], [sflag:$0x6] =	stream.indirect.gather [hbm4b:s2+s22], $0x80, s30, s22, $0xb8;
	[tilespmem:$0x19400] =	vst v63  }
0x85: {  	s24 =	sadd.s32 s9, s24  }
0x86: {  	[tilespmem:s19], [sflag:$0x2] =	stream.linear.gather [hbm4b:s24+s4], $0x100, $0x38;
	[tilespmem:$0x19400] =	vst v63  }
0x87: {  	_ =	swait.ge [sflag:s31], $0x2800  }
0x88: {  	[sflag:s31] =	ssyncset.done $0x0  }
0x89: {  	[sflag:s31] =	ssyncadd.s32 $0xFFFFD800  }
0x8a: {  	[spmem:s3] =	stream.indirect.scatter.add.f32 [tilespmem:s29], [sflag:$0x8], $0x80, s12, s22, $0xb8;
	[tilespmem:$0x19400] =	vst v63  }
0x8b: {  	_ =	swait.ge [sflag:s1], $0x2800  }
0x8c: {  	[sflag:s1] =	ssyncset.done $0x0  }
0x8d: {  	[sflag:s1] =	ssyncadd.s32 $0xFFFFD800  }
0x8e: {  	_ =	swait.ge [sflag:s21], $0x100  }
0x8f: {  	[sflag:s21] =	ssyncset.done $0x0  }
0x90: {  	s24 =	rddreg [dreg:$0x5];
	[sflag:s21] =	ssyncadd.s32 $0xFFFFFF00  }
0x91: {  	[tilespmem:s23], [sflag:$0x5] =	stream.indirect.gather [hbm4b:s2+s22], $0x80, s18, s22, $0xb8;
	[tilespmem:$0x19400] =	vst v63  }
0x92: {  	s24 =	sadd.s32 s9, s24  }
0x93: {  	[tilespmem:s20], [sflag:$0x3] =	stream.linear.gather [hbm4b:s24+s4], $0x100, $0x38;
	[tilespmem:$0x19400] =	vst v63  }
0x94: {  	_ =	swait.ge [sflag:s25], $0x2800  }
0x95: {  	[sflag:s25] =	ssyncset.done $0x0  }
0x96: {  	[sflag:s25] =	ssyncadd.s32 $0xFFFFD800  }
0x97: {  	[spmem:s3] =	stream.indirect.scatter.add.f32 [tilespmem:s23], [sflag:$0x7], $0x80, s26, s22, $0xb8;
	[tilespmem:$0x19400] =	vst v63  }
0x98: {  	_ =	swait.ge [sflag:s10], $0x2800  }
0x99: {  	p0 =	sne.s32 s14, $0xE80;
	[sflag:s10] =	ssyncset.done $0x0  }
.Ltmp0:
0x9a: {  	[sflag:s10] =	ssyncadd.s32 $0xFFFFD800;
	(pc) =	sbr.rel @p0 .LBB2_2-.Ltmp0, $4  }
0x9b: {  	_ =	swait.ge [sflag:s28], $0x100  }
0x9c: {  	s14 =	sadd.s32 $0x80, s14;
	[sflag:s28] =	ssyncset.done $0x0;
	s24 =	rddreg [dreg:$0x4]  }
0x9d: {  	s15 =	sadd.s32 $0x400, s15;
	[sflag:s28] =	ssyncadd.s32 $0xFFFFFF00;
	s9 =	sadd.s32 s9, s24  }
0x9e: {  	[tilespmem:s29], [sflag:$0x6] =	stream.indirect.gather [hbm4b:s2+s22], $0x80, s19, s22, $0xb8;
	[tilespmem:$0x19400] =	vst v63  }
0x9f: {  	[tilespmem:s30], [sflag:$0x4] =	stream.linear.gather [hbm4b:s9+s4], $0x100, $0x38;
	[tilespmem:$0x19400] =	vst v63  }
0xa0: {  	_ =	swait.ge [sflag:s31], $0x2800  }
0xa1: {  	[sflag:s31] =	ssyncset.done $0x0  }
0xa2: {  	[sflag:s31] =	ssyncadd.s32 $0xFFFFD800  }
0xa3: {  	[spmem:s3] =	stream.indirect.scatter.add.f32 [tilespmem:s29], [sflag:$0x8], $0x80, s0, s22, $0xb8;
	[tilespmem:$0x19400] =	vst v63  }
0xa4: {  	_ =	swait.ge [sflag:s1], $0x2800  }
0xa5: {  	[sflag:s1] =	ssyncset.done $0x0  }
0xa6: {  	[sflag:s1] =	ssyncadd.s32 $0xFFFFD800  }
0xa7: {  	_ =	swait.ge [sflag:s6], $0x100  }
0xa8: {  	[sflag:s6] =	ssyncset.done $0x0  }
0xa9: {  	[sflag:s6] =	ssyncadd.s32 $0xFFFFFF00  }
0xaa: {  	[tilespmem:s23], [sflag:$0x5] =	stream.indirect.gather [hbm4b:s2+s22], $0x80, s20, s22, $0xb8;
	[tilespmem:$0x19400] =	vst v63  }
0xab: {  	s14 =	rddreg [dreg:$0xe]  }
0xac: {  	[tilespmem:s18], [sflag:$0x1] =	stream.linear.gather [hbm4b:s14+s4], $0x100, $0x38;
	[tilespmem:$0x19400] =	vst v63  }
0xad: {  	_ =	swait.ge [sflag:s25], $0x2800  }
0xae: {  	[sflag:s25] =	ssyncset.done $0x0  }
0xaf: {  	[sflag:s25] =	ssyncadd.s32 $0xFFFFD800  }
0xb0: {  	[spmem:s3] =	stream.indirect.scatter.add.f32 [tilespmem:s23], [sflag:$0x7], $0x80, s8, s22, $0xb8;
	[tilespmem:$0x19400] =	vst v63  }
0xb1: {  	_ =	swait.ge [sflag:s10], $0x2800  }
0xb2: {  	[sflag:s10] =	ssyncset.done $0x0  }
0xb3: {  	[sflag:s10] =	ssyncadd.s32 $0xFFFFD800  }
0xb4: {  	_ =	swait.ge [sflag:s11], $0x100  }
0xb5: {  	[sflag:s11] =	ssyncset.done $0x0  }
0xb6: {  	[sflag:s11] =	ssyncadd.s32 $0xFFFFFF00  }
0xb7: {  	[tilespmem:s29], [sflag:$0x6] =	stream.indirect.gather [hbm4b:s2+s22], $0x80, s30, s22, $0xb8;
	[tilespmem:$0x19400] =	vst v63  }
0xb8: {  	_ =	swait.ge [sflag:s31], $0x2800  }
0xb9: {  	[sflag:s31] =	ssyncset.done $0x0  }
0xba: {  	[sflag:s31] =	ssyncadd.s32 $0xFFFFD800  }
0xbb: {  	[spmem:s3] =	stream.indirect.scatter.add.f32 [tilespmem:s29], [sflag:$0x8], $0x80, s12, s22, $0xb8;
	[tilespmem:$0x19400] =	vst v63  }
0xbc: {  	_ =	swait.ge [sflag:s1], $0x2800  }
0xbd: {  	[sflag:s1] =	ssyncset.done $0x0  }
0xbe: {  	[sflag:s1] =	ssyncadd.s32 $0xFFFFD800  }
0xbf: {  	_ =	swait.ge [sflag:s21], $0x100  }
0xc0: {  	[sflag:s21] =	ssyncset.done $0x0  }
0xc1: {  	[sflag:s21] =	ssyncadd.s32 $0xFFFFFF00  }
0xc2: {  	[tilespmem:s23], [sflag:$0x5] =	stream.indirect.gather [hbm4b:s2+s22], $0x80, s18, s22, $0xb8;
	[tilespmem:$0x19400] =	vst v63  }
0xc3: {  	_ =	swait.ge [sflag:s25], $0x2800  }
0xc4: {  	[sflag:s25] =	ssyncset.done $0x0  }
0xc5: {  	[sflag:s25] =	ssyncadd.s32 $0xFFFFD800  }
0xc6: {  	[spmem:s3] =	stream.indirect.scatter.add.f32 [tilespmem:s23], [sflag:$0x7], $0x80, s26, s22, $0xb8;
	[tilespmem:$0x19400] =	vst v63  }
0xc7: {  	_ =	swait.ge [sflag:s10], $0x2800  }
0xc8: {  	[sflag:s10] =	ssyncset.done $0x0  }
0xc9: {  	[sflag:s10] =	ssyncadd.s32 $0xFFFFD800  }
0xca: {  	_ =	swait.ge [sflag:s1], $0x2800  }
0xcb: {  	[sflag:s1] =	ssyncset.done $0x0  }
0xcc: {  	[sflag:s1] =	ssyncadd.s32 $0xFFFFD800  }
0xcd: {  	[bflag:$0x0] =	sbarrier.arrive $0xFFFF  }
0xce: {  	s15 =	rddreg [dreg:$0x8]  }
0xcf: {  	s14 =	rddreg [dreg:$0xf];
	s9 =	sor.u32 $0x1C0A, s15  }
0xd0: {  	[hbm:s14], [sflag:s9] =	dma.local [spmem:s17], $0x2800  }
0xd1: {  	_ =	swait.ge [sflag:s7], $0x2800  }
0xd2: {  	s13 =	sadd.s32 $0x1, s13;
	s24 =	rddreg [dreg:$0x10]  }
0xd3: {  	p0 =	sne.s32 s13, s24  }
.Ltmp1:
0xd4: {  	_ = 	snop;
	(pc) =	sbr.rel @p0 .LBB2_1-.Ltmp1, $3  }
0xd5: {  	_ =	sdelay $0x1  }
0xd6: {  	[sflag:s7] =	ssyncset.done $0x0  }
0xd7: {  	[sflag:s7] =	ssyncadd.s32 $0xFFFFD800  }
0xd8: {  	_ =	sfence.sel $0x180000  }
0xd9: {  	[bflag:$0x0] =	sbarrier.arrive $0xFFFF  }
0xda: {  	_ =	strace $0x90000047  }
0xdb: {  	s0 =	stileid.u32;
	[bflag:$0x2] =	sbarrier.arrive $0xFFFF  }
0xdc: {  	p0 =	sne.s32 s0, $0x0;
	s0 =	rddreg [dreg:$0x3]  }
0xdd: {  	s0 =	sadd.s32 @!p0 $0x100000, s0  }
0xde: {  	[sflag:s0] =	ssyncadd.tile.s32 @!p0 $0x1;
	_ =	shalt  }
.Lfunc_end2:
_tile_overlayer_lowered:
.L_overlay_start_2:
0xdf: {  	(tag) =	ssettag $0x2  }
0xe0: {  	s0 =	rddreg [dreg:$0x0];
	s2 =	stileid.u32  }
0xe1: {  	s1 =	rddreg [dreg:$0x1];
	p0 =	sne.s32 s2, $0x0  }
0xe2: {  	s3 =	rddreg [dreg:$0x2];
	[bflag:$0x3] =	sbarrier.arrive $0xFFFF;
	s2 =	simm.s32 @!p0 $0x1C0A  }
0xe3: {  	[timem:s3], [sflag:s2] =	dma.local @!p0 [hbm:s0], s1  }
0xe4: {  	s0 =	simm.s32 @!p0 $0xA  }
0xe5: {  	_ =	swait.ge @!p0 [sflag:s0], s1  }
0xe6: {  	s1 =	ssub.s32 @!p0 $0x0, s1;
	[sflag:s0] =	ssyncset.done @!p0 $0x0  }
0xe7: {  	[sflag:s0] =	ssyncadd.s32 @!p0 s1  }
0xe8: {  	[bflag:$0x3] =	sbarrier.arrive $0xFFFF  }
0xe9: {  	_ =	shalt  }

// kernel: kernel.18.cloned.1.call-start
scs
__scs_entry_jumppad:
0x0: {  	(pc) =	sbr.rel $0x88, $3  }
0x1: {  	(tag) =	ssettag $0x0;
	lr =	simm.s32 $0x1  }
0x2: {  	[smem:$0x3F93] =	sst lr;
	_ =	strace $0xD0000000  }
0x3: {  	_ = 	snop  }
0x4: {  	_ = 	snop  }
0x5: {  	_ = 	snop  }
0x6: {  	_ = 	snop  }
0x7: {  	_ = 	snop  }
__scs_overlays_trampoline_lowered:
0x8: {  	[smem:$0x3FA2] =	sst s0  }
0x9: {  	[smem:$0x3FA3] =	sst s1  }
0xa: {  	[smem:$0x3FA4] =	sst s2  }
0xb: {  	[smem:$0x3FA5] =	sst s3  }
0xc: {  	[smem:$0x3FA6] =	sst s4  }
0xd: {  	[smem:$0x3FA7] =	sst s5  }
0xe: {  	[smem:$0x3FA8] =	sst s6  }
0xf: {  	[smem:$0x3FA9] =	sst s7  }
0x10: {  	[smem:$0x3FAA] =	sst s8  }
0x11: {  	[smem:$0x3FAB] =	sst s9;
	s0 =	simm.s32 @!p0 $0x0  }
0x12: {  	s1 =	sld [smem:$0x3F91];
	s0 =	simm.s32 @p0 $0x1  }
0x13: {  	[smem:$0x3FAC] =	sst s0;
	s0 =	simm.s32 @!p1 $0x0  }
0x14: {  	s2 =	sld [smem:$0x3F90];
	s0 =	simm.s32 @p1 $0x1  }
0x15: {  	[smem:$0x3FAD] =	sst s0;
	s0 =	simm.s32 @!p2 $0x0  }
0x16: {  	s3 =	sld [smem:$0x3FDB];
	s0 =	simm.s32 @p2 $0x1  }
0x17: {  	s4 =	simm.s32 $0x1BF5;
	[smem:$0x3FAF] =	sst s0  }
0x18: {  	s0 =	sld [smem:$0x3F92];
	_ =	swait.ge [sflag:s4], $0x0  }
0x19: {  	s7 =	sld [smem:$0x3F93]  }
0x1a: {  	s8 =	sadd.s32 $0xFFFFE003, lr  }
0x1b: {  	s9 =	sadd.s32 $0xFFFFFEF7, lr;
	s5 =	simm.s32 $0xFFFFFFFF;
	p2 =	slt.u32 s8, $0xFFFFF086  }
0x1c: {  	p1 =	slt.u32 s9, $0xF7A;
	s5 =	simm.s32 @!p2 $0x0  }
0x1d: {  	s5 =	simm.s32 @p1 $0x1;
	p0 =	seq.s32 s7, s2  }
0x1e: {  	s7 =	smul.u32 @!p0 $0xF7A, s2;
	p2 =	seq.s32 @!p0 s5, $0x0  }
0x1f: {  	s9 =	smul.u32 $0xF7A, s1;
	s8 =	simm.s32 @!p0 $0x1BF5;
	p2 =	por !p2, p0  }
0x20: {  	[sflag:s8] =	ssyncset.s32 @!p0 $0xFFFFF086;
	s6 =	sadd.s32 @!p0 s3, s7;
	s7 =	simm.s32 @!p0 $0x108  }
0x21: {  	s3 =	sadd.s32 s3, s9;
	s6 =	sadd.s32 @!p0 $0x88, s6;
	s7 =	simm.s32 @p2 $0x1082  }
0x22: {  	[simem:s7], [sflag:s8] =	dma.local @!p0 [hbm:s6], $0xF7A  }
0x23: {  	s9 =	sor.u32 $0xD0000000, s2;
	s6 =	simm.s32 $0x108;
	_ =	swait.ge @!p0 [sflag:s8], $0x0  }
0x24: {  	s3 =	sadd.s32 $0x88, s3;
	s6 =	simm.s32 @!p1 $0x1082;
	[sflag:s4] =	ssyncset.s32 $0xFFFFF086  }
0x25: {  	[simem:s6], [sflag:s4] =	dma.local [hbm:s3], $0xF7A  }
0x26: {  	[smem:$0x3F93] =	sst s1;
	(tag) =	ssettag s2;
	_ =	strace s9  }
0x27: {  	s1 =	sld [smem:$0x3FA3]  }
0x28: {  	s2 =	sld [smem:$0x3FA4]  }
0x29: {  	s4 =	sld [smem:$0x3FA6]  }
0x2a: {  	p0 =	seq.s32 s5, $0x0;
	s5 =	sld [smem:$0x3FA7]  }
0x2b: {  	s6 =	sld [smem:$0x3FA8]  }
0x2c: {  	s7 =	sld [smem:$0x3FA9]  }
0x2d: {  	s3 =	simm.s32 $0x108;
	s8 =	sld [smem:$0x3FAA]  }
0x2e: {  	s3 =	simm.s32 @!p0 $0x1082;
	s9 =	sld [smem:$0x3FAB]  }
0x2f: {  	lr =	sadd.s32 s0, s3;
	s0 =	sld [smem:$0x3FA2]  }
0x30: {  	s3 =	sld [smem:$0x3FA5]  }
0x31: {  	[smem:$0x3FAE] =	sst s10  }
0x32: {  	s10 =	sld [smem:$0x3FAC];
	_ =	sdelay $0x3  }
0x33: {  	p0 =	seq.s32 s10, $0x1;
	s10 =	sld [smem:$0x3FAE];
	_ =	sdelay $0x3  }
0x34: {  	[smem:$0x3FAE] =	sst s10  }
0x35: {  	s10 =	sld [smem:$0x3FAD];
	_ =	sdelay $0x3  }
0x36: {  	p1 =	seq.s32 s10, $0x1;
	s10 =	sld [smem:$0x3FAE];
	_ =	sdelay $0x3  }
0x37: {  	[smem:$0x3FAE] =	sst s10  }
0x38: {  	s10 =	sld [smem:$0x3FAF]  }
0x39: {  	_ = 	snop;
	(pc) =	sbr.ind lr, $3  }
0x3a: {  	_ = 	snop  }
0x3b: {  	_ = 	snop  }
0x3c: {  	p2 =	seq.s32 s10, $0x1;
	s10 =	sld [smem:$0x3FAE]  }
0x3d: {  	_ =	shalt  }
0x3e: {  	_ =	shalt  }
0x3f: {  	_ =	shalt  }
0x40: {  	_ =	shalt  }
0x41: {  	_ =	shalt  }
0x42: {  	_ =	shalt  }
0x43: {  	_ =	shalt  }
0x44: {  	_ =	shalt  }
0x45: {  	_ =	shalt  }
0x46: {  	_ =	shalt  }
0x47: {  	_ =	shalt  }
0x48: {  	_ =	shalt  }
0x49: {  	_ =	shalt  }
0x4a: {  	_ =	shalt  }
0x4b: {  	_ =	shalt  }
0x4c: {  	_ =	shalt  }
0x4d: {  	_ =	shalt  }
0x4e: {  	_ =	shalt  }
0x4f: {  	_ =	shalt  }
0x50: {  	_ =	shalt  }
0x51: {  	_ =	shalt  }
0x52: {  	_ =	shalt  }
0x53: {  	_ =	shalt  }
0x54: {  	_ =	shalt  }
0x55: {  	_ =	shalt  }
0x56: {  	_ =	shalt  }
0x57: {  	_ =	shalt  }
0x58: {  	_ =	shalt  }
0x59: {  	_ =	shalt  }
0x5a: {  	_ =	shalt  }
0x5b: {  	_ =	shalt  }
0x5c: {  	_ =	shalt  }
0x5d: {  	_ =	shalt  }
0x5e: {  	_ =	shalt  }
0x5f: {  	_ =	shalt  }
0x60: {  	_ =	shalt  }
0x61: {  	_ =	shalt  }
0x62: {  	_ =	shalt  }
0x63: {  	_ =	shalt  }
0x64: {  	_ =	shalt  }
0x65: {  	_ =	shalt  }
0x66: {  	_ =	shalt  }
0x67: {  	_ =	shalt  }
0x68: {  	_ =	shalt  }
0x69: {  	_ =	shalt  }
0x6a: {  	_ =	shalt  }
0x6b: {  	_ =	shalt  }
0x6c: {  	_ =	shalt  }
0x6d: {  	_ =	shalt  }
0x6e: {  	_ =	shalt  }
0x6f: {  	_ =	shalt  }
0x70: {  	_ =	shalt  }
0x71: {  	_ =	shalt  }
0x72: {  	_ =	shalt  }
0x73: {  	_ =	shalt  }
0x74: {  	_ =	shalt  }
0x75: {  	_ =	shalt  }
0x76: {  	_ =	shalt  }
0x77: {  	_ =	shalt  }
0x78: {  	_ =	shalt  }
0x79: {  	_ =	shalt  }
0x7a: {  	_ =	shalt  }
0x7b: {  	_ =	shalt  }
0x7c: {  	_ =	shalt  }
0x7d: {  	_ =	shalt  }
0x7e: {  	_ =	shalt  }
0x7f: {  	_ =	shalt  }
0x80: {  	_ =	shalt  }
0x81: {  	_ =	shalt  }
0x82: {  	_ =	shalt  }
0x83: {  	_ =	shalt  }
0x84: {  	_ =	shalt  }
0x85: {  	_ =	shalt  }
0x86: {  	_ =	shalt  }
0x87: {  	_ =	shalt  }
.Lfunc_end0:
.L_simem_size_0:
called_computation.2_lowered:
.L_overlay_start_0:
0x88: {  	s2 =	sld [smem:$0x3FD9]  }
0x89: {  	s3 =	sld [smem:$0x3FFE];
	_ =	sdelay $0x1  }
0x8a: {  	s1 =	srdreg.scid  }
0x8b: {  	s0 =	sand.u32 $0x1, s1  }
0x8c: {  	s16 =	sshll.u32 s0, $0xA;
	s2 =	sadd.s32 s3, s2  }
0x8d: {  	s2 =	sadd.s32 s2, s16  }
0x8e: {  	[smem:$0x3FBA] =	sst s2  }
0x8f: {  	_ = 	snop  }
0x90: {  	(tm) =	ssettm $0x1  }
0x91: {  	s17 =	sld [smem:$0x3FFB];
	_ =	sdelay $0x3  }
0x92: {  	_ =	strace s17  }
0x93: {  	s2 =	sld [smem:$0x3FFC];
	_ =	sdelay $0x3  }
0x94: {  	_ =	strace s2  }
0x95: {  	s2 =	sld [smem:$0x3FFD];
	_ =	sdelay $0x3  }
0x96: {  	_ =	strace s2  }
0x97: {  	_ =	strace $0x8FFFFFFF  }
0x98: {  	s18 =	sld [smem:$0x3FDB];
	_ =	sdelay $0x1  }
0x99: {  	s19 =	simm.s32 $_scs_section_size  }
0x9a: {  	s4 =	simm.s32 $_size__tile_overlayer_lowered;
	s5 =	simm.s32 $_tile_overlayer_lowered  }
0x9b: {  	s22 =	simm.s32 $0x1BFF;
	s21 =	sshll.u32 s5, $0x1;
	s2 =	sadd.s32 s19, s18  }
0x9c: {  	s6 =	simm.s32 $0x0;
	s20 =	sshll.u32 s4, $0x1;
	s4 =	sadd.s32 s21, s2  }
0x9d: {  	[timem:s6], [sflag:s22] =	dma.local [hbm:s4], s20  }
0x9e: {  	_ =	swait.ge [sflag:s22], s20  }
0x9f: {  	s3 =	ssub.s32 $0x0, s20;
	[sflag:s22] =	ssyncset.done $0x0  }
0xa0: {  	[sflag:s22] =	ssyncadd.s32 s3;
	_ =	sdelay $0x1  }
0xa1: {  	s23 =	simm.s32 $0x1B8B  }
0xa2: {  	_ =	swait.ge [sflag:s23], $0x1  }
0xa3: {  	[sflag:s23] =	ssyncset.done $0x0  }
0xa4: {  	s25 =	simm.s32 $0x1B8E;
	s24 =	sld [smem:$0x3FFE];
	[sflag:s23] =	ssyncadd.s32 $0xFFFFFFFF  }
0xa5: {  	s26 =	simm.s32 $execute0_lowered;
	[smem:$0x3FD2] =	sst s25  }
0xa6: {  	s4 =	sshll.u32 s26, $0x1;
	_ =	strace $0x8000004C;
	[dreg:$0x1] =	wrdreg $0xFFFFFFFF  }
0xa7: {  	s28 =	simm.s32 $_size_execute0_lowered;
	s2 =	sadd.s32 s2, s4;
	[dreg:$0x0] =	wrdreg $0x0  }
0xa8: {  	s4 =	sshll.u32 s28, $0x1;
	[dreg:$0x2] =	wrdreg s2  }
0xa9: {  	[dreg:$0x3] =	wrdreg s4  }
0xaa: {  	[dreg:$0x4] =	wrdreg $0xC0  }
0xab: {  	_ =	task [dreg:s6], $0x5FFFF  }
0xac: {  	[dreg:$0x1] =	wrdreg $0xFFFFFFFF  }
0xad: {  	[dreg:$0x0] =	wrdreg $0x60  }
0xae: {  	[dreg:$0x2] =	wrdreg s24  }
0xaf: {  	[dreg:$0x3] =	wrdreg $0x0  }
0xb0: {  	[dreg:$0x4] =	wrdreg $0x9  }
0xb1: {  	_ =	task.clear_ibuf [dreg:s6], $0x5FFFF;
	_ =	strace $0x9000004C  }
0xb2: {  	s29 =	simm.s32 $0x9;
	_ =	strace $0x8000004E  }
0xb3: {  	_ =	swait.ge [sflag:s29], $0x1  }
0xb4: {  	[sflag:s29] =	ssyncadd.s32 $0xFFFFFFFF  }
0xb5: {  	_ =	strace $0x9000004E  }
0xb6: {  	_ =	sfence  }
0xb7: {  	s30 =	sld [smem:$0x0];
	_ =	sdelay $0x2  }
0xb8: {  	s31 =	sshll.u32 s1, $0xD;
	s1 =	sshrl.u32 s1, $0x2  }
0xb9: {  	s3 =	sand.u32 $0x4000, s31;
	s1 =	sadd.s32 s1, s30  }
0xba: {  	s0 =	sor.u32 s3, s0;
	s1 =	sshll.u32 s1, $0x11  }
0xbb: {  	s0 =	sor.u32 s1, s0  }
0xbc: {  	s0 =	sadd.s32 $0x8F2B, s0  }
0xbd: {  	[sflag:s0] =	ssyncadd.remote.s32 $0x1  }
0xbe: {  	_ =	sfence.sel $0xFFFF  }
0xbf: {  	[dreg:$0x0] =	wrdreg $0xFFFFFFFF;
	(pc) =	sbr.abs _section_cstart, $3  }
0xc0: {  	[dreg:$0x1] =	wrdreg $0xFFFFFFFF  }
0xc1: {  	_ =	task.clear_ibuf [dreg:s6], $0x2FFFF;
	_ =	strace $0x9FFFFFFF  }
0xc2: {  	(tm) =	ssettm $0x7FFFFFFF  }
0xc3: {  	_ =	shalt  }
tec
execute0_lowered:
.L_overlay_start_1:
0x0: {  	(tag) =	ssettag $0x1  }
0x1: {  	s0 =	rddreg [dreg:$0x0]  }
0x2: {  	s2 =	rddreg [dreg:$0x1];
	s3 =	simm.s32 $0x0;
	s12 =	stileid.u32  }
0x3: {  	s1 =	srdreg.scid;
	s28 =	simm.s32 $0x2;
	s29 =	simm.s32 $0x16C00  }
0x4: {  	s30 =	simm.s32 $0x14300;
	s31 =	simm.s32 $0x6;
	[smem:$0x7FF] =	sst s3  }
0x5: {  	s6 =	smul.u32 $0x14000, s12;
	s1 =	sand.u32 $0x1, s1;
	s4 =	sadd.s32 $0x4B600, s0  }
0x6: {  	s5 =	sadd.s32 $0x4200, s0;
	s13 =	sshll.u32 s12, $0x1;
	s9 =	smul.u32 $0x50000, s12  }
0x7: {  	s11 =	smul.u32 $0xFA00, s12;
	s15 =	sshll.u32 s12, $0x6;
	s12 =	simm.s32 $0x14380  }
0x8: {  	_ =	strace $0x8000004D;
	s7 =	smul.u32 $0x140000, s1;
	s14 =	ssub.s32 $0x2, s1  }
0x9: {  	[dreg:$0x7] =	wrdreg s15;
	s8 =	sshrl.u32 s6, $0x3;
	s10 =	sshrl.u32 s14, $0x1  }
0xa: {  	s9 =	sshrl.u32 s9, $0x2;
	s8 =	sadd.s32 s8, s0;
	s6 =	sadd.s32 s6, s7  }
0xb: {  	s7 =	sor.u32 s1, s13;
	s9 =	sadd.s32 s9, s2;
	s1 =	smul.u32 $0x7D00, s1  }
0xc: {  	s13 =	simm.s32 $0x0;
	s6 =	sshrl.u32 s6, $0x3;
	s7 =	smul.u32 $0x7D00, s7  }
0xd: {  	s8 =	sadd.s32 $0x23600, s8;
	s0 =	sadd.s32 s6, s0;
	s6 =	ssub.s32 s14, s10  }
0xe: {  	[dreg:$0x6] =	wrdreg s8;
	s8 =	sor.u32 $0x1C09, s15;
	s1 =	sadd.s32 s1, s11  }
0xf: {  	s10 =	simm.s32 $0x8;
	s11 =	simm.s32 $0x4;
	s7 =	sshrl.u32 s7, $0x3  }
0x10: {  	[dreg:$0x8] =	wrdreg s8;
	s18 =	sadd.s32 $0x700, s1;
	s20 =	sadd.s32 $0x600, s1  }
0x11: {  	s21 =	sadd.s32 $0x500, s1;
	s0 =	sadd.s32 $0xCDA00, s0;
	s26 =	smax.u32 s6, $0x1  }
0x12: {  	s6 =	simm.s32 $0x3;
	s16 =	sadd.s32 s5, s7;
	[dreg:$0xe] =	wrdreg s0  }
0x13: {  	s8 =	sshrl.u32 s20, $0x3;
	s23 =	sshrl.u32 s21, $0x3;
	[dreg:$0xf] =	wrdreg s26  }
0x14: {  	s20 =	simm.s32 $0x14200;
	s21 =	simm.s32 $0x1;
	s26 =	simm.s32 $0x14080  }
0x15: {  	s0 =	simm.s32 $0x14180;
	s7 =	sadd.s32 $0x20, s16;
	[dreg:$0x9] =	wrdreg s16  }
0x16: {  	s17 =	sadd.s32 $0x40, s16;
	s19 =	sadd.s32 $0x60, s16;
	[dreg:$0xa] =	wrdreg s7  }
0x17: {  	s22 =	sadd.s32 s8, s5;
	s24 =	sadd.s32 $0xF80, s16;
	[dreg:$0xb] =	wrdreg s17  }
0x18: {  	s25 =	sadd.s32 s23, s5;
	s16 =	sadd.s32 $0x400, s1;
	[dreg:$0xc] =	wrdreg s19  }
0x19: {  	s23 =	simm.s32 $0x14400;
	s1 =	simm.s32 $0x7;
	[dreg:$0xd] =	wrdreg s24  }
0x1a: {  	s8 =	simm.s32 $0x14280;
	s7 =	sshrl.u32 s18, $0x3;
	[dreg:$0x4] =	wrdreg s22  }
0x1b: {  	[dreg:$0x5] =	wrdreg s25;
	s17 =	sshrl.u32 s9, $0x3;
	s18 =	simm.s32 $0x14000  }
0x1c: {  	s19 =	simm.s32 $0x14100;
	s22 =	simm.s32 $0x50;
	s7 =	sadd.s32 s7, s5  }
0x1d: {  	s25 =	simm.s32 $0x5;
	[dreg:$0x3] =	wrdreg s7;
	s7 =	simm.s32 $0xA  }
.LBB2_1:
0x1e: {  	s9 =	rddreg [dreg:$0x6]  }
0x1f: {  	s14 =	rddreg [dreg:$0x8]  }
0x20: {  	[spmem:s17], [sflag:s14] =	dma.local [hbm:s9], $0x2800  }
0x21: {  	s9 =	rddreg [dreg:$0x9]  }
0x22: {  	[tilespmem:s18], [sflag:$0x1] =	stream.linear.gather [hbm4b:s9+s3], $0x100, $0x38;
	[tilespmem:$0x19400] =	vst v63  }
0x23: {  	s15 =	rddreg [dreg:$0xa]  }
0x24: {  	[tilespmem:s19], [sflag:$0x2] =	stream.linear.gather [hbm4b:s15+s3], $0x100, $0x38;
	[tilespmem:$0x19400] =	vst v63  }
0x25: {  	s24 =	rddreg [dreg:$0xb]  }
0x26: {  	[tilespmem:s20], [sflag:$0x3] =	stream.linear.gather [hbm4b:s24+s3], $0x100, $0x38;
	[tilespmem:$0x19400] =	vst v63  }
0x27: {  	_ =	swait.ge [sflag:s21], $0x100  }
0x28: {  	[sflag:s21] =	ssyncset.done $0x0  }
0x29: {  	s14 =	simm.s32 $0x9;
	[sflag:s21] =	ssyncadd.s32 $0xFFFFFF00  }
0x2a: {  	[tilespmem:s23], [sflag:$0x5] =	stream.indirect.gather [hbm4b:s4+s22], $0x80, s18, s22, $0xb8;
	[tilespmem:$0x19400] =	vst v63  }
0x2b: {  	_ =	swait.ge [sflag:s14], $0x2800  }
0x2c: {  	[sflag:s14] =	ssyncset.done $0x0  }
0x2d: {  	[sflag:s14] =	ssyncadd.s32 $0xFFFFD800  }
0x2e: {  	[bflag:$0x0] =	sbarrier.arrive $0xFFFF  }
0x2f: {  	_ =	swait.ge [sflag:s25], $0x2800  }
0x30: {  	[sflag:s25] =	ssyncset.done $0x0  }
0x31: {  	[sflag:s25] =	ssyncadd.s32 $0xFFFFD800  }
0x32: {  	[spmem:s2] =	stream.indirect.scatter.add.f32 [tilespmem:s23], [sflag:$0x7], $0x80, s26, s22, $0xb8;
	[tilespmem:$0x19400] =	vst v63  }
0x33: {  	_ =	swait.ge [sflag:s28], $0x100  }
0x34: {  	[sflag:s28] =	ssyncset.done $0x0  }
0x35: {  	[sflag:s28] =	ssyncadd.s32 $0xFFFFFF00  }
0x36: {  	[tilespmem:s29], [sflag:$0x6] =	stream.indirect.gather [hbm4b:s4+s22], $0x80, s19, s22, $0xb8;
	[tilespmem:$0x19400] =	vst v63  }
0x37: {  	s15 =	rddreg [dreg:$0xc]  }
0x38: {  	[tilespmem:s30], [sflag:$0x4] =	stream.linear.gather [hbm4b:s15+s3], $0x100, $0x38;
	[tilespmem:$0x19400] =	vst v63  }
0x39: {  	_ =	swait.ge [sflag:s31], $0x2800  }
0x3a: {  	[sflag:s31] =	ssyncset.done $0x0  }
0x3b: {  	[sflag:s31] =	ssyncadd.s32 $0xFFFFD800  }
0x3c: {  	[spmem:s2] =	stream.indirect.scatter.add.f32 [tilespmem:s29], [sflag:$0x8], $0x80, s0, s22, $0xb8;
	[tilespmem:$0x19400] =	vst v63  }
0x3d: {  	_ =	swait.ge [sflag:s1], $0x2800  }
0x3e: {  	[sflag:s1] =	ssyncset.done $0x0  }
0x3f: {  	[sflag:s1] =	ssyncadd.s32 $0xFFFFD800  }
0x40: {  	_ =	swait.ge [sflag:s6], $0x100  }
0x41: {  	[sflag:s6] =	ssyncset.done $0x0  }
0x42: {  	s24 =	sshrl.u32 s16, $0x3;
	[sflag:s6] =	ssyncadd.s32 $0xFFFFFF00  }
0x43: {  	[tilespmem:s23], [sflag:$0x5] =	stream.indirect.gather [hbm4b:s4+s22], $0x80, s20, s22, $0xb8;
	[tilespmem:$0x19400] =	vst v63  }
0x44: {  	s9 =	sadd.s32 s5, s24  }
0x45: {  	[tilespmem:s18], [sflag:$0x1] =	stream.linear.gather [hbm4b:s9+s3], $0x100, $0x38;
	[tilespmem:$0x19400] =	vst v63  }
0x46: {  	_ =	swait.ge [sflag:s25], $0x2800  }
0x47: {  	[sflag:s25] =	ssyncset.done $0x0  }
0x48: {  	[sflag:s25] =	ssyncadd.s32 $0xFFFFD800  }
0x49: {  	[spmem:s2] =	stream.indirect.scatter.add.f32 [tilespmem:s23], [sflag:$0x7], $0x80, s8, s22, $0xb8;
	[tilespmem:$0x19400] =	vst v63  }
0x4a: {  	_ =	swait.ge [sflag:s10], $0x2800  }
0x4b: {  	[sflag:s10] =	ssyncset.done $0x0  }
0x4c: {  	[sflag:s10] =	ssyncadd.s32 $0xFFFFD800  }
0x4d: {  	_ =	swait.ge [sflag:s11], $0x100  }
0x4e: {  	[sflag:s11] =	ssyncset.done $0x0  }
0x4f: {  	s14 =	rddreg [dreg:$0x5];
	[sflag:s11] =	ssyncadd.s32 $0xFFFFFF00  }
0x50: {  	[tilespmem:s29], [sflag:$0x6] =	stream.indirect.gather [hbm4b:s4+s22], $0x80, s30, s22, $0xb8;
	[tilespmem:$0x19400] =	vst v63  }
0x51: {  	s9 =	sadd.s32 $0x0, s14  }
0x52: {  	[tilespmem:s19], [sflag:$0x2] =	stream.linear.gather [hbm4b:s9+s3], $0x100, $0x38;
	[tilespmem:$0x19400] =	vst v63  }
0x53: {  	_ =	swait.ge [sflag:s31], $0x2800  }
0x54: {  	[sflag:s31] =	ssyncset.done $0x0  }
0x55: {  	[sflag:s31] =	ssyncadd.s32 $0xFFFFD800  }
0x56: {  	[spmem:s2] =	stream.indirect.scatter.add.f32 [tilespmem:s29], [sflag:$0x8], $0x80, s12, s22, $0xb8;
	[tilespmem:$0x19400] =	vst v63  }
0x57: {  	_ =	swait.ge [sflag:s1], $0x2800  }
0x58: {  	[sflag:s1] =	ssyncset.done $0x0  }
0x59: {  	[sflag:s1] =	ssyncadd.s32 $0xFFFFD800  }
0x5a: {  	_ =	swait.ge [sflag:s21], $0x100  }
0x5b: {  	[sflag:s21] =	ssyncset.done $0x0  }
0x5c: {  	s15 =	rddreg [dreg:$0x4];
	[sflag:s21] =	ssyncadd.s32 $0xFFFFFF00  }
0x5d: {  	[tilespmem:s23], [sflag:$0x5] =	stream.indirect.gather [hbm4b:s4+s22], $0x80, s18, s22, $0xb8;
	[tilespmem:$0x19400] =	vst v63  }
0x5e: {  	s9 =	sadd.s32 $0x0, s15  }
0x5f: {  	[tilespmem:s20], [sflag:$0x3] =	stream.linear.gather [hbm4b:s9+s3], $0x100, $0x38;
	[tilespmem:$0x19400] =	vst v63  }
0x60: {  	_ =	swait.ge [sflag:s25], $0x2800  }
0x61: {  	[sflag:s25] =	ssyncset.done $0x0  }
0x62: {  	[sflag:s25] =	ssyncadd.s32 $0xFFFFD800  }
0x63: {  	[spmem:s2] =	stream.indirect.scatter.add.f32 [tilespmem:s23], [sflag:$0x7], $0x80, s26, s22, $0xb8;
	[tilespmem:$0x19400] =	vst v63  }
0x64: {  	_ =	swait.ge [sflag:s10], $0x2800  }
0x65: {  	[sflag:s10] =	ssyncset.done $0x0  }
0x66: {  	[sflag:s10] =	ssyncadd.s32 $0xFFFFD800  }
0x67: {  	_ =	swait.ge [sflag:s28], $0x100  }
0x68: {  	s14 =	simm.s32 $0x80;
	[sflag:s28] =	ssyncset.done $0x0;
	s24 =	rddreg [dreg:$0x3]  }
0x69: {  	s15 =	sadd.s32 $0x400, s16;
	[sflag:s28] =	ssyncadd.s32 $0xFFFFFF00;
	s9 =	sadd.s32 $0x0, s24  }
0x6a: {  	[tilespmem:s29], [sflag:$0x6] =	stream.indirect.gather [hbm4b:s4+s22], $0x80, s19, s22, $0xb8;
	[tilespmem:$0x19400] =	vst v63  }
.LBB2_2:
0x6b: {  	[tilespmem:s30], [sflag:$0x4] =	stream.linear.gather [hbm4b:s9+s3], $0x100, $0x38;
	[tilespmem:$0x19400] =	vst v63  }
0x6c: {  	_ =	swait.ge [sflag:s31], $0x2800  }
0x6d: {  	[sflag:s31] =	ssyncset.done $0x0  }
0x6e: {  	[sflag:s31] =	ssyncadd.s32 $0xFFFFD800  }
0x6f: {  	[spmem:s2] =	stream.indirect.scatter.add.f32 [tilespmem:s29], [sflag:$0x8], $0x80, s0, s22, $0xb8;
	[tilespmem:$0x19400] =	vst v63  }
0x70: {  	_ =	swait.ge [sflag:s1], $0x2800  }
0x71: {  	[sflag:s1] =	ssyncset.done $0x0  }
0x72: {  	[sflag:s1] =	ssyncadd.s32 $0xFFFFD800  }
0x73: {  	_ =	swait.ge [sflag:s6], $0x100  }
0x74: {  	[sflag:s6] =	ssyncset.done $0x0  }
0x75: {  	s24 =	sshrl.u32 s15, $0x3;
	[sflag:s6] =	ssyncadd.s32 $0xFFFFFF00  }
0x76: {  	[tilespmem:s23], [sflag:$0x5] =	stream.indirect.gather [hbm4b:s4+s22], $0x80, s20, s22, $0xb8;
	[tilespmem:$0x19400] =	vst v63  }
0x77: {  	s24 =	sadd.s32 s5, s24  }
0x78: {  	[tilespmem:s18], [sflag:$0x1] =	stream.linear.gather [hbm4b:s24+s3], $0x100, $0x38;
	[tilespmem:$0x19400] =	vst v63  }
0x79: {  	_ =	swait.ge [sflag:s25], $0x2800  }
0x7a: {  	[sflag:s25] =	ssyncset.done $0x0  }
0x7b: {  	[sflag:s25] =	ssyncadd.s32 $0xFFFFD800  }
0x7c: {  	[spmem:s2] =	stream.indirect.scatter.add.f32 [tilespmem:s23], [sflag:$0x7], $0x80, s8, s22, $0xb8;
	[tilespmem:$0x19400] =	vst v63  }
0x7d: {  	_ =	swait.ge [sflag:s10], $0x2800  }
0x7e: {  	[sflag:s10] =	ssyncset.done $0x0  }
0x7f: {  	[sflag:s10] =	ssyncadd.s32 $0xFFFFD800  }
0x80: {  	_ =	swait.ge [sflag:s11], $0x100  }
0x81: {  	[sflag:s11] =	ssyncset.done $0x0  }
0x82: {  	s9 =	smov.u32 s14;
	s24 =	rddreg [dreg:$0x5];
	[sflag:s11] =	ssyncadd.s32 $0xFFFFFF00  }
0x83: {  	[tilespmem:s29], [sflag:$0x6] =	stream.indirect.gather [hbm4b:s4+s22], $0x80, s30, s22, $0xb8;
	[tilespmem:$0x19400] =	vst v63  }
0x84: {  	s24 =	sadd.s32 s9, s24  }
0x85: {  	[tilespmem:s19], [sflag:$0x2] =	stream.linear.gather [hbm4b:s24+s3], $0x100, $0x38;
	[tilespmem:$0x19400] =	vst v63  }
0x86: {  	_ =	swait.ge [sflag:s31], $0x2800  }
0x87: {  	[sflag:s31] =	ssyncset.done $0x0  }
0x88: {  	[sflag:s31] =	ssyncadd.s32 $0xFFFFD800  }
0x89: {  	[spmem:s2] =	stream.indirect.scatter.add.f32 [tilespmem:s29], [sflag:$0x8], $0x80, s12, s22, $0xb8;
	[tilespmem:$0x19400] =	vst v63  }
0x8a: {  	_ =	swait.ge [sflag:s1], $0x2800  }
0x8b: {  	[sflag:s1] =	ssyncset.done $0x0  }
0x8c: {  	[sflag:s1] =	ssyncadd.s32 $0xFFFFD800  }
0x8d: {  	_ =	swait.ge [sflag:s21], $0x100  }
0x8e: {  	[sflag:s21] =	ssyncset.done $0x0  }
0x8f: {  	s24 =	rddreg [dreg:$0x4];
	[sflag:s21] =	ssyncadd.s32 $0xFFFFFF00  }
0x90: {  	[tilespmem:s23], [sflag:$0x5] =	stream.indirect.gather [hbm4b:s4+s22], $0x80, s18, s22, $0xb8;
	[tilespmem:$0x19400] =	vst v63  }
0x91: {  	s24 =	sadd.s32 s9, s24  }
0x92: {  	[tilespmem:s20], [sflag:$0x3] =	stream.linear.gather [hbm4b:s24+s3], $0x100, $0x38;
	[tilespmem:$0x19400] =	vst v63  }
0x93: {  	_ =	swait.ge [sflag:s25], $0x2800  }
0x94: {  	[sflag:s25] =	ssyncset.done $0x0  }
0x95: {  	[sflag:s25] =	ssyncadd.s32 $0xFFFFD800  }
0x96: {  	[spmem:s2] =	stream.indirect.scatter.add.f32 [tilespmem:s23], [sflag:$0x7], $0x80, s26, s22, $0xb8;
	[tilespmem:$0x19400] =	vst v63  }
0x97: {  	_ =	swait.ge [sflag:s10], $0x2800  }
0x98: {  	p0 =	sne.s32 s14, $0xE80;
	[sflag:s10] =	ssyncset.done $0x0  }
.Ltmp0:
0x99: {  	[sflag:s10] =	ssyncadd.s32 $0xFFFFD800;
	(pc) =	sbr.rel @p0 .LBB2_2-.Ltmp0, $4  }
0x9a: {  	_ =	swait.ge [sflag:s28], $0x100  }
0x9b: {  	s14 =	sadd.s32 $0x80, s14;
	[sflag:s28] =	ssyncset.done $0x0;
	s24 =	rddreg [dreg:$0x3]  }
0x9c: {  	s15 =	sadd.s32 $0x400, s15;
	[sflag:s28] =	ssyncadd.s32 $0xFFFFFF00;
	s9 =	sadd.s32 s9, s24  }
0x9d: {  	[tilespmem:s29], [sflag:$0x6] =	stream.indirect.gather [hbm4b:s4+s22], $0x80, s19, s22, $0xb8;
	[tilespmem:$0x19400] =	vst v63  }
0x9e: {  	[tilespmem:s30], [sflag:$0x4] =	stream.linear.gather [hbm4b:s9+s3], $0x100, $0x38;
	[tilespmem:$0x19400] =	vst v63  }
0x9f: {  	_ =	swait.ge [sflag:s31], $0x2800  }
0xa0: {  	[sflag:s31] =	ssyncset.done $0x0  }
0xa1: {  	[sflag:s31] =	ssyncadd.s32 $0xFFFFD800  }
0xa2: {  	[spmem:s2] =	stream.indirect.scatter.add.f32 [tilespmem:s29], [sflag:$0x8], $0x80, s0, s22, $0xb8;
	[tilespmem:$0x19400] =	vst v63  }
0xa3: {  	_ =	swait.ge [sflag:s1], $0x2800  }
0xa4: {  	[sflag:s1] =	ssyncset.done $0x0  }
0xa5: {  	[sflag:s1] =	ssyncadd.s32 $0xFFFFD800  }
0xa6: {  	_ =	swait.ge [sflag:s6], $0x100  }
0xa7: {  	[sflag:s6] =	ssyncset.done $0x0  }
0xa8: {  	[sflag:s6] =	ssyncadd.s32 $0xFFFFFF00  }
0xa9: {  	[tilespmem:s23], [sflag:$0x5] =	stream.indirect.gather [hbm4b:s4+s22], $0x80, s20, s22, $0xb8;
	[tilespmem:$0x19400] =	vst v63  }
0xaa: {  	s14 =	rddreg [dreg:$0xd]  }
0xab: {  	[tilespmem:s18], [sflag:$0x1] =	stream.linear.gather [hbm4b:s14+s3], $0x100, $0x38;
	[tilespmem:$0x19400] =	vst v63  }
0xac: {  	_ =	swait.ge [sflag:s25], $0x2800  }
0xad: {  	[sflag:s25] =	ssyncset.done $0x0  }
0xae: {  	[sflag:s25] =	ssyncadd.s32 $0xFFFFD800  }
0xaf: {  	[spmem:s2] =	stream.indirect.scatter.add.f32 [tilespmem:s23], [sflag:$0x7], $0x80, s8, s22, $0xb8;
	[tilespmem:$0x19400] =	vst v63  }
0xb0: {  	_ =	swait.ge [sflag:s10], $0x2800  }
0xb1: {  	[sflag:s10] =	ssyncset.done $0x0  }
0xb2: {  	[sflag:s10] =	ssyncadd.s32 $0xFFFFD800  }
0xb3: {  	_ =	swait.ge [sflag:s11], $0x100  }
0xb4: {  	[sflag:s11] =	ssyncset.done $0x0  }
0xb5: {  	[sflag:s11] =	ssyncadd.s32 $0xFFFFFF00  }
0xb6: {  	[tilespmem:s29], [sflag:$0x6] =	stream.indirect.gather [hbm4b:s4+s22], $0x80, s30, s22, $0xb8;
	[tilespmem:$0x19400] =	vst v63  }
0xb7: {  	_ =	swait.ge [sflag:s31], $0x2800  }
0xb8: {  	[sflag:s31] =	ssyncset.done $0x0  }
0xb9: {  	[sflag:s31] =	ssyncadd.s32 $0xFFFFD800  }
0xba: {  	[spmem:s2] =	stream.indirect.scatter.add.f32 [tilespmem:s29], [sflag:$0x8], $0x80, s12, s22, $0xb8;
	[tilespmem:$0x19400] =	vst v63  }
0xbb: {  	_ =	swait.ge [sflag:s1], $0x2800  }
0xbc: {  	[sflag:s1] =	ssyncset.done $0x0  }
0xbd: {  	[sflag:s1] =	ssyncadd.s32 $0xFFFFD800  }
0xbe: {  	_ =	swait.ge [sflag:s21], $0x100  }
0xbf: {  	[sflag:s21] =	ssyncset.done $0x0  }
0xc0: {  	[sflag:s21] =	ssyncadd.s32 $0xFFFFFF00  }
0xc1: {  	[tilespmem:s23], [sflag:$0x5] =	stream.indirect.gather [hbm4b:s4+s22], $0x80, s18, s22, $0xb8;
	[tilespmem:$0x19400] =	vst v63  }
0xc2: {  	_ =	swait.ge [sflag:s25], $0x2800  }
0xc3: {  	[sflag:s25] =	ssyncset.done $0x0  }
0xc4: {  	[sflag:s25] =	ssyncadd.s32 $0xFFFFD800  }
0xc5: {  	[spmem:s2] =	stream.indirect.scatter.add.f32 [tilespmem:s23], [sflag:$0x7], $0x80, s26, s22, $0xb8;
	[tilespmem:$0x19400] =	vst v63  }
0xc6: {  	_ =	swait.ge [sflag:s10], $0x2800  }
0xc7: {  	[sflag:s10] =	ssyncset.done $0x0  }
0xc8: {  	[sflag:s10] =	ssyncadd.s32 $0xFFFFD800  }
0xc9: {  	_ =	swait.ge [sflag:s1], $0x2800  }
0xca: {  	[sflag:s1] =	ssyncset.done $0x0  }
0xcb: {  	[sflag:s1] =	ssyncadd.s32 $0xFFFFD800  }
0xcc: {  	[bflag:$0x0] =	sbarrier.arrive $0xFFFF  }
0xcd: {  	s15 =	rddreg [dreg:$0x7]  }
0xce: {  	s14 =	rddreg [dreg:$0xe];
	s9 =	sor.u32 $0x1C0A, s15  }
0xcf: {  	[hbm:s14], [sflag:s9] =	dma.local [spmem:s17], $0x2800  }
0xd0: {  	_ =	swait.ge [sflag:s7], $0x2800  }
0xd1: {  	s13 =	sadd.s32 $0x1, s13;
	s24 =	rddreg [dreg:$0xf]  }
0xd2: {  	p0 =	sne.s32 s13, s24  }
.Ltmp1:
0xd3: {  	_ = 	snop;
	(pc) =	sbr.rel @p0 .LBB2_1-.Ltmp1, $3  }
0xd4: {  	_ =	sdelay $0x1  }
0xd5: {  	[sflag:s7] =	ssyncset.done $0x0  }
0xd6: {  	[sflag:s7] =	ssyncadd.s32 $0xFFFFD800  }
0xd7: {  	_ =	sfence.sel $0x180000  }
0xd8: {  	[bflag:$0x0] =	sbarrier.arrive $0xFFFF  }
0xd9: {  	_ =	strace $0x9000004D  }
0xda: {  	s0 =	stileid.u32;
	[bflag:$0x2] =	sbarrier.arrive $0xFFFF  }
0xdb: {  	p0 =	sne.s32 s0, $0x0;
	s0 =	rddreg [dreg:$0x2]  }
0xdc: {  	s0 =	sadd.s32 @!p0 $0x100000, s0  }
0xdd: {  	[sflag:s0] =	ssyncadd.tile.s32 @!p0 $0x1;
	_ =	shalt  }
.Lfunc_end2:
_tile_overlayer_lowered:
.L_overlay_start_2:
0xde: {  	(tag) =	ssettag $0x2  }
0xdf: {  	s0 =	rddreg [dreg:$0x0];
	s2 =	stileid.u32  }
0xe0: {  	s1 =	rddreg [dreg:$0x1];
	p0 =	sne.s32 s2, $0x0  }
0xe1: {  	s3 =	rddreg [dreg:$0x2];
	[bflag:$0x3] =	sbarrier.arrive $0xFFFF;
	s2 =	simm.s32 @!p0 $0x1C0A  }
0xe2: {  	[timem:s3], [sflag:s2] =	dma.local @!p0 [hbm:s0], s1  }
0xe3: {  	s0 =	simm.s32 @!p0 $0xA  }
0xe4: {  	_ =	swait.ge @!p0 [sflag:s0], s1  }
0xe5: {  	s1 =	ssub.s32 @!p0 $0x0, s1;
	[sflag:s0] =	ssyncset.done @!p0 $0x0  }
0xe6: {  	[sflag:s0] =	ssyncadd.s32 @!p0 s1  }
0xe7: {  	[bflag:$0x3] =	sbarrier.arrive $0xFFFF  }
0xe8: {  	_ =	shalt  }

// kernel: kernel.21.cloned.1.call-start
scs
__scs_entry_jumppad:
0x0: {  	(pc) =	sbr.rel $0x88, $3  }
0x1: {  	(tag) =	ssettag $0x0;
	lr =	simm.s32 $0x1  }
0x2: {  	[smem:$0x3F93] =	sst lr;
	_ =	strace $0xD0000000  }
0x3: {  	_ = 	snop  }
0x4: {  	_ = 	snop  }
0x5: {  	_ = 	snop  }
0x6: {  	_ = 	snop  }
0x7: {  	_ = 	snop  }
__scs_overlays_trampoline_lowered:
0x8: {  	[smem:$0x3FA2] =	sst s0  }
0x9: {  	[smem:$0x3FA3] =	sst s1  }
0xa: {  	[smem:$0x3FA4] =	sst s2  }
0xb: {  	[smem:$0x3FA5] =	sst s3  }
0xc: {  	[smem:$0x3FA6] =	sst s4  }
0xd: {  	[smem:$0x3FA7] =	sst s5  }
0xe: {  	[smem:$0x3FA8] =	sst s6  }
0xf: {  	[smem:$0x3FA9] =	sst s7  }
0x10: {  	[smem:$0x3FAA] =	sst s8  }
0x11: {  	[smem:$0x3FAB] =	sst s9;
	s0 =	simm.s32 @!p0 $0x0  }
0x12: {  	s1 =	sld [smem:$0x3F91];
	s0 =	simm.s32 @p0 $0x1  }
0x13: {  	[smem:$0x3FAC] =	sst s0;
	s0 =	simm.s32 @!p1 $0x0  }
0x14: {  	s2 =	sld [smem:$0x3F90];
	s0 =	simm.s32 @p1 $0x1  }
0x15: {  	[smem:$0x3FAD] =	sst s0;
	s0 =	simm.s32 @!p2 $0x0  }
0x16: {  	s3 =	sld [smem:$0x3FDB];
	s0 =	simm.s32 @p2 $0x1  }
0x17: {  	s4 =	simm.s32 $0x1BF5;
	[smem:$0x3FAF] =	sst s0  }
0x18: {  	s0 =	sld [smem:$0x3F92];
	_ =	swait.ge [sflag:s4], $0x0  }
0x19: {  	s7 =	sld [smem:$0x3F93]  }
0x1a: {  	s8 =	sadd.s32 $0xFFFFE003, lr  }
0x1b: {  	s9 =	sadd.s32 $0xFFFFFEF7, lr;
	s5 =	simm.s32 $0xFFFFFFFF;
	p2 =	slt.u32 s8, $0xFFFFF086  }
0x1c: {  	p1 =	slt.u32 s9, $0xF7A;
	s5 =	simm.s32 @!p2 $0x0  }
0x1d: {  	s5 =	simm.s32 @p1 $0x1;
	p0 =	seq.s32 s7, s2  }
0x1e: {  	s7 =	smul.u32 @!p0 $0xF7A, s2;
	p2 =	seq.s32 @!p0 s5, $0x0  }
0x1f: {  	s9 =	smul.u32 $0xF7A, s1;
	s8 =	simm.s32 @!p0 $0x1BF5;
	p2 =	por !p2, p0  }
0x20: {  	[sflag:s8] =	ssyncset.s32 @!p0 $0xFFFFF086;
	s6 =	sadd.s32 @!p0 s3, s7;
	s7 =	simm.s32 @!p0 $0x108  }
0x21: {  	s3 =	sadd.s32 s3, s9;
	s6 =	sadd.s32 @!p0 $0x88, s6;
	s7 =	simm.s32 @p2 $0x1082  }
0x22: {  	[simem:s7], [sflag:s8] =	dma.local @!p0 [hbm:s6], $0xF7A  }
0x23: {  	s9 =	sor.u32 $0xD0000000, s2;
	s6 =	simm.s32 $0x108;
	_ =	swait.ge @!p0 [sflag:s8], $0x0  }
0x24: {  	s3 =	sadd.s32 $0x88, s3;
	s6 =	simm.s32 @!p1 $0x1082;
	[sflag:s4] =	ssyncset.s32 $0xFFFFF086  }
0x25: {  	[simem:s6], [sflag:s4] =	dma.local [hbm:s3], $0xF7A  }
0x26: {  	[smem:$0x3F93] =	sst s1;
	(tag) =	ssettag s2;
	_ =	strace s9  }
0x27: {  	s1 =	sld [smem:$0x3FA3]  }
0x28: {  	s2 =	sld [smem:$0x3FA4]  }
0x29: {  	s4 =	sld [smem:$0x3FA6]  }
0x2a: {  	p0 =	seq.s32 s5, $0x0;
	s5 =	sld [smem:$0x3FA7]  }
0x2b: {  	s6 =	sld [smem:$0x3FA8]  }
0x2c: {  	s7 =	sld [smem:$0x3FA9]  }
0x2d: {  	s3 =	simm.s32 $0x108;
	s8 =	sld [smem:$0x3FAA]  }
0x2e: {  	s3 =	simm.s32 @!p0 $0x1082;
	s9 =	sld [smem:$0x3FAB]  }
0x2f: {  	lr =	sadd.s32 s0, s3;
	s0 =	sld [smem:$0x3FA2]  }
0x30: {  	s3 =	sld [smem:$0x3FA5]  }
0x31: {  	[smem:$0x3FAE] =	sst s10  }
0x32: {  	s10 =	sld [smem:$0x3FAC];
	_ =	sdelay $0x3  }
0x33: {  	p0 =	seq.s32 s10, $0x1;
	s10 =	sld [smem:$0x3FAE];
	_ =	sdelay $0x3  }
0x34: {  	[smem:$0x3FAE] =	sst s10  }
0x35: {  	s10 =	sld [smem:$0x3FAD];
	_ =	sdelay $0x3  }
0x36: {  	p1 =	seq.s32 s10, $0x1;
	s10 =	sld [smem:$0x3FAE];
	_ =	sdelay $0x3  }
0x37: {  	[smem:$0x3FAE] =	sst s10  }
0x38: {  	s10 =	sld [smem:$0x3FAF]  }
0x39: {  	_ = 	snop;
	(pc) =	sbr.ind lr, $3  }
0x3a: {  	_ = 	snop  }
0x3b: {  	_ = 	snop  }
0x3c: {  	p2 =	seq.s32 s10, $0x1;
	s10 =	sld [smem:$0x3FAE]  }
0x3d: {  	_ =	shalt  }
0x3e: {  	_ =	shalt  }
0x3f: {  	_ =	shalt  }
0x40: {  	_ =	shalt  }
0x41: {  	_ =	shalt  }
0x42: {  	_ =	shalt  }
0x43: {  	_ =	shalt  }
0x44: {  	_ =	shalt  }
0x45: {  	_ =	shalt  }
0x46: {  	_ =	shalt  }
0x47: {  	_ =	shalt  }
0x48: {  	_ =	shalt  }
0x49: {  	_ =	shalt  }
0x4a: {  	_ =	shalt  }
0x4b: {  	_ =	shalt  }
0x4c: {  	_ =	shalt  }
0x4d: {  	_ =	shalt  }
0x4e: {  	_ =	shalt  }
0x4f: {  	_ =	shalt  }
0x50: {  	_ =	shalt  }
0x51: {  	_ =	shalt  }
0x52: {  	_ =	shalt  }
0x53: {  	_ =	shalt  }
0x54: {  	_ =	shalt  }
0x55: {  	_ =	shalt  }
0x56: {  	_ =	shalt  }
0x57: {  	_ =	shalt  }
0x58: {  	_ =	shalt  }
0x59: {  	_ =	shalt  }
0x5a: {  	_ =	shalt  }
0x5b: {  	_ =	shalt  }
0x5c: {  	_ =	shalt  }
0x5d: {  	_ =	shalt  }
0x5e: {  	_ =	shalt  }
0x5f: {  	_ =	shalt  }
0x60: {  	_ =	shalt  }
0x61: {  	_ =	shalt  }
0x62: {  	_ =	shalt  }
0x63: {  	_ =	shalt  }
0x64: {  	_ =	shalt  }
0x65: {  	_ =	shalt  }
0x66: {  	_ =	shalt  }
0x67: {  	_ =	shalt  }
0x68: {  	_ =	shalt  }
0x69: {  	_ =	shalt  }
0x6a: {  	_ =	shalt  }
0x6b: {  	_ =	shalt  }
0x6c: {  	_ =	shalt  }
0x6d: {  	_ =	shalt  }
0x6e: {  	_ =	shalt  }
0x6f: {  	_ =	shalt  }
0x70: {  	_ =	shalt  }
0x71: {  	_ =	shalt  }
0x72: {  	_ =	shalt  }
0x73: {  	_ =	shalt  }
0x74: {  	_ =	shalt  }
0x75: {  	_ =	shalt  }
0x76: {  	_ =	shalt  }
0x77: {  	_ =	shalt  }
0x78: {  	_ =	shalt  }
0x79: {  	_ =	shalt  }
0x7a: {  	_ =	shalt  }
0x7b: {  	_ =	shalt  }
0x7c: {  	_ =	shalt  }
0x7d: {  	_ =	shalt  }
0x7e: {  	_ =	shalt  }
0x7f: {  	_ =	shalt  }
0x80: {  	_ =	shalt  }
0x81: {  	_ =	shalt  }
0x82: {  	_ =	shalt  }
0x83: {  	_ =	shalt  }
0x84: {  	_ =	shalt  }
0x85: {  	_ =	shalt  }
0x86: {  	_ =	shalt  }
0x87: {  	_ =	shalt  }
.Lfunc_end0:
.L_simem_size_0:
called_computation.3_lowered:
.L_overlay_start_0:
0x88: {  	s2 =	sld [smem:$0x3FD9]  }
0x89: {  	s3 =	sld [smem:$0x3FFE];
	_ =	sdelay $0x1  }
0x8a: {  	s1 =	srdreg.scid  }
0x8b: {  	s0 =	sand.u32 $0x1, s1  }
0x8c: {  	s16 =	sshll.u32 s0, $0xA;
	s2 =	sadd.s32 s3, s2  }
0x8d: {  	s2 =	sadd.s32 s2, s16  }
0x8e: {  	[smem:$0x3FBA] =	sst s2  }
0x8f: {  	_ = 	snop  }
0x90: {  	(tm) =	ssettm $0x1  }
0x91: {  	s17 =	sld [smem:$0x3FFB];
	_ =	sdelay $0x3  }
0x92: {  	_ =	strace s17  }
0x93: {  	s2 =	sld [smem:$0x3FFC];
	_ =	sdelay $0x3  }
0x94: {  	_ =	strace s2  }
0x95: {  	s2 =	sld [smem:$0x3FFD];
	_ =	sdelay $0x3  }
0x96: {  	_ =	strace s2  }
0x97: {  	_ =	strace $0x8FFFFFFF  }
0x98: {  	s18 =	sld [smem:$0x3FDB];
	_ =	sdelay $0x1  }
0x99: {  	s19 =	simm.s32 $_scs_section_size  }
0x9a: {  	s4 =	simm.s32 $_size__tile_overlayer_lowered;
	s5 =	simm.s32 $_tile_overlayer_lowered  }
0x9b: {  	s22 =	simm.s32 $0x1BFF;
	s21 =	sshll.u32 s5, $0x1;
	s2 =	sadd.s32 s19, s18  }
0x9c: {  	s6 =	simm.s32 $0x0;
	s20 =	sshll.u32 s4, $0x1;
	s4 =	sadd.s32 s21, s2  }
0x9d: {  	[timem:s6], [sflag:s22] =	dma.local [hbm:s4], s20  }
0x9e: {  	_ =	swait.ge [sflag:s22], s20  }
0x9f: {  	s3 =	ssub.s32 $0x0, s20;
	[sflag:s22] =	ssyncset.done $0x0  }
0xa0: {  	[sflag:s22] =	ssyncadd.s32 s3;
	_ =	sdelay $0x1  }
0xa1: {  	s23 =	simm.s32 $0x1B8B  }
0xa2: {  	_ =	swait.ge [sflag:s23], $0x1  }
0xa3: {  	[sflag:s23] =	ssyncset.done $0x0  }
0xa4: {  	s25 =	simm.s32 $0x1B8E;
	s24 =	sld [smem:$0x3FFE];
	[sflag:s23] =	ssyncadd.s32 $0xFFFFFFFF  }
0xa5: {  	s26 =	simm.s32 $execute0_lowered;
	[smem:$0x3FD2] =	sst s25  }
0xa6: {  	s4 =	sshll.u32 s26, $0x1;
	_ =	strace $0x8000004F;
	[dreg:$0x1] =	wrdreg $0xFFFFFFFF  }
0xa7: {  	s28 =	simm.s32 $_size_execute0_lowered;
	s2 =	sadd.s32 s2, s4;
	[dreg:$0x0] =	wrdreg $0x0  }
0xa8: {  	s4 =	sshll.u32 s28, $0x1;
	[dreg:$0x2] =	wrdreg s2  }
0xa9: {  	[dreg:$0x3] =	wrdreg s4  }
0xaa: {  	[dreg:$0x4] =	wrdreg $0xC0  }
0xab: {  	_ =	task [dreg:s6], $0x5FFFF  }
0xac: {  	[dreg:$0x1] =	wrdreg $0xFFFFFFFF  }
0xad: {  	[dreg:$0x0] =	wrdreg $0x60  }
0xae: {  	[dreg:$0x2] =	wrdreg s24  }
0xaf: {  	[dreg:$0x3] =	wrdreg $0x0  }
0xb0: {  	[dreg:$0x4] =	wrdreg $0x9  }
0xb1: {  	_ =	task.clear_ibuf [dreg:s6], $0x5FFFF;
	_ =	strace $0x9000004F  }
0xb2: {  	s29 =	simm.s32 $0x9;
	_ =	strace $0x80000051  }
0xb3: {  	_ =	swait.ge [sflag:s29], $0x1  }
0xb4: {  	[sflag:s29] =	ssyncadd.s32 $0xFFFFFFFF  }
0xb5: {  	_ =	strace $0x90000051  }
0xb6: {  	_ =	sfence  }
0xb7: {  	s30 =	sld [smem:$0x0];
	_ =	sdelay $0x2  }
0xb8: {  	s31 =	sshll.u32 s1, $0xD;
	s1 =	sshrl.u32 s1, $0x2  }
0xb9: {  	s3 =	sand.u32 $0x4000, s31;
	s1 =	sadd.s32 s1, s30  }
0xba: {  	s0 =	sor.u32 s3, s0;
	s1 =	sshll.u32 s1, $0x11  }
0xbb: {  	s0 =	sor.u32 s1, s0  }
0xbc: {  	s0 =	sadd.s32 $0x8F2B, s0  }
0xbd: {  	[sflag:s0] =	ssyncadd.remote.s32 $0x1  }
0xbe: {  	_ =	sfence.sel $0xFFFF  }
0xbf: {  	[dreg:$0x0] =	wrdreg $0xFFFFFFFF;
	(pc) =	sbr.abs _section_cstart, $3  }
0xc0: {  	[dreg:$0x1] =	wrdreg $0xFFFFFFFF  }
0xc1: {  	_ =	task.clear_ibuf [dreg:s6], $0x2FFFF;
	_ =	strace $0x9FFFFFFF  }
0xc2: {  	(tm) =	ssettm $0x7FFFFFFF  }
0xc3: {  	_ =	shalt  }
tec
execute0_lowered:
.L_overlay_start_1:
0x0: {  	(tag) =	ssettag $0x1  }
0x1: {  	s0 =	rddreg [dreg:$0x0]  }
0x2: {  	s2 =	rddreg [dreg:$0x1];
	s3 =	simm.s32 $0x0;
	s12 =	stileid.u32  }
0x3: {  	s1 =	srdreg.scid;
	s28 =	simm.s32 $0x2;
	s29 =	simm.s32 $0x16C00  }
0x4: {  	s30 =	simm.s32 $0x14300;
	s31 =	simm.s32 $0x6;
	[smem:$0x7FF] =	sst s3  }
0x5: {  	s6 =	smul.u32 $0x14000, s12;
	s1 =	sand.u32 $0x1, s1;
	s4 =	sadd.s32 $0x4B600, s0  }
0x6: {  	s5 =	sadd.s32 $0x4200, s0;
	s13 =	sshll.u32 s12, $0x1;
	s9 =	smul.u32 $0x50000, s12  }
0x7: {  	s11 =	smul.u32 $0xFA00, s12;
	s15 =	sshll.u32 s12, $0x6;
	s12 =	simm.s32 $0x14380  }
0x8: {  	_ =	strace $0x80000050;
	s7 =	smul.u32 $0x140000, s1;
	s14 =	ssub.s32 $0x2, s1  }
0x9: {  	[dreg:$0x7] =	wrdreg s15;
	s8 =	sshrl.u32 s6, $0x3;
	s10 =	sshrl.u32 s14, $0x1  }
0xa: {  	s9 =	sshrl.u32 s9, $0x2;
	s8 =	sadd.s32 s8, s0;
	s6 =	sadd.s32 s6, s7  }
0xb: {  	s7 =	sor.u32 s1, s13;
	s9 =	sadd.s32 s9, s2;
	s1 =	smul.u32 $0x7D00, s1  }
0xc: {  	s13 =	simm.s32 $0x0;
	s6 =	sshrl.u32 s6, $0x3;
	s7 =	smul.u32 $0x7D00, s7  }
0xd: {  	s8 =	sadd.s32 $0x23600, s8;
	s0 =	sadd.s32 s6, s0;
	s6 =	ssub.s32 s14, s10  }
0xe: {  	[dreg:$0x6] =	wrdreg s8;
	s8 =	sor.u32 $0x1C09, s15;
	s1 =	sadd.s32 s1, s11  }
0xf: {  	s10 =	simm.s32 $0x8;
	s11 =	simm.s32 $0x4;
	s7 =	sshrl.u32 s7, $0x3  }
0x10: {  	[dreg:$0x8] =	wrdreg s8;
	s18 =	sadd.s32 $0x700, s1;
	s20 =	sadd.s32 $0x600, s1  }
0x11: {  	s21 =	sadd.s32 $0x500, s1;
	s0 =	sadd.s32 $0x72800, s0;
	s26 =	smax.u32 s6, $0x1  }
0x12: {  	s6 =	simm.s32 $0x3;
	s16 =	sadd.s32 s5, s7;
	[dreg:$0xe] =	wrdreg s0  }
0x13: {  	s8 =	sshrl.u32 s20, $0x3;
	s23 =	sshrl.u32 s21, $0x3;
	[dreg:$0xf] =	wrdreg s26  }
0x14: {  	s20 =	simm.s32 $0x14200;
	s21 =	simm.s32 $0x1;
	s26 =	simm.s32 $0x14080  }
0x15: {  	s0 =	simm.s32 $0x14180;
	s7 =	sadd.s32 $0x20, s16;
	[dreg:$0x9] =	wrdreg s16  }
0x16: {  	s17 =	sadd.s32 $0x40, s16;
	s19 =	sadd.s32 $0x60, s16;
	[dreg:$0xa] =	wrdreg s7  }
0x17: {  	s22 =	sadd.s32 s8, s5;
	s24 =	sadd.s32 $0xF80, s16;
	[dreg:$0xb] =	wrdreg s17  }
0x18: {  	s25 =	sadd.s32 s23, s5;
	s16 =	sadd.s32 $0x400, s1;
	[dreg:$0xc] =	wrdreg s19  }
0x19: {  	s23 =	simm.s32 $0x14400;
	s1 =	simm.s32 $0x7;
	[dreg:$0xd] =	wrdreg s24  }
0x1a: {  	s8 =	simm.s32 $0x14280;
	s7 =	sshrl.u32 s18, $0x3;
	[dreg:$0x4] =	wrdreg s22  }
0x1b: {  	[dreg:$0x5] =	wrdreg s25;
	s17 =	sshrl.u32 s9, $0x3;
	s18 =	simm.s32 $0x14000  }
0x1c: {  	s19 =	simm.s32 $0x14100;
	s22 =	simm.s32 $0x50;
	s7 =	sadd.s32 s7, s5  }
0x1d: {  	s25 =	simm.s32 $0x5;
	[dreg:$0x3] =	wrdreg s7;
	s7 =	simm.s32 $0xA  }
.LBB2_1:
0x1e: {  	s9 =	rddreg [dreg:$0x6]  }
0x1f: {  	s14 =	rddreg [dreg:$0x8]  }
0x20: {  	[spmem:s17], [sflag:s14] =	dma.local [hbm:s9], $0x2800  }
0x21: {  	s9 =	rddreg [dreg:$0x9]  }
0x22: {  	[tilespmem:s18], [sflag:$0x1] =	stream.linear.gather [hbm4b:s9+s3], $0x100, $0x38;
	[tilespmem:$0x19400] =	vst v63  }
0x23: {  	s15 =	rddreg [dreg:$0xa]  }
0x24: {  	[tilespmem:s19], [sflag:$0x2] =	stream.linear.gather [hbm4b:s15+s3], $0x100, $0x38;
	[tilespmem:$0x19400] =	vst v63  }
0x25: {  	s24 =	rddreg [dreg:$0xb]  }
0x26: {  	[tilespmem:s20], [sflag:$0x3] =	stream.linear.gather [hbm4b:s24+s3], $0x100, $0x38;
	[tilespmem:$0x19400] =	vst v63  }
0x27: {  	_ =	swait.ge [sflag:s21], $0x100  }
0x28: {  	[sflag:s21] =	ssyncset.done $0x0  }
0x29: {  	s14 =	simm.s32 $0x9;
	[sflag:s21] =	ssyncadd.s32 $0xFFFFFF00  }
0x2a: {  	[tilespmem:s23], [sflag:$0x5] =	stream.indirect.gather [hbm4b:s4+s22], $0x80, s18, s22, $0xb8;
	[tilespmem:$0x19400] =	vst v63  }
0x2b: {  	_ =	swait.ge [sflag:s14], $0x2800  }
0x2c: {  	[sflag:s14] =	ssyncset.done $0x0  }
0x2d: {  	[sflag:s14] =	ssyncadd.s32 $0xFFFFD800  }
0x2e: {  	[bflag:$0x0] =	sbarrier.arrive $0xFFFF  }
0x2f: {  	_ =	swait.ge [sflag:s25], $0x2800  }
0x30: {  	[sflag:s25] =	ssyncset.done $0x0  }
0x31: {  	[sflag:s25] =	ssyncadd.s32 $0xFFFFD800  }
0x32: {  	[spmem:s2] =	stream.indirect.scatter.add.f32 [tilespmem:s23], [sflag:$0x7], $0x80, s26, s22, $0xb8;
	[tilespmem:$0x19400] =	vst v63  }
0x33: {  	_ =	swait.ge [sflag:s28], $0x100  }
0x34: {  	[sflag:s28] =	ssyncset.done $0x0  }
0x35: {  	[sflag:s28] =	ssyncadd.s32 $0xFFFFFF00  }
0x36: {  	[tilespmem:s29], [sflag:$0x6] =	stream.indirect.gather [hbm4b:s4+s22], $0x80, s19, s22, $0xb8;
	[tilespmem:$0x19400] =	vst v63  }
0x37: {  	s15 =	rddreg [dreg:$0xc]  }
0x38: {  	[tilespmem:s30], [sflag:$0x4] =	stream.linear.gather [hbm4b:s15+s3], $0x100, $0x38;
	[tilespmem:$0x19400] =	vst v63  }
0x39: {  	_ =	swait.ge [sflag:s31], $0x2800  }
0x3a: {  	[sflag:s31] =	ssyncset.done $0x0  }
0x3b: {  	[sflag:s31] =	ssyncadd.s32 $0xFFFFD800  }
0x3c: {  	[spmem:s2] =	stream.indirect.scatter.add.f32 [tilespmem:s29], [sflag:$0x8], $0x80, s0, s22, $0xb8;
	[tilespmem:$0x19400] =	vst v63  }
0x3d: {  	_ =	swait.ge [sflag:s1], $0x2800  }
0x3e: {  	[sflag:s1] =	ssyncset.done $0x0  }
0x3f: {  	[sflag:s1] =	ssyncadd.s32 $0xFFFFD800  }
0x40: {  	_ =	swait.ge [sflag:s6], $0x100  }
0x41: {  	[sflag:s6] =	ssyncset.done $0x0  }
0x42: {  	s24 =	sshrl.u32 s16, $0x3;
	[sflag:s6] =	ssyncadd.s32 $0xFFFFFF00  }
0x43: {  	[tilespmem:s23], [sflag:$0x5] =	stream.indirect.gather [hbm4b:s4+s22], $0x80, s20, s22, $0xb8;
	[tilespmem:$0x19400] =	vst v63  }
0x44: {  	s9 =	sadd.s32 s5, s24  }
0x45: {  	[tilespmem:s18], [sflag:$0x1] =	stream.linear.gather [hbm4b:s9+s3], $0x100, $0x38;
	[tilespmem:$0x19400] =	vst v63  }
0x46: {  	_ =	swait.ge [sflag:s25], $0x2800  }
0x47: {  	[sflag:s25] =	ssyncset.done $0x0  }
0x48: {  	[sflag:s25] =	ssyncadd.s32 $0xFFFFD800  }
0x49: {  	[spmem:s2] =	stream.indirect.scatter.add.f32 [tilespmem:s23], [sflag:$0x7], $0x80, s8, s22, $0xb8;
	[tilespmem:$0x19400] =	vst v63  }
0x4a: {  	_ =	swait.ge [sflag:s10], $0x2800  }
0x4b: {  	[sflag:s10] =	ssyncset.done $0x0  }
0x4c: {  	[sflag:s10] =	ssyncadd.s32 $0xFFFFD800  }
0x4d: {  	_ =	swait.ge [sflag:s11], $0x100  }
0x4e: {  	[sflag:s11] =	ssyncset.done $0x0  }
0x4f: {  	s14 =	rddreg [dreg:$0x5];
	[sflag:s11] =	ssyncadd.s32 $0xFFFFFF00  }
0x50: {  	[tilespmem:s29], [sflag:$0x6] =	stream.indirect.gather [hbm4b:s4+s22], $0x80, s30, s22, $0xb8;
	[tilespmem:$0x19400] =	vst v63  }
0x51: {  	s9 =	sadd.s32 $0x0, s14  }
0x52: {  	[tilespmem:s19], [sflag:$0x2] =	stream.linear.gather [hbm4b:s9+s3], $0x100, $0x38;
	[tilespmem:$0x19400] =	vst v63  }
0x53: {  	_ =	swait.ge [sflag:s31], $0x2800  }
0x54: {  	[sflag:s31] =	ssyncset.done $0x0  }
0x55: {  	[sflag:s31] =	ssyncadd.s32 $0xFFFFD800  }
0x56: {  	[spmem:s2] =	stream.indirect.scatter.add.f32 [tilespmem:s29], [sflag:$0x8], $0x80, s12, s22, $0xb8;
	[tilespmem:$0x19400] =	vst v63  }
0x57: {  	_ =	swait.ge [sflag:s1], $0x2800  }
0x58: {  	[sflag:s1] =	ssyncset.done $0x0  }
0x59: {  	[sflag:s1] =	ssyncadd.s32 $0xFFFFD800  }
0x5a: {  	_ =	swait.ge [sflag:s21], $0x100  }
0x5b: {  	[sflag:s21] =	ssyncset.done $0x0  }
0x5c: {  	s15 =	rddreg [dreg:$0x4];
	[sflag:s21] =	ssyncadd.s32 $0xFFFFFF00  }
0x5d: {  	[tilespmem:s23], [sflag:$0x5] =	stream.indirect.gather [hbm4b:s4+s22], $0x80, s18, s22, $0xb8;
	[tilespmem:$0x19400] =	vst v63  }
0x5e: {  	s9 =	sadd.s32 $0x0, s15  }
0x5f: {  	[tilespmem:s20], [sflag:$0x3] =	stream.linear.gather [hbm4b:s9+s3], $0x100, $0x38;
	[tilespmem:$0x19400] =	vst v63  }
0x60: {  	_ =	swait.ge [sflag:s25], $0x2800  }
0x61: {  	[sflag:s25] =	ssyncset.done $0x0  }
0x62: {  	[sflag:s25] =	ssyncadd.s32 $0xFFFFD800  }
0x63: {  	[spmem:s2] =	stream.indirect.scatter.add.f32 [tilespmem:s23], [sflag:$0x7], $0x80, s26, s22, $0xb8;
	[tilespmem:$0x19400] =	vst v63  }
0x64: {  	_ =	swait.ge [sflag:s10], $0x2800  }
0x65: {  	[sflag:s10] =	ssyncset.done $0x0  }
0x66: {  	[sflag:s10] =	ssyncadd.s32 $0xFFFFD800  }
0x67: {  	_ =	swait.ge [sflag:s28], $0x100  }
0x68: {  	s14 =	simm.s32 $0x80;
	[sflag:s28] =	ssyncset.done $0x0;
	s24 =	rddreg [dreg:$0x3]  }
0x69: {  	s15 =	sadd.s32 $0x400, s16;
	[sflag:s28] =	ssyncadd.s32 $0xFFFFFF00;
	s9 =	sadd.s32 $0x0, s24  }
0x6a: {  	[tilespmem:s29], [sflag:$0x6] =	stream.indirect.gather [hbm4b:s4+s22], $0x80, s19, s22, $0xb8;
	[tilespmem:$0x19400] =	vst v63  }
.LBB2_2:
0x6b: {  	[tilespmem:s30], [sflag:$0x4] =	stream.linear.gather [hbm4b:s9+s3], $0x100, $0x38;
	[tilespmem:$0x19400] =	vst v63  }
0x6c: {  	_ =	swait.ge [sflag:s31], $0x2800  }
0x6d: {  	[sflag:s31] =	ssyncset.done $0x0  }
0x6e: {  	[sflag:s31] =	ssyncadd.s32 $0xFFFFD800  }
0x6f: {  	[spmem:s2] =	stream.indirect.scatter.add.f32 [tilespmem:s29], [sflag:$0x8], $0x80, s0, s22, $0xb8;
	[tilespmem:$0x19400] =	vst v63  }
0x70: {  	_ =	swait.ge [sflag:s1], $0x2800  }
0x71: {  	[sflag:s1] =	ssyncset.done $0x0  }
0x72: {  	[sflag:s1] =	ssyncadd.s32 $0xFFFFD800  }
0x73: {  	_ =	swait.ge [sflag:s6], $0x100  }
0x74: {  	[sflag:s6] =	ssyncset.done $0x0  }
0x75: {  	s24 =	sshrl.u32 s15, $0x3;
	[sflag:s6] =	ssyncadd.s32 $0xFFFFFF00  }
0x76: {  	[tilespmem:s23], [sflag:$0x5] =	stream.indirect.gather [hbm4b:s4+s22], $0x80, s20, s22, $0xb8;
	[tilespmem:$0x19400] =	vst v63  }
0x77: {  	s24 =	sadd.s32 s5, s24  }
0x78: {  	[tilespmem:s18], [sflag:$0x1] =	stream.linear.gather [hbm4b:s24+s3], $0x100, $0x38;
	[tilespmem:$0x19400] =	vst v63  }
0x79: {  	_ =	swait.ge [sflag:s25], $0x2800  }
0x7a: {  	[sflag:s25] =	ssyncset.done $0x0  }
0x7b: {  	[sflag:s25] =	ssyncadd.s32 $0xFFFFD800  }
0x7c: {  	[spmem:s2] =	stream.indirect.scatter.add.f32 [tilespmem:s23], [sflag:$0x7], $0x80, s8, s22, $0xb8;
	[tilespmem:$0x19400] =	vst v63  }
0x7d: {  	_ =	swait.ge [sflag:s10], $0x2800  }
0x7e: {  	[sflag:s10] =	ssyncset.done $0x0  }
0x7f: {  	[sflag:s10] =	ssyncadd.s32 $0xFFFFD800  }
0x80: {  	_ =	swait.ge [sflag:s11], $0x100  }
0x81: {  	[sflag:s11] =	ssyncset.done $0x0  }
0x82: {  	s9 =	smov.u32 s14;
	s24 =	rddreg [dreg:$0x5];
	[sflag:s11] =	ssyncadd.s32 $0xFFFFFF00  }
0x83: {  	[tilespmem:s29], [sflag:$0x6] =	stream.indirect.gather [hbm4b:s4+s22], $0x80, s30, s22, $0xb8;
	[tilespmem:$0x19400] =	vst v63  }
0x84: {  	s24 =	sadd.s32 s9, s24  }
0x85: {  	[tilespmem:s19], [sflag:$0x2] =	stream.linear.gather [hbm4b:s24+s3], $0x100, $0x38;
	[tilespmem:$0x19400] =	vst v63  }
0x86: {  	_ =	swait.ge [sflag:s31], $0x2800  }
0x87: {  	[sflag:s31] =	ssyncset.done $0x0  }
0x88: {  	[sflag:s31] =	ssyncadd.s32 $0xFFFFD800  }
0x89: {  	[spmem:s2] =	stream.indirect.scatter.add.f32 [tilespmem:s29], [sflag:$0x8], $0x80, s12, s22, $0xb8;
	[tilespmem:$0x19400] =	vst v63  }
0x8a: {  	_ =	swait.ge [sflag:s1], $0x2800  }
0x8b: {  	[sflag:s1] =	ssyncset.done $0x0  }
0x8c: {  	[sflag:s1] =	ssyncadd.s32 $0xFFFFD800  }
0x8d: {  	_ =	swait.ge [sflag:s21], $0x100  }
0x8e: {  	[sflag:s21] =	ssyncset.done $0x0  }
0x8f: {  	s24 =	rddreg [dreg:$0x4];
	[sflag:s21] =	ssyncadd.s32 $0xFFFFFF00  }
0x90: {  	[tilespmem:s23], [sflag:$0x5] =	stream.indirect.gather [hbm4b:s4+s22], $0x80, s18, s22, $0xb8;
	[tilespmem:$0x19400] =	vst v63  }
0x91: {  	s24 =	sadd.s32 s9, s24  }
0x92: {  	[tilespmem:s20], [sflag:$0x3] =	stream.linear.gather [hbm4b:s24+s3], $0x100, $0x38;
	[tilespmem:$0x19400] =	vst v63  }
0x93: {  	_ =	swait.ge [sflag:s25], $0x2800  }
0x94: {  	[sflag:s25] =	ssyncset.done $0x0  }
0x95: {  	[sflag:s25] =	ssyncadd.s32 $0xFFFFD800  }
0x96: {  	[spmem:s2] =	stream.indirect.scatter.add.f32 [tilespmem:s23], [sflag:$0x7], $0x80, s26, s22, $0xb8;
	[tilespmem:$0x19400] =	vst v63  }
0x97: {  	_ =	swait.ge [sflag:s10], $0x2800  }
0x98: {  	p0 =	sne.s32 s14, $0xE80;
	[sflag:s10] =	ssyncset.done $0x0  }
.Ltmp0:
0x99: {  	[sflag:s10] =	ssyncadd.s32 $0xFFFFD800;
	(pc) =	sbr.rel @p0 .LBB2_2-.Ltmp0, $4  }
0x9a: {  	_ =	swait.ge [sflag:s28], $0x100  }
0x9b: {  	s14 =	sadd.s32 $0x80, s14;
	[sflag:s28] =	ssyncset.done $0x0;
	s24 =	rddreg [dreg:$0x3]  }
0x9c: {  	s15 =	sadd.s32 $0x400, s15;
	[sflag:s28] =	ssyncadd.s32 $0xFFFFFF00;
	s9 =	sadd.s32 s9, s24  }
0x9d: {  	[tilespmem:s29], [sflag:$0x6] =	stream.indirect.gather [hbm4b:s4+s22], $0x80, s19, s22, $0xb8;
	[tilespmem:$0x19400] =	vst v63  }
0x9e: {  	[tilespmem:s30], [sflag:$0x4] =	stream.linear.gather [hbm4b:s9+s3], $0x100, $0x38;
	[tilespmem:$0x19400] =	vst v63  }
0x9f: {  	_ =	swait.ge [sflag:s31], $0x2800  }
0xa0: {  	[sflag:s31] =	ssyncset.done $0x0  }
0xa1: {  	[sflag:s31] =	ssyncadd.s32 $0xFFFFD800  }
0xa2: {  	[spmem:s2] =	stream.indirect.scatter.add.f32 [tilespmem:s29], [sflag:$0x8], $0x80, s0, s22, $0xb8;
	[tilespmem:$0x19400] =	vst v63  }
0xa3: {  	_ =	swait.ge [sflag:s1], $0x2800  }
0xa4: {  	[sflag:s1] =	ssyncset.done $0x0  }
0xa5: {  	[sflag:s1] =	ssyncadd.s32 $0xFFFFD800  }
0xa6: {  	_ =	swait.ge [sflag:s6], $0x100  }
0xa7: {  	[sflag:s6] =	ssyncset.done $0x0  }
0xa8: {  	[sflag:s6] =	ssyncadd.s32 $0xFFFFFF00  }
0xa9: {  	[tilespmem:s23], [sflag:$0x5] =	stream.indirect.gather [hbm4b:s4+s22], $0x80, s20, s22, $0xb8;
	[tilespmem:$0x19400] =	vst v63  }
0xaa: {  	s14 =	rddreg [dreg:$0xd]  }
0xab: {  	[tilespmem:s18], [sflag:$0x1] =	stream.linear.gather [hbm4b:s14+s3], $0x100, $0x38;
	[tilespmem:$0x19400] =	vst v63  }
0xac: {  	_ =	swait.ge [sflag:s25], $0x2800  }
0xad: {  	[sflag:s25] =	ssyncset.done $0x0  }
0xae: {  	[sflag:s25] =	ssyncadd.s32 $0xFFFFD800  }
0xaf: {  	[spmem:s2] =	stream.indirect.scatter.add.f32 [tilespmem:s23], [sflag:$0x7], $0x80, s8, s22, $0xb8;
	[tilespmem:$0x19400] =	vst v63  }
0xb0: {  	_ =	swait.ge [sflag:s10], $0x2800  }
0xb1: {  	[sflag:s10] =	ssyncset.done $0x0  }
0xb2: {  	[sflag:s10] =	ssyncadd.s32 $0xFFFFD800  }
0xb3: {  	_ =	swait.ge [sflag:s11], $0x100  }
0xb4: {  	[sflag:s11] =	ssyncset.done $0x0  }
0xb5: {  	[sflag:s11] =	ssyncadd.s32 $0xFFFFFF00  }
0xb6: {  	[tilespmem:s29], [sflag:$0x6] =	stream.indirect.gather [hbm4b:s4+s22], $0x80, s30, s22, $0xb8;
	[tilespmem:$0x19400] =	vst v63  }
0xb7: {  	_ =	swait.ge [sflag:s31], $0x2800  }
0xb8: {  	[sflag:s31] =	ssyncset.done $0x0  }
0xb9: {  	[sflag:s31] =	ssyncadd.s32 $0xFFFFD800  }
0xba: {  	[spmem:s2] =	stream.indirect.scatter.add.f32 [tilespmem:s29], [sflag:$0x8], $0x80, s12, s22, $0xb8;
	[tilespmem:$0x19400] =	vst v63  }
0xbb: {  	_ =	swait.ge [sflag:s1], $0x2800  }
0xbc: {  	[sflag:s1] =	ssyncset.done $0x0  }
0xbd: {  	[sflag:s1] =	ssyncadd.s32 $0xFFFFD800  }
0xbe: {  	_ =	swait.ge [sflag:s21], $0x100  }
0xbf: {  	[sflag:s21] =	ssyncset.done $0x0  }
0xc0: {  	[sflag:s21] =	ssyncadd.s32 $0xFFFFFF00  }
0xc1: {  	[tilespmem:s23], [sflag:$0x5] =	stream.indirect.gather [hbm4b:s4+s22], $0x80, s18, s22, $0xb8;
	[tilespmem:$0x19400] =	vst v63  }
0xc2: {  	_ =	swait.ge [sflag:s25], $0x2800  }
0xc3: {  	[sflag:s25] =	ssyncset.done $0x0  }
0xc4: {  	[sflag:s25] =	ssyncadd.s32 $0xFFFFD800  }
0xc5: {  	[spmem:s2] =	stream.indirect.scatter.add.f32 [tilespmem:s23], [sflag:$0x7], $0x80, s26, s22, $0xb8;
	[tilespmem:$0x19400] =	vst v63  }
0xc6: {  	_ =	swait.ge [sflag:s10], $0x2800  }
0xc7: {  	[sflag:s10] =	ssyncset.done $0x0  }
0xc8: {  	[sflag:s10] =	ssyncadd.s32 $0xFFFFD800  }
0xc9: {  	_ =	swait.ge [sflag:s1], $0x2800  }
0xca: {  	[sflag:s1] =	ssyncset.done $0x0  }
0xcb: {  	[sflag:s1] =	ssyncadd.s32 $0xFFFFD800  }
0xcc: {  	[bflag:$0x0] =	sbarrier.arrive $0xFFFF  }
0xcd: {  	s15 =	rddreg [dreg:$0x7]  }
0xce: {  	s14 =	rddreg [dreg:$0xe];
	s9 =	sor.u32 $0x1C0A, s15  }
0xcf: {  	[hbm:s14], [sflag:s9] =	dma.local [spmem:s17], $0x2800  }
0xd0: {  	_ =	swait.ge [sflag:s7], $0x2800  }
0xd1: {  	s13 =	sadd.s32 $0x1, s13;
	s24 =	rddreg [dreg:$0xf]  }
0xd2: {  	p0 =	sne.s32 s13, s24  }
.Ltmp1:
0xd3: {  	_ = 	snop;
	(pc) =	sbr.rel @p0 .LBB2_1-.Ltmp1, $3  }
0xd4: {  	_ =	sdelay $0x1  }
0xd5: {  	[sflag:s7] =	ssyncset.done $0x0  }
0xd6: {  	[sflag:s7] =	ssyncadd.s32 $0xFFFFD800  }
0xd7: {  	_ =	sfence.sel $0x180000  }
0xd8: {  	[bflag:$0x0] =	sbarrier.arrive $0xFFFF  }
0xd9: {  	_ =	strace $0x90000050  }
0xda: {  	s0 =	stileid.u32;
	[bflag:$0x2] =	sbarrier.arrive $0xFFFF  }
0xdb: {  	p0 =	sne.s32 s0, $0x0;
	s0 =	rddreg [dreg:$0x2]  }
0xdc: {  	s0 =	sadd.s32 @!p0 $0x100000, s0  }
0xdd: {  	[sflag:s0] =	ssyncadd.tile.s32 @!p0 $0x1;
	_ =	shalt  }
.Lfunc_end2:
_tile_overlayer_lowered:
.L_overlay_start_2:
0xde: {  	(tag) =	ssettag $0x2  }
0xdf: {  	s0 =	rddreg [dreg:$0x0];
	s2 =	stileid.u32  }
0xe0: {  	s1 =	rddreg [dreg:$0x1];
	p0 =	sne.s32 s2, $0x0  }
0xe1: {  	s3 =	rddreg [dreg:$0x2];
	[bflag:$0x3] =	sbarrier.arrive $0xFFFF;
	s2 =	simm.s32 @!p0 $0x1C0A  }
0xe2: {  	[timem:s3], [sflag:s2] =	dma.local @!p0 [hbm:s0], s1  }
0xe3: {  	s0 =	simm.s32 @!p0 $0xA  }
0xe4: {  	_ =	swait.ge @!p0 [sflag:s0], s1  }
0xe5: {  	s1 =	ssub.s32 @!p0 $0x0, s1;
	[sflag:s0] =	ssyncset.done @!p0 $0x0  }
0xe6: {  	[sflag:s0] =	ssyncadd.s32 @!p0 s1  }
0xe7: {  	[bflag:$0x3] =	sbarrier.arrive $0xFFFF  }
0xe8: {  	_ =	shalt  }

</sc_bundles>
